<compile_context>
chip_gen: v7x
topology: tpu7x:2x2x1
jax: 0.10.2.dev20260603
libtpu: 0.0.44.dev20260713+nightly
codegen_flags: <defaults>
</compile_context>

<pallas_src>
import functools

import jax
import jax.numpy as jnp
from jax import lax
from jax.experimental import pallas as pl
from jax.experimental.pallas import tpu as pltpu
from jax.experimental.pallas import tpu_sc as plsc

F32 = jnp.float32
BF16 = jnp.bfloat16
EPS = 1e-5
NCORES, NSUB = 2, 16
NWORK = NCORES * NSUB

BN = 10000
BE = 4000
BF = 1000


def _pack2(pa, pb):
    ua = lax.bitcast_convert_type(pa, jnp.uint32)
    ub = lax.bitcast_convert_type(pb, jnp.uint32)
    ra = (ua + ((ua >> 16) & 1) + 0x7FFF) >> 16
    rb = (ub + ((ub >> 16) & 1) + 0x7FFF) & jnp.uint32(0xFFFF0000)
    return lax.bitcast_convert_type(ra | rb, F32)


def _unpack2(g):
    u = lax.bitcast_convert_type(g, jnp.uint32)
    lo = lax.bitcast_convert_type(u << 16, F32)
    hi = lax.bitcast_convert_type(u & jnp.uint32(0xFFFF0000), F32)
    return lo, hi


def _ln(h, g, be):
    m = jnp.mean(h, axis=-1, keepdims=True)
    v = jnp.mean((h - m) ** 2, axis=-1, keepdims=True)
    return (h - m) * lax.rsqrt(v + EPS) * g + be


def _mm(a, b):
    return jnp.dot(a, b, preferred_element_type=F32)



def _proj_pack(node, ws_lo, ws_hi):
    return _pack2(_mm(node, ws_lo[...]), _mm(node, ws_hi[...]))


def _enc_node_body(x_r, w1, b1, w2, b2, w3, b3, g, be,
                   ws_lo, ws_hi, wd_lo, wd_hi, node_o, ps_o, pd_o):
    h = jnp.maximum(_mm(x_r[...], w1[...]) + b1[...], 0.0)
    h = jnp.maximum(_mm(h, w2[...]) + b2[...], 0.0)
    h = _mm(h, w3[...]) + b3[...]
    node = _ln(h, g[...], be[...])
    node_o[...] = node
    ps_o[...] = _proj_pack(node, ws_lo, ws_hi)
    pd_o[...] = _proj_pack(node, wd_lo, wd_hi)


def _enc_edge_body(x_r, w1, b1, w2, b2, w3, b3, g, be, edge_o):
    h = jnp.maximum(_mm(x_r[...].astype(BF16), w1[...]) + b1[...], 0.0)
    h = jnp.maximum(_mm(h.astype(BF16), w2[...]) + b2[...], 0.0)
    h = _mm(h.astype(BF16), w3[...]) + b3[...]
    edge_o[...] = _ln(h, g[...], be[...]).astype(BF16)


def _edge_mlp_body(with_new, edge_r, g_r, w1a, m1, m2, b1, w2, b2, w3, b3,
                   g, be, *outs):
    u = lax.bitcast_convert_type(g_r[...], jnp.uint32)
    lo = lax.bitcast_convert_type(u << 16, F32).astype(BF16)
    hi = lax.bitcast_convert_type(u & jnp.uint32(0xFFFF0000), F32).astype(BF16)
    h1 = jnp.maximum(_mm(edge_r[...], w1a[...]) + _mm(lo, m1[...])
                     + _mm(hi, m2[...]) + b1[...], 0.0)
    h2 = jnp.maximum(_mm(h1.astype(BF16), w2[...]) + b2[...], 0.0)
    h3 = _mm(h2.astype(BF16), w3[...]) + b3[...]
    upd = _ln(h3, g[...], be[...])
    outs[0][...] = upd
    if with_new:
        outs[1][...] = (edge_r[...].astype(F32) + upd).astype(BF16)


def _node_mlp_body(with_proj, node_r, a0_r, a1_r, v1a, v1b, b1, v2, b2,
                   v3, b3, g, be, ws_lo, ws_hi, wd_lo, wd_hi, *outs):
    agg = a0_r[...] + a1_r[...]
    h = jnp.maximum(_mm(node_r[...], v1a[...]) + _mm(agg, v1b[...])
                    + b1[...], 0.0)
    h = jnp.maximum(_mm(h, v2[...]) + b2[...], 0.0)
    h = _mm(h, v3[...]) + b3[...]
    node = node_r[...] + _ln(h, g[...], be[...])
    outs[0][...] = node
    if with_proj:
        outs[1][...] = _proj_pack(node, ws_lo, ws_hi)
        outs[2][...] = _proj_pack(node, wd_lo, wd_hi)


def _knn_body(n_coarse, pf_r, pcT_r, node_r, xc_r,
              pw1, pb1, pw2, pb2, pw3, pb3, pg, pbe,
              dw1, db1, dw2, db2, dw3, db3, out_o):
    bf = node_r.shape[0]
    cp = pcT_r.shape[1]
    inf = jnp.float32(jnp.inf)
    d2 = jnp.zeros((bf, cp), F32)
    for d in range(3):
        diff = pf_r[:, d:d + 1] - pcT_r[d, :][None, :]
        d2 = d2 + diff * diff
    colj = lax.broadcasted_iota(jnp.int32, (bf, cp), 1)
    d2 = jnp.where(colj >= n_coarse, inf, d2)
    wacc = jnp.zeros((bf, cp), F32)
    wsum = jnp.zeros((bf, 1), F32)
    for _k in range(3):
        m = jnp.min(d2, axis=1, keepdims=True)
        idx = jnp.min(jnp.where(d2 == m, colj, cp), axis=1, keepdims=True)
        sel = colj == idx
        w = 1.0 / jnp.maximum(m, 1e-16)
        wacc = wacc + jnp.where(sel, w, 0.0)
        wsum = wsum + w
        d2 = jnp.where(sel, inf, d2)
    interp = _mm(wacc, xc_r[...]) / wsum
    nf = node_r[...] + interp
    h = jnp.maximum(_mm(nf, pw1[...]) + pb1[...], 0.0)
    h = jnp.maximum(_mm(h, pw2[...]) + pb2[...], 0.0)
    h = _mm(h, pw3[...]) + pb3[...]
    h = _ln(h, pg[...], pbe[...])
    h = jnp.maximum(_mm(h, dw1[...]) + db1[...], 0.0)
    h = jnp.maximum(_mm(h, dw2[...]) + db2[...], 0.0)
    out_o[...] = _mm(h, dw3[...]) + db3[...]



def _row_spec(b, d):
    return pl.BlockSpec((b, d), lambda i: (i, 0))


def _full_spec(shape):
    return pl.BlockSpec(shape, lambda i: tuple(0 for _ in shape))


def _wspecs(ws):
    return [_full_spec(w.shape) for w in ws]


def _enc_node_call(x, ws, n):
    f = pl.pallas_call(
        _enc_node_body,
        grid=(n // BN,),
        in_specs=[_row_spec(BN, x.shape[1])] + _wspecs(ws),
        out_specs=[_row_spec(BN, 128), _row_spec(BN, 64), _row_spec(BN, 64)],
        out_shape=[jax.ShapeDtypeStruct((n, 128), F32),
                   jax.ShapeDtypeStruct((n, 64), F32),
                   jax.ShapeDtypeStruct((n, 64), F32)],
    )
    return f(x, *ws)


def _enc_edge_call(ea, ws, e, off_blocks):
    f = pl.pallas_call(
        _enc_edge_body,
        grid=(e // BE,),
        in_specs=[pl.BlockSpec((BE, ea.shape[1]),
                               lambda i: (i + off_blocks, 0))] + _wspecs(ws),
        out_specs=_row_spec(BE, 128),
        out_shape=jax.ShapeDtypeStruct((e, 128), BF16),
    )
    return f(ea, *ws)


def _edge_mlp_call(edge, gv, ws, e, with_new):
    nblk = e // BE
    n_out = 2 if with_new else 1
    f = pl.pallas_call(
        functools.partial(_edge_mlp_body, with_new),
        grid=(nblk,),
        in_specs=[_row_spec(BE, 128), _row_spec(BE, 128)] + _wspecs(ws),
        out_specs=[_row_spec(BE, 128)] * n_out,
        out_shape=[jax.ShapeDtypeStruct((e, 128), F32),
                   jax.ShapeDtypeStruct((e, 128), BF16)][:n_out],
    )
    return f(edge, gv, *ws)


def _node_mlp_call(node, a0, a1, ws, n, with_proj):
    nblk = n // BN
    n_out = 3 if with_proj else 1
    f = pl.pallas_call(
        functools.partial(_node_mlp_body, with_proj),
        grid=(nblk,),
        in_specs=[_row_spec(BN, 128)] * 3 + _wspecs(ws),
        out_specs=[_row_spec(BN, 128)] + [_row_spec(BN, 64)] * (n_out - 1),
        out_shape=[jax.ShapeDtypeStruct((n, 128), F32)] +
                  [jax.ShapeDtypeStruct((n, 64), F32)] * (n_out - 1),
    )
    return f(node, a0, a1, *ws)


def _knn_call(posf, pcT, node, xc, ws, n, n_coarse):
    cp = pcT.shape[1]
    f = pl.pallas_call(
        functools.partial(_knn_body, n_coarse),
        grid=(n // BF,),
        in_specs=[_row_spec(BF, 8), _full_spec((8, cp)),
                  _row_spec(BF, 128), _full_spec((cp, 128))] + _wspecs(ws),
        out_specs=_row_spec(BF, 128),
        out_shape=jax.ShapeDtypeStruct((n, 128), F32),
    )
    return f(posf, pcT, node, xc, *ws)



def _sc_gather(table, idx, chunk):
    b = idx.shape[0]
    d = table.shape[1]
    bpw = b // NWORK
    nchunks = bpw // chunk
    assert bpw % chunk == 0 and chunk % 8 == 0 and b % NWORK == 0
    mesh = plsc.VectorSubcoreMesh(core_axis_name="c", subcore_axis_name="s")

    @functools.partial(
        pl.kernel,
        out_type=jax.ShapeDtypeStruct((b, d), table.dtype),
        mesh=mesh,
        compiler_params=pltpu.CompilerParams(use_tc_tiling_on_sc=False),
        scratch_types=[
            pltpu.VMEM((chunk,), jnp.int32),
            pltpu.VMEM((chunk, d), table.dtype),
            pltpu.SemaphoreType.DMA,
        ],
    )
    def k(table_h, idx_h, out_h, idx_v, rows_v, sem):
        wid = lax.axis_index("s") * NCORES + lax.axis_index("c")
        base0 = wid * bpw

        def body(c, carry):
            base = base0 + c * chunk
            pltpu.sync_copy(idx_h.at[pl.ds(base, chunk)], idx_v)
            pltpu.async_copy(table_h.at[idx_v], rows_v, sem).wait()
            pltpu.sync_copy(rows_v, out_h.at[pl.ds(base, chunk)])
            return carry

        lax.fori_loop(0, nchunks, body, 0)

    return k(table, idx)


def _coop_rows(sid, rows, fn):
    q = (-(-rows // NSUB) + 7) // 8 * 8
    q_last = rows - (NSUB - 1) * q
    assert 0 < q_last <= q and q_last % 8 == 0

    @pl.when(sid < NSUB - 1)
    def _():
        fn(sid * q, q)

    @pl.when(sid == NSUB - 1)
    def _():
        fn((NSUB - 1) * q, q_last)


def _sc_segsum(vals, idx, n_out, chunk):
    e = idx.shape[0]
    d = vals.shape[1]
    dh = d // 2
    ept = e // NSUB
    nchunks = ept // chunk
    assert ept % chunk == 0 and chunk % 8 == 0
    zeros = jnp.zeros((n_out, dh), F32)
    mesh = plsc.VectorSubcoreMesh(core_axis_name="c", subcore_axis_name="s")

    @functools.partial(
        pl.kernel,
        out_type=jax.ShapeDtypeStruct((n_out, d), F32),
        mesh=mesh,
        compiler_params=pltpu.CompilerParams(use_tc_tiling_on_sc=False),
        scratch_types=[
            pltpu.VMEM((chunk,), jnp.int32),
            pltpu.VMEM((chunk, dh), F32),
            pltpu.VMEM_SHARED((n_out, dh), F32),
        ],
    )
    def k(vals_h, idx_h, zer_h, out_h, idx_v, rows_v, shared):
        cid = lax.axis_index("c")
        sid = lax.axis_index("s")

        _coop_rows(sid, n_out,
                   lambda o, s: pltpu.sync_copy(zer_h.at[pl.ds(o, s)],
                                                shared.at[pl.ds(o, s)]))
        plsc.subcore_barrier()

        def run(c0):
            def body(c, carry):
                base = sid * ept + c * chunk
                pltpu.sync_copy(idx_h.at[pl.ds(base, chunk)], idx_v)
                pltpu.sync_copy(
                    vals_h.at[pl.ds(base, chunk), pl.ds(c0, dh)], rows_v)
                pltpu.sync_copy(rows_v, shared.at[idx_v], add=True)
                return carry

            lax.fori_loop(0, nchunks, body, 0)

        def flush(c0):
            _coop_rows(sid, n_out,
                       lambda o, s: pltpu.sync_copy(
                           shared.at[pl.ds(o, s)],
                           out_h.at[pl.ds(o, s), pl.ds(c0, dh)]))

        @pl.when(cid == 0)
        def _():
            run(0)

        @pl.when(cid == 1)
        def _():
            run(dh)

        plsc.subcore_barrier()

        @pl.when(cid == 0)
        def _():
            flush(0)

        @pl.when(cid == 1)
        def _():
            flush(dh)

    return k(vals, idx, zeros)



def _mlp_ws(p, pad_last_to=None):
    (w1, b1), (w2, b2), (w3, b3) = p["layers"]
    g, be = p["ln"]
    return [w1, b1.reshape(1, -1), w2, b2.reshape(1, -1), w3,
            b3.reshape(1, -1), g.reshape(1, -1), be.reshape(1, -1)]


def kernel(x, edge_index, edge_attr, pos, coarse_idx, params):
    n = x.shape[0]
    e = edge_attr.shape[0]
    n_coarse = coarse_idx.shape[0]
    src = edge_index[0].astype(jnp.int32)
    dst = edge_index[1].astype(jnp.int32)

    pe = params["proc_edge"]
    pe_w1 = pe["layers"][0][0]
    w1a, w1b, w1c = pe_w1[:128], pe_w1[128:256], pe_w1[256:384]
    proj_ws = [w1b[:, :64], w1b[:, 64:], w1c[:, :64], w1c[:, 64:]]
    i64 = jnp.eye(64, dtype=BF16)
    z64 = jnp.zeros((128, 64), BF16)
    ii = jnp.concatenate([i64, i64], axis=0)
    m1 = jnp.concatenate([ii, z64], axis=1)
    m2 = jnp.concatenate([z64, ii], axis=1)
    pe_ws = [w1a.astype(BF16), m1, m2, pe["layers"][0][1].reshape(1, -1),
             pe["layers"][1][0].astype(BF16),
             pe["layers"][1][1].reshape(1, -1),
             pe["layers"][2][0].astype(BF16),
             pe["layers"][2][1].reshape(1, -1),
             pe["ln"][0].reshape(1, -1), pe["ln"][1].reshape(1, -1)]

    pn = params["proc_node"]
    pn_w1 = pn["layers"][0][0]
    v1a, v1b = pn_w1[:128], pn_w1[128:]
    pn_ws = [v1a, v1b, pn["layers"][0][1].reshape(1, -1),
             pn["layers"][1][0], pn["layers"][1][1].reshape(1, -1),
             pn["layers"][2][0], pn["layers"][2][1].reshape(1, -1),
             pn["ln"][0].reshape(1, -1), pn["ln"][1].reshape(1, -1),
             ] + proj_ws

    node, ps, pd_ = _enc_node_call(x, _mlp_ws(params["enc_node"]) + proj_ws, n)
    ee_ws = _mlp_ws(params["enc_edge"])
    for i in (0, 2, 4):
        ee_ws[i] = ee_ws[i].astype(BF16)

    e2 = e // 2
    halves = []
    for h in range(2):
        sl = slice(h * e2, (h + 1) * e2)
        halves.append({
            "idx_cat": jnp.stack([src[sl], dst[sl] + n], axis=1).reshape(-1),
            "dst": dst[sl],
            "edge": _enc_edge_call(edge_attr, ee_ws, e2, h * (e2 // BE)),
        })

    for step in range(2):
        last = step == 1
        p_cat = jnp.concatenate([ps, pd_], axis=0)
        gc, upd, agg = [None, None], [None, None], [None, None]
        for h in range(2):
            gc[h] = _sc_gather(p_cat, halves[h]["idx_cat"], 1000
                               ).reshape(e2, 128)
        for h in range(2):
            if last:
                (upd[h],) = _edge_mlp_call(halves[h]["edge"], gc[h], pe_ws,
                                           e2, with_new=False)
            else:
                upd[h], halves[h]["edge"] = _edge_mlp_call(
                    halves[h]["edge"], gc[h], pe_ws, e2, with_new=True)
            agg[h] = _sc_segsum(upd[h], halves[h]["dst"], n, 1000)
        if last:
            (node,) = _node_mlp_call(node, agg[0], agg[1], pn_ws, n,
                                     with_proj=False)
        else:
            node, ps, pd_ = _node_mlp_call(node, agg[0], agg[1], pn_ws, n,
                                           with_proj=True)

    cpad = ((n_coarse + 8 * NWORK - 1) // (8 * NWORK)) * (8 * NWORK)
    cidx = jnp.concatenate(
        [coarse_idx.astype(jnp.int32),
         jnp.zeros((cpad - n_coarse,), jnp.int32)])
    xc = _sc_gather(node, cidx, cpad // NWORK)

    pos_c = jnp.take(pos, coarse_idx, axis=0)
    pcT = jnp.zeros((8, cpad), F32).at[:3, :n_coarse].set(pos_c.T)
    posf = jnp.pad(pos, ((0, 0), (0, 5)))

    po_ws = _mlp_ws(params["post"])
    (dw1, db1), (dw2, db2), (dw3, db3) = params["dec"]["layers"]
    out_dim = dw3.shape[1]
    dw3p = jnp.zeros((128, 128), F32).at[:, :out_dim].set(dw3)
    db3p = jnp.zeros((1, 128), F32).at[0, :out_dim].set(db3)
    de_ws = [dw1, db1.reshape(1, -1), dw2, db2.reshape(1, -1), dw3p, db3p]

    outp = _knn_call(posf, pcT, node, xc, po_ws + de_ws, n, n_coarse)
    return outp[:, :out_dim]

# --- scband reference (transcript-rebuilt; emitter-appended) ---
"""Pipeline reference for scband-encode-process-decode-53128745451663 (READ-ONLY COPY).

The authoritative reference and input builder live on the scoring server;
editing this copy changes nothing except your own understanding.
"""

import jax, jax.numpy as jnp
import numpy as np

LATENT = 128
OUT_SIZE = 3
MP_STEPS = 2
KNN_K = 3


def _init_mlp(key, sizes, layer_norm=True):
    layers = []
    for i in range(len(sizes) - 1):
        key, k1 = jax.random.split(key)
        W = jax.random.normal(k1, (sizes[i], sizes[i + 1]), jnp.float32) / np.sqrt(sizes[i])
        b = jnp.zeros((sizes[i + 1],), jnp.float32)
        layers.append((W, b))
    p = {"layers": layers}
    if layer_norm:
        p["ln"] = (jnp.ones((sizes[-1],), jnp.float32), jnp.zeros((sizes[-1],), jnp.float32))
    return p


def _apply_mlp(p, h):
    layers = p["layers"]
    for i, (W, b) in enumerate(layers):
        h = h @ W + b
        if i < len(layers) - 1:
            h = jax.nn.relu(h)
    if "ln" in p:
        g, be = p["ln"]
        m = jnp.mean(h, axis=-1, keepdims=True)
        v = jnp.var(h, axis=-1, keepdims=True)
        h = (h - m) / jnp.sqrt(v + 1e-5) * g + be
    return h


def _knn_interpolate(x_c, pos_c, pos_f, k=KNN_K):
    # torch_geometric.nn.knn_interpolate semantics: squared-distance kNN,
    # inverse-distance weighting w = 1 / d2.clamp_min(1e-16)
    d2 = jnp.sum((pos_f[:, None, :] - pos_c[None, :, :]) ** 2, axis=-1)  # [Nf, Nc]
    neg_d, idx = jax.lax.top_k(-d2, k)
    w = 1.0 / jnp.clip(-neg_d, 1e-16, None)
    feats = jnp.take(x_c, idx, axis=0)  # [Nf, k, d]
    return jnp.sum(feats * w[..., None], axis=1) / jnp.sum(w, axis=1, keepdims=True)


def setup_inputs(seed: int = 0):
    key = jax.random.key(seed)
    N, E, D_IN, D_EDGE, N_COARSE = 10000, 320000, 128, 16, 2500
    ks = jax.random.split(key, 12)
    x = jax.random.normal(ks[0], (N, D_IN), jnp.float32)
    edge_index = jax.random.randint(ks[1], (2, E), 0, N, jnp.int32)
    edge_attr = jax.random.normal(ks[2], (E, D_EDGE), jnp.float32)
    pos = jax.random.normal(ks[3], (N, 3), jnp.float32)
    coarse_idx = jax.random.randint(ks[4], (N_COARSE,), 0, N, jnp.int32)
    params = {
        "enc_node": _init_mlp(ks[5], [D_IN, LATENT, LATENT, LATENT], True),
        "enc_edge": _init_mlp(ks[6], [D_EDGE, LATENT, LATENT, LATENT], True),
        "proc_edge": _init_mlp(ks[7], [3 * LATENT, LATENT, LATENT, LATENT], True),
        "proc_node": _init_mlp(ks[8], [2 * LATENT, LATENT, LATENT, LATENT], True),
        "post": _init_mlp(ks[9], [LATENT, LATENT, LATENT, LATENT], True),
        "dec": _init_mlp(ks[10], [LATENT, LATENT, LATENT, OUT_SIZE], False),
    }
    return {"x": x, "edge_index": edge_index, "edge_attr": edge_attr,
            "pos": pos, "coarse_idx": coarse_idx, "params": params}


def reference(x, edge_index, edge_attr, pos, coarse_idx, params):
    N = x.shape[0]
    src, dst = edge_index[0], edge_index[1]
    # Encoder
    node = _apply_mlp(params["enc_node"], x)
    edge = _apply_mlp(params["enc_edge"], edge_attr)
    # Processor: graph-net message passing steps
    for _ in range(MP_STEPS):
        e_in = jnp.concatenate([edge, jnp.take(node, src, axis=0), jnp.take(node, dst, axis=0)], axis=-1)
        edge_upd = _apply_mlp(params["proc_edge"], e_in)
        agg = jax.ops.segment_sum(edge_upd, dst, num_segments=N)
        n_in = jnp.concatenate([node, agg], axis=-1)
        node_upd = _apply_mlp(params["proc_node"], n_in)
        node = node + node_upd
        edge = edge + edge_upd
    # Coarse level produced by processor pooling (subset of nodes)
    pos_c = jnp.take(pos, coarse_idx, axis=0)
    x_c = jnp.take(node, coarse_idx, axis=0)
    # spa_compute: knn_interpolate coarse -> fine, residual add, post-process
    interp = _knn_interpolate(x_c, pos_c, pos)
    node_features = node + interp
    node_features = _apply_mlp(params["post"], node_features)
    # Decoder
    return _apply_mlp(params["dec"], node_features)

if __name__ == "__main__":
    import jax
    _d = setup_inputs()
    print(jax.jit(kernel)(*tuple(_d.values())))

</pallas_src>

<mosaic_0001>
#map = affine_map<(d0, d1) -> (0, 0)>
#map1 = affine_map<(d0, d1) -> (0)>
module attributes {stable_mosaic.version = 14 : i64} {
  func.func @k(%arg0: i32, %arg1: i32, %arg2: memref<20000x64xf32, #tpu.memory_space<hbm>>, %arg3: memref<320000xi32, #tpu.memory_space<hbm>>, %arg4: memref<320000x64xf32, #tpu.memory_space<hbm>>, %arg5: memref<1000xi32, #tpu.memory_space<vmem>>, %arg6: memref<1000x64xf32, #tpu.memory_space<vmem>>, %arg7: memref<!tpu.dma_semaphore, #tpu.memory_space<semaphore_mem>>) attributes {dimension_semantics = [#tpu.dimension_semantics<core_parallel>, #tpu.dimension_semantics<subcore_parallel>], iteration_bounds = array<i64: 2, 16>, scalar_prefetch = 0 : i64, scratch_operands = 3 : i64, tpu.core_type = #tpu.core_type<sc_vector_subcore>, window_params = [{transform_indices = #map}, {transform_indices = #map1}, {transform_indices = #map}]} {
    %mul3A = arith.constant 2 : i32
    %mul3A_0 = arith.muli %arg1, %mul3A : i32
    %add3A = arith.addi %mul3A_0, %arg0 : i32
    %mul3A_1 = arith.constant 10000 : i32
    %mul3A_2 = arith.muli %add3A, %mul3A_1 : i32
    %scan3A = arith.constant 0 : i32
    %scan3A_3 = arith.constant 0 : i32
    %scan3A_4 = arith.constant 10 : i32
    %scan3A_5 = arith.addi %scan3A_3, %scan3A_4 : i32
    %scan3A_6 = arith.constant 1 : i32
    scf.for %scan3A_8 = %scan3A_3 to %scan3A_5 step %scan3A_6  : i32 {
      %mul3A_9 = arith.constant 1000 : i32
      %mul3A_10 = arith.muli %scan3A_8, %mul3A_9 : i32
      %add3A_11 = arith.addi %mul3A_2, %mul3A_10 : i32
      "tpu.region"() ({
        %run_scoped3A = tpu.sem_alloc : memref<!tpu.dma_semaphore, #tpu.memory_space<semaphore_mem>>
        %dma_start3A_16 = tpu.memref_slice %arg3[%add3A_11] : memref<320000xi32, #tpu.memory_space<hbm>> -> memref<1000xi32, #tpu.memory_space<hbm>>
        %dma_start3A_17 = tpu.memref_slice %arg3[%add3A_11] : memref<320000xi32, #tpu.memory_space<hbm>> -> memref<1000xi32, #tpu.memory_space<hbm>>
        tpu.enqueue_dma source(%dma_start3A_17 : memref<1000xi32, #tpu.memory_space<hbm>>) target(%arg5 : memref<1000xi32, #tpu.memory_space<vmem>>) target_semaphore(%run_scoped3A : memref<!tpu.dma_semaphore, #tpu.memory_space<semaphore_mem>>)
        %dma_wait3A_18 = tpu.memref_slice %arg3[%add3A_11] : memref<320000xi32, #tpu.memory_space<hbm>> -> memref<1000xi32, #tpu.memory_space<hbm>>
        %dma_wait3A_19 = tpu.memref_slice %arg3[%add3A_11] : memref<320000xi32, #tpu.memory_space<hbm>> -> memref<1000xi32, #tpu.memory_space<hbm>>
        tpu.wait_dma2 semaphore(%run_scoped3A : memref<!tpu.dma_semaphore, #tpu.memory_space<semaphore_mem>>) src(%dma_wait3A_19 : memref<1000xi32, #tpu.memory_space<hbm>>) dst(%arg5 : memref<1000xi32, #tpu.memory_space<vmem>>)
        tpu.yield
      }) : () -> ()
      %dma_start3A = arith.constant 0 : i32
      %dma_start3A_12 = arith.constant 0 : i32
      %dma_start3A_13 = tpu.memref_slice %arg2[%dma_start3A, %dma_start3A_12] : memref<20000x64xf32, #tpu.memory_space<hbm>> -> memref<20000x64xf32, #tpu.memory_space<hbm>>
      tpu.enqueue_indirect_dma source(%dma_start3A_13 : memref<20000x64xf32, #tpu.memory_space<hbm>>) target(%arg6 : memref<1000x64xf32, #tpu.memory_space<vmem>>) offsets(%arg5 : memref<1000xi32, #tpu.memory_space<vmem>>) semaphore(%arg7 : memref<!tpu.dma_semaphore, #tpu.memory_space<semaphore_mem>>)
      %dma_wait3A = arith.constant 0 : i32
      %dma_wait3A_14 = arith.constant 0 : i32
      %dma_wait3A_15 = tpu.memref_slice %arg2[%dma_wait3A, %dma_wait3A_14] : memref<20000x64xf32, #tpu.memory_space<hbm>> -> memref<20000x64xf32, #tpu.memory_space<hbm>>
      tpu.wait_indirect_dma semaphore(%arg7 : memref<!tpu.dma_semaphore, #tpu.memory_space<semaphore_mem>>) src(%dma_wait3A_15 : memref<20000x64xf32, #tpu.memory_space<hbm>>) dst(%arg6 : memref<1000x64xf32, #tpu.memory_space<vmem>>)
      "tpu.region"() ({
        %run_scoped3A = tpu.sem_alloc : memref<!tpu.dma_semaphore, #tpu.memory_space<semaphore_mem>>
        %dma_start3A_16 = arith.constant 0 : i32
        %dma_start3A_17 = tpu.memref_slice %arg4[%add3A_11, %dma_start3A_16] : memref<320000x64xf32, #tpu.memory_space<hbm>> -> memref<1000x64xf32, #tpu.memory_space<hbm>>
        %dma_start3A_18 = arith.constant 0 : i32
        %dma_start3A_19 = tpu.memref_slice %arg4[%add3A_11, %dma_start3A_18] : memref<320000x64xf32, #tpu.memory_space<hbm>> -> memref<1000x64xf32, #tpu.memory_space<hbm>>
        tpu.enqueue_dma source(%arg6 : memref<1000x64xf32, #tpu.memory_space<vmem>>) target(%dma_start3A_19 : memref<1000x64xf32, #tpu.memory_space<hbm>>) target_semaphore(%run_scoped3A : memref<!tpu.dma_semaphore, #tpu.memory_space<semaphore_mem>>)
        %dma_wait3A_20 = arith.constant 0 : i32
        %dma_wait3A_21 = tpu.memref_slice %arg4[%add3A_11, %dma_wait3A_20] : memref<320000x64xf32, #tpu.memory_space<hbm>> -> memref<1000x64xf32, #tpu.memory_space<hbm>>
        %dma_wait3A_22 = arith.constant 0 : i32
        %dma_wait3A_23 = tpu.memref_slice %arg4[%add3A_11, %dma_wait3A_22] : memref<320000x64xf32, #tpu.memory_space<hbm>> -> memref<1000x64xf32, #tpu.memory_space<hbm>>
        tpu.wait_dma2 semaphore(%run_scoped3A : memref<!tpu.dma_semaphore, #tpu.memory_space<semaphore_mem>>) src(%arg6 : memref<1000x64xf32, #tpu.memory_space<vmem>>) dst(%dma_wait3A_23 : memref<1000x64xf32, #tpu.memory_space<hbm>>)
        tpu.yield
      }) : () -> ()
    }
    %scan3A_7 = arith.constant 10 : i32
    return
  }
}

#map = affine_map<(d0, d1) -> (0, 0)>
#map1 = affine_map<(d0, d1) -> (0)>
module attributes {stable_mosaic.version = 14 : i64} {
  func.func @k(%arg0: i32, %arg1: i32, %arg2: memref<160000x128xf32, #tpu.memory_space<hbm>>, %arg3: memref<160000xi32, #tpu.memory_space<hbm>>, %arg4: memref<10000x64xf32, #tpu.memory_space<hbm>>, %arg5: memref<10000x128xf32, #tpu.memory_space<hbm>>, %arg6: memref<1000xi32, #tpu.memory_space<vmem>>, %arg7: memref<1000x64xf32, #tpu.memory_space<vmem>>, %arg8: memref<10000x64xf32, #tpu.memory_space<vmem_shared>>) attributes {dimension_semantics = [#tpu.dimension_semantics<core_parallel>, #tpu.dimension_semantics<subcore_parallel>], iteration_bounds = array<i64: 2, 16>, scalar_prefetch = 0 : i64, scratch_operands = 3 : i64, tpu.core_type = #tpu.core_type<sc_vector_subcore>, window_params = [{transform_indices = #map}, {transform_indices = #map1}, {transform_indices = #map}, {transform_indices = #map}]} {
    %lt3A = arith.constant 15 : i32
    %lt3A_0 = arith.cmpi slt, %arg1, %lt3A : i32
    %convert_element_type3A = arith.extui %lt3A_0 : i1 to i32
    %cond3A = arith.constant 0 : i32
    %cond3A_1 = arith.cmpi ne, %convert_element_type3A, %cond3A : i32
    scf.if %cond3A_1 {
      %mul3A = arith.constant 632 : i32
      %mul3A_27 = arith.muli %arg1, %mul3A : i32
      "tpu.region"() ({
        %run_scoped3A = tpu.sem_alloc : memref<!tpu.dma_semaphore, #tpu.memory_space<semaphore_mem>>
        %dma_start3A = arith.constant 0 : i32
        %dma_start3A_28 = tpu.memref_slice %arg8[%mul3A_27, %dma_start3A] : memref<10000x64xf32, #tpu.memory_space<vmem_shared>> -> memref<632x64xf32, #tpu.memory_space<vmem_shared>>
        %dma_start3A_29 = arith.constant 0 : i32
        %dma_start3A_30 = tpu.memref_slice %arg4[%mul3A_27, %dma_start3A_29] : memref<10000x64xf32, #tpu.memory_space<hbm>> -> memref<632x64xf32, #tpu.memory_space<hbm>>
        tpu.enqueue_dma source(%dma_start3A_30 : memref<632x64xf32, #tpu.memory_space<hbm>>) target(%dma_start3A_28 : memref<632x64xf32, #tpu.memory_space<vmem_shared>>) target_semaphore(%run_scoped3A : memref<!tpu.dma_semaphore, #tpu.memory_space<semaphore_mem>>)
        %dma_wait3A = arith.constant 0 : i32
        %dma_wait3A_31 = tpu.memref_slice %arg8[%mul3A_27, %dma_wait3A] : memref<10000x64xf32, #tpu.memory_space<vmem_shared>> -> memref<632x64xf32, #tpu.memory_space<vmem_shared>>
        %dma_wait3A_32 = arith.constant 0 : i32
        %dma_wait3A_33 = tpu.memref_slice %arg4[%mul3A_27, %dma_wait3A_32] : memref<10000x64xf32, #tpu.memory_space<hbm>> -> memref<632x64xf32, #tpu.memory_space<hbm>>
        tpu.wait_dma2 semaphore(%run_scoped3A : memref<!tpu.dma_semaphore, #tpu.memory_space<semaphore_mem>>) src(%dma_wait3A_33 : memref<632x64xf32, #tpu.memory_space<hbm>>) dst(%dma_wait3A_31 : memref<632x64xf32, #tpu.memory_space<vmem_shared>>)
        tpu.yield
      }) : () -> ()
    } else {
    }
    %eq3A = arith.constant 15 : i32
    %eq3A_2 = arith.cmpi eq, %arg1, %eq3A : i32
    %convert_element_type3A_3 = arith.extui %eq3A_2 : i1 to i32
    %cond3A_4 = arith.constant 0 : i32
    %cond3A_5 = arith.cmpi ne, %convert_element_type3A_3, %cond3A_4 : i32
    scf.if %cond3A_5 {
      "tpu.region"() ({
        %run_scoped3A = tpu.sem_alloc : memref<!tpu.dma_semaphore, #tpu.memory_space<semaphore_mem>>
        %dma_start3A = arith.constant 9480 : i32
        %dma_start3A_27 = arith.constant 0 : i32
        %dma_start3A_28 = tpu.memref_slice %arg8[%dma_start3A, %dma_start3A_27] : memref<10000x64xf32, #tpu.memory_space<vmem_shared>> -> memref<520x64xf32, #tpu.memory_space<vmem_shared>>
        %dma_start3A_29 = arith.constant 9480 : i32
        %dma_start3A_30 = arith.constant 0 : i32
        %dma_start3A_31 = tpu.memref_slice %arg4[%dma_start3A_29, %dma_start3A_30] : memref<10000x64xf32, #tpu.memory_space<hbm>> -> memref<520x64xf32, #tpu.memory_space<hbm>>
        tpu.enqueue_dma source(%dma_start3A_31 : memref<520x64xf32, #tpu.memory_space<hbm>>) target(%dma_start3A_28 : memref<520x64xf32, #tpu.memory_space<vmem_shared>>) target_semaphore(%run_scoped3A : memref<!tpu.dma_semaphore, #tpu.memory_space<semaphore_mem>>)
        %dma_wait3A = arith.constant 9480 : i32
        %dma_wait3A_32 = arith.constant 0 : i32
        %dma_wait3A_33 = tpu.memref_slice %arg8[%dma_wait3A, %dma_wait3A_32] : memref<10000x64xf32, #tpu.memory_space<vmem_shared>> -> memref<520x64xf32, #tpu.memory_space<vmem_shared>>
        %dma_wait3A_34 = arith.constant 9480 : i32
        %dma_wait3A_35 = arith.constant 0 : i32
        %dma_wait3A_36 = tpu.memref_slice %arg4[%dma_wait3A_34, %dma_wait3A_35] : memref<10000x64xf32, #tpu.memory_space<hbm>> -> memref<520x64xf32, #tpu.memory_space<hbm>>
        tpu.wait_dma2 semaphore(%run_scoped3A : memref<!tpu.dma_semaphore, #tpu.memory_space<semaphore_mem>>) src(%dma_wait3A_36 : memref<520x64xf32, #tpu.memory_space<hbm>>) dst(%dma_wait3A_33 : memref<520x64xf32, #tpu.memory_space<vmem_shared>>)
        tpu.yield
      }) : () -> ()
    } else {
    }
    %barrier3A = arith.constant 0 : index
    tpu.barrier barrier_id(%barrier3A)
    %eq3A_6 = arith.constant 0 : i32
    %eq3A_7 = arith.cmpi eq, %arg0, %eq3A_6 : i32
    %convert_element_type3A_8 = arith.extui %eq3A_7 : i1 to i32
    %cond3A_9 = arith.constant 0 : i32
    %cond3A_10 = arith.cmpi ne, %convert_element_type3A_8, %cond3A_9 : i32
    scf.if %cond3A_10 {
      %scan3A = arith.constant 0 : i32
      %scan3A_27 = arith.constant 0 : i32
      %scan3A_28 = arith.constant 10 : i32
      %scan3A_29 = arith.addi %scan3A_27, %scan3A_28 : i32
      %scan3A_30 = arith.constant 1 : i32
      scf.for %scan3A_32 = %scan3A_27 to %scan3A_29 step %scan3A_30  : i32 {
        %mul3A = arith.constant 10000 : i32
        %mul3A_33 = arith.muli %arg1, %mul3A : i32
        %mul3A_34 = arith.constant 1000 : i32
        %mul3A_35 = arith.muli %scan3A_32, %mul3A_34 : i32
        %add3A = arith.addi %mul3A_33, %mul3A_35 : i32
        "tpu.region"() ({
          %run_scoped3A = tpu.sem_alloc : memref<!tpu.dma_semaphore, #tpu.memory_space<semaphore_mem>>
          %dma_start3A = tpu.memref_slice %arg3[%add3A] : memref<160000xi32, #tpu.memory_space<hbm>> -> memref<1000xi32, #tpu.memory_space<hbm>>
          %dma_start3A_36 = tpu.memref_slice %arg3[%add3A] : memref<160000xi32, #tpu.memory_space<hbm>> -> memref<1000xi32, #tpu.memory_space<hbm>>
          tpu.enqueue_dma source(%dma_start3A_36 : memref<1000xi32, #tpu.memory_space<hbm>>) target(%arg6 : memref<1000xi32, #tpu.memory_space<vmem>>) target_semaphore(%run_scoped3A : memref<!tpu.dma_semaphore, #tpu.memory_space<semaphore_mem>>)
          %dma_wait3A = tpu.memref_slice %arg3[%add3A] : memref<160000xi32, #tpu.memory_space<hbm>> -> memref<1000xi32, #tpu.memory_space<hbm>>
          %dma_wait3A_37 = tpu.memref_slice %arg3[%add3A] : memref<160000xi32, #tpu.memory_space<hbm>> -> memref<1000xi32, #tpu.memory_space<hbm>>
          tpu.wait_dma2 semaphore(%run_scoped3A : memref<!tpu.dma_semaphore, #tpu.memory_space<semaphore_mem>>) src(%dma_wait3A_37 : memref<1000xi32, #tpu.memory_space<hbm>>) dst(%arg6 : memref<1000xi32, #tpu.memory_space<vmem>>)
          tpu.yield
        }) : () -> ()
        "tpu.region"() ({
          %run_scoped3A = tpu.sem_alloc : memref<!tpu.dma_semaphore, #tpu.memory_space<semaphore_mem>>
          %dma_start3A = arith.constant 0 : i32
          %dma_start3A_36 = tpu.memref_slice %arg2[%add3A, %dma_start3A] : memref<160000x128xf32, #tpu.memory_space<hbm>> -> memref<1000x64xf32, #tpu.memory_space<hbm>>
          %dma_start3A_37 = arith.constant 0 : i32
          %dma_start3A_38 = tpu.memref_slice %arg2[%add3A, %dma_start3A_37] : memref<160000x128xf32, #tpu.memory_space<hbm>> -> memref<1000x64xf32, #tpu.memory_space<hbm>>
          tpu.enqueue_dma source(%dma_start3A_38 : memref<1000x64xf32, #tpu.memory_space<hbm>>) target(%arg7 : memref<1000x64xf32, #tpu.memory_space<vmem>>) target_semaphore(%run_scoped3A : memref<!tpu.dma_semaphore, #tpu.memory_space<semaphore_mem>>)
          %dma_wait3A = arith.constant 0 : i32
          %dma_wait3A_39 = tpu.memref_slice %arg2[%add3A, %dma_wait3A] : memref<160000x128xf32, #tpu.memory_space<hbm>> -> memref<1000x64xf32, #tpu.memory_space<hbm>>
          %dma_wait3A_40 = arith.constant 0 : i32
          %dma_wait3A_41 = tpu.memref_slice %arg2[%add3A, %dma_wait3A_40] : memref<160000x128xf32, #tpu.memory_space<hbm>> -> memref<1000x64xf32, #tpu.memory_space<hbm>>
          tpu.wait_dma2 semaphore(%run_scoped3A : memref<!tpu.dma_semaphore, #tpu.memory_space<semaphore_mem>>) src(%dma_wait3A_41 : memref<1000x64xf32, #tpu.memory_space<hbm>>) dst(%arg7 : memref<1000x64xf32, #tpu.memory_space<vmem>>)
          tpu.yield
        }) : () -> ()
        "tpu.region"() ({
          %run_scoped3A = tpu.sem_alloc : memref<!tpu.dma_semaphore, #tpu.memory_space<semaphore_mem>>
          %dma_start3A = arith.constant 0 : i32
          %dma_start3A_36 = arith.constant 0 : i32
          %dma_start3A_37 = tpu.memref_slice %arg8[%dma_start3A, %dma_start3A_36] : memref<10000x64xf32, #tpu.memory_space<vmem_shared>> -> memref<10000x64xf32, #tpu.memory_space<vmem_shared>>
          tpu.enqueue_indirect_dma source(%arg7 : memref<1000x64xf32, #tpu.memory_space<vmem>>) target(%dma_start3A_37 : memref<10000x64xf32, #tpu.memory_space<vmem_shared>>) offsets(%arg6 : memref<1000xi32, #tpu.memory_space<vmem>>) semaphore(%run_scoped3A : memref<!tpu.dma_semaphore, #tpu.memory_space<semaphore_mem>>) {add = true}
          %dma_wait3A = arith.constant 0 : i32
          %dma_wait3A_38 = arith.constant 0 : i32
          %dma_wait3A_39 = tpu.memref_slice %arg8[%dma_wait3A, %dma_wait3A_38] : memref<10000x64xf32, #tpu.memory_space<vmem_shared>> -> memref<10000x64xf32, #tpu.memory_space<vmem_shared>>
          tpu.wait_indirect_dma semaphore(%run_scoped3A : memref<!tpu.dma_semaphore, #tpu.memory_space<semaphore_mem>>) src(%arg7 : memref<1000x64xf32, #tpu.memory_space<vmem>>) dst(%dma_wait3A_39 : memref<10000x64xf32, #tpu.memory_space<vmem_shared>>)
          tpu.yield
        }) : () -> ()
      }
      %scan3A_31 = arith.constant 10 : i32
    } else {
    }
    %eq3A_11 = arith.constant 1 : i32
    %eq3A_12 = arith.cmpi eq, %arg0, %eq3A_11 : i32
    %convert_element_type3A_13 = arith.extui %eq3A_12 : i1 to i32
    %cond3A_14 = arith.constant 0 : i32
    %cond3A_15 = arith.cmpi ne, %convert_element_type3A_13, %cond3A_14 : i32
    scf.if %cond3A_15 {
      %scan3A = arith.constant 0 : i32
      %scan3A_27 = arith.constant 0 : i32
      %scan3A_28 = arith.constant 10 : i32
      %scan3A_29 = arith.addi %scan3A_27, %scan3A_28 : i32
      %scan3A_30 = arith.constant 1 : i32
      scf.for %scan3A_32 = %scan3A_27 to %scan3A_29 step %scan3A_30  : i32 {
        %mul3A = arith.constant 10000 : i32
        %mul3A_33 = arith.muli %arg1, %mul3A : i32
        %mul3A_34 = arith.constant 1000 : i32
        %mul3A_35 = arith.muli %scan3A_32, %mul3A_34 : i32
        %add3A = arith.addi %mul3A_33, %mul3A_35 : i32
        "tpu.region"() ({
          %run_scoped3A = tpu.sem_alloc : memref<!tpu.dma_semaphore, #tpu.memory_space<semaphore_mem>>
          %dma_start3A = tpu.memref_slice %arg3[%add3A] : memref<160000xi32, #tpu.memory_space<hbm>> -> memref<1000xi32, #tpu.memory_space<hbm>>
          %dma_start3A_36 = tpu.memref_slice %arg3[%add3A] : memref<160000xi32, #tpu.memory_space<hbm>> -> memref<1000xi32, #tpu.memory_space<hbm>>
          tpu.enqueue_dma source(%dma_start3A_36 : memref<1000xi32, #tpu.memory_space<hbm>>) target(%arg6 : memref<1000xi32, #tpu.memory_space<vmem>>) target_semaphore(%run_scoped3A : memref<!tpu.dma_semaphore, #tpu.memory_space<semaphore_mem>>)
          %dma_wait3A = tpu.memref_slice %arg3[%add3A] : memref<160000xi32, #tpu.memory_space<hbm>> -> memref<1000xi32, #tpu.memory_space<hbm>>
          %dma_wait3A_37 = tpu.memref_slice %arg3[%add3A] : memref<160000xi32, #tpu.memory_space<hbm>> -> memref<1000xi32, #tpu.memory_space<hbm>>
          tpu.wait_dma2 semaphore(%run_scoped3A : memref<!tpu.dma_semaphore, #tpu.memory_space<semaphore_mem>>) src(%dma_wait3A_37 : memref<1000xi32, #tpu.memory_space<hbm>>) dst(%arg6 : memref<1000xi32, #tpu.memory_space<vmem>>)
          tpu.yield
        }) : () -> ()
        "tpu.region"() ({
          %run_scoped3A = tpu.sem_alloc : memref<!tpu.dma_semaphore, #tpu.memory_space<semaphore_mem>>
          %dma_start3A = arith.constant 64 : i32
          %dma_start3A_36 = tpu.memref_slice %arg2[%add3A, %dma_start3A] : memref<160000x128xf32, #tpu.memory_space<hbm>> -> memref<1000x64xf32, #tpu.memory_space<hbm>>
          %dma_start3A_37 = arith.constant 64 : i32
          %dma_start3A_38 = tpu.memref_slice %arg2[%add3A, %dma_start3A_37] : memref<160000x128xf32, #tpu.memory_space<hbm>> -> memref<1000x64xf32, #tpu.memory_space<hbm>>
          tpu.enqueue_dma source(%dma_start3A_38 : memref<1000x64xf32, #tpu.memory_space<hbm>>) target(%arg7 : memref<1000x64xf32, #tpu.memory_space<vmem>>) target_semaphore(%run_scoped3A : memref<!tpu.dma_semaphore, #tpu.memory_space<semaphore_mem>>)
          %dma_wait3A = arith.constant 64 : i32
          %dma_wait3A_39 = tpu.memref_slice %arg2[%add3A, %dma_wait3A] : memref<160000x128xf32, #tpu.memory_space<hbm>> -> memref<1000x64xf32, #tpu.memory_space<hbm>>
          %dma_wait3A_40 = arith.constant 64 : i32
          %dma_wait3A_41 = tpu.memref_slice %arg2[%add3A, %dma_wait3A_40] : memref<160000x128xf32, #tpu.memory_space<hbm>> -> memref<1000x64xf32, #tpu.memory_space<hbm>>
          tpu.wait_dma2 semaphore(%run_scoped3A : memref<!tpu.dma_semaphore, #tpu.memory_space<semaphore_mem>>) src(%dma_wait3A_41 : memref<1000x64xf32, #tpu.memory_space<hbm>>) dst(%arg7 : memref<1000x64xf32, #tpu.memory_space<vmem>>)
          tpu.yield
        }) : () -> ()
        "tpu.region"() ({
          %run_scoped3A = tpu.sem_alloc : memref<!tpu.dma_semaphore, #tpu.memory_space<semaphore_mem>>
          %dma_start3A = arith.constant 0 : i32
          %dma_start3A_36 = arith.constant 0 : i32
          %dma_start3A_37 = tpu.memref_slice %arg8[%dma_start3A, %dma_start3A_36] : memref<10000x64xf32, #tpu.memory_space<vmem_shared>> -> memref<10000x64xf32, #tpu.memory_space<vmem_shared>>
          tpu.enqueue_indirect_dma source(%arg7 : memref<1000x64xf32, #tpu.memory_space<vmem>>) target(%dma_start3A_37 : memref<10000x64xf32, #tpu.memory_space<vmem_shared>>) offsets(%arg6 : memref<1000xi32, #tpu.memory_space<vmem>>) semaphore(%run_scoped3A : memref<!tpu.dma_semaphore, #tpu.memory_space<semaphore_mem>>) {add = true}
          %dma_wait3A = arith.constant 0 : i32
          %dma_wait3A_38 = arith.constant 0 : i32
          %dma_wait3A_39 = tpu.memref_slice %arg8[%dma_wait3A, %dma_wait3A_38] : memref<10000x64xf32, #tpu.memory_space<vmem_shared>> -> memref<10000x64xf32, #tpu.memory_space<vmem_shared>>
          tpu.wait_indirect_dma semaphore(%run_scoped3A : memref<!tpu.dma_semaphore, #tpu.memory_space<semaphore_mem>>) src(%arg7 : memref<1000x64xf32, #tpu.memory_space<vmem>>) dst(%dma_wait3A_39 : memref<10000x64xf32, #tpu.memory_space<vmem_shared>>)
          tpu.yield
        }) : () -> ()
      }
      %scan3A_31 = arith.constant 10 : i32
    } else {
    }
    %barrier3A_16 = arith.constant 0 : index
    tpu.barrier barrier_id(%barrier3A_16)
    %eq3A_17 = arith.constant 0 : i32
    %eq3A_18 = arith.cmpi eq, %arg0, %eq3A_17 : i32
    %convert_element_type3A_19 = arith.extui %eq3A_18 : i1 to i32
    %cond3A_20 = arith.constant 0 : i32
    %cond3A_21 = arith.cmpi ne, %convert_element_type3A_19, %cond3A_20 : i32
    scf.if %cond3A_21 {
      %lt3A_27 = arith.constant 15 : i32
      %lt3A_28 = arith.cmpi slt, %arg1, %lt3A_27 : i32
      %convert_element_type3A_29 = arith.extui %lt3A_28 : i1 to i32
      %cond3A_30 = arith.constant 0 : i32
      %cond3A_31 = arith.cmpi ne, %convert_element_type3A_29, %cond3A_30 : i32
      scf.if %cond3A_31 {
        %mul3A = arith.constant 632 : i32
        %mul3A_37 = arith.muli %arg1, %mul3A : i32
        "tpu.region"() ({
          %run_scoped3A = tpu.sem_alloc : memref<!tpu.dma_semaphore, #tpu.memory_space<semaphore_mem>>
          %dma_start3A = arith.constant 0 : i32
          %dma_start3A_38 = tpu.memref_slice %arg5[%mul3A_37, %dma_start3A] : memref<10000x128xf32, #tpu.memory_space<hbm>> -> memref<632x64xf32, #tpu.memory_space<hbm>>
          %dma_start3A_39 = arith.constant 0 : i32
          %dma_start3A_40 = tpu.memref_slice %arg8[%mul3A_37, %dma_start3A_39] : memref<10000x64xf32, #tpu.memory_space<vmem_shared>> -> memref<632x64xf32, #tpu.memory_space<vmem_shared>>
          tpu.enqueue_dma source(%dma_start3A_40 : memref<632x64xf32, #tpu.memory_space<vmem_shared>>) target(%dma_start3A_38 : memref<632x64xf32, #tpu.memory_space<hbm>>) target_semaphore(%run_scoped3A : memref<!tpu.dma_semaphore, #tpu.memory_space<semaphore_mem>>)
          %dma_wait3A = arith.constant 0 : i32
          %dma_wait3A_41 = tpu.memref_slice %arg5[%mul3A_37, %dma_wait3A] : memref<10000x128xf32, #tpu.memory_space<hbm>> -> memref<632x64xf32, #tpu.memory_space<hbm>>
          %dma_wait3A_42 = arith.constant 0 : i32
          %dma_wait3A_43 = tpu.memref_slice %arg8[%mul3A_37, %dma_wait3A_42] : memref<10000x64xf32, #tpu.memory_space<vmem_shared>> -> memref<632x64xf32, #tpu.memory_space<vmem_shared>>
          tpu.wait_dma2 semaphore(%run_scoped3A : memref<!tpu.dma_semaphore, #tpu.memory_space<semaphore_mem>>) src(%dma_wait3A_43 : memref<632x64xf32, #tpu.memory_space<vmem_shared>>) dst(%dma_wait3A_41 : memref<632x64xf32, #tpu.memory_space<hbm>>)
          tpu.yield
        }) : () -> ()
      } else {
      }
      %eq3A_32 = arith.constant 15 : i32
      %eq3A_33 = arith.cmpi eq, %arg1, %eq3A_32 : i32
      %convert_element_type3A_34 = arith.extui %eq3A_33 : i1 to i32
      %cond3A_35 = arith.constant 0 : i32
      %cond3A_36 = arith.cmpi ne, %convert_element_type3A_34, %cond3A_35 : i32
      scf.if %cond3A_36 {
        "tpu.region"() ({
          %run_scoped3A = tpu.sem_alloc : memref<!tpu.dma_semaphore, #tpu.memory_space<semaphore_mem>>
          %dma_start3A = arith.constant 9480 : i32
          %dma_start3A_37 = arith.constant 0 : i32
          %dma_start3A_38 = tpu.memref_slice %arg5[%dma_start3A, %dma_start3A_37] : memref<10000x128xf32, #tpu.memory_space<hbm>> -> memref<520x64xf32, #tpu.memory_space<hbm>>
          %dma_start3A_39 = arith.constant 9480 : i32
          %dma_start3A_40 = arith.constant 0 : i32
          %dma_start3A_41 = tpu.memref_slice %arg8[%dma_start3A_39, %dma_start3A_40] : memref<10000x64xf32, #tpu.memory_space<vmem_shared>> -> memref<520x64xf32, #tpu.memory_space<vmem_shared>>
          tpu.enqueue_dma source(%dma_start3A_41 : memref<520x64xf32, #tpu.memory_space<vmem_shared>>) target(%dma_start3A_38 : memref<520x64xf32, #tpu.memory_space<hbm>>) target_semaphore(%run_scoped3A : memref<!tpu.dma_semaphore, #tpu.memory_space<semaphore_mem>>)
          %dma_wait3A = arith.constant 9480 : i32
          %dma_wait3A_42 = arith.constant 0 : i32
          %dma_wait3A_43 = tpu.memref_slice %arg5[%dma_wait3A, %dma_wait3A_42] : memref<10000x128xf32, #tpu.memory_space<hbm>> -> memref<520x64xf32, #tpu.memory_space<hbm>>
          %dma_wait3A_44 = arith.constant 9480 : i32
          %dma_wait3A_45 = arith.constant 0 : i32
          %dma_wait3A_46 = tpu.memref_slice %arg8[%dma_wait3A_44, %dma_wait3A_45] : memref<10000x64xf32, #tpu.memory_space<vmem_shared>> -> memref<520x64xf32, #tpu.memory_space<vmem_shared>>
          tpu.wait_dma2 semaphore(%run_scoped3A : memref<!tpu.dma_semaphore, #tpu.memory_space<semaphore_mem>>) src(%dma_wait3A_46 : memref<520x64xf32, #tpu.memory_space<vmem_shared>>) dst(%dma_wait3A_43 : memref<520x64xf32, #tpu.memory_space<hbm>>)
          tpu.yield
        }) : () -> ()
      } else {
      }
    } else {
    }
    %eq3A_22 = arith.constant 1 : i32
    %eq3A_23 = arith.cmpi eq, %arg0, %eq3A_22 : i32
    %convert_element_type3A_24 = arith.extui %eq3A_23 : i1 to i32
    %cond3A_25 = arith.constant 0 : i32
    %cond3A_26 = arith.cmpi ne, %convert_element_type3A_24, %cond3A_25 : i32
    scf.if %cond3A_26 {
      %lt3A_27 = arith.constant 15 : i32
      %lt3A_28 = arith.cmpi slt, %arg1, %lt3A_27 : i32
      %convert_element_type3A_29 = arith.extui %lt3A_28 : i1 to i32
      %cond3A_30 = arith.constant 0 : i32
      %cond3A_31 = arith.cmpi ne, %convert_element_type3A_29, %cond3A_30 : i32
      scf.if %cond3A_31 {
        %mul3A = arith.constant 632 : i32
        %mul3A_37 = arith.muli %arg1, %mul3A : i32
        "tpu.region"() ({
          %run_scoped3A = tpu.sem_alloc : memref<!tpu.dma_semaphore, #tpu.memory_space<semaphore_mem>>
          %dma_start3A = arith.constant 64 : i32
          %dma_start3A_38 = tpu.memref_slice %arg5[%mul3A_37, %dma_start3A] : memref<10000x128xf32, #tpu.memory_space<hbm>> -> memref<632x64xf32, #tpu.memory_space<hbm>>
          %dma_start3A_39 = arith.constant 0 : i32
          %dma_start3A_40 = tpu.memref_slice %arg8[%mul3A_37, %dma_start3A_39] : memref<10000x64xf32, #tpu.memory_space<vmem_shared>> -> memref<632x64xf32, #tpu.memory_space<vmem_shared>>
          tpu.enqueue_dma source(%dma_start3A_40 : memref<632x64xf32, #tpu.memory_space<vmem_shared>>) target(%dma_start3A_38 : memref<632x64xf32, #tpu.memory_space<hbm>>) target_semaphore(%run_scoped3A : memref<!tpu.dma_semaphore, #tpu.memory_space<semaphore_mem>>)
          %dma_wait3A = arith.constant 64 : i32
          %dma_wait3A_41 = tpu.memref_slice %arg5[%mul3A_37, %dma_wait3A] : memref<10000x128xf32, #tpu.memory_space<hbm>> -> memref<632x64xf32, #tpu.memory_space<hbm>>
          %dma_wait3A_42 = arith.constant 0 : i32
          %dma_wait3A_43 = tpu.memref_slice %arg8[%mul3A_37, %dma_wait3A_42] : memref<10000x64xf32, #tpu.memory_space<vmem_shared>> -> memref<632x64xf32, #tpu.memory_space<vmem_shared>>
          tpu.wait_dma2 semaphore(%run_scoped3A : memref<!tpu.dma_semaphore, #tpu.memory_space<semaphore_mem>>) src(%dma_wait3A_43 : memref<632x64xf32, #tpu.memory_space<vmem_shared>>) dst(%dma_wait3A_41 : memref<632x64xf32, #tpu.memory_space<hbm>>)
          tpu.yield
        }) : () -> ()
      } else {
      }
      %eq3A_32 = arith.constant 15 : i32
      %eq3A_33 = arith.cmpi eq, %arg1, %eq3A_32 : i32
      %convert_element_type3A_34 = arith.extui %eq3A_33 : i1 to i32
      %cond3A_35 = arith.constant 0 : i32
      %cond3A_36 = arith.cmpi ne, %convert_element_type3A_34, %cond3A_35 : i32
      scf.if %cond3A_36 {
        "tpu.region"() ({
          %run_scoped3A = tpu.sem_alloc : memref<!tpu.dma_semaphore, #tpu.memory_space<semaphore_mem>>
          %dma_start3A = arith.constant 9480 : i32
          %dma_start3A_37 = arith.constant 64 : i32
          %dma_start3A_38 = tpu.memref_slice %arg5[%dma_start3A, %dma_start3A_37] : memref<10000x128xf32, #tpu.memory_space<hbm>> -> memref<520x64xf32, #tpu.memory_space<hbm>>
          %dma_start3A_39 = arith.constant 9480 : i32
          %dma_start3A_40 = arith.constant 0 : i32
          %dma_start3A_41 = tpu.memref_slice %arg8[%dma_start3A_39, %dma_start3A_40] : memref<10000x64xf32, #tpu.memory_space<vmem_shared>> -> memref<520x64xf32, #tpu.memory_space<vmem_shared>>
          tpu.enqueue_dma source(%dma_start3A_41 : memref<520x64xf32, #tpu.memory_space<vmem_shared>>) target(%dma_start3A_38 : memref<520x64xf32, #tpu.memory_space<hbm>>) target_semaphore(%run_scoped3A : memref<!tpu.dma_semaphore, #tpu.memory_space<semaphore_mem>>)
          %dma_wait3A = arith.constant 9480 : i32
          %dma_wait3A_42 = arith.constant 64 : i32
          %dma_wait3A_43 = tpu.memref_slice %arg5[%dma_wait3A, %dma_wait3A_42] : memref<10000x128xf32, #tpu.memory_space<hbm>> -> memref<520x64xf32, #tpu.memory_space<hbm>>
          %dma_wait3A_44 = arith.constant 9480 : i32
          %dma_wait3A_45 = arith.constant 0 : i32
          %dma_wait3A_46 = tpu.memref_slice %arg8[%dma_wait3A_44, %dma_wait3A_45] : memref<10000x64xf32, #tpu.memory_space<vmem_shared>> -> memref<520x64xf32, #tpu.memory_space<vmem_shared>>
          tpu.wait_dma2 semaphore(%run_scoped3A : memref<!tpu.dma_semaphore, #tpu.memory_space<semaphore_mem>>) src(%dma_wait3A_46 : memref<520x64xf32, #tpu.memory_space<vmem_shared>>) dst(%dma_wait3A_43 : memref<520x64xf32, #tpu.memory_space<hbm>>)
          tpu.yield
        }) : () -> ()
      } else {
      }
    } else {
    }
    return
  }
}

#map = affine_map<(d0, d1) -> (0, 0)>
#map1 = affine_map<(d0, d1) -> (0)>
module attributes {stable_mosaic.version = 14 : i64} {
  func.func @k(%arg0: i32, %arg1: i32, %arg2: memref<20000x64xf32, #tpu.memory_space<hbm>>, %arg3: memref<320000xi32, #tpu.memory_space<hbm>>, %arg4: memref<320000x64xf32, #tpu.memory_space<hbm>>, %arg5: memref<1000xi32, #tpu.memory_space<vmem>>, %arg6: memref<1000x64xf32, #tpu.memory_space<vmem>>, %arg7: memref<!tpu.dma_semaphore, #tpu.memory_space<semaphore_mem>>) attributes {dimension_semantics = [#tpu.dimension_semantics<core_parallel>, #tpu.dimension_semantics<subcore_parallel>], iteration_bounds = array<i64: 2, 16>, scalar_prefetch = 0 : i64, scratch_operands = 3 : i64, tpu.core_type = #tpu.core_type<sc_vector_subcore>, window_params = [{transform_indices = #map}, {transform_indices = #map1}, {transform_indices = #map}]} {
    %mul3A = arith.constant 2 : i32
    %mul3A_0 = arith.muli %arg1, %mul3A : i32
    %add3A = arith.addi %mul3A_0, %arg0 : i32
    %mul3A_1 = arith.constant 10000 : i32
    %mul3A_2 = arith.muli %add3A, %mul3A_1 : i32
    %scan3A = arith.constant 0 : i32
    %scan3A_3 = arith.constant 0 : i32
    %scan3A_4 = arith.constant 10 : i32
    %scan3A_5 = arith.addi %scan3A_3, %scan3A_4 : i32
    %scan3A_6 = arith.constant 1 : i32
    scf.for %scan3A_8 = %scan3A_3 to %scan3A_5 step %scan3A_6  : i32 {
      %mul3A_9 = arith.constant 1000 : i32
      %mul3A_10 = arith.muli %scan3A_8, %mul3A_9 : i32
      %add3A_11 = arith.addi %mul3A_2, %mul3A_10 : i32
      "tpu.region"() ({
        %run_scoped3A = tpu.sem_alloc : memref<!tpu.dma_semaphore, #tpu.memory_space<semaphore_mem>>
        %dma_start3A_16 = tpu.memref_slice %arg3[%add3A_11] : memref<320000xi32, #tpu.memory_space<hbm>> -> memref<1000xi32, #tpu.memory_space<hbm>>
        %dma_start3A_17 = tpu.memref_slice %arg3[%add3A_11] : memref<320000xi32, #tpu.memory_space<hbm>> -> memref<1000xi32, #tpu.memory_space<hbm>>
        tpu.enqueue_dma source(%dma_start3A_17 : memref<1000xi32, #tpu.memory_space<hbm>>) target(%arg5 : memref<1000xi32, #tpu.memory_space<vmem>>) target_semaphore(%run_scoped3A : memref<!tpu.dma_semaphore, #tpu.memory_space<semaphore_mem>>)
        %dma_wait3A_18 = tpu.memref_slice %arg3[%add3A_11] : memref<320000xi32, #tpu.memory_space<hbm>> -> memref<1000xi32, #tpu.memory_space<hbm>>
        %dma_wait3A_19 = tpu.memref_slice %arg3[%add3A_11] : memref<320000xi32, #tpu.memory_space<hbm>> -> memref<1000xi32, #tpu.memory_space<hbm>>
        tpu.wait_dma2 semaphore(%run_scoped3A : memref<!tpu.dma_semaphore, #tpu.memory_space<semaphore_mem>>) src(%dma_wait3A_19 : memref<1000xi32, #tpu.memory_space<hbm>>) dst(%arg5 : memref<1000xi32, #tpu.memory_space<vmem>>)
        tpu.yield
      }) : () -> ()
      %dma_start3A = arith.constant 0 : i32
      %dma_start3A_12 = arith.constant 0 : i32
      %dma_start3A_13 = tpu.memref_slice %arg2[%dma_start3A, %dma_start3A_12] : memref<20000x64xf32, #tpu.memory_space<hbm>> -> memref<20000x64xf32, #tpu.memory_space<hbm>>
      tpu.enqueue_indirect_dma source(%dma_start3A_13 : memref<20000x64xf32, #tpu.memory_space<hbm>>) target(%arg6 : memref<1000x64xf32, #tpu.memory_space<vmem>>) offsets(%arg5 : memref<1000xi32, #tpu.memory_space<vmem>>) semaphore(%arg7 : memref<!tpu.dma_semaphore, #tpu.memory_space<semaphore_mem>>)
      %dma_wait3A = arith.constant 0 : i32
      %dma_wait3A_14 = arith.constant 0 : i32
      %dma_wait3A_15 = tpu.memref_slice %arg2[%dma_wait3A, %dma_wait3A_14] : memref<20000x64xf32, #tpu.memory_space<hbm>> -> memref<20000x64xf32, #tpu.memory_space<hbm>>
      tpu.wait_indirect_dma semaphore(%arg7 : memref<!tpu.dma_semaphore, #tpu.memory_space<semaphore_mem>>) src(%dma_wait3A_15 : memref<20000x64xf32, #tpu.memory_space<hbm>>) dst(%arg6 : memref<1000x64xf32, #tpu.memory_space<vmem>>)
      "tpu.region"() ({
        %run_scoped3A = tpu.sem_alloc : memref<!tpu.dma_semaphore, #tpu.memory_space<semaphore_mem>>
        %dma_start3A_16 = arith.constant 0 : i32
        %dma_start3A_17 = tpu.memref_slice %arg4[%add3A_11, %dma_start3A_16] : memref<320000x64xf32, #tpu.memory_space<hbm>> -> memref<1000x64xf32, #tpu.memory_space<hbm>>
        %dma_start3A_18 = arith.constant 0 : i32
        %dma_start3A_19 = tpu.memref_slice %arg4[%add3A_11, %dma_start3A_18] : memref<320000x64xf32, #tpu.memory_space<hbm>> -> memref<1000x64xf32, #tpu.memory_space<hbm>>
        tpu.enqueue_dma source(%arg6 : memref<1000x64xf32, #tpu.memory_space<vmem>>) target(%dma_start3A_19 : memref<1000x64xf32, #tpu.memory_space<hbm>>) target_semaphore(%run_scoped3A : memref<!tpu.dma_semaphore, #tpu.memory_space<semaphore_mem>>)
        %dma_wait3A_20 = arith.constant 0 : i32
        %dma_wait3A_21 = tpu.memref_slice %arg4[%add3A_11, %dma_wait3A_20] : memref<320000x64xf32, #tpu.memory_space<hbm>> -> memref<1000x64xf32, #tpu.memory_space<hbm>>
        %dma_wait3A_22 = arith.constant 0 : i32
        %dma_wait3A_23 = tpu.memref_slice %arg4[%add3A_11, %dma_wait3A_22] : memref<320000x64xf32, #tpu.memory_space<hbm>> -> memref<1000x64xf32, #tpu.memory_space<hbm>>
        tpu.wait_dma2 semaphore(%run_scoped3A : memref<!tpu.dma_semaphore, #tpu.memory_space<semaphore_mem>>) src(%arg6 : memref<1000x64xf32, #tpu.memory_space<vmem>>) dst(%dma_wait3A_23 : memref<1000x64xf32, #tpu.memory_space<hbm>>)
        tpu.yield
      }) : () -> ()
    }
    %scan3A_7 = arith.constant 10 : i32
    return
  }
}

#map = affine_map<(d0, d1) -> (0, 0)>
#map1 = affine_map<(d0, d1) -> (0)>
module attributes {stable_mosaic.version = 14 : i64} {
  func.func @k(%arg0: i32, %arg1: i32, %arg2: memref<160000x128xf32, #tpu.memory_space<hbm>>, %arg3: memref<160000xi32, #tpu.memory_space<hbm>>, %arg4: memref<10000x64xf32, #tpu.memory_space<hbm>>, %arg5: memref<10000x128xf32, #tpu.memory_space<hbm>>, %arg6: memref<1000xi32, #tpu.memory_space<vmem>>, %arg7: memref<1000x64xf32, #tpu.memory_space<vmem>>, %arg8: memref<10000x64xf32, #tpu.memory_space<vmem_shared>>) attributes {dimension_semantics = [#tpu.dimension_semantics<core_parallel>, #tpu.dimension_semantics<subcore_parallel>], iteration_bounds = array<i64: 2, 16>, scalar_prefetch = 0 : i64, scratch_operands = 3 : i64, tpu.core_type = #tpu.core_type<sc_vector_subcore>, window_params = [{transform_indices = #map}, {transform_indices = #map1}, {transform_indices = #map}, {transform_indices = #map}]} {
    %lt3A = arith.constant 15 : i32
    %lt3A_0 = arith.cmpi slt, %arg1, %lt3A : i32
    %convert_element_type3A = arith.extui %lt3A_0 : i1 to i32
    %cond3A = arith.constant 0 : i32
    %cond3A_1 = arith.cmpi ne, %convert_element_type3A, %cond3A : i32
    scf.if %cond3A_1 {
      %mul3A = arith.constant 632 : i32
      %mul3A_27 = arith.muli %arg1, %mul3A : i32
      "tpu.region"() ({
        %run_scoped3A = tpu.sem_alloc : memref<!tpu.dma_semaphore, #tpu.memory_space<semaphore_mem>>
        %dma_start3A = arith.constant 0 : i32
        %dma_start3A_28 = tpu.memref_slice %arg8[%mul3A_27, %dma_start3A] : memref<10000x64xf32, #tpu.memory_space<vmem_shared>> -> memref<632x64xf32, #tpu.memory_space<vmem_shared>>
        %dma_start3A_29 = arith.constant 0 : i32
        %dma_start3A_30 = tpu.memref_slice %arg4[%mul3A_27, %dma_start3A_29] : memref<10000x64xf32, #tpu.memory_space<hbm>> -> memref<632x64xf32, #tpu.memory_space<hbm>>
        tpu.enqueue_dma source(%dma_start3A_30 : memref<632x64xf32, #tpu.memory_space<hbm>>) target(%dma_start3A_28 : memref<632x64xf32, #tpu.memory_space<vmem_shared>>) target_semaphore(%run_scoped3A : memref<!tpu.dma_semaphore, #tpu.memory_space<semaphore_mem>>)
        %dma_wait3A = arith.constant 0 : i32
        %dma_wait3A_31 = tpu.memref_slice %arg8[%mul3A_27, %dma_wait3A] : memref<10000x64xf32, #tpu.memory_space<vmem_shared>> -> memref<632x64xf32, #tpu.memory_space<vmem_shared>>
        %dma_wait3A_32 = arith.constant 0 : i32
        %dma_wait3A_33 = tpu.memref_slice %arg4[%mul3A_27, %dma_wait3A_32] : memref<10000x64xf32, #tpu.memory_space<hbm>> -> memref<632x64xf32, #tpu.memory_space<hbm>>
        tpu.wait_dma2 semaphore(%run_scoped3A : memref<!tpu.dma_semaphore, #tpu.memory_space<semaphore_mem>>) src(%dma_wait3A_33 : memref<632x64xf32, #tpu.memory_space<hbm>>) dst(%dma_wait3A_31 : memref<632x64xf32, #tpu.memory_space<vmem_shared>>)
        tpu.yield
      }) : () -> ()
    } else {
    }
    %eq3A = arith.constant 15 : i32
    %eq3A_2 = arith.cmpi eq, %arg1, %eq3A : i32
    %convert_element_type3A_3 = arith.extui %eq3A_2 : i1 to i32
    %cond3A_4 = arith.constant 0 : i32
    %cond3A_5 = arith.cmpi ne, %convert_element_type3A_3, %cond3A_4 : i32
    scf.if %cond3A_5 {
      "tpu.region"() ({
        %run_scoped3A = tpu.sem_alloc : memref<!tpu.dma_semaphore, #tpu.memory_space<semaphore_mem>>
        %dma_start3A = arith.constant 9480 : i32
        %dma_start3A_27 = arith.constant 0 : i32
        %dma_start3A_28 = tpu.memref_slice %arg8[%dma_start3A, %dma_start3A_27] : memref<10000x64xf32, #tpu.memory_space<vmem_shared>> -> memref<520x64xf32, #tpu.memory_space<vmem_shared>>
        %dma_start3A_29 = arith.constant 9480 : i32
        %dma_start3A_30 = arith.constant 0 : i32
        %dma_start3A_31 = tpu.memref_slice %arg4[%dma_start3A_29, %dma_start3A_30] : memref<10000x64xf32, #tpu.memory_space<hbm>> -> memref<520x64xf32, #tpu.memory_space<hbm>>
        tpu.enqueue_dma source(%dma_start3A_31 : memref<520x64xf32, #tpu.memory_space<hbm>>) target(%dma_start3A_28 : memref<520x64xf32, #tpu.memory_space<vmem_shared>>) target_semaphore(%run_scoped3A : memref<!tpu.dma_semaphore, #tpu.memory_space<semaphore_mem>>)
        %dma_wait3A = arith.constant 9480 : i32
        %dma_wait3A_32 = arith.constant 0 : i32
        %dma_wait3A_33 = tpu.memref_slice %arg8[%dma_wait3A, %dma_wait3A_32] : memref<10000x64xf32, #tpu.memory_space<vmem_shared>> -> memref<520x64xf32, #tpu.memory_space<vmem_shared>>
        %dma_wait3A_34 = arith.constant 9480 : i32
        %dma_wait3A_35 = arith.constant 0 : i32
        %dma_wait3A_36 = tpu.memref_slice %arg4[%dma_wait3A_34, %dma_wait3A_35] : memref<10000x64xf32, #tpu.memory_space<hbm>> -> memref<520x64xf32, #tpu.memory_space<hbm>>
        tpu.wait_dma2 semaphore(%run_scoped3A : memref<!tpu.dma_semaphore, #tpu.memory_space<semaphore_mem>>) src(%dma_wait3A_36 : memref<520x64xf32, #tpu.memory_space<hbm>>) dst(%dma_wait3A_33 : memref<520x64xf32, #tpu.memory_space<vmem_shared>>)
        tpu.yield
      }) : () -> ()
    } else {
    }
    %barrier3A = arith.constant 0 : index
    tpu.barrier barrier_id(%barrier3A)
    %eq3A_6 = arith.constant 0 : i32
    %eq3A_7 = arith.cmpi eq, %arg0, %eq3A_6 : i32
    %convert_element_type3A_8 = arith.extui %eq3A_7 : i1 to i32
    %cond3A_9 = arith.constant 0 : i32
    %cond3A_10 = arith.cmpi ne, %convert_element_type3A_8, %cond3A_9 : i32
    scf.if %cond3A_10 {
      %scan3A = arith.constant 0 : i32
      %scan3A_27 = arith.constant 0 : i32
      %scan3A_28 = arith.constant 10 : i32
      %scan3A_29 = arith.addi %scan3A_27, %scan3A_28 : i32
      %scan3A_30 = arith.constant 1 : i32
      scf.for %scan3A_32 = %scan3A_27 to %scan3A_29 step %scan3A_30  : i32 {
        %mul3A = arith.constant 10000 : i32
        %mul3A_33 = arith.muli %arg1, %mul3A : i32
        %mul3A_34 = arith.constant 1000 : i32
        %mul3A_35 = arith.muli %scan3A_32, %mul3A_34 : i32
        %add3A = arith.addi %mul3A_33, %mul3A_35 : i32
        "tpu.region"() ({
          %run_scoped3A = tpu.sem_alloc : memref<!tpu.dma_semaphore, #tpu.memory_space<semaphore_mem>>
          %dma_start3A = tpu.memref_slice %arg3[%add3A] : memref<160000xi32, #tpu.memory_space<hbm>> -> memref<1000xi32, #tpu.memory_space<hbm>>
          %dma_start3A_36 = tpu.memref_slice %arg3[%add3A] : memref<160000xi32, #tpu.memory_space<hbm>> -> memref<1000xi32, #tpu.memory_space<hbm>>
          tpu.enqueue_dma source(%dma_start3A_36 : memref<1000xi32, #tpu.memory_space<hbm>>) target(%arg6 : memref<1000xi32, #tpu.memory_space<vmem>>) target_semaphore(%run_scoped3A : memref<!tpu.dma_semaphore, #tpu.memory_space<semaphore_mem>>)
          %dma_wait3A = tpu.memref_slice %arg3[%add3A] : memref<160000xi32, #tpu.memory_space<hbm>> -> memref<1000xi32, #tpu.memory_space<hbm>>
          %dma_wait3A_37 = tpu.memref_slice %arg3[%add3A] : memref<160000xi32, #tpu.memory_space<hbm>> -> memref<1000xi32, #tpu.memory_space<hbm>>
          tpu.wait_dma2 semaphore(%run_scoped3A : memref<!tpu.dma_semaphore, #tpu.memory_space<semaphore_mem>>) src(%dma_wait3A_37 : memref<1000xi32, #tpu.memory_space<hbm>>) dst(%arg6 : memref<1000xi32, #tpu.memory_space<vmem>>)
          tpu.yield
        }) : () -> ()
        "tpu.region"() ({
          %run_scoped3A = tpu.sem_alloc : memref<!tpu.dma_semaphore, #tpu.memory_space<semaphore_mem>>
          %dma_start3A = arith.constant 0 : i32
          %dma_start3A_36 = tpu.memref_slice %arg2[%add3A, %dma_start3A] : memref<160000x128xf32, #tpu.memory_space<hbm>> -> memref<1000x64xf32, #tpu.memory_space<hbm>>
          %dma_start3A_37 = arith.constant 0 : i32
          %dma_start3A_38 = tpu.memref_slice %arg2[%add3A, %dma_start3A_37] : memref<160000x128xf32, #tpu.memory_space<hbm>> -> memref<1000x64xf32, #tpu.memory_space<hbm>>
          tpu.enqueue_dma source(%dma_start3A_38 : memref<1000x64xf32, #tpu.memory_space<hbm>>) target(%arg7 : memref<1000x64xf32, #tpu.memory_space<vmem>>) target_semaphore(%run_scoped3A : memref<!tpu.dma_semaphore, #tpu.memory_space<semaphore_mem>>)
          %dma_wait3A = arith.constant 0 : i32
          %dma_wait3A_39 = tpu.memref_slice %arg2[%add3A, %dma_wait3A] : memref<160000x128xf32, #tpu.memory_space<hbm>> -> memref<1000x64xf32, #tpu.memory_space<hbm>>
          %dma_wait3A_40 = arith.constant 0 : i32
          %dma_wait3A_41 = tpu.memref_slice %arg2[%add3A, %dma_wait3A_40] : memref<160000x128xf32, #tpu.memory_space<hbm>> -> memref<1000x64xf32, #tpu.memory_space<hbm>>
          tpu.wait_dma2 semaphore(%run_scoped3A : memref<!tpu.dma_semaphore, #tpu.memory_space<semaphore_mem>>) src(%dma_wait3A_41 : memref<1000x64xf32, #tpu.memory_space<hbm>>) dst(%arg7 : memref<1000x64xf32, #tpu.memory_space<vmem>>)
          tpu.yield
        }) : () -> ()
        "tpu.region"() ({
          %run_scoped3A = tpu.sem_alloc : memref<!tpu.dma_semaphore, #tpu.memory_space<semaphore_mem>>
          %dma_start3A = arith.constant 0 : i32
          %dma_start3A_36 = arith.constant 0 : i32
          %dma_start3A_37 = tpu.memref_slice %arg8[%dma_start3A, %dma_start3A_36] : memref<10000x64xf32, #tpu.memory_space<vmem_shared>> -> memref<10000x64xf32, #tpu.memory_space<vmem_shared>>
          tpu.enqueue_indirect_dma source(%arg7 : memref<1000x64xf32, #tpu.memory_space<vmem>>) target(%dma_start3A_37 : memref<10000x64xf32, #tpu.memory_space<vmem_shared>>) offsets(%arg6 : memref<1000xi32, #tpu.memory_space<vmem>>) semaphore(%run_scoped3A : memref<!tpu.dma_semaphore, #tpu.memory_space<semaphore_mem>>) {add = true}
          %dma_wait3A = arith.constant 0 : i32
          %dma_wait3A_38 = arith.constant 0 : i32
          %dma_wait3A_39 = tpu.memref_slice %arg8[%dma_wait3A, %dma_wait3A_38] : memref<10000x64xf32, #tpu.memory_space<vmem_shared>> -> memref<10000x64xf32, #tpu.memory_space<vmem_shared>>
          tpu.wait_indirect_dma semaphore(%run_scoped3A : memref<!tpu.dma_semaphore, #tpu.memory_space<semaphore_mem>>) src(%arg7 : memref<1000x64xf32, #tpu.memory_space<vmem>>) dst(%dma_wait3A_39 : memref<10000x64xf32, #tpu.memory_space<vmem_shared>>)
          tpu.yield
        }) : () -> ()
      }
      %scan3A_31 = arith.constant 10 : i32
    } else {
    }
    %eq3A_11 = arith.constant 1 : i32
    %eq3A_12 = arith.cmpi eq, %arg0, %eq3A_11 : i32
    %convert_element_type3A_13 = arith.extui %eq3A_12 : i1 to i32
    %cond3A_14 = arith.constant 0 : i32
    %cond3A_15 = arith.cmpi ne, %convert_element_type3A_13, %cond3A_14 : i32
    scf.if %cond3A_15 {
      %scan3A = arith.constant 0 : i32
      %scan3A_27 = arith.constant 0 : i32
      %scan3A_28 = arith.constant 10 : i32
      %scan3A_29 = arith.addi %scan3A_27, %scan3A_28 : i32
      %scan3A_30 = arith.constant 1 : i32
      scf.for %scan3A_32 = %scan3A_27 to %scan3A_29 step %scan3A_30  : i32 {
        %mul3A = arith.constant 10000 : i32
        %mul3A_33 = arith.muli %arg1, %mul3A : i32
        %mul3A_34 = arith.constant 1000 : i32
        %mul3A_35 = arith.muli %scan3A_32, %mul3A_34 : i32
        %add3A = arith.addi %mul3A_33, %mul3A_35 : i32
        "tpu.region"() ({
          %run_scoped3A = tpu.sem_alloc : memref<!tpu.dma_semaphore, #tpu.memory_space<semaphore_mem>>
          %dma_start3A = tpu.memref_slice %arg3[%add3A] : memref<160000xi32, #tpu.memory_space<hbm>> -> memref<1000xi32, #tpu.memory_space<hbm>>
          %dma_start3A_36 = tpu.memref_slice %arg3[%add3A] : memref<160000xi32, #tpu.memory_space<hbm>> -> memref<1000xi32, #tpu.memory_space<hbm>>
          tpu.enqueue_dma source(%dma_start3A_36 : memref<1000xi32, #tpu.memory_space<hbm>>) target(%arg6 : memref<1000xi32, #tpu.memory_space<vmem>>) target_semaphore(%run_scoped3A : memref<!tpu.dma_semaphore, #tpu.memory_space<semaphore_mem>>)
          %dma_wait3A = tpu.memref_slice %arg3[%add3A] : memref<160000xi32, #tpu.memory_space<hbm>> -> memref<1000xi32, #tpu.memory_space<hbm>>
          %dma_wait3A_37 = tpu.memref_slice %arg3[%add3A] : memref<160000xi32, #tpu.memory_space<hbm>> -> memref<1000xi32, #tpu.memory_space<hbm>>
          tpu.wait_dma2 semaphore(%run_scoped3A : memref<!tpu.dma_semaphore, #tpu.memory_space<semaphore_mem>>) src(%dma_wait3A_37 : memref<1000xi32, #tpu.memory_space<hbm>>) dst(%arg6 : memref<1000xi32, #tpu.memory_space<vmem>>)
          tpu.yield
        }) : () -> ()
        "tpu.region"() ({
          %run_scoped3A = tpu.sem_alloc : memref<!tpu.dma_semaphore, #tpu.memory_space<semaphore_mem>>
          %dma_start3A = arith.constant 64 : i32
          %dma_start3A_36 = tpu.memref_slice %arg2[%add3A, %dma_start3A] : memref<160000x128xf32, #tpu.memory_space<hbm>> -> memref<1000x64xf32, #tpu.memory_space<hbm>>
          %dma_start3A_37 = arith.constant 64 : i32
          %dma_start3A_38 = tpu.memref_slice %arg2[%add3A, %dma_start3A_37] : memref<160000x128xf32, #tpu.memory_space<hbm>> -> memref<1000x64xf32, #tpu.memory_space<hbm>>
          tpu.enqueue_dma source(%dma_start3A_38 : memref<1000x64xf32, #tpu.memory_space<hbm>>) target(%arg7 : memref<1000x64xf32, #tpu.memory_space<vmem>>) target_semaphore(%run_scoped3A : memref<!tpu.dma_semaphore, #tpu.memory_space<semaphore_mem>>)
          %dma_wait3A = arith.constant 64 : i32
          %dma_wait3A_39 = tpu.memref_slice %arg2[%add3A, %dma_wait3A] : memref<160000x128xf32, #tpu.memory_space<hbm>> -> memref<1000x64xf32, #tpu.memory_space<hbm>>
          %dma_wait3A_40 = arith.constant 64 : i32
          %dma_wait3A_41 = tpu.memref_slice %arg2[%add3A, %dma_wait3A_40] : memref<160000x128xf32, #tpu.memory_space<hbm>> -> memref<1000x64xf32, #tpu.memory_space<hbm>>
          tpu.wait_dma2 semaphore(%run_scoped3A : memref<!tpu.dma_semaphore, #tpu.memory_space<semaphore_mem>>) src(%dma_wait3A_41 : memref<1000x64xf32, #tpu.memory_space<hbm>>) dst(%arg7 : memref<1000x64xf32, #tpu.memory_space<vmem>>)
          tpu.yield
        }) : () -> ()
        "tpu.region"() ({
          %run_scoped3A = tpu.sem_alloc : memref<!tpu.dma_semaphore, #tpu.memory_space<semaphore_mem>>
          %dma_start3A = arith.constant 0 : i32
          %dma_start3A_36 = arith.constant 0 : i32
          %dma_start3A_37 = tpu.memref_slice %arg8[%dma_start3A, %dma_start3A_36] : memref<10000x64xf32, #tpu.memory_space<vmem_shared>> -> memref<10000x64xf32, #tpu.memory_space<vmem_shared>>
          tpu.enqueue_indirect_dma source(%arg7 : memref<1000x64xf32, #tpu.memory_space<vmem>>) target(%dma_start3A_37 : memref<10000x64xf32, #tpu.memory_space<vmem_shared>>) offsets(%arg6 : memref<1000xi32, #tpu.memory_space<vmem>>) semaphore(%run_scoped3A : memref<!tpu.dma_semaphore, #tpu.memory_space<semaphore_mem>>) {add = true}
          %dma_wait3A = arith.constant 0 : i32
          %dma_wait3A_38 = arith.constant 0 : i32
          %dma_wait3A_39 = tpu.memref_slice %arg8[%dma_wait3A, %dma_wait3A_38] : memref<10000x64xf32, #tpu.memory_space<vmem_shared>> -> memref<10000x64xf32, #tpu.memory_space<vmem_shared>>
          tpu.wait_indirect_dma semaphore(%run_scoped3A : memref<!tpu.dma_semaphore, #tpu.memory_space<semaphore_mem>>) src(%arg7 : memref<1000x64xf32, #tpu.memory_space<vmem>>) dst(%dma_wait3A_39 : memref<10000x64xf32, #tpu.memory_space<vmem_shared>>)
          tpu.yield
        }) : () -> ()
      }
      %scan3A_31 = arith.constant 10 : i32
    } else {
    }
    %barrier3A_16 = arith.constant 0 : index
    tpu.barrier barrier_id(%barrier3A_16)
    %eq3A_17 = arith.constant 0 : i32
    %eq3A_18 = arith.cmpi eq, %arg0, %eq3A_17 : i32
    %convert_element_type3A_19 = arith.extui %eq3A_18 : i1 to i32
    %cond3A_20 = arith.constant 0 : i32
    %cond3A_21 = arith.cmpi ne, %convert_element_type3A_19, %cond3A_20 : i32
    scf.if %cond3A_21 {
      %lt3A_27 = arith.constant 15 : i32
      %lt3A_28 = arith.cmpi slt, %arg1, %lt3A_27 : i32
      %convert_element_type3A_29 = arith.extui %lt3A_28 : i1 to i32
      %cond3A_30 = arith.constant 0 : i32
      %cond3A_31 = arith.cmpi ne, %convert_element_type3A_29, %cond3A_30 : i32
      scf.if %cond3A_31 {
        %mul3A = arith.constant 632 : i32
        %mul3A_37 = arith.muli %arg1, %mul3A : i32
        "tpu.region"() ({
          %run_scoped3A = tpu.sem_alloc : memref<!tpu.dma_semaphore, #tpu.memory_space<semaphore_mem>>
          %dma_start3A = arith.constant 0 : i32
          %dma_start3A_38 = tpu.memref_slice %arg5[%mul3A_37, %dma_start3A] : memref<10000x128xf32, #tpu.memory_space<hbm>> -> memref<632x64xf32, #tpu.memory_space<hbm>>
          %dma_start3A_39 = arith.constant 0 : i32
          %dma_start3A_40 = tpu.memref_slice %arg8[%mul3A_37, %dma_start3A_39] : memref<10000x64xf32, #tpu.memory_space<vmem_shared>> -> memref<632x64xf32, #tpu.memory_space<vmem_shared>>
          tpu.enqueue_dma source(%dma_start3A_40 : memref<632x64xf32, #tpu.memory_space<vmem_shared>>) target(%dma_start3A_38 : memref<632x64xf32, #tpu.memory_space<hbm>>) target_semaphore(%run_scoped3A : memref<!tpu.dma_semaphore, #tpu.memory_space<semaphore_mem>>)
          %dma_wait3A = arith.constant 0 : i32
          %dma_wait3A_41 = tpu.memref_slice %arg5[%mul3A_37, %dma_wait3A] : memref<10000x128xf32, #tpu.memory_space<hbm>> -> memref<632x64xf32, #tpu.memory_space<hbm>>
          %dma_wait3A_42 = arith.constant 0 : i32
          %dma_wait3A_43 = tpu.memref_slice %arg8[%mul3A_37, %dma_wait3A_42] : memref<10000x64xf32, #tpu.memory_space<vmem_shared>> -> memref<632x64xf32, #tpu.memory_space<vmem_shared>>
          tpu.wait_dma2 semaphore(%run_scoped3A : memref<!tpu.dma_semaphore, #tpu.memory_space<semaphore_mem>>) src(%dma_wait3A_43 : memref<632x64xf32, #tpu.memory_space<vmem_shared>>) dst(%dma_wait3A_41 : memref<632x64xf32, #tpu.memory_space<hbm>>)
          tpu.yield
        }) : () -> ()
      } else {
      }
      %eq3A_32 = arith.constant 15 : i32
      %eq3A_33 = arith.cmpi eq, %arg1, %eq3A_32 : i32
      %convert_element_type3A_34 = arith.extui %eq3A_33 : i1 to i32
      %cond3A_35 = arith.constant 0 : i32
      %cond3A_36 = arith.cmpi ne, %convert_element_type3A_34, %cond3A_35 : i32
      scf.if %cond3A_36 {
        "tpu.region"() ({
          %run_scoped3A = tpu.sem_alloc : memref<!tpu.dma_semaphore, #tpu.memory_space<semaphore_mem>>
          %dma_start3A = arith.constant 9480 : i32
          %dma_start3A_37 = arith.constant 0 : i32
          %dma_start3A_38 = tpu.memref_slice %arg5[%dma_start3A, %dma_start3A_37] : memref<10000x128xf32, #tpu.memory_space<hbm>> -> memref<520x64xf32, #tpu.memory_space<hbm>>
          %dma_start3A_39 = arith.constant 9480 : i32
          %dma_start3A_40 = arith.constant 0 : i32
          %dma_start3A_41 = tpu.memref_slice %arg8[%dma_start3A_39, %dma_start3A_40] : memref<10000x64xf32, #tpu.memory_space<vmem_shared>> -> memref<520x64xf32, #tpu.memory_space<vmem_shared>>
          tpu.enqueue_dma source(%dma_start3A_41 : memref<520x64xf32, #tpu.memory_space<vmem_shared>>) target(%dma_start3A_38 : memref<520x64xf32, #tpu.memory_space<hbm>>) target_semaphore(%run_scoped3A : memref<!tpu.dma_semaphore, #tpu.memory_space<semaphore_mem>>)
          %dma_wait3A = arith.constant 9480 : i32
          %dma_wait3A_42 = arith.constant 0 : i32
          %dma_wait3A_43 = tpu.memref_slice %arg5[%dma_wait3A, %dma_wait3A_42] : memref<10000x128xf32, #tpu.memory_space<hbm>> -> memref<520x64xf32, #tpu.memory_space<hbm>>
          %dma_wait3A_44 = arith.constant 9480 : i32
          %dma_wait3A_45 = arith.constant 0 : i32
          %dma_wait3A_46 = tpu.memref_slice %arg8[%dma_wait3A_44, %dma_wait3A_45] : memref<10000x64xf32, #tpu.memory_space<vmem_shared>> -> memref<520x64xf32, #tpu.memory_space<vmem_shared>>
          tpu.wait_dma2 semaphore(%run_scoped3A : memref<!tpu.dma_semaphore, #tpu.memory_space<semaphore_mem>>) src(%dma_wait3A_46 : memref<520x64xf32, #tpu.memory_space<vmem_shared>>) dst(%dma_wait3A_43 : memref<520x64xf32, #tpu.memory_space<hbm>>)
          tpu.yield
        }) : () -> ()
      } else {
      }
    } else {
    }
    %eq3A_22 = arith.constant 1 : i32
    %eq3A_23 = arith.cmpi eq, %arg0, %eq3A_22 : i32
    %convert_element_type3A_24 = arith.extui %eq3A_23 : i1 to i32
    %cond3A_25 = arith.constant 0 : i32
    %cond3A_26 = arith.cmpi ne, %convert_element_type3A_24, %cond3A_25 : i32
    scf.if %cond3A_26 {
      %lt3A_27 = arith.constant 15 : i32
      %lt3A_28 = arith.cmpi slt, %arg1, %lt3A_27 : i32
      %convert_element_type3A_29 = arith.extui %lt3A_28 : i1 to i32
      %cond3A_30 = arith.constant 0 : i32
      %cond3A_31 = arith.cmpi ne, %convert_element_type3A_29, %cond3A_30 : i32
      scf.if %cond3A_31 {
        %mul3A = arith.constant 632 : i32
        %mul3A_37 = arith.muli %arg1, %mul3A : i32
        "tpu.region"() ({
          %run_scoped3A = tpu.sem_alloc : memref<!tpu.dma_semaphore, #tpu.memory_space<semaphore_mem>>
          %dma_start3A = arith.constant 64 : i32
          %dma_start3A_38 = tpu.memref_slice %arg5[%mul3A_37, %dma_start3A] : memref<10000x128xf32, #tpu.memory_space<hbm>> -> memref<632x64xf32, #tpu.memory_space<hbm>>
          %dma_start3A_39 = arith.constant 0 : i32
          %dma_start3A_40 = tpu.memref_slice %arg8[%mul3A_37, %dma_start3A_39] : memref<10000x64xf32, #tpu.memory_space<vmem_shared>> -> memref<632x64xf32, #tpu.memory_space<vmem_shared>>
          tpu.enqueue_dma source(%dma_start3A_40 : memref<632x64xf32, #tpu.memory_space<vmem_shared>>) target(%dma_start3A_38 : memref<632x64xf32, #tpu.memory_space<hbm>>) target_semaphore(%run_scoped3A : memref<!tpu.dma_semaphore, #tpu.memory_space<semaphore_mem>>)
          %dma_wait3A = arith.constant 64 : i32
          %dma_wait3A_41 = tpu.memref_slice %arg5[%mul3A_37, %dma_wait3A] : memref<10000x128xf32, #tpu.memory_space<hbm>> -> memref<632x64xf32, #tpu.memory_space<hbm>>
          %dma_wait3A_42 = arith.constant 0 : i32
          %dma_wait3A_43 = tpu.memref_slice %arg8[%mul3A_37, %dma_wait3A_42] : memref<10000x64xf32, #tpu.memory_space<vmem_shared>> -> memref<632x64xf32, #tpu.memory_space<vmem_shared>>
          tpu.wait_dma2 semaphore(%run_scoped3A : memref<!tpu.dma_semaphore, #tpu.memory_space<semaphore_mem>>) src(%dma_wait3A_43 : memref<632x64xf32, #tpu.memory_space<vmem_shared>>) dst(%dma_wait3A_41 : memref<632x64xf32, #tpu.memory_space<hbm>>)
          tpu.yield
        }) : () -> ()
      } else {
      }
      %eq3A_32 = arith.constant 15 : i32
      %eq3A_33 = arith.cmpi eq, %arg1, %eq3A_32 : i32
      %convert_element_type3A_34 = arith.extui %eq3A_33 : i1 to i32
      %cond3A_35 = arith.constant 0 : i32
      %cond3A_36 = arith.cmpi ne, %convert_element_type3A_34, %cond3A_35 : i32
      scf.if %cond3A_36 {
        "tpu.region"() ({
          %run_scoped3A = tpu.sem_alloc : memref<!tpu.dma_semaphore, #tpu.memory_space<semaphore_mem>>
          %dma_start3A = arith.constant 9480 : i32
          %dma_start3A_37 = arith.constant 64 : i32
          %dma_start3A_38 = tpu.memref_slice %arg5[%dma_start3A, %dma_start3A_37] : memref<10000x128xf32, #tpu.memory_space<hbm>> -> memref<520x64xf32, #tpu.memory_space<hbm>>
          %dma_start3A_39 = arith.constant 9480 : i32
          %dma_start3A_40 = arith.constant 0 : i32
          %dma_start3A_41 = tpu.memref_slice %arg8[%dma_start3A_39, %dma_start3A_40] : memref<10000x64xf32, #tpu.memory_space<vmem_shared>> -> memref<520x64xf32, #tpu.memory_space<vmem_shared>>
          tpu.enqueue_dma source(%dma_start3A_41 : memref<520x64xf32, #tpu.memory_space<vmem_shared>>) target(%dma_start3A_38 : memref<520x64xf32, #tpu.memory_space<hbm>>) target_semaphore(%run_scoped3A : memref<!tpu.dma_semaphore, #tpu.memory_space<semaphore_mem>>)
          %dma_wait3A = arith.constant 9480 : i32
          %dma_wait3A_42 = arith.constant 64 : i32
          %dma_wait3A_43 = tpu.memref_slice %arg5[%dma_wait3A, %dma_wait3A_42] : memref<10000x128xf32, #tpu.memory_space<hbm>> -> memref<520x64xf32, #tpu.memory_space<hbm>>
          %dma_wait3A_44 = arith.constant 9480 : i32
          %dma_wait3A_45 = arith.constant 0 : i32
          %dma_wait3A_46 = tpu.memref_slice %arg8[%dma_wait3A_44, %dma_wait3A_45] : memref<10000x64xf32, #tpu.memory_space<vmem_shared>> -> memref<520x64xf32, #tpu.memory_space<vmem_shared>>
          tpu.wait_dma2 semaphore(%run_scoped3A : memref<!tpu.dma_semaphore, #tpu.memory_space<semaphore_mem>>) src(%dma_wait3A_46 : memref<520x64xf32, #tpu.memory_space<vmem_shared>>) dst(%dma_wait3A_43 : memref<520x64xf32, #tpu.memory_space<hbm>>)
          tpu.yield
        }) : () -> ()
      } else {
      }
    } else {
    }
    return
  }
}

#map = affine_map<(d0, d1) -> (0, 0)>
#map1 = affine_map<(d0, d1) -> (0)>
module attributes {stable_mosaic.version = 14 : i64} {
  func.func @k(%arg0: i32, %arg1: i32, %arg2: memref<20000x64xf32, #tpu.memory_space<hbm>>, %arg3: memref<320000xi32, #tpu.memory_space<hbm>>, %arg4: memref<320000x64xf32, #tpu.memory_space<hbm>>, %arg5: memref<1000xi32, #tpu.memory_space<vmem>>, %arg6: memref<1000x64xf32, #tpu.memory_space<vmem>>, %arg7: memref<!tpu.dma_semaphore, #tpu.memory_space<semaphore_mem>>) attributes {dimension_semantics = [#tpu.dimension_semantics<core_parallel>, #tpu.dimension_semantics<subcore_parallel>], iteration_bounds = array<i64: 2, 16>, scalar_prefetch = 0 : i64, scratch_operands = 3 : i64, tpu.core_type = #tpu.core_type<sc_vector_subcore>, window_params = [{transform_indices = #map}, {transform_indices = #map1}, {transform_indices = #map}]} {
    %mul3A = arith.constant 2 : i32
    %mul3A_0 = arith.muli %arg1, %mul3A : i32
    %add3A = arith.addi %mul3A_0, %arg0 : i32
    %mul3A_1 = arith.constant 10000 : i32
    %mul3A_2 = arith.muli %add3A, %mul3A_1 : i32
    %scan3A = arith.constant 0 : i32
    %scan3A_3 = arith.constant 0 : i32
    %scan3A_4 = arith.constant 10 : i32
    %scan3A_5 = arith.addi %scan3A_3, %scan3A_4 : i32
    %scan3A_6 = arith.constant 1 : i32
    scf.for %scan3A_8 = %scan3A_3 to %scan3A_5 step %scan3A_6  : i32 {
      %mul3A_9 = arith.constant 1000 : i32
      %mul3A_10 = arith.muli %scan3A_8, %mul3A_9 : i32
      %add3A_11 = arith.addi %mul3A_2, %mul3A_10 : i32
      "tpu.region"() ({
        %run_scoped3A = tpu.sem_alloc : memref<!tpu.dma_semaphore, #tpu.memory_space<semaphore_mem>>
        %dma_start3A_16 = tpu.memref_slice %arg3[%add3A_11] : memref<320000xi32, #tpu.memory_space<hbm>> -> memref<1000xi32, #tpu.memory_space<hbm>>
        %dma_start3A_17 = tpu.memref_slice %arg3[%add3A_11] : memref<320000xi32, #tpu.memory_space<hbm>> -> memref<1000xi32, #tpu.memory_space<hbm>>
        tpu.enqueue_dma source(%dma_start3A_17 : memref<1000xi32, #tpu.memory_space<hbm>>) target(%arg5 : memref<1000xi32, #tpu.memory_space<vmem>>) target_semaphore(%run_scoped3A : memref<!tpu.dma_semaphore, #tpu.memory_space<semaphore_mem>>)
        %dma_wait3A_18 = tpu.memref_slice %arg3[%add3A_11] : memref<320000xi32, #tpu.memory_space<hbm>> -> memref<1000xi32, #tpu.memory_space<hbm>>
        %dma_wait3A_19 = tpu.memref_slice %arg3[%add3A_11] : memref<320000xi32, #tpu.memory_space<hbm>> -> memref<1000xi32, #tpu.memory_space<hbm>>
        tpu.wait_dma2 semaphore(%run_scoped3A : memref<!tpu.dma_semaphore, #tpu.memory_space<semaphore_mem>>) src(%dma_wait3A_19 : memref<1000xi32, #tpu.memory_space<hbm>>) dst(%arg5 : memref<1000xi32, #tpu.memory_space<vmem>>)
        tpu.yield
      }) : () -> ()
      %dma_start3A = arith.constant 0 : i32
      %dma_start3A_12 = arith.constant 0 : i32
      %dma_start3A_13 = tpu.memref_slice %arg2[%dma_start3A, %dma_start3A_12] : memref<20000x64xf32, #tpu.memory_space<hbm>> -> memref<20000x64xf32, #tpu.memory_space<hbm>>
      tpu.enqueue_indirect_dma source(%dma_start3A_13 : memref<20000x64xf32, #tpu.memory_space<hbm>>) target(%arg6 : memref<1000x64xf32, #tpu.memory_space<vmem>>) offsets(%arg5 : memref<1000xi32, #tpu.memory_space<vmem>>) semaphore(%arg7 : memref<!tpu.dma_semaphore, #tpu.memory_space<semaphore_mem>>)
      %dma_wait3A = arith.constant 0 : i32
      %dma_wait3A_14 = arith.constant 0 : i32
      %dma_wait3A_15 = tpu.memref_slice %arg2[%dma_wait3A, %dma_wait3A_14] : memref<20000x64xf32, #tpu.memory_space<hbm>> -> memref<20000x64xf32, #tpu.memory_space<hbm>>
      tpu.wait_indirect_dma semaphore(%arg7 : memref<!tpu.dma_semaphore, #tpu.memory_space<semaphore_mem>>) src(%dma_wait3A_15 : memref<20000x64xf32, #tpu.memory_space<hbm>>) dst(%arg6 : memref<1000x64xf32, #tpu.memory_space<vmem>>)
      "tpu.region"() ({
        %run_scoped3A = tpu.sem_alloc : memref<!tpu.dma_semaphore, #tpu.memory_space<semaphore_mem>>
        %dma_start3A_16 = arith.constant 0 : i32
        %dma_start3A_17 = tpu.memref_slice %arg4[%add3A_11, %dma_start3A_16] : memref<320000x64xf32, #tpu.memory_space<hbm>> -> memref<1000x64xf32, #tpu.memory_space<hbm>>
        %dma_start3A_18 = arith.constant 0 : i32
        %dma_start3A_19 = tpu.memref_slice %arg4[%add3A_11, %dma_start3A_18] : memref<320000x64xf32, #tpu.memory_space<hbm>> -> memref<1000x64xf32, #tpu.memory_space<hbm>>
        tpu.enqueue_dma source(%arg6 : memref<1000x64xf32, #tpu.memory_space<vmem>>) target(%dma_start3A_19 : memref<1000x64xf32, #tpu.memory_space<hbm>>) target_semaphore(%run_scoped3A : memref<!tpu.dma_semaphore, #tpu.memory_space<semaphore_mem>>)
        %dma_wait3A_20 = arith.constant 0 : i32
        %dma_wait3A_21 = tpu.memref_slice %arg4[%add3A_11, %dma_wait3A_20] : memref<320000x64xf32, #tpu.memory_space<hbm>> -> memref<1000x64xf32, #tpu.memory_space<hbm>>
        %dma_wait3A_22 = arith.constant 0 : i32
        %dma_wait3A_23 = tpu.memref_slice %arg4[%add3A_11, %dma_wait3A_22] : memref<320000x64xf32, #tpu.memory_space<hbm>> -> memref<1000x64xf32, #tpu.memory_space<hbm>>
        tpu.wait_dma2 semaphore(%run_scoped3A : memref<!tpu.dma_semaphore, #tpu.memory_space<semaphore_mem>>) src(%arg6 : memref<1000x64xf32, #tpu.memory_space<vmem>>) dst(%dma_wait3A_23 : memref<1000x64xf32, #tpu.memory_space<hbm>>)
        tpu.yield
      }) : () -> ()
    }
    %scan3A_7 = arith.constant 10 : i32
    return
  }
}

#map = affine_map<(d0, d1) -> (0, 0)>
#map1 = affine_map<(d0, d1) -> (0)>
module attributes {stable_mosaic.version = 14 : i64} {
  func.func @k(%arg0: i32, %arg1: i32, %arg2: memref<20000x64xf32, #tpu.memory_space<hbm>>, %arg3: memref<320000xi32, #tpu.memory_space<hbm>>, %arg4: memref<320000x64xf32, #tpu.memory_space<hbm>>, %arg5: memref<1000xi32, #tpu.memory_space<vmem>>, %arg6: memref<1000x64xf32, #tpu.memory_space<vmem>>, %arg7: memref<!tpu.dma_semaphore, #tpu.memory_space<semaphore_mem>>) attributes {dimension_semantics = [#tpu.dimension_semantics<core_parallel>, #tpu.dimension_semantics<subcore_parallel>], iteration_bounds = array<i64: 2, 16>, scalar_prefetch = 0 : i64, scratch_operands = 3 : i64, tpu.core_type = #tpu.core_type<sc_vector_subcore>, window_params = [{transform_indices = #map}, {transform_indices = #map1}, {transform_indices = #map}]} {
    %mul3A = arith.constant 2 : i32
    %mul3A_0 = arith.muli %arg1, %mul3A : i32
    %add3A = arith.addi %mul3A_0, %arg0 : i32
    %mul3A_1 = arith.constant 10000 : i32
    %mul3A_2 = arith.muli %add3A, %mul3A_1 : i32
    %scan3A = arith.constant 0 : i32
    %scan3A_3 = arith.constant 0 : i32
    %scan3A_4 = arith.constant 10 : i32
    %scan3A_5 = arith.addi %scan3A_3, %scan3A_4 : i32
    %scan3A_6 = arith.constant 1 : i32
    scf.for %scan3A_8 = %scan3A_3 to %scan3A_5 step %scan3A_6  : i32 {
      %mul3A_9 = arith.constant 1000 : i32
      %mul3A_10 = arith.muli %scan3A_8, %mul3A_9 : i32
      %add3A_11 = arith.addi %mul3A_2, %mul3A_10 : i32
      "tpu.region"() ({
        %run_scoped3A = tpu.sem_alloc : memref<!tpu.dma_semaphore, #tpu.memory_space<semaphore_mem>>
        %dma_start3A_16 = tpu.memref_slice %arg3[%add3A_11] : memref<320000xi32, #tpu.memory_space<hbm>> -> memref<1000xi32, #tpu.memory_space<hbm>>
        %dma_start3A_17 = tpu.memref_slice %arg3[%add3A_11] : memref<320000xi32, #tpu.memory_space<hbm>> -> memref<1000xi32, #tpu.memory_space<hbm>>
        tpu.enqueue_dma source(%dma_start3A_17 : memref<1000xi32, #tpu.memory_space<hbm>>) target(%arg5 : memref<1000xi32, #tpu.memory_space<vmem>>) target_semaphore(%run_scoped3A : memref<!tpu.dma_semaphore, #tpu.memory_space<semaphore_mem>>)
        %dma_wait3A_18 = tpu.memref_slice %arg3[%add3A_11] : memref<320000xi32, #tpu.memory_space<hbm>> -> memref<1000xi32, #tpu.memory_space<hbm>>
        %dma_wait3A_19 = tpu.memref_slice %arg3[%add3A_11] : memref<320000xi32, #tpu.memory_space<hbm>> -> memref<1000xi32, #tpu.memory_space<hbm>>
        tpu.wait_dma2 semaphore(%run_scoped3A : memref<!tpu.dma_semaphore, #tpu.memory_space<semaphore_mem>>) src(%dma_wait3A_19 : memref<1000xi32, #tpu.memory_space<hbm>>) dst(%arg5 : memref<1000xi32, #tpu.memory_space<vmem>>)
        tpu.yield
      }) : () -> ()
      %dma_start3A = arith.constant 0 : i32
      %dma_start3A_12 = arith.constant 0 : i32
      %dma_start3A_13 = tpu.memref_slice %arg2[%dma_start3A, %dma_start3A_12] : memref<20000x64xf32, #tpu.memory_space<hbm>> -> memref<20000x64xf32, #tpu.memory_space<hbm>>
      tpu.enqueue_indirect_dma source(%dma_start3A_13 : memref<20000x64xf32, #tpu.memory_space<hbm>>) target(%arg6 : memref<1000x64xf32, #tpu.memory_space<vmem>>) offsets(%arg5 : memref<1000xi32, #tpu.memory_space<vmem>>) semaphore(%arg7 : memref<!tpu.dma_semaphore, #tpu.memory_space<semaphore_mem>>)
      %dma_wait3A = arith.constant 0 : i32
      %dma_wait3A_14 = arith.constant 0 : i32
      %dma_wait3A_15 = tpu.memref_slice %arg2[%dma_wait3A, %dma_wait3A_14] : memref<20000x64xf32, #tpu.memory_space<hbm>> -> memref<20000x64xf32, #tpu.memory_space<hbm>>
      tpu.wait_indirect_dma semaphore(%arg7 : memref<!tpu.dma_semaphore, #tpu.memory_space<semaphore_mem>>) src(%dma_wait3A_15 : memref<20000x64xf32, #tpu.memory_space<hbm>>) dst(%arg6 : memref<1000x64xf32, #tpu.memory_space<vmem>>)
      "tpu.region"() ({
        %run_scoped3A = tpu.sem_alloc : memref<!tpu.dma_semaphore, #tpu.memory_space<semaphore_mem>>
        %dma_start3A_16 = arith.constant 0 : i32
        %dma_start3A_17 = tpu.memref_slice %arg4[%add3A_11, %dma_start3A_16] : memref<320000x64xf32, #tpu.memory_space<hbm>> -> memref<1000x64xf32, #tpu.memory_space<hbm>>
        %dma_start3A_18 = arith.constant 0 : i32
        %dma_start3A_19 = tpu.memref_slice %arg4[%add3A_11, %dma_start3A_18] : memref<320000x64xf32, #tpu.memory_space<hbm>> -> memref<1000x64xf32, #tpu.memory_space<hbm>>
        tpu.enqueue_dma source(%arg6 : memref<1000x64xf32, #tpu.memory_space<vmem>>) target(%dma_start3A_19 : memref<1000x64xf32, #tpu.memory_space<hbm>>) target_semaphore(%run_scoped3A : memref<!tpu.dma_semaphore, #tpu.memory_space<semaphore_mem>>)
        %dma_wait3A_20 = arith.constant 0 : i32
        %dma_wait3A_21 = tpu.memref_slice %arg4[%add3A_11, %dma_wait3A_20] : memref<320000x64xf32, #tpu.memory_space<hbm>> -> memref<1000x64xf32, #tpu.memory_space<hbm>>
        %dma_wait3A_22 = arith.constant 0 : i32
        %dma_wait3A_23 = tpu.memref_slice %arg4[%add3A_11, %dma_wait3A_22] : memref<320000x64xf32, #tpu.memory_space<hbm>> -> memref<1000x64xf32, #tpu.memory_space<hbm>>
        tpu.wait_dma2 semaphore(%run_scoped3A : memref<!tpu.dma_semaphore, #tpu.memory_space<semaphore_mem>>) src(%arg6 : memref<1000x64xf32, #tpu.memory_space<vmem>>) dst(%dma_wait3A_23 : memref<1000x64xf32, #tpu.memory_space<hbm>>)
        tpu.yield
      }) : () -> ()
    }
    %scan3A_7 = arith.constant 10 : i32
    return
  }
}

#map = affine_map<(d0, d1) -> (0, 0)>
#map1 = affine_map<(d0, d1) -> (0)>
module attributes {stable_mosaic.version = 14 : i64} {
  func.func @k(%arg0: i32, %arg1: i32, %arg2: memref<160000x128xf32, #tpu.memory_space<hbm>>, %arg3: memref<160000xi32, #tpu.memory_space<hbm>>, %arg4: memref<10000x64xf32, #tpu.memory_space<hbm>>, %arg5: memref<10000x128xf32, #tpu.memory_space<hbm>>, %arg6: memref<1000xi32, #tpu.memory_space<vmem>>, %arg7: memref<1000x64xf32, #tpu.memory_space<vmem>>, %arg8: memref<10000x64xf32, #tpu.memory_space<vmem_shared>>) attributes {dimension_semantics = [#tpu.dimension_semantics<core_parallel>, #tpu.dimension_semantics<subcore_parallel>], iteration_bounds = array<i64: 2, 16>, scalar_prefetch = 0 : i64, scratch_operands = 3 : i64, tpu.core_type = #tpu.core_type<sc_vector_subcore>, window_params = [{transform_indices = #map}, {transform_indices = #map1}, {transform_indices = #map}, {transform_indices = #map}]} {
    %lt3A = arith.constant 15 : i32
    %lt3A_0 = arith.cmpi slt, %arg1, %lt3A : i32
    %convert_element_type3A = arith.extui %lt3A_0 : i1 to i32
    %cond3A = arith.constant 0 : i32
    %cond3A_1 = arith.cmpi ne, %convert_element_type3A, %cond3A : i32
    scf.if %cond3A_1 {
      %mul3A = arith.constant 632 : i32
      %mul3A_27 = arith.muli %arg1, %mul3A : i32
      "tpu.region"() ({
        %run_scoped3A = tpu.sem_alloc : memref<!tpu.dma_semaphore, #tpu.memory_space<semaphore_mem>>
        %dma_start3A = arith.constant 0 : i32
        %dma_start3A_28 = tpu.memref_slice %arg8[%mul3A_27, %dma_start3A] : memref<10000x64xf32, #tpu.memory_space<vmem_shared>> -> memref<632x64xf32, #tpu.memory_space<vmem_shared>>
        %dma_start3A_29 = arith.constant 0 : i32
        %dma_start3A_30 = tpu.memref_slice %arg4[%mul3A_27, %dma_start3A_29] : memref<10000x64xf32, #tpu.memory_space<hbm>> -> memref<632x64xf32, #tpu.memory_space<hbm>>
        tpu.enqueue_dma source(%dma_start3A_30 : memref<632x64xf32, #tpu.memory_space<hbm>>) target(%dma_start3A_28 : memref<632x64xf32, #tpu.memory_space<vmem_shared>>) target_semaphore(%run_scoped3A : memref<!tpu.dma_semaphore, #tpu.memory_space<semaphore_mem>>)
        %dma_wait3A = arith.constant 0 : i32
        %dma_wait3A_31 = tpu.memref_slice %arg8[%mul3A_27, %dma_wait3A] : memref<10000x64xf32, #tpu.memory_space<vmem_shared>> -> memref<632x64xf32, #tpu.memory_space<vmem_shared>>
        %dma_wait3A_32 = arith.constant 0 : i32
        %dma_wait3A_33 = tpu.memref_slice %arg4[%mul3A_27, %dma_wait3A_32] : memref<10000x64xf32, #tpu.memory_space<hbm>> -> memref<632x64xf32, #tpu.memory_space<hbm>>
        tpu.wait_dma2 semaphore(%run_scoped3A : memref<!tpu.dma_semaphore, #tpu.memory_space<semaphore_mem>>) src(%dma_wait3A_33 : memref<632x64xf32, #tpu.memory_space<hbm>>) dst(%dma_wait3A_31 : memref<632x64xf32, #tpu.memory_space<vmem_shared>>)
        tpu.yield
      }) : () -> ()
    } else {
    }
    %eq3A = arith.constant 15 : i32
    %eq3A_2 = arith.cmpi eq, %arg1, %eq3A : i32
    %convert_element_type3A_3 = arith.extui %eq3A_2 : i1 to i32
    %cond3A_4 = arith.constant 0 : i32
    %cond3A_5 = arith.cmpi ne, %convert_element_type3A_3, %cond3A_4 : i32
    scf.if %cond3A_5 {
      "tpu.region"() ({
        %run_scoped3A = tpu.sem_alloc : memref<!tpu.dma_semaphore, #tpu.memory_space<semaphore_mem>>
        %dma_start3A = arith.constant 9480 : i32
        %dma_start3A_27 = arith.constant 0 : i32
        %dma_start3A_28 = tpu.memref_slice %arg8[%dma_start3A, %dma_start3A_27] : memref<10000x64xf32, #tpu.memory_space<vmem_shared>> -> memref<520x64xf32, #tpu.memory_space<vmem_shared>>
        %dma_start3A_29 = arith.constant 9480 : i32
        %dma_start3A_30 = arith.constant 0 : i32
        %dma_start3A_31 = tpu.memref_slice %arg4[%dma_start3A_29, %dma_start3A_30] : memref<10000x64xf32, #tpu.memory_space<hbm>> -> memref<520x64xf32, #tpu.memory_space<hbm>>
        tpu.enqueue_dma source(%dma_start3A_31 : memref<520x64xf32, #tpu.memory_space<hbm>>) target(%dma_start3A_28 : memref<520x64xf32, #tpu.memory_space<vmem_shared>>) target_semaphore(%run_scoped3A : memref<!tpu.dma_semaphore, #tpu.memory_space<semaphore_mem>>)
        %dma_wait3A = arith.constant 9480 : i32
        %dma_wait3A_32 = arith.constant 0 : i32
        %dma_wait3A_33 = tpu.memref_slice %arg8[%dma_wait3A, %dma_wait3A_32] : memref<10000x64xf32, #tpu.memory_space<vmem_shared>> -> memref<520x64xf32, #tpu.memory_space<vmem_shared>>
        %dma_wait3A_34 = arith.constant 9480 : i32
        %dma_wait3A_35 = arith.constant 0 : i32
        %dma_wait3A_36 = tpu.memref_slice %arg4[%dma_wait3A_34, %dma_wait3A_35] : memref<10000x64xf32, #tpu.memory_space<hbm>> -> memref<520x64xf32, #tpu.memory_space<hbm>>
        tpu.wait_dma2 semaphore(%run_scoped3A : memref<!tpu.dma_semaphore, #tpu.memory_space<semaphore_mem>>) src(%dma_wait3A_36 : memref<520x64xf32, #tpu.memory_space<hbm>>) dst(%dma_wait3A_33 : memref<520x64xf32, #tpu.memory_space<vmem_shared>>)
        tpu.yield
      }) : () -> ()
    } else {
    }
    %barrier3A = arith.constant 0 : index
    tpu.barrier barrier_id(%barrier3A)
    %eq3A_6 = arith.constant 0 : i32
    %eq3A_7 = arith.cmpi eq, %arg0, %eq3A_6 : i32
    %convert_element_type3A_8 = arith.extui %eq3A_7 : i1 to i32
    %cond3A_9 = arith.constant 0 : i32
    %cond3A_10 = arith.cmpi ne, %convert_element_type3A_8, %cond3A_9 : i32
    scf.if %cond3A_10 {
      %scan3A = arith.constant 0 : i32
      %scan3A_27 = arith.constant 0 : i32
      %scan3A_28 = arith.constant 10 : i32
      %scan3A_29 = arith.addi %scan3A_27, %scan3A_28 : i32
      %scan3A_30 = arith.constant 1 : i32
      scf.for %scan3A_32 = %scan3A_27 to %scan3A_29 step %scan3A_30  : i32 {
        %mul3A = arith.constant 10000 : i32
        %mul3A_33 = arith.muli %arg1, %mul3A : i32
        %mul3A_34 = arith.constant 1000 : i32
        %mul3A_35 = arith.muli %scan3A_32, %mul3A_34 : i32
        %add3A = arith.addi %mul3A_33, %mul3A_35 : i32
        "tpu.region"() ({
          %run_scoped3A = tpu.sem_alloc : memref<!tpu.dma_semaphore, #tpu.memory_space<semaphore_mem>>
          %dma_start3A = tpu.memref_slice %arg3[%add3A] : memref<160000xi32, #tpu.memory_space<hbm>> -> memref<1000xi32, #tpu.memory_space<hbm>>
          %dma_start3A_36 = tpu.memref_slice %arg3[%add3A] : memref<160000xi32, #tpu.memory_space<hbm>> -> memref<1000xi32, #tpu.memory_space<hbm>>
          tpu.enqueue_dma source(%dma_start3A_36 : memref<1000xi32, #tpu.memory_space<hbm>>) target(%arg6 : memref<1000xi32, #tpu.memory_space<vmem>>) target_semaphore(%run_scoped3A : memref<!tpu.dma_semaphore, #tpu.memory_space<semaphore_mem>>)
          %dma_wait3A = tpu.memref_slice %arg3[%add3A] : memref<160000xi32, #tpu.memory_space<hbm>> -> memref<1000xi32, #tpu.memory_space<hbm>>
          %dma_wait3A_37 = tpu.memref_slice %arg3[%add3A] : memref<160000xi32, #tpu.memory_space<hbm>> -> memref<1000xi32, #tpu.memory_space<hbm>>
          tpu.wait_dma2 semaphore(%run_scoped3A : memref<!tpu.dma_semaphore, #tpu.memory_space<semaphore_mem>>) src(%dma_wait3A_37 : memref<1000xi32, #tpu.memory_space<hbm>>) dst(%arg6 : memref<1000xi32, #tpu.memory_space<vmem>>)
          tpu.yield
        }) : () -> ()
        "tpu.region"() ({
          %run_scoped3A = tpu.sem_alloc : memref<!tpu.dma_semaphore, #tpu.memory_space<semaphore_mem>>
          %dma_start3A = arith.constant 0 : i32
          %dma_start3A_36 = tpu.memref_slice %arg2[%add3A, %dma_start3A] : memref<160000x128xf32, #tpu.memory_space<hbm>> -> memref<1000x64xf32, #tpu.memory_space<hbm>>
          %dma_start3A_37 = arith.constant 0 : i32
          %dma_start3A_38 = tpu.memref_slice %arg2[%add3A, %dma_start3A_37] : memref<160000x128xf32, #tpu.memory_space<hbm>> -> memref<1000x64xf32, #tpu.memory_space<hbm>>
          tpu.enqueue_dma source(%dma_start3A_38 : memref<1000x64xf32, #tpu.memory_space<hbm>>) target(%arg7 : memref<1000x64xf32, #tpu.memory_space<vmem>>) target_semaphore(%run_scoped3A : memref<!tpu.dma_semaphore, #tpu.memory_space<semaphore_mem>>)
          %dma_wait3A = arith.constant 0 : i32
          %dma_wait3A_39 = tpu.memref_slice %arg2[%add3A, %dma_wait3A] : memref<160000x128xf32, #tpu.memory_space<hbm>> -> memref<1000x64xf32, #tpu.memory_space<hbm>>
          %dma_wait3A_40 = arith.constant 0 : i32
          %dma_wait3A_41 = tpu.memref_slice %arg2[%add3A, %dma_wait3A_40] : memref<160000x128xf32, #tpu.memory_space<hbm>> -> memref<1000x64xf32, #tpu.memory_space<hbm>>
          tpu.wait_dma2 semaphore(%run_scoped3A : memref<!tpu.dma_semaphore, #tpu.memory_space<semaphore_mem>>) src(%dma_wait3A_41 : memref<1000x64xf32, #tpu.memory_space<hbm>>) dst(%arg7 : memref<1000x64xf32, #tpu.memory_space<vmem>>)
          tpu.yield
        }) : () -> ()
        "tpu.region"() ({
          %run_scoped3A = tpu.sem_alloc : memref<!tpu.dma_semaphore, #tpu.memory_space<semaphore_mem>>
          %dma_start3A = arith.constant 0 : i32
          %dma_start3A_36 = arith.constant 0 : i32
          %dma_start3A_37 = tpu.memref_slice %arg8[%dma_start3A, %dma_start3A_36] : memref<10000x64xf32, #tpu.memory_space<vmem_shared>> -> memref<10000x64xf32, #tpu.memory_space<vmem_shared>>
          tpu.enqueue_indirect_dma source(%arg7 : memref<1000x64xf32, #tpu.memory_space<vmem>>) target(%dma_start3A_37 : memref<10000x64xf32, #tpu.memory_space<vmem_shared>>) offsets(%arg6 : memref<1000xi32, #tpu.memory_space<vmem>>) semaphore(%run_scoped3A : memref<!tpu.dma_semaphore, #tpu.memory_space<semaphore_mem>>) {add = true}
          %dma_wait3A = arith.constant 0 : i32
          %dma_wait3A_38 = arith.constant 0 : i32
          %dma_wait3A_39 = tpu.memref_slice %arg8[%dma_wait3A, %dma_wait3A_38] : memref<10000x64xf32, #tpu.memory_space<vmem_shared>> -> memref<10000x64xf32, #tpu.memory_space<vmem_shared>>
          tpu.wait_indirect_dma semaphore(%run_scoped3A : memref<!tpu.dma_semaphore, #tpu.memory_space<semaphore_mem>>) src(%arg7 : memref<1000x64xf32, #tpu.memory_space<vmem>>) dst(%dma_wait3A_39 : memref<10000x64xf32, #tpu.memory_space<vmem_shared>>)
          tpu.yield
        }) : () -> ()
      }
      %scan3A_31 = arith.constant 10 : i32
    } else {
    }
    %eq3A_11 = arith.constant 1 : i32
    %eq3A_12 = arith.cmpi eq, %arg0, %eq3A_11 : i32
    %convert_element_type3A_13 = arith.extui %eq3A_12 : i1 to i32
    %cond3A_14 = arith.constant 0 : i32
    %cond3A_15 = arith.cmpi ne, %convert_element_type3A_13, %cond3A_14 : i32
    scf.if %cond3A_15 {
      %scan3A = arith.constant 0 : i32
      %scan3A_27 = arith.constant 0 : i32
      %scan3A_28 = arith.constant 10 : i32
      %scan3A_29 = arith.addi %scan3A_27, %scan3A_28 : i32
      %scan3A_30 = arith.constant 1 : i32
      scf.for %scan3A_32 = %scan3A_27 to %scan3A_29 step %scan3A_30  : i32 {
        %mul3A = arith.constant 10000 : i32
        %mul3A_33 = arith.muli %arg1, %mul3A : i32
        %mul3A_34 = arith.constant 1000 : i32
        %mul3A_35 = arith.muli %scan3A_32, %mul3A_34 : i32
        %add3A = arith.addi %mul3A_33, %mul3A_35 : i32
        "tpu.region"() ({
          %run_scoped3A = tpu.sem_alloc : memref<!tpu.dma_semaphore, #tpu.memory_space<semaphore_mem>>
          %dma_start3A = tpu.memref_slice %arg3[%add3A] : memref<160000xi32, #tpu.memory_space<hbm>> -> memref<1000xi32, #tpu.memory_space<hbm>>
          %dma_start3A_36 = tpu.memref_slice %arg3[%add3A] : memref<160000xi32, #tpu.memory_space<hbm>> -> memref<1000xi32, #tpu.memory_space<hbm>>
          tpu.enqueue_dma source(%dma_start3A_36 : memref<1000xi32, #tpu.memory_space<hbm>>) target(%arg6 : memref<1000xi32, #tpu.memory_space<vmem>>) target_semaphore(%run_scoped3A : memref<!tpu.dma_semaphore, #tpu.memory_space<semaphore_mem>>)
          %dma_wait3A = tpu.memref_slice %arg3[%add3A] : memref<160000xi32, #tpu.memory_space<hbm>> -> memref<1000xi32, #tpu.memory_space<hbm>>
          %dma_wait3A_37 = tpu.memref_slice %arg3[%add3A] : memref<160000xi32, #tpu.memory_space<hbm>> -> memref<1000xi32, #tpu.memory_space<hbm>>
          tpu.wait_dma2 semaphore(%run_scoped3A : memref<!tpu.dma_semaphore, #tpu.memory_space<semaphore_mem>>) src(%dma_wait3A_37 : memref<1000xi32, #tpu.memory_space<hbm>>) dst(%arg6 : memref<1000xi32, #tpu.memory_space<vmem>>)
          tpu.yield
        }) : () -> ()
        "tpu.region"() ({
          %run_scoped3A = tpu.sem_alloc : memref<!tpu.dma_semaphore, #tpu.memory_space<semaphore_mem>>
          %dma_start3A = arith.constant 64 : i32
          %dma_start3A_36 = tpu.memref_slice %arg2[%add3A, %dma_start3A] : memref<160000x128xf32, #tpu.memory_space<hbm>> -> memref<1000x64xf32, #tpu.memory_space<hbm>>
          %dma_start3A_37 = arith.constant 64 : i32
          %dma_start3A_38 = tpu.memref_slice %arg2[%add3A, %dma_start3A_37] : memref<160000x128xf32, #tpu.memory_space<hbm>> -> memref<1000x64xf32, #tpu.memory_space<hbm>>
          tpu.enqueue_dma source(%dma_start3A_38 : memref<1000x64xf32, #tpu.memory_space<hbm>>) target(%arg7 : memref<1000x64xf32, #tpu.memory_space<vmem>>) target_semaphore(%run_scoped3A : memref<!tpu.dma_semaphore, #tpu.memory_space<semaphore_mem>>)
          %dma_wait3A = arith.constant 64 : i32
          %dma_wait3A_39 = tpu.memref_slice %arg2[%add3A, %dma_wait3A] : memref<160000x128xf32, #tpu.memory_space<hbm>> -> memref<1000x64xf32, #tpu.memory_space<hbm>>
          %dma_wait3A_40 = arith.constant 64 : i32
          %dma_wait3A_41 = tpu.memref_slice %arg2[%add3A, %dma_wait3A_40] : memref<160000x128xf32, #tpu.memory_space<hbm>> -> memref<1000x64xf32, #tpu.memory_space<hbm>>
          tpu.wait_dma2 semaphore(%run_scoped3A : memref<!tpu.dma_semaphore, #tpu.memory_space<semaphore_mem>>) src(%dma_wait3A_41 : memref<1000x64xf32, #tpu.memory_space<hbm>>) dst(%arg7 : memref<1000x64xf32, #tpu.memory_space<vmem>>)
          tpu.yield
        }) : () -> ()
        "tpu.region"() ({
          %run_scoped3A = tpu.sem_alloc : memref<!tpu.dma_semaphore, #tpu.memory_space<semaphore_mem>>
          %dma_start3A = arith.constant 0 : i32
          %dma_start3A_36 = arith.constant 0 : i32
          %dma_start3A_37 = tpu.memref_slice %arg8[%dma_start3A, %dma_start3A_36] : memref<10000x64xf32, #tpu.memory_space<vmem_shared>> -> memref<10000x64xf32, #tpu.memory_space<vmem_shared>>
          tpu.enqueue_indirect_dma source(%arg7 : memref<1000x64xf32, #tpu.memory_space<vmem>>) target(%dma_start3A_37 : memref<10000x64xf32, #tpu.memory_space<vmem_shared>>) offsets(%arg6 : memref<1000xi32, #tpu.memory_space<vmem>>) semaphore(%run_scoped3A : memref<!tpu.dma_semaphore, #tpu.memory_space<semaphore_mem>>) {add = true}
          %dma_wait3A = arith.constant 0 : i32
          %dma_wait3A_38 = arith.constant 0 : i32
          %dma_wait3A_39 = tpu.memref_slice %arg8[%dma_wait3A, %dma_wait3A_38] : memref<10000x64xf32, #tpu.memory_space<vmem_shared>> -> memref<10000x64xf32, #tpu.memory_space<vmem_shared>>
          tpu.wait_indirect_dma semaphore(%run_scoped3A : memref<!tpu.dma_semaphore, #tpu.memory_space<semaphore_mem>>) src(%arg7 : memref<1000x64xf32, #tpu.memory_space<vmem>>) dst(%dma_wait3A_39 : memref<10000x64xf32, #tpu.memory_space<vmem_shared>>)
          tpu.yield
        }) : () -> ()
      }
      %scan3A_31 = arith.constant 10 : i32
    } else {
    }
    %barrier3A_16 = arith.constant 0 : index
    tpu.barrier barrier_id(%barrier3A_16)
    %eq3A_17 = arith.constant 0 : i32
    %eq3A_18 = arith.cmpi eq, %arg0, %eq3A_17 : i32
    %convert_element_type3A_19 = arith.extui %eq3A_18 : i1 to i32
    %cond3A_20 = arith.constant 0 : i32
    %cond3A_21 = arith.cmpi ne, %convert_element_type3A_19, %cond3A_20 : i32
    scf.if %cond3A_21 {
      %lt3A_27 = arith.constant 15 : i32
      %lt3A_28 = arith.cmpi slt, %arg1, %lt3A_27 : i32
      %convert_element_type3A_29 = arith.extui %lt3A_28 : i1 to i32
      %cond3A_30 = arith.constant 0 : i32
      %cond3A_31 = arith.cmpi ne, %convert_element_type3A_29, %cond3A_30 : i32
      scf.if %cond3A_31 {
        %mul3A = arith.constant 632 : i32
        %mul3A_37 = arith.muli %arg1, %mul3A : i32
        "tpu.region"() ({
          %run_scoped3A = tpu.sem_alloc : memref<!tpu.dma_semaphore, #tpu.memory_space<semaphore_mem>>
          %dma_start3A = arith.constant 0 : i32
          %dma_start3A_38 = tpu.memref_slice %arg5[%mul3A_37, %dma_start3A] : memref<10000x128xf32, #tpu.memory_space<hbm>> -> memref<632x64xf32, #tpu.memory_space<hbm>>
          %dma_start3A_39 = arith.constant 0 : i32
          %dma_start3A_40 = tpu.memref_slice %arg8[%mul3A_37, %dma_start3A_39] : memref<10000x64xf32, #tpu.memory_space<vmem_shared>> -> memref<632x64xf32, #tpu.memory_space<vmem_shared>>
          tpu.enqueue_dma source(%dma_start3A_40 : memref<632x64xf32, #tpu.memory_space<vmem_shared>>) target(%dma_start3A_38 : memref<632x64xf32, #tpu.memory_space<hbm>>) target_semaphore(%run_scoped3A : memref<!tpu.dma_semaphore, #tpu.memory_space<semaphore_mem>>)
          %dma_wait3A = arith.constant 0 : i32
          %dma_wait3A_41 = tpu.memref_slice %arg5[%mul3A_37, %dma_wait3A] : memref<10000x128xf32, #tpu.memory_space<hbm>> -> memref<632x64xf32, #tpu.memory_space<hbm>>
          %dma_wait3A_42 = arith.constant 0 : i32
          %dma_wait3A_43 = tpu.memref_slice %arg8[%mul3A_37, %dma_wait3A_42] : memref<10000x64xf32, #tpu.memory_space<vmem_shared>> -> memref<632x64xf32, #tpu.memory_space<vmem_shared>>
          tpu.wait_dma2 semaphore(%run_scoped3A : memref<!tpu.dma_semaphore, #tpu.memory_space<semaphore_mem>>) src(%dma_wait3A_43 : memref<632x64xf32, #tpu.memory_space<vmem_shared>>) dst(%dma_wait3A_41 : memref<632x64xf32, #tpu.memory_space<hbm>>)
          tpu.yield
        }) : () -> ()
      } else {
      }
      %eq3A_32 = arith.constant 15 : i32
      %eq3A_33 = arith.cmpi eq, %arg1, %eq3A_32 : i32
      %convert_element_type3A_34 = arith.extui %eq3A_33 : i1 to i32
      %cond3A_35 = arith.constant 0 : i32
      %cond3A_36 = arith.cmpi ne, %convert_element_type3A_34, %cond3A_35 : i32
      scf.if %cond3A_36 {
        "tpu.region"() ({
          %run_scoped3A = tpu.sem_alloc : memref<!tpu.dma_semaphore, #tpu.memory_space<semaphore_mem>>
          %dma_start3A = arith.constant 9480 : i32
          %dma_start3A_37 = arith.constant 0 : i32
          %dma_start3A_38 = tpu.memref_slice %arg5[%dma_start3A, %dma_start3A_37] : memref<10000x128xf32, #tpu.memory_space<hbm>> -> memref<520x64xf32, #tpu.memory_space<hbm>>
          %dma_start3A_39 = arith.constant 9480 : i32
          %dma_start3A_40 = arith.constant 0 : i32
          %dma_start3A_41 = tpu.memref_slice %arg8[%dma_start3A_39, %dma_start3A_40] : memref<10000x64xf32, #tpu.memory_space<vmem_shared>> -> memref<520x64xf32, #tpu.memory_space<vmem_shared>>
          tpu.enqueue_dma source(%dma_start3A_41 : memref<520x64xf32, #tpu.memory_space<vmem_shared>>) target(%dma_start3A_38 : memref<520x64xf32, #tpu.memory_space<hbm>>) target_semaphore(%run_scoped3A : memref<!tpu.dma_semaphore, #tpu.memory_space<semaphore_mem>>)
          %dma_wait3A = arith.constant 9480 : i32
          %dma_wait3A_42 = arith.constant 0 : i32
          %dma_wait3A_43 = tpu.memref_slice %arg5[%dma_wait3A, %dma_wait3A_42] : memref<10000x128xf32, #tpu.memory_space<hbm>> -> memref<520x64xf32, #tpu.memory_space<hbm>>
          %dma_wait3A_44 = arith.constant 9480 : i32
          %dma_wait3A_45 = arith.constant 0 : i32
          %dma_wait3A_46 = tpu.memref_slice %arg8[%dma_wait3A_44, %dma_wait3A_45] : memref<10000x64xf32, #tpu.memory_space<vmem_shared>> -> memref<520x64xf32, #tpu.memory_space<vmem_shared>>
          tpu.wait_dma2 semaphore(%run_scoped3A : memref<!tpu.dma_semaphore, #tpu.memory_space<semaphore_mem>>) src(%dma_wait3A_46 : memref<520x64xf32, #tpu.memory_space<vmem_shared>>) dst(%dma_wait3A_43 : memref<520x64xf32, #tpu.memory_space<hbm>>)
          tpu.yield
        }) : () -> ()
      } else {
      }
    } else {
    }
    %eq3A_22 = arith.constant 1 : i32
    %eq3A_23 = arith.cmpi eq, %arg0, %eq3A_22 : i32
    %convert_element_type3A_24 = arith.extui %eq3A_23 : i1 to i32
    %cond3A_25 = arith.constant 0 : i32
    %cond3A_26 = arith.cmpi ne, %convert_element_type3A_24, %cond3A_25 : i32
    scf.if %cond3A_26 {
      %lt3A_27 = arith.constant 15 : i32
      %lt3A_28 = arith.cmpi slt, %arg1, %lt3A_27 : i32
      %convert_element_type3A_29 = arith.extui %lt3A_28 : i1 to i32
      %cond3A_30 = arith.constant 0 : i32
      %cond3A_31 = arith.cmpi ne, %convert_element_type3A_29, %cond3A_30 : i32
      scf.if %cond3A_31 {
        %mul3A = arith.constant 632 : i32
        %mul3A_37 = arith.muli %arg1, %mul3A : i32
        "tpu.region"() ({
          %run_scoped3A = tpu.sem_alloc : memref<!tpu.dma_semaphore, #tpu.memory_space<semaphore_mem>>
          %dma_start3A = arith.constant 64 : i32
          %dma_start3A_38 = tpu.memref_slice %arg5[%mul3A_37, %dma_start3A] : memref<10000x128xf32, #tpu.memory_space<hbm>> -> memref<632x64xf32, #tpu.memory_space<hbm>>
          %dma_start3A_39 = arith.constant 0 : i32
          %dma_start3A_40 = tpu.memref_slice %arg8[%mul3A_37, %dma_start3A_39] : memref<10000x64xf32, #tpu.memory_space<vmem_shared>> -> memref<632x64xf32, #tpu.memory_space<vmem_shared>>
          tpu.enqueue_dma source(%dma_start3A_40 : memref<632x64xf32, #tpu.memory_space<vmem_shared>>) target(%dma_start3A_38 : memref<632x64xf32, #tpu.memory_space<hbm>>) target_semaphore(%run_scoped3A : memref<!tpu.dma_semaphore, #tpu.memory_space<semaphore_mem>>)
          %dma_wait3A = arith.constant 64 : i32
          %dma_wait3A_41 = tpu.memref_slice %arg5[%mul3A_37, %dma_wait3A] : memref<10000x128xf32, #tpu.memory_space<hbm>> -> memref<632x64xf32, #tpu.memory_space<hbm>>
          %dma_wait3A_42 = arith.constant 0 : i32
          %dma_wait3A_43 = tpu.memref_slice %arg8[%mul3A_37, %dma_wait3A_42] : memref<10000x64xf32, #tpu.memory_space<vmem_shared>> -> memref<632x64xf32, #tpu.memory_space<vmem_shared>>
          tpu.wait_dma2 semaphore(%run_scoped3A : memref<!tpu.dma_semaphore, #tpu.memory_space<semaphore_mem>>) src(%dma_wait3A_43 : memref<632x64xf32, #tpu.memory_space<vmem_shared>>) dst(%dma_wait3A_41 : memref<632x64xf32, #tpu.memory_space<hbm>>)
          tpu.yield
        }) : () -> ()
      } else {
      }
      %eq3A_32 = arith.constant 15 : i32
      %eq3A_33 = arith.cmpi eq, %arg1, %eq3A_32 : i32
      %convert_element_type3A_34 = arith.extui %eq3A_33 : i1 to i32
      %cond3A_35 = arith.constant 0 : i32
      %cond3A_36 = arith.cmpi ne, %convert_element_type3A_34, %cond3A_35 : i32
      scf.if %cond3A_36 {
        "tpu.region"() ({
          %run_scoped3A = tpu.sem_alloc : memref<!tpu.dma_semaphore, #tpu.memory_space<semaphore_mem>>
          %dma_start3A = arith.constant 9480 : i32
          %dma_start3A_37 = arith.constant 64 : i32
          %dma_start3A_38 = tpu.memref_slice %arg5[%dma_start3A, %dma_start3A_37] : memref<10000x128xf32, #tpu.memory_space<hbm>> -> memref<520x64xf32, #tpu.memory_space<hbm>>
          %dma_start3A_39 = arith.constant 9480 : i32
          %dma_start3A_40 = arith.constant 0 : i32
          %dma_start3A_41 = tpu.memref_slice %arg8[%dma_start3A_39, %dma_start3A_40] : memref<10000x64xf32, #tpu.memory_space<vmem_shared>> -> memref<520x64xf32, #tpu.memory_space<vmem_shared>>
          tpu.enqueue_dma source(%dma_start3A_41 : memref<520x64xf32, #tpu.memory_space<vmem_shared>>) target(%dma_start3A_38 : memref<520x64xf32, #tpu.memory_space<hbm>>) target_semaphore(%run_scoped3A : memref<!tpu.dma_semaphore, #tpu.memory_space<semaphore_mem>>)
          %dma_wait3A = arith.constant 9480 : i32
          %dma_wait3A_42 = arith.constant 64 : i32
          %dma_wait3A_43 = tpu.memref_slice %arg5[%dma_wait3A, %dma_wait3A_42] : memref<10000x128xf32, #tpu.memory_space<hbm>> -> memref<520x64xf32, #tpu.memory_space<hbm>>
          %dma_wait3A_44 = arith.constant 9480 : i32
          %dma_wait3A_45 = arith.constant 0 : i32
          %dma_wait3A_46 = tpu.memref_slice %arg8[%dma_wait3A_44, %dma_wait3A_45] : memref<10000x64xf32, #tpu.memory_space<vmem_shared>> -> memref<520x64xf32, #tpu.memory_space<vmem_shared>>
          tpu.wait_dma2 semaphore(%run_scoped3A : memref<!tpu.dma_semaphore, #tpu.memory_space<semaphore_mem>>) src(%dma_wait3A_46 : memref<520x64xf32, #tpu.memory_space<vmem_shared>>) dst(%dma_wait3A_43 : memref<520x64xf32, #tpu.memory_space<hbm>>)
          tpu.yield
        }) : () -> ()
      } else {
      }
    } else {
    }
    return
  }
}

#map = affine_map<(d0, d1) -> (0, 0)>
#map1 = affine_map<(d0, d1) -> (0)>
module attributes {stable_mosaic.version = 14 : i64} {
  func.func @k(%arg0: i32, %arg1: i32, %arg2: memref<10000x128xf32, #tpu.memory_space<hbm>>, %arg3: memref<2560xi32, #tpu.memory_space<hbm>>, %arg4: memref<2560x128xf32, #tpu.memory_space<hbm>>, %arg5: memref<80xi32, #tpu.memory_space<vmem>>, %arg6: memref<80x128xf32, #tpu.memory_space<vmem>>, %arg7: memref<!tpu.dma_semaphore, #tpu.memory_space<semaphore_mem>>) attributes {dimension_semantics = [#tpu.dimension_semantics<core_parallel>, #tpu.dimension_semantics<subcore_parallel>], iteration_bounds = array<i64: 2, 16>, scalar_prefetch = 0 : i64, scratch_operands = 3 : i64, tpu.core_type = #tpu.core_type<sc_vector_subcore>, window_params = [{transform_indices = #map}, {transform_indices = #map1}, {transform_indices = #map}]} {
    %mul3A = arith.constant 2 : i32
    %mul3A_0 = arith.muli %arg1, %mul3A : i32
    %add3A = arith.addi %mul3A_0, %arg0 : i32
    %mul3A_1 = arith.constant 80 : i32
    %mul3A_2 = arith.muli %add3A, %mul3A_1 : i32
    %scan3A = arith.constant 0 : i32
    %scan3A_3 = arith.constant 0 : i32
    %mul3A_4 = arith.constant 80 : i32
    %mul3A_5 = arith.muli %scan3A_3, %mul3A_4 : i32
    %add3A_6 = arith.addi %mul3A_2, %mul3A_5 : i32
    "tpu.region"() ({
      %run_scoped3A = tpu.sem_alloc : memref<!tpu.dma_semaphore, #tpu.memory_space<semaphore_mem>>
      %dma_start3A_12 = tpu.memref_slice %arg3[%add3A_6] : memref<2560xi32, #tpu.memory_space<hbm>> -> memref<80xi32, #tpu.memory_space<hbm>>
      %dma_start3A_13 = tpu.memref_slice %arg3[%add3A_6] : memref<2560xi32, #tpu.memory_space<hbm>> -> memref<80xi32, #tpu.memory_space<hbm>>
      tpu.enqueue_dma source(%dma_start3A_13 : memref<80xi32, #tpu.memory_space<hbm>>) target(%arg5 : memref<80xi32, #tpu.memory_space<vmem>>) target_semaphore(%run_scoped3A : memref<!tpu.dma_semaphore, #tpu.memory_space<semaphore_mem>>)
      %dma_wait3A_14 = tpu.memref_slice %arg3[%add3A_6] : memref<2560xi32, #tpu.memory_space<hbm>> -> memref<80xi32, #tpu.memory_space<hbm>>
      %dma_wait3A_15 = tpu.memref_slice %arg3[%add3A_6] : memref<2560xi32, #tpu.memory_space<hbm>> -> memref<80xi32, #tpu.memory_space<hbm>>
      tpu.wait_dma2 semaphore(%run_scoped3A : memref<!tpu.dma_semaphore, #tpu.memory_space<semaphore_mem>>) src(%dma_wait3A_15 : memref<80xi32, #tpu.memory_space<hbm>>) dst(%arg5 : memref<80xi32, #tpu.memory_space<vmem>>)
      tpu.yield
    }) : () -> ()
    %dma_start3A = arith.constant 0 : i32
    %dma_start3A_7 = arith.constant 0 : i32
    %dma_start3A_8 = tpu.memref_slice %arg2[%dma_start3A, %dma_start3A_7] : memref<10000x128xf32, #tpu.memory_space<hbm>> -> memref<10000x128xf32, #tpu.memory_space<hbm>>
    tpu.enqueue_indirect_dma source(%dma_start3A_8 : memref<10000x128xf32, #tpu.memory_space<hbm>>) target(%arg6 : memref<80x128xf32, #tpu.memory_space<vmem>>) offsets(%arg5 : memref<80xi32, #tpu.memory_space<vmem>>) semaphore(%arg7 : memref<!tpu.dma_semaphore, #tpu.memory_space<semaphore_mem>>)
    %dma_wait3A = arith.constant 0 : i32
    %dma_wait3A_9 = arith.constant 0 : i32
    %dma_wait3A_10 = tpu.memref_slice %arg2[%dma_wait3A, %dma_wait3A_9] : memref<10000x128xf32, #tpu.memory_space<hbm>> -> memref<10000x128xf32, #tpu.memory_space<hbm>>
    tpu.wait_indirect_dma semaphore(%arg7 : memref<!tpu.dma_semaphore, #tpu.memory_space<semaphore_mem>>) src(%dma_wait3A_10 : memref<10000x128xf32, #tpu.memory_space<hbm>>) dst(%arg6 : memref<80x128xf32, #tpu.memory_space<vmem>>)
    "tpu.region"() ({
      %run_scoped3A = tpu.sem_alloc : memref<!tpu.dma_semaphore, #tpu.memory_space<semaphore_mem>>
      %dma_start3A_12 = arith.constant 0 : i32
      %dma_start3A_13 = tpu.memref_slice %arg4[%add3A_6, %dma_start3A_12] : memref<2560x128xf32, #tpu.memory_space<hbm>> -> memref<80x128xf32, #tpu.memory_space<hbm>>
      %dma_start3A_14 = arith.constant 0 : i32
      %dma_start3A_15 = tpu.memref_slice %arg4[%add3A_6, %dma_start3A_14] : memref<2560x128xf32, #tpu.memory_space<hbm>> -> memref<80x128xf32, #tpu.memory_space<hbm>>
      tpu.enqueue_dma source(%arg6 : memref<80x128xf32, #tpu.memory_space<vmem>>) target(%dma_start3A_15 : memref<80x128xf32, #tpu.memory_space<hbm>>) target_semaphore(%run_scoped3A : memref<!tpu.dma_semaphore, #tpu.memory_space<semaphore_mem>>)
      %dma_wait3A_16 = arith.constant 0 : i32
      %dma_wait3A_17 = tpu.memref_slice %arg4[%add3A_6, %dma_wait3A_16] : memref<2560x128xf32, #tpu.memory_space<hbm>> -> memref<80x128xf32, #tpu.memory_space<hbm>>
      %dma_wait3A_18 = arith.constant 0 : i32
      %dma_wait3A_19 = tpu.memref_slice %arg4[%add3A_6, %dma_wait3A_18] : memref<2560x128xf32, #tpu.memory_space<hbm>> -> memref<80x128xf32, #tpu.memory_space<hbm>>
      tpu.wait_dma2 semaphore(%run_scoped3A : memref<!tpu.dma_semaphore, #tpu.memory_space<semaphore_mem>>) src(%arg6 : memref<80x128xf32, #tpu.memory_space<vmem>>) dst(%dma_wait3A_19 : memref<80x128xf32, #tpu.memory_space<hbm>>)
      tpu.yield
    }) : () -> ()
    %scan3A_11 = arith.constant 1 : i32
    return
  }
}

#map = affine_map<(d0, d1) -> (0, 0)>
#map1 = affine_map<(d0, d1) -> (0)>
module attributes {stable_mosaic.version = 14 : i64} {
  func.func @k(%arg0: i32, %arg1: i32, %arg2: memref<160000x128xf32, #tpu.memory_space<hbm>>, %arg3: memref<160000xi32, #tpu.memory_space<hbm>>, %arg4: memref<10000x64xf32, #tpu.memory_space<hbm>>, %arg5: memref<10000x128xf32, #tpu.memory_space<hbm>>, %arg6: memref<1000xi32, #tpu.memory_space<vmem>>, %arg7: memref<1000x64xf32, #tpu.memory_space<vmem>>, %arg8: memref<10000x64xf32, #tpu.memory_space<vmem_shared>>) attributes {dimension_semantics = [#tpu.dimension_semantics<core_parallel>, #tpu.dimension_semantics<subcore_parallel>], iteration_bounds = array<i64: 2, 16>, scalar_prefetch = 0 : i64, scratch_operands = 3 : i64, tpu.core_type = #tpu.core_type<sc_vector_subcore>, window_params = [{transform_indices = #map}, {transform_indices = #map1}, {transform_indices = #map}, {transform_indices = #map}]} {
    %lt3A = arith.constant 15 : i32
    %lt3A_0 = arith.cmpi slt, %arg1, %lt3A : i32
    %convert_element_type3A = arith.extui %lt3A_0 : i1 to i32
    %cond3A = arith.constant 0 : i32
    %cond3A_1 = arith.cmpi ne, %convert_element_type3A, %cond3A : i32
    scf.if %cond3A_1 {
      %mul3A = arith.constant 632 : i32
      %mul3A_27 = arith.muli %arg1, %mul3A : i32
      "tpu.region"() ({
        %run_scoped3A = tpu.sem_alloc : memref<!tpu.dma_semaphore, #tpu.memory_space<semaphore_mem>>
        %dma_start3A = arith.constant 0 : i32
        %dma_start3A_28 = tpu.memref_slice %arg8[%mul3A_27, %dma_start3A] : memref<10000x64xf32, #tpu.memory_space<vmem_shared>> -> memref<632x64xf32, #tpu.memory_space<vmem_shared>>
        %dma_start3A_29 = arith.constant 0 : i32
        %dma_start3A_30 = tpu.memref_slice %arg4[%mul3A_27, %dma_start3A_29] : memref<10000x64xf32, #tpu.memory_space<hbm>> -> memref<632x64xf32, #tpu.memory_space<hbm>>
        tpu.enqueue_dma source(%dma_start3A_30 : memref<632x64xf32, #tpu.memory_space<hbm>>) target(%dma_start3A_28 : memref<632x64xf32, #tpu.memory_space<vmem_shared>>) target_semaphore(%run_scoped3A : memref<!tpu.dma_semaphore, #tpu.memory_space<semaphore_mem>>)
        %dma_wait3A = arith.constant 0 : i32
        %dma_wait3A_31 = tpu.memref_slice %arg8[%mul3A_27, %dma_wait3A] : memref<10000x64xf32, #tpu.memory_space<vmem_shared>> -> memref<632x64xf32, #tpu.memory_space<vmem_shared>>
        %dma_wait3A_32 = arith.constant 0 : i32
        %dma_wait3A_33 = tpu.memref_slice %arg4[%mul3A_27, %dma_wait3A_32] : memref<10000x64xf32, #tpu.memory_space<hbm>> -> memref<632x64xf32, #tpu.memory_space<hbm>>
        tpu.wait_dma2 semaphore(%run_scoped3A : memref<!tpu.dma_semaphore, #tpu.memory_space<semaphore_mem>>) src(%dma_wait3A_33 : memref<632x64xf32, #tpu.memory_space<hbm>>) dst(%dma_wait3A_31 : memref<632x64xf32, #tpu.memory_space<vmem_shared>>)
        tpu.yield
      }) : () -> ()
    } else {
    }
    %eq3A = arith.constant 15 : i32
    %eq3A_2 = arith.cmpi eq, %arg1, %eq3A : i32
    %convert_element_type3A_3 = arith.extui %eq3A_2 : i1 to i32
    %cond3A_4 = arith.constant 0 : i32
    %cond3A_5 = arith.cmpi ne, %convert_element_type3A_3, %cond3A_4 : i32
    scf.if %cond3A_5 {
      "tpu.region"() ({
        %run_scoped3A = tpu.sem_alloc : memref<!tpu.dma_semaphore, #tpu.memory_space<semaphore_mem>>
        %dma_start3A = arith.constant 9480 : i32
        %dma_start3A_27 = arith.constant 0 : i32
        %dma_start3A_28 = tpu.memref_slice %arg8[%dma_start3A, %dma_start3A_27] : memref<10000x64xf32, #tpu.memory_space<vmem_shared>> -> memref<520x64xf32, #tpu.memory_space<vmem_shared>>
        %dma_start3A_29 = arith.constant 9480 : i32
        %dma_start3A_30 = arith.constant 0 : i32
        %dma_start3A_31 = tpu.memref_slice %arg4[%dma_start3A_29, %dma_start3A_30] : memref<10000x64xf32, #tpu.memory_space<hbm>> -> memref<520x64xf32, #tpu.memory_space<hbm>>
        tpu.enqueue_dma source(%dma_start3A_31 : memref<520x64xf32, #tpu.memory_space<hbm>>) target(%dma_start3A_28 : memref<520x64xf32, #tpu.memory_space<vmem_shared>>) target_semaphore(%run_scoped3A : memref<!tpu.dma_semaphore, #tpu.memory_space<semaphore_mem>>)
        %dma_wait3A = arith.constant 9480 : i32
        %dma_wait3A_32 = arith.constant 0 : i32
        %dma_wait3A_33 = tpu.memref_slice %arg8[%dma_wait3A, %dma_wait3A_32] : memref<10000x64xf32, #tpu.memory_space<vmem_shared>> -> memref<520x64xf32, #tpu.memory_space<vmem_shared>>
        %dma_wait3A_34 = arith.constant 9480 : i32
        %dma_wait3A_35 = arith.constant 0 : i32
        %dma_wait3A_36 = tpu.memref_slice %arg4[%dma_wait3A_34, %dma_wait3A_35] : memref<10000x64xf32, #tpu.memory_space<hbm>> -> memref<520x64xf32, #tpu.memory_space<hbm>>
        tpu.wait_dma2 semaphore(%run_scoped3A : memref<!tpu.dma_semaphore, #tpu.memory_space<semaphore_mem>>) src(%dma_wait3A_36 : memref<520x64xf32, #tpu.memory_space<hbm>>) dst(%dma_wait3A_33 : memref<520x64xf32, #tpu.memory_space<vmem_shared>>)
        tpu.yield
      }) : () -> ()
    } else {
    }
    %barrier3A = arith.constant 0 : index
    tpu.barrier barrier_id(%barrier3A)
    %eq3A_6 = arith.constant 0 : i32
    %eq3A_7 = arith.cmpi eq, %arg0, %eq3A_6 : i32
    %convert_element_type3A_8 = arith.extui %eq3A_7 : i1 to i32
    %cond3A_9 = arith.constant 0 : i32
    %cond3A_10 = arith.cmpi ne, %convert_element_type3A_8, %cond3A_9 : i32
    scf.if %cond3A_10 {
      %scan3A = arith.constant 0 : i32
      %scan3A_27 = arith.constant 0 : i32
      %scan3A_28 = arith.constant 10 : i32
      %scan3A_29 = arith.addi %scan3A_27, %scan3A_28 : i32
      %scan3A_30 = arith.constant 1 : i32
      scf.for %scan3A_32 = %scan3A_27 to %scan3A_29 step %scan3A_30  : i32 {
        %mul3A = arith.constant 10000 : i32
        %mul3A_33 = arith.muli %arg1, %mul3A : i32
        %mul3A_34 = arith.constant 1000 : i32
        %mul3A_35 = arith.muli %scan3A_32, %mul3A_34 : i32
        %add3A = arith.addi %mul3A_33, %mul3A_35 : i32
        "tpu.region"() ({
          %run_scoped3A = tpu.sem_alloc : memref<!tpu.dma_semaphore, #tpu.memory_space<semaphore_mem>>
          %dma_start3A = tpu.memref_slice %arg3[%add3A] : memref<160000xi32, #tpu.memory_space<hbm>> -> memref<1000xi32, #tpu.memory_space<hbm>>
          %dma_start3A_36 = tpu.memref_slice %arg3[%add3A] : memref<160000xi32, #tpu.memory_space<hbm>> -> memref<1000xi32, #tpu.memory_space<hbm>>
          tpu.enqueue_dma source(%dma_start3A_36 : memref<1000xi32, #tpu.memory_space<hbm>>) target(%arg6 : memref<1000xi32, #tpu.memory_space<vmem>>) target_semaphore(%run_scoped3A : memref<!tpu.dma_semaphore, #tpu.memory_space<semaphore_mem>>)
          %dma_wait3A = tpu.memref_slice %arg3[%add3A] : memref<160000xi32, #tpu.memory_space<hbm>> -> memref<1000xi32, #tpu.memory_space<hbm>>
          %dma_wait3A_37 = tpu.memref_slice %arg3[%add3A] : memref<160000xi32, #tpu.memory_space<hbm>> -> memref<1000xi32, #tpu.memory_space<hbm>>
          tpu.wait_dma2 semaphore(%run_scoped3A : memref<!tpu.dma_semaphore, #tpu.memory_space<semaphore_mem>>) src(%dma_wait3A_37 : memref<1000xi32, #tpu.memory_space<hbm>>) dst(%arg6 : memref<1000xi32, #tpu.memory_space<vmem>>)
          tpu.yield
        }) : () -> ()
        "tpu.region"() ({
          %run_scoped3A = tpu.sem_alloc : memref<!tpu.dma_semaphore, #tpu.memory_space<semaphore_mem>>
          %dma_start3A = arith.constant 0 : i32
          %dma_start3A_36 = tpu.memref_slice %arg2[%add3A, %dma_start3A] : memref<160000x128xf32, #tpu.memory_space<hbm>> -> memref<1000x64xf32, #tpu.memory_space<hbm>>
          %dma_start3A_37 = arith.constant 0 : i32
          %dma_start3A_38 = tpu.memref_slice %arg2[%add3A, %dma_start3A_37] : memref<160000x128xf32, #tpu.memory_space<hbm>> -> memref<1000x64xf32, #tpu.memory_space<hbm>>
          tpu.enqueue_dma source(%dma_start3A_38 : memref<1000x64xf32, #tpu.memory_space<hbm>>) target(%arg7 : memref<1000x64xf32, #tpu.memory_space<vmem>>) target_semaphore(%run_scoped3A : memref<!tpu.dma_semaphore, #tpu.memory_space<semaphore_mem>>)
          %dma_wait3A = arith.constant 0 : i32
          %dma_wait3A_39 = tpu.memref_slice %arg2[%add3A, %dma_wait3A] : memref<160000x128xf32, #tpu.memory_space<hbm>> -> memref<1000x64xf32, #tpu.memory_space<hbm>>
          %dma_wait3A_40 = arith.constant 0 : i32
          %dma_wait3A_41 = tpu.memref_slice %arg2[%add3A, %dma_wait3A_40] : memref<160000x128xf32, #tpu.memory_space<hbm>> -> memref<1000x64xf32, #tpu.memory_space<hbm>>
          tpu.wait_dma2 semaphore(%run_scoped3A : memref<!tpu.dma_semaphore, #tpu.memory_space<semaphore_mem>>) src(%dma_wait3A_41 : memref<1000x64xf32, #tpu.memory_space<hbm>>) dst(%arg7 : memref<1000x64xf32, #tpu.memory_space<vmem>>)
          tpu.yield
        }) : () -> ()
        "tpu.region"() ({
          %run_scoped3A = tpu.sem_alloc : memref<!tpu.dma_semaphore, #tpu.memory_space<semaphore_mem>>
          %dma_start3A = arith.constant 0 : i32
          %dma_start3A_36 = arith.constant 0 : i32
          %dma_start3A_37 = tpu.memref_slice %arg8[%dma_start3A, %dma_start3A_36] : memref<10000x64xf32, #tpu.memory_space<vmem_shared>> -> memref<10000x64xf32, #tpu.memory_space<vmem_shared>>
          tpu.enqueue_indirect_dma source(%arg7 : memref<1000x64xf32, #tpu.memory_space<vmem>>) target(%dma_start3A_37 : memref<10000x64xf32, #tpu.memory_space<vmem_shared>>) offsets(%arg6 : memref<1000xi32, #tpu.memory_space<vmem>>) semaphore(%run_scoped3A : memref<!tpu.dma_semaphore, #tpu.memory_space<semaphore_mem>>) {add = true}
          %dma_wait3A = arith.constant 0 : i32
          %dma_wait3A_38 = arith.constant 0 : i32
          %dma_wait3A_39 = tpu.memref_slice %arg8[%dma_wait3A, %dma_wait3A_38] : memref<10000x64xf32, #tpu.memory_space<vmem_shared>> -> memref<10000x64xf32, #tpu.memory_space<vmem_shared>>
          tpu.wait_indirect_dma semaphore(%run_scoped3A : memref<!tpu.dma_semaphore, #tpu.memory_space<semaphore_mem>>) src(%arg7 : memref<1000x64xf32, #tpu.memory_space<vmem>>) dst(%dma_wait3A_39 : memref<10000x64xf32, #tpu.memory_space<vmem_shared>>)
          tpu.yield
        }) : () -> ()
      }
      %scan3A_31 = arith.constant 10 : i32
    } else {
    }
    %eq3A_11 = arith.constant 1 : i32
    %eq3A_12 = arith.cmpi eq, %arg0, %eq3A_11 : i32
    %convert_element_type3A_13 = arith.extui %eq3A_12 : i1 to i32
    %cond3A_14 = arith.constant 0 : i32
    %cond3A_15 = arith.cmpi ne, %convert_element_type3A_13, %cond3A_14 : i32
    scf.if %cond3A_15 {
      %scan3A = arith.constant 0 : i32
      %scan3A_27 = arith.constant 0 : i32
      %scan3A_28 = arith.constant 10 : i32
      %scan3A_29 = arith.addi %scan3A_27, %scan3A_28 : i32
      %scan3A_30 = arith.constant 1 : i32
      scf.for %scan3A_32 = %scan3A_27 to %scan3A_29 step %scan3A_30  : i32 {
        %mul3A = arith.constant 10000 : i32
        %mul3A_33 = arith.muli %arg1, %mul3A : i32
        %mul3A_34 = arith.constant 1000 : i32
        %mul3A_35 = arith.muli %scan3A_32, %mul3A_34 : i32
        %add3A = arith.addi %mul3A_33, %mul3A_35 : i32
        "tpu.region"() ({
          %run_scoped3A = tpu.sem_alloc : memref<!tpu.dma_semaphore, #tpu.memory_space<semaphore_mem>>
          %dma_start3A = tpu.memref_slice %arg3[%add3A] : memref<160000xi32, #tpu.memory_space<hbm>> -> memref<1000xi32, #tpu.memory_space<hbm>>
          %dma_start3A_36 = tpu.memref_slice %arg3[%add3A] : memref<160000xi32, #tpu.memory_space<hbm>> -> memref<1000xi32, #tpu.memory_space<hbm>>
          tpu.enqueue_dma source(%dma_start3A_36 : memref<1000xi32, #tpu.memory_space<hbm>>) target(%arg6 : memref<1000xi32, #tpu.memory_space<vmem>>) target_semaphore(%run_scoped3A : memref<!tpu.dma_semaphore, #tpu.memory_space<semaphore_mem>>)
          %dma_wait3A = tpu.memref_slice %arg3[%add3A] : memref<160000xi32, #tpu.memory_space<hbm>> -> memref<1000xi32, #tpu.memory_space<hbm>>
          %dma_wait3A_37 = tpu.memref_slice %arg3[%add3A] : memref<160000xi32, #tpu.memory_space<hbm>> -> memref<1000xi32, #tpu.memory_space<hbm>>
          tpu.wait_dma2 semaphore(%run_scoped3A : memref<!tpu.dma_semaphore, #tpu.memory_space<semaphore_mem>>) src(%dma_wait3A_37 : memref<1000xi32, #tpu.memory_space<hbm>>) dst(%arg6 : memref<1000xi32, #tpu.memory_space<vmem>>)
          tpu.yield
        }) : () -> ()
        "tpu.region"() ({
          %run_scoped3A = tpu.sem_alloc : memref<!tpu.dma_semaphore, #tpu.memory_space<semaphore_mem>>
          %dma_start3A = arith.constant 64 : i32
          %dma_start3A_36 = tpu.memref_slice %arg2[%add3A, %dma_start3A] : memref<160000x128xf32, #tpu.memory_space<hbm>> -> memref<1000x64xf32, #tpu.memory_space<hbm>>
          %dma_start3A_37 = arith.constant 64 : i32
          %dma_start3A_38 = tpu.memref_slice %arg2[%add3A, %dma_start3A_37] : memref<160000x128xf32, #tpu.memory_space<hbm>> -> memref<1000x64xf32, #tpu.memory_space<hbm>>
          tpu.enqueue_dma source(%dma_start3A_38 : memref<1000x64xf32, #tpu.memory_space<hbm>>) target(%arg7 : memref<1000x64xf32, #tpu.memory_space<vmem>>) target_semaphore(%run_scoped3A : memref<!tpu.dma_semaphore, #tpu.memory_space<semaphore_mem>>)
          %dma_wait3A = arith.constant 64 : i32
          %dma_wait3A_39 = tpu.memref_slice %arg2[%add3A, %dma_wait3A] : memref<160000x128xf32, #tpu.memory_space<hbm>> -> memref<1000x64xf32, #tpu.memory_space<hbm>>
          %dma_wait3A_40 = arith.constant 64 : i32
          %dma_wait3A_41 = tpu.memref_slice %arg2[%add3A, %dma_wait3A_40] : memref<160000x128xf32, #tpu.memory_space<hbm>> -> memref<1000x64xf32, #tpu.memory_space<hbm>>
          tpu.wait_dma2 semaphore(%run_scoped3A : memref<!tpu.dma_semaphore, #tpu.memory_space<semaphore_mem>>) src(%dma_wait3A_41 : memref<1000x64xf32, #tpu.memory_space<hbm>>) dst(%arg7 : memref<1000x64xf32, #tpu.memory_space<vmem>>)
          tpu.yield
        }) : () -> ()
        "tpu.region"() ({
          %run_scoped3A = tpu.sem_alloc : memref<!tpu.dma_semaphore, #tpu.memory_space<semaphore_mem>>
          %dma_start3A = arith.constant 0 : i32
          %dma_start3A_36 = arith.constant 0 : i32
          %dma_start3A_37 = tpu.memref_slice %arg8[%dma_start3A, %dma_start3A_36] : memref<10000x64xf32, #tpu.memory_space<vmem_shared>> -> memref<10000x64xf32, #tpu.memory_space<vmem_shared>>
          tpu.enqueue_indirect_dma source(%arg7 : memref<1000x64xf32, #tpu.memory_space<vmem>>) target(%dma_start3A_37 : memref<10000x64xf32, #tpu.memory_space<vmem_shared>>) offsets(%arg6 : memref<1000xi32, #tpu.memory_space<vmem>>) semaphore(%run_scoped3A : memref<!tpu.dma_semaphore, #tpu.memory_space<semaphore_mem>>) {add = true}
          %dma_wait3A = arith.constant 0 : i32
          %dma_wait3A_38 = arith.constant 0 : i32
          %dma_wait3A_39 = tpu.memref_slice %arg8[%dma_wait3A, %dma_wait3A_38] : memref<10000x64xf32, #tpu.memory_space<vmem_shared>> -> memref<10000x64xf32, #tpu.memory_space<vmem_shared>>
          tpu.wait_indirect_dma semaphore(%run_scoped3A : memref<!tpu.dma_semaphore, #tpu.memory_space<semaphore_mem>>) src(%arg7 : memref<1000x64xf32, #tpu.memory_space<vmem>>) dst(%dma_wait3A_39 : memref<10000x64xf32, #tpu.memory_space<vmem_shared>>)
          tpu.yield
        }) : () -> ()
      }
      %scan3A_31 = arith.constant 10 : i32
    } else {
    }
    %barrier3A_16 = arith.constant 0 : index
    tpu.barrier barrier_id(%barrier3A_16)
    %eq3A_17 = arith.constant 0 : i32
    %eq3A_18 = arith.cmpi eq, %arg0, %eq3A_17 : i32
    %convert_element_type3A_19 = arith.extui %eq3A_18 : i1 to i32
    %cond3A_20 = arith.constant 0 : i32
    %cond3A_21 = arith.cmpi ne, %convert_element_type3A_19, %cond3A_20 : i32
    scf.if %cond3A_21 {
      %lt3A_27 = arith.constant 15 : i32
      %lt3A_28 = arith.cmpi slt, %arg1, %lt3A_27 : i32
      %convert_element_type3A_29 = arith.extui %lt3A_28 : i1 to i32
      %cond3A_30 = arith.constant 0 : i32
      %cond3A_31 = arith.cmpi ne, %convert_element_type3A_29, %cond3A_30 : i32
      scf.if %cond3A_31 {
        %mul3A = arith.constant 632 : i32
        %mul3A_37 = arith.muli %arg1, %mul3A : i32
        "tpu.region"() ({
          %run_scoped3A = tpu.sem_alloc : memref<!tpu.dma_semaphore, #tpu.memory_space<semaphore_mem>>
          %dma_start3A = arith.constant 0 : i32
          %dma_start3A_38 = tpu.memref_slice %arg5[%mul3A_37, %dma_start3A] : memref<10000x128xf32, #tpu.memory_space<hbm>> -> memref<632x64xf32, #tpu.memory_space<hbm>>
          %dma_start3A_39 = arith.constant 0 : i32
          %dma_start3A_40 = tpu.memref_slice %arg8[%mul3A_37, %dma_start3A_39] : memref<10000x64xf32, #tpu.memory_space<vmem_shared>> -> memref<632x64xf32, #tpu.memory_space<vmem_shared>>
          tpu.enqueue_dma source(%dma_start3A_40 : memref<632x64xf32, #tpu.memory_space<vmem_shared>>) target(%dma_start3A_38 : memref<632x64xf32, #tpu.memory_space<hbm>>) target_semaphore(%run_scoped3A : memref<!tpu.dma_semaphore, #tpu.memory_space<semaphore_mem>>)
          %dma_wait3A = arith.constant 0 : i32
          %dma_wait3A_41 = tpu.memref_slice %arg5[%mul3A_37, %dma_wait3A] : memref<10000x128xf32, #tpu.memory_space<hbm>> -> memref<632x64xf32, #tpu.memory_space<hbm>>
          %dma_wait3A_42 = arith.constant 0 : i32
          %dma_wait3A_43 = tpu.memref_slice %arg8[%mul3A_37, %dma_wait3A_42] : memref<10000x64xf32, #tpu.memory_space<vmem_shared>> -> memref<632x64xf32, #tpu.memory_space<vmem_shared>>
          tpu.wait_dma2 semaphore(%run_scoped3A : memref<!tpu.dma_semaphore, #tpu.memory_space<semaphore_mem>>) src(%dma_wait3A_43 : memref<632x64xf32, #tpu.memory_space<vmem_shared>>) dst(%dma_wait3A_41 : memref<632x64xf32, #tpu.memory_space<hbm>>)
          tpu.yield
        }) : () -> ()
      } else {
      }
      %eq3A_32 = arith.constant 15 : i32
      %eq3A_33 = arith.cmpi eq, %arg1, %eq3A_32 : i32
      %convert_element_type3A_34 = arith.extui %eq3A_33 : i1 to i32
      %cond3A_35 = arith.constant 0 : i32
      %cond3A_36 = arith.cmpi ne, %convert_element_type3A_34, %cond3A_35 : i32
      scf.if %cond3A_36 {
        "tpu.region"() ({
          %run_scoped3A = tpu.sem_alloc : memref<!tpu.dma_semaphore, #tpu.memory_space<semaphore_mem>>
          %dma_start3A = arith.constant 9480 : i32
          %dma_start3A_37 = arith.constant 0 : i32
          %dma_start3A_38 = tpu.memref_slice %arg5[%dma_start3A, %dma_start3A_37] : memref<10000x128xf32, #tpu.memory_space<hbm>> -> memref<520x64xf32, #tpu.memory_space<hbm>>
          %dma_start3A_39 = arith.constant 9480 : i32
          %dma_start3A_40 = arith.constant 0 : i32
          %dma_start3A_41 = tpu.memref_slice %arg8[%dma_start3A_39, %dma_start3A_40] : memref<10000x64xf32, #tpu.memory_space<vmem_shared>> -> memref<520x64xf32, #tpu.memory_space<vmem_shared>>
          tpu.enqueue_dma source(%dma_start3A_41 : memref<520x64xf32, #tpu.memory_space<vmem_shared>>) target(%dma_start3A_38 : memref<520x64xf32, #tpu.memory_space<hbm>>) target_semaphore(%run_scoped3A : memref<!tpu.dma_semaphore, #tpu.memory_space<semaphore_mem>>)
          %dma_wait3A = arith.constant 9480 : i32
          %dma_wait3A_42 = arith.constant 0 : i32
          %dma_wait3A_43 = tpu.memref_slice %arg5[%dma_wait3A, %dma_wait3A_42] : memref<10000x128xf32, #tpu.memory_space<hbm>> -> memref<520x64xf32, #tpu.memory_space<hbm>>
          %dma_wait3A_44 = arith.constant 9480 : i32
          %dma_wait3A_45 = arith.constant 0 : i32
          %dma_wait3A_46 = tpu.memref_slice %arg8[%dma_wait3A_44, %dma_wait3A_45] : memref<10000x64xf32, #tpu.memory_space<vmem_shared>> -> memref<520x64xf32, #tpu.memory_space<vmem_shared>>
          tpu.wait_dma2 semaphore(%run_scoped3A : memref<!tpu.dma_semaphore, #tpu.memory_space<semaphore_mem>>) src(%dma_wait3A_46 : memref<520x64xf32, #tpu.memory_space<vmem_shared>>) dst(%dma_wait3A_43 : memref<520x64xf32, #tpu.memory_space<hbm>>)
          tpu.yield
        }) : () -> ()
      } else {
      }
    } else {
    }
    %eq3A_22 = arith.constant 1 : i32
    %eq3A_23 = arith.cmpi eq, %arg0, %eq3A_22 : i32
    %convert_element_type3A_24 = arith.extui %eq3A_23 : i1 to i32
    %cond3A_25 = arith.constant 0 : i32
    %cond3A_26 = arith.cmpi ne, %convert_element_type3A_24, %cond3A_25 : i32
    scf.if %cond3A_26 {
      %lt3A_27 = arith.constant 15 : i32
      %lt3A_28 = arith.cmpi slt, %arg1, %lt3A_27 : i32
      %convert_element_type3A_29 = arith.extui %lt3A_28 : i1 to i32
      %cond3A_30 = arith.constant 0 : i32
      %cond3A_31 = arith.cmpi ne, %convert_element_type3A_29, %cond3A_30 : i32
      scf.if %cond3A_31 {
        %mul3A = arith.constant 632 : i32
        %mul3A_37 = arith.muli %arg1, %mul3A : i32
        "tpu.region"() ({
          %run_scoped3A = tpu.sem_alloc : memref<!tpu.dma_semaphore, #tpu.memory_space<semaphore_mem>>
          %dma_start3A = arith.constant 64 : i32
          %dma_start3A_38 = tpu.memref_slice %arg5[%mul3A_37, %dma_start3A] : memref<10000x128xf32, #tpu.memory_space<hbm>> -> memref<632x64xf32, #tpu.memory_space<hbm>>
          %dma_start3A_39 = arith.constant 0 : i32
          %dma_start3A_40 = tpu.memref_slice %arg8[%mul3A_37, %dma_start3A_39] : memref<10000x64xf32, #tpu.memory_space<vmem_shared>> -> memref<632x64xf32, #tpu.memory_space<vmem_shared>>
          tpu.enqueue_dma source(%dma_start3A_40 : memref<632x64xf32, #tpu.memory_space<vmem_shared>>) target(%dma_start3A_38 : memref<632x64xf32, #tpu.memory_space<hbm>>) target_semaphore(%run_scoped3A : memref<!tpu.dma_semaphore, #tpu.memory_space<semaphore_mem>>)
          %dma_wait3A = arith.constant 64 : i32
          %dma_wait3A_41 = tpu.memref_slice %arg5[%mul3A_37, %dma_wait3A] : memref<10000x128xf32, #tpu.memory_space<hbm>> -> memref<632x64xf32, #tpu.memory_space<hbm>>
          %dma_wait3A_42 = arith.constant 0 : i32
          %dma_wait3A_43 = tpu.memref_slice %arg8[%mul3A_37, %dma_wait3A_42] : memref<10000x64xf32, #tpu.memory_space<vmem_shared>> -> memref<632x64xf32, #tpu.memory_space<vmem_shared>>
          tpu.wait_dma2 semaphore(%run_scoped3A : memref<!tpu.dma_semaphore, #tpu.memory_space<semaphore_mem>>) src(%dma_wait3A_43 : memref<632x64xf32, #tpu.memory_space<vmem_shared>>) dst(%dma_wait3A_41 : memref<632x64xf32, #tpu.memory_space<hbm>>)
          tpu.yield
        }) : () -> ()
      } else {
      }
      %eq3A_32 = arith.constant 15 : i32
      %eq3A_33 = arith.cmpi eq, %arg1, %eq3A_32 : i32
      %convert_element_type3A_34 = arith.extui %eq3A_33 : i1 to i32
      %cond3A_35 = arith.constant 0 : i32
      %cond3A_36 = arith.cmpi ne, %convert_element_type3A_34, %cond3A_35 : i32
      scf.if %cond3A_36 {
        "tpu.region"() ({
          %run_scoped3A = tpu.sem_alloc : memref<!tpu.dma_semaphore, #tpu.memory_space<semaphore_mem>>
          %dma_start3A = arith.constant 9480 : i32
          %dma_start3A_37 = arith.constant 64 : i32
          %dma_start3A_38 = tpu.memref_slice %arg5[%dma_start3A, %dma_start3A_37] : memref<10000x128xf32, #tpu.memory_space<hbm>> -> memref<520x64xf32, #tpu.memory_space<hbm>>
          %dma_start3A_39 = arith.constant 9480 : i32
          %dma_start3A_40 = arith.constant 0 : i32
          %dma_start3A_41 = tpu.memref_slice %arg8[%dma_start3A_39, %dma_start3A_40] : memref<10000x64xf32, #tpu.memory_space<vmem_shared>> -> memref<520x64xf32, #tpu.memory_space<vmem_shared>>
          tpu.enqueue_dma source(%dma_start3A_41 : memref<520x64xf32, #tpu.memory_space<vmem_shared>>) target(%dma_start3A_38 : memref<520x64xf32, #tpu.memory_space<hbm>>) target_semaphore(%run_scoped3A : memref<!tpu.dma_semaphore, #tpu.memory_space<semaphore_mem>>)
          %dma_wait3A = arith.constant 9480 : i32
          %dma_wait3A_42 = arith.constant 64 : i32
          %dma_wait3A_43 = tpu.memref_slice %arg5[%dma_wait3A, %dma_wait3A_42] : memref<10000x128xf32, #tpu.memory_space<hbm>> -> memref<520x64xf32, #tpu.memory_space<hbm>>
          %dma_wait3A_44 = arith.constant 9480 : i32
          %dma_wait3A_45 = arith.constant 0 : i32
          %dma_wait3A_46 = tpu.memref_slice %arg8[%dma_wait3A_44, %dma_wait3A_45] : memref<10000x64xf32, #tpu.memory_space<vmem_shared>> -> memref<520x64xf32, #tpu.memory_space<vmem_shared>>
          tpu.wait_dma2 semaphore(%run_scoped3A : memref<!tpu.dma_semaphore, #tpu.memory_space<semaphore_mem>>) src(%dma_wait3A_46 : memref<520x64xf32, #tpu.memory_space<vmem_shared>>) dst(%dma_wait3A_43 : memref<520x64xf32, #tpu.memory_space<hbm>>)
          tpu.yield
        }) : () -> ()
      } else {
      }
    } else {
    }
    return
  }
}

module attributes {stable_mosaic.version = 14 : i64} {
  func.func @_enc_node_body(%arg0: i32, %arg1: memref<10000x128xf32, #tpu.memory_space<vmem>>, %arg2: memref<128x128xf32, #tpu.memory_space<vmem>>, %arg3: memref<1x128xf32, #tpu.memory_space<vmem>>, %arg4: memref<128x128xf32, #tpu.memory_space<vmem>>, %arg5: memref<1x128xf32, #tpu.memory_space<vmem>>, %arg6: memref<128x128xf32, #tpu.memory_space<vmem>>, %arg7: memref<1x128xf32, #tpu.memory_space<vmem>>, %arg8: memref<1x128xf32, #tpu.memory_space<vmem>>, %arg9: memref<1x128xf32, #tpu.memory_space<vmem>>, %arg10: memref<128x64xf32, #tpu.memory_space<vmem>>, %arg11: memref<128x64xf32, #tpu.memory_space<vmem>>, %arg12: memref<128x64xf32, #tpu.memory_space<vmem>>, %arg13: memref<128x64xf32, #tpu.memory_space<vmem>>, %arg14: memref<10000x128xf32, #tpu.memory_space<vmem>>, %arg15: memref<10000x64xf32, #tpu.memory_space<vmem>>, %arg16: memref<10000x64xf32, #tpu.memory_space<vmem>>) attributes {dimension_semantics = [#tpu.dimension_semantics<arbitrary>], iteration_bounds = array<i64: 1>, scalar_prefetch = 0 : i64, scratch_operands = 0 : i64, tpu.core_type = #tpu.core_type<tc>, window_params = [{transform_indices = @transform_0, window_bounds = array<i64: 10000, 128>}, {pipeline_mode = #tpu.pipeline_mode<synchronous>, transform_indices = @transform_1, window_bounds = array<i64: 128, 128>}, {pipeline_mode = #tpu.pipeline_mode<synchronous>, transform_indices = @transform_2, window_bounds = array<i64: 1, 128>}, {pipeline_mode = #tpu.pipeline_mode<synchronous>, transform_indices = @transform_3, window_bounds = array<i64: 128, 128>}, {pipeline_mode = #tpu.pipeline_mode<synchronous>, transform_indices = @transform_4, window_bounds = array<i64: 1, 128>}, {pipeline_mode = #tpu.pipeline_mode<synchronous>, transform_indices = @transform_5, window_bounds = array<i64: 128, 128>}, {pipeline_mode = #tpu.pipeline_mode<synchronous>, transform_indices = @transform_6, window_bounds = array<i64: 1, 128>}, {pipeline_mode = #tpu.pipeline_mode<synchronous>, transform_indices = @transform_7, window_bounds = array<i64: 1, 128>}, {pipeline_mode = #tpu.pipeline_mode<synchronous>, transform_indices = @transform_8, window_bounds = array<i64: 1, 128>}, {pipeline_mode = #tpu.pipeline_mode<synchronous>, transform_indices = @transform_9, window_bounds = array<i64: 128, 64>}, {pipeline_mode = #tpu.pipeline_mode<synchronous>, transform_indices = @transform_10, window_bounds = array<i64: 128, 64>}, {pipeline_mode = #tpu.pipeline_mode<synchronous>, transform_indices = @transform_11, window_bounds = array<i64: 128, 64>}, {pipeline_mode = #tpu.pipeline_mode<synchronous>, transform_indices = @transform_12, window_bounds = array<i64: 128, 64>}, {transform_indices = @transform_13, window_bounds = array<i64: 10000, 128>}, {transform_indices = @transform_14, window_bounds = array<i64: 10000, 64>}, {transform_indices = @transform_15, window_bounds = array<i64: 10000, 64>}]} {
    %get3A = arith.constant 0 : index
    %get3A_0 = arith.constant 0 : index
    %get3A_1 = vector.load %arg1[%get3A, %get3A_0] : memref<10000x128xf32, #tpu.memory_space<vmem>>, vector<10000x128xf32>
    %get3A_2 = arith.constant 0 : index
    %get3A_3 = arith.constant 0 : index
    %get3A_4 = vector.load %arg2[%get3A_2, %get3A_3] : memref<128x128xf32, #tpu.memory_space<vmem>>, vector<128x128xf32>
    %dot_general3A = arith.constant dense<0.000000e+00> : vector<10000x128xf32>
    %dot_general3A_5 = tpu.matmul %get3A_1, %get3A_4, %dot_general3A {dimension_numbers = #tpu.dot_dimension_numbers<[1], [0], [0], [1], [0, 0, 1, 1], [], []>, transpose_lhs_hint = false} : vector<10000x128xf32>, vector<128x128xf32>, vector<10000x128xf32> -> vector<10000x128xf32>
    %get3A_6 = arith.constant 0 : index
    %get3A_7 = arith.constant 0 : index
    %get3A_8 = vector.load %arg3[%get3A_6, %get3A_7] : memref<1x128xf32, #tpu.memory_space<vmem>>, vector<1x128xf32>
    %add3A = vector.broadcast %get3A_8 : vector<1x128xf32> to vector<10000x128xf32>
    %add3A_9 = arith.addf %dot_general3A_5, %add3A : vector<10000x128xf32>
    %max3A = arith.constant 0.000000e+00 : f32
    %max3A_10 = vector.broadcast %max3A : f32 to vector<10000x128xf32>
    %max3A_11 = arith.maximumf %add3A_9, %max3A_10 : vector<10000x128xf32>
    %get3A_12 = arith.constant 0 : index
    %get3A_13 = arith.constant 0 : index
    %get3A_14 = vector.load %arg4[%get3A_12, %get3A_13] : memref<128x128xf32, #tpu.memory_space<vmem>>, vector<128x128xf32>
    %dot_general3A_15 = arith.constant dense<0.000000e+00> : vector<10000x128xf32>
    %dot_general3A_16 = tpu.matmul %max3A_11, %get3A_14, %dot_general3A_15 {dimension_numbers = #tpu.dot_dimension_numbers<[1], [0], [0], [1], [0, 0, 1, 1], [], []>, transpose_lhs_hint = false} : vector<10000x128xf32>, vector<128x128xf32>, vector<10000x128xf32> -> vector<10000x128xf32>
    %get3A_17 = arith.constant 0 : index
    %get3A_18 = arith.constant 0 : index
    %get3A_19 = vector.load %arg5[%get3A_17, %get3A_18] : memref<1x128xf32, #tpu.memory_space<vmem>>, vector<1x128xf32>
    %add3A_20 = vector.broadcast %get3A_19 : vector<1x128xf32> to vector<10000x128xf32>
    %add3A_21 = arith.addf %dot_general3A_16, %add3A_20 : vector<10000x128xf32>
    %max3A_22 = arith.constant 0.000000e+00 : f32
    %max3A_23 = vector.broadcast %max3A_22 : f32 to vector<10000x128xf32>
    %max3A_24 = arith.maximumf %add3A_21, %max3A_23 : vector<10000x128xf32>
    %get3A_25 = arith.constant 0 : index
    %get3A_26 = arith.constant 0 : index
    %get3A_27 = vector.load %arg6[%get3A_25, %get3A_26] : memref<128x128xf32, #tpu.memory_space<vmem>>, vector<128x128xf32>
    %dot_general3A_28 = arith.constant dense<0.000000e+00> : vector<10000x128xf32>
    %dot_general3A_29 = tpu.matmul %max3A_24, %get3A_27, %dot_general3A_28 {dimension_numbers = #tpu.dot_dimension_numbers<[1], [0], [0], [1], [0, 0, 1, 1], [], []>, transpose_lhs_hint = false} : vector<10000x128xf32>, vector<128x128xf32>, vector<10000x128xf32> -> vector<10000x128xf32>
    %get3A_30 = arith.constant 0 : index
    %get3A_31 = arith.constant 0 : index
    %get3A_32 = vector.load %arg7[%get3A_30, %get3A_31] : memref<1x128xf32, #tpu.memory_space<vmem>>, vector<1x128xf32>
    %add3A_33 = vector.broadcast %get3A_32 : vector<1x128xf32> to vector<10000x128xf32>
    %add3A_34 = arith.addf %dot_general3A_29, %add3A_33 : vector<10000x128xf32>
    %get3A_35 = arith.constant 0 : index
    %get3A_36 = arith.constant 0 : index
    %get3A_37 = vector.load %arg8[%get3A_35, %get3A_36] : memref<1x128xf32, #tpu.memory_space<vmem>>, vector<1x128xf32>
    %get3A_38 = arith.constant 0 : index
    %get3A_39 = arith.constant 0 : index
    %get3A_40 = vector.load %arg9[%get3A_38, %get3A_39] : memref<1x128xf32, #tpu.memory_space<vmem>>, vector<1x128xf32>
    %reduce_sum3A = arith.constant dense<0.000000e+00> : vector<10000xf32>
    %reduce_sum3A_41 = vector.multi_reduction <add>, %add3A_34, %reduce_sum3A [1] : vector<10000x128xf32> to vector<10000xf32>
    %broadcast_in_dim3A = vector.shape_cast %reduce_sum3A_41 : vector<10000xf32> to vector<10000x1xf32>
    %div3A = arith.constant 1.280000e+02 : f32
    %div3A_42 = vector.broadcast %div3A : f32 to vector<10000x1xf32>
    %div3A_43 = arith.divf %broadcast_in_dim3A, %div3A_42 : vector<10000x1xf32>
    %sub3A = vector.broadcast %div3A_43 : vector<10000x1xf32> to vector<10000x128xf32>
    %sub3A_44 = arith.subf %add3A_34, %sub3A : vector<10000x128xf32>
    %integer_pow3A = arith.mulf %sub3A_44, %sub3A_44 : vector<10000x128xf32>
    %reduce_sum3A_45 = arith.constant dense<0.000000e+00> : vector<10000xf32>
    %reduce_sum3A_46 = vector.multi_reduction <add>, %integer_pow3A, %reduce_sum3A_45 [1] : vector<10000x128xf32> to vector<10000xf32>
    %broadcast_in_dim3A_47 = vector.shape_cast %reduce_sum3A_46 : vector<10000xf32> to vector<10000x1xf32>
    %div3A_48 = arith.constant 1.280000e+02 : f32
    %div3A_49 = vector.broadcast %div3A_48 : f32 to vector<10000x1xf32>
    %div3A_50 = arith.divf %broadcast_in_dim3A_47, %div3A_49 : vector<10000x1xf32>
    %sub3A_51 = vector.broadcast %div3A_43 : vector<10000x1xf32> to vector<10000x128xf32>
    %sub3A_52 = arith.subf %add3A_34, %sub3A_51 : vector<10000x128xf32>
    %add3A_53 = arith.constant 9.99999974E-6 : f32
    %add3A_54 = vector.broadcast %add3A_53 : f32 to vector<10000x1xf32>
    %add3A_55 = arith.addf %div3A_50, %add3A_54 : vector<10000x1xf32>
    %rsqrt3A = math.rsqrt %add3A_55 : vector<10000x1xf32>
    %mul3A = vector.broadcast %rsqrt3A : vector<10000x1xf32> to vector<10000x128xf32>
    %mul3A_56 = arith.mulf %sub3A_52, %mul3A : vector<10000x128xf32>
    %mul3A_57 = vector.broadcast %get3A_37 : vector<1x128xf32> to vector<10000x128xf32>
    %mul3A_58 = arith.mulf %mul3A_56, %mul3A_57 : vector<10000x128xf32>
    %add3A_59 = vector.broadcast %get3A_40 : vector<1x128xf32> to vector<10000x128xf32>
    %add3A_60 = arith.addf %mul3A_58, %add3A_59 : vector<10000x128xf32>
    %swap3A = arith.constant 0 : index
    %swap3A_61 = arith.constant 0 : index
    %swap3A_62 = vector.load %arg14[%swap3A, %swap3A_61] : memref<10000x128xf32, #tpu.memory_space<vmem>>, vector<10000x128xf32>
    tpu.vector_store %arg14[%swap3A, %swap3A_61], %add3A_60 {strides = array<i32>} : memref<10000x128xf32, #tpu.memory_space<vmem>>, vector<10000x128xf32>,
    %get3A_63 = arith.constant 0 : index
    %get3A_64 = arith.constant 0 : index
    %get3A_65 = vector.load %arg10[%get3A_63, %get3A_64] : memref<128x64xf32, #tpu.memory_space<vmem>>, vector<128x64xf32>
    %dot_general3A_66 = arith.constant dense<0.000000e+00> : vector<10000x64xf32>
    %dot_general3A_67 = tpu.matmul %add3A_60, %get3A_65, %dot_general3A_66 {dimension_numbers = #tpu.dot_dimension_numbers<[1], [0], [0], [1], [0, 0, 1, 1], [], []>, transpose_lhs_hint = false} : vector<10000x128xf32>, vector<128x64xf32>, vector<10000x64xf32> -> vector<10000x64xf32>
    %get3A_68 = arith.constant 0 : index
    %get3A_69 = arith.constant 0 : index
    %get3A_70 = vector.load %arg11[%get3A_68, %get3A_69] : memref<128x64xf32, #tpu.memory_space<vmem>>, vector<128x64xf32>
    %dot_general3A_71 = arith.constant dense<0.000000e+00> : vector<10000x64xf32>
    %dot_general3A_72 = tpu.matmul %add3A_60, %get3A_70, %dot_general3A_71 {dimension_numbers = #tpu.dot_dimension_numbers<[1], [0], [0], [1], [0, 0, 1, 1], [], []>, transpose_lhs_hint = false} : vector<10000x128xf32>, vector<128x64xf32>, vector<10000x64xf32> -> vector<10000x64xf32>
    %bitcast_convert_type3A = tpu.bitcast %dot_general3A_67 : vector<10000x64xf32> -> vector<10000x64xi32>
    %bitcast_convert_type3A_73 = tpu.bitcast %dot_general3A_72 : vector<10000x64xf32> -> vector<10000x64xi32>
    %shift_right_logical3A = arith.constant 16 : i32
    %shift_right_logical3A_74 = vector.broadcast %shift_right_logical3A : i32 to vector<10000x64xi32>
    %shift_right_logical3A_75 = arith.shrui %bitcast_convert_type3A, %shift_right_logical3A_74 : vector<10000x64xi32>
    %and3A = arith.constant 1 : i32
    %and3A_76 = vector.broadcast %and3A : i32 to vector<10000x64xi32>
    %and3A_77 = arith.andi %shift_right_logical3A_75, %and3A_76 : vector<10000x64xi32>
    %add3A_78 = arith.addi %bitcast_convert_type3A, %and3A_77 : vector<10000x64xi32>
    %add3A_79 = arith.constant 32767 : i32
    %add3A_80 = vector.broadcast %add3A_79 : i32 to vector<10000x64xi32>
    %add3A_81 = arith.addi %add3A_78, %add3A_80 : vector<10000x64xi32>
    %shift_right_logical3A_82 = arith.constant 16 : i32
    %shift_right_logical3A_83 = vector.broadcast %shift_right_logical3A_82 : i32 to vector<10000x64xi32>
    %shift_right_logical3A_84 = arith.shrui %add3A_81, %shift_right_logical3A_83 : vector<10000x64xi32>
    %shift_right_logical3A_85 = arith.constant 16 : i32
    %shift_right_logical3A_86 = vector.broadcast %shift_right_logical3A_85 : i32 to vector<10000x64xi32>
    %shift_right_logical3A_87 = arith.shrui %bitcast_convert_type3A_73, %shift_right_logical3A_86 : vector<10000x64xi32>
    %and3A_88 = arith.constant 1 : i32
    %and3A_89 = vector.broadcast %and3A_88 : i32 to vector<10000x64xi32>
    %and3A_90 = arith.andi %shift_right_logical3A_87, %and3A_89 : vector<10000x64xi32>
    %add3A_91 = arith.addi %bitcast_convert_type3A_73, %and3A_90 : vector<10000x64xi32>
    %add3A_92 = arith.constant 32767 : i32
    %add3A_93 = vector.broadcast %add3A_92 : i32 to vector<10000x64xi32>
    %add3A_94 = arith.addi %add3A_91, %add3A_93 : vector<10000x64xi32>
    %and3A_95 = arith.constant -65536 : i32
    %and3A_96 = vector.broadcast %and3A_95 : i32 to vector<10000x64xi32>
    %and3A_97 = arith.andi %add3A_94, %and3A_96 : vector<10000x64xi32>
    %or3A = arith.ori %shift_right_logical3A_84, %and3A_97 : vector<10000x64xi32>
    %bitcast_convert_type3A_98 = tpu.bitcast %or3A : vector<10000x64xi32> -> vector<10000x64xf32>
    %swap3A_99 = arith.constant 0 : index
    %swap3A_100 = arith.constant 0 : index
    %swap3A_101 = vector.load %arg15[%swap3A_99, %swap3A_100] : memref<10000x64xf32, #tpu.memory_space<vmem>>, vector<10000x64xf32>
    tpu.vector_store %arg15[%swap3A_99, %swap3A_100], %bitcast_convert_type3A_98 {strides = array<i32>} : memref<10000x64xf32, #tpu.memory_space<vmem>>, vector<10000x64xf32>,
    %get3A_102 = arith.constant 0 : index
    %get3A_103 = arith.constant 0 : index
    %get3A_104 = vector.load %arg12[%get3A_102, %get3A_103] : memref<128x64xf32, #tpu.memory_space<vmem>>, vector<128x64xf32>
    %dot_general3A_105 = arith.constant dense<0.000000e+00> : vector<10000x64xf32>
    %dot_general3A_106 = tpu.matmul %add3A_60, %get3A_104, %dot_general3A_105 {dimension_numbers = #tpu.dot_dimension_numbers<[1], [0], [0], [1], [0, 0, 1, 1], [], []>, transpose_lhs_hint = false} : vector<10000x128xf32>, vector<128x64xf32>, vector<10000x64xf32> -> vector<10000x64xf32>
    %get3A_107 = arith.constant 0 : index
    %get3A_108 = arith.constant 0 : index
    %get3A_109 = vector.load %arg13[%get3A_107, %get3A_108] : memref<128x64xf32, #tpu.memory_space<vmem>>, vector<128x64xf32>
    %dot_general3A_110 = arith.constant dense<0.000000e+00> : vector<10000x64xf32>
    %dot_general3A_111 = tpu.matmul %add3A_60, %get3A_109, %dot_general3A_110 {dimension_numbers = #tpu.dot_dimension_numbers<[1], [0], [0], [1], [0, 0, 1, 1], [], []>, transpose_lhs_hint = false} : vector<10000x128xf32>, vector<128x64xf32>, vector<10000x64xf32> -> vector<10000x64xf32>
    %bitcast_convert_type3A_112 = tpu.bitcast %dot_general3A_106 : vector<10000x64xf32> -> vector<10000x64xi32>
    %bitcast_convert_type3A_113 = tpu.bitcast %dot_general3A_111 : vector<10000x64xf32> -> vector<10000x64xi32>
    %shift_right_logical3A_114 = arith.constant 16 : i32
    %shift_right_logical3A_115 = vector.broadcast %shift_right_logical3A_114 : i32 to vector<10000x64xi32>
    %shift_right_logical3A_116 = arith.shrui %bitcast_convert_type3A_112, %shift_right_logical3A_115 : vector<10000x64xi32>
    %and3A_117 = arith.constant 1 : i32
    %and3A_118 = vector.broadcast %and3A_117 : i32 to vector<10000x64xi32>
    %and3A_119 = arith.andi %shift_right_logical3A_116, %and3A_118 : vector<10000x64xi32>
    %add3A_120 = arith.addi %bitcast_convert_type3A_112, %and3A_119 : vector<10000x64xi32>
    %add3A_121 = arith.constant 32767 : i32
    %add3A_122 = vector.broadcast %add3A_121 : i32 to vector<10000x64xi32>
    %add3A_123 = arith.addi %add3A_120, %add3A_122 : vector<10000x64xi32>
    %shift_right_logical3A_124 = arith.constant 16 : i32
    %shift_right_logical3A_125 = vector.broadcast %shift_right_logical3A_124 : i32 to vector<10000x64xi32>
    %shift_right_logical3A_126 = arith.shrui %add3A_123, %shift_right_logical3A_125 : vector<10000x64xi32>
    %shift_right_logical3A_127 = arith.constant 16 : i32
    %shift_right_logical3A_128 = vector.broadcast %shift_right_logical3A_127 : i32 to vector<10000x64xi32>
    %shift_right_logical3A_129 = arith.shrui %bitcast_convert_type3A_113, %shift_right_logical3A_128 : vector<10000x64xi32>
    %and3A_130 = arith.constant 1 : i32
    %and3A_131 = vector.broadcast %and3A_130 : i32 to vector<10000x64xi32>
    %and3A_132 = arith.andi %shift_right_logical3A_129, %and3A_131 : vector<10000x64xi32>
    %add3A_133 = arith.addi %bitcast_convert_type3A_113, %and3A_132 : vector<10000x64xi32>
    %add3A_134 = arith.constant 32767 : i32
    %add3A_135 = vector.broadcast %add3A_134 : i32 to vector<10000x64xi32>
    %add3A_136 = arith.addi %add3A_133, %add3A_135 : vector<10000x64xi32>
    %and3A_137 = arith.constant -65536 : i32
    %and3A_138 = vector.broadcast %and3A_137 : i32 to vector<10000x64xi32>
    %and3A_139 = arith.andi %add3A_136, %and3A_138 : vector<10000x64xi32>
    %or3A_140 = arith.ori %shift_right_logical3A_126, %and3A_139 : vector<10000x64xi32>
    %bitcast_convert_type3A_141 = tpu.bitcast %or3A_140 : vector<10000x64xi32> -> vector<10000x64xf32>
    %swap3A_142 = arith.constant 0 : index
    %swap3A_143 = arith.constant 0 : index
    %swap3A_144 = vector.load %arg16[%swap3A_142, %swap3A_143] : memref<10000x64xf32, #tpu.memory_space<vmem>>, vector<10000x64xf32>
    tpu.vector_store %arg16[%swap3A_142, %swap3A_143], %bitcast_convert_type3A_141 {strides = array<i32>} : memref<10000x64xf32, #tpu.memory_space<vmem>>, vector<10000x64xf32>,
    return
  }
  func.func @transform_0(%arg0: i32) -> (i32, i32) {
    %c0_i32 = arith.constant 0 : i32
    %c0_i32_0 = arith.constant 0 : i32
    return %arg0, %c0_i32 : i32, i32
  }
  func.func @transform_1(%arg0: i32) -> (i32, i32) {
    %c0_i32 = arith.constant 0 : i32
    %c0_i32_0 = arith.constant 0 : i32
    %c0_i32_1 = arith.constant 0 : i32
    return %c0_i32, %c0_i32_0 : i32, i32
  }
  func.func @transform_2(%arg0: i32) -> (i32, i32) {
    %c0_i32 = arith.constant 0 : i32
    %c0_i32_0 = arith.constant 0 : i32
    %c0_i32_1 = arith.constant 0 : i32
    return %c0_i32, %c0_i32_0 : i32, i32
  }
  func.func @transform_3(%arg0: i32) -> (i32, i32) {
    %c0_i32 = arith.constant 0 : i32
    %c0_i32_0 = arith.constant 0 : i32
    %c0_i32_1 = arith.constant 0 : i32
    return %c0_i32, %c0_i32_0 : i32, i32
  }
  func.func @transform_4(%arg0: i32) -> (i32, i32) {
    %c0_i32 = arith.constant 0 : i32
    %c0_i32_0 = arith.constant 0 : i32
    %c0_i32_1 = arith.constant 0 : i32
    return %c0_i32, %c0_i32_0 : i32, i32
  }
  func.func @transform_5(%arg0: i32) -> (i32, i32) {
    %c0_i32 = arith.constant 0 : i32
    %c0_i32_0 = arith.constant 0 : i32
    %c0_i32_1 = arith.constant 0 : i32
    return %c0_i32, %c0_i32_0 : i32, i32
  }
  func.func @transform_6(%arg0: i32) -> (i32, i32) {
    %c0_i32 = arith.constant 0 : i32
    %c0_i32_0 = arith.constant 0 : i32
    %c0_i32_1 = arith.constant 0 : i32
    return %c0_i32, %c0_i32_0 : i32, i32
  }
  func.func @transform_7(%arg0: i32) -> (i32, i32) {
    %c0_i32 = arith.constant 0 : i32
    %c0_i32_0 = arith.constant 0 : i32
    %c0_i32_1 = arith.constant 0 : i32
    return %c0_i32, %c0_i32_0 : i32, i32
  }
  func.func @transform_8(%arg0: i32) -> (i32, i32) {
    %c0_i32 = arith.constant 0 : i32
    %c0_i32_0 = arith.constant 0 : i32
    %c0_i32_1 = arith.constant 0 : i32
    return %c0_i32, %c0_i32_0 : i32, i32
  }
  func.func @transform_9(%arg0: i32) -> (i32, i32) {
    %c0_i32 = arith.constant 0 : i32
    %c0_i32_0 = arith.constant 0 : i32
    %c0_i32_1 = arith.constant 0 : i32
    return %c0_i32, %c0_i32_0 : i32, i32
  }
  func.func @transform_10(%arg0: i32) -> (i32, i32) {
    %c0_i32 = arith.constant 0 : i32
    %c0_i32_0 = arith.constant 0 : i32
    %c0_i32_1 = arith.constant 0 : i32
    return %c0_i32, %c0_i32_0 : i32, i32
  }
  func.func @transform_11(%arg0: i32) -> (i32, i32) {
    %c0_i32 = arith.constant 0 : i32
    %c0_i32_0 = arith.constant 0 : i32
    %c0_i32_1 = arith.constant 0 : i32
    return %c0_i32, %c0_i32_0 : i32, i32
  }
  func.func @transform_12(%arg0: i32) -> (i32, i32) {
    %c0_i32 = arith.constant 0 : i32
    %c0_i32_0 = arith.constant 0 : i32
    %c0_i32_1 = arith.constant 0 : i32
    return %c0_i32, %c0_i32_0 : i32, i32
  }
  func.func @transform_13(%arg0: i32) -> (i32, i32) {
    %c0_i32 = arith.constant 0 : i32
    %c0_i32_0 = arith.constant 0 : i32
    return %arg0, %c0_i32 : i32, i32
  }
  func.func @transform_14(%arg0: i32) -> (i32, i32) {
    %c0_i32 = arith.constant 0 : i32
    %c0_i32_0 = arith.constant 0 : i32
    return %arg0, %c0_i32 : i32, i32
  }
  func.func @transform_15(%arg0: i32) -> (i32, i32) {
    %c0_i32 = arith.constant 0 : i32
    %c0_i32_0 = arith.constant 0 : i32
    return %arg0, %c0_i32 : i32, i32
  }
}

module attributes {stable_mosaic.version = 14 : i64} {
  func.func @_enc_edge_body(%arg0: i32, %arg1: memref<4000x16xf32, #tpu.memory_space<vmem>>, %arg2: memref<16x128xbf16, #tpu.memory_space<vmem>>, %arg3: memref<1x128xf32, #tpu.memory_space<vmem>>, %arg4: memref<128x128xbf16, #tpu.memory_space<vmem>>, %arg5: memref<1x128xf32, #tpu.memory_space<vmem>>, %arg6: memref<128x128xbf16, #tpu.memory_space<vmem>>, %arg7: memref<1x128xf32, #tpu.memory_space<vmem>>, %arg8: memref<1x128xf32, #tpu.memory_space<vmem>>, %arg9: memref<1x128xf32, #tpu.memory_space<vmem>>, %arg10: memref<4000x128xbf16, #tpu.memory_space<vmem>>) attributes {dimension_semantics = [#tpu.dimension_semantics<arbitrary>], iteration_bounds = array<i64: 40>, scalar_prefetch = 0 : i64, scratch_operands = 0 : i64, tpu.core_type = #tpu.core_type<tc>, window_params = [{transform_indices = @transform_0, window_bounds = array<i64: 4000, 16>}, {pipeline_mode = #tpu.pipeline_mode<synchronous>, transform_indices = @transform_1, window_bounds = array<i64: 16, 128>}, {pipeline_mode = #tpu.pipeline_mode<synchronous>, transform_indices = @transform_2, window_bounds = array<i64: 1, 128>}, {pipeline_mode = #tpu.pipeline_mode<synchronous>, transform_indices = @transform_3, window_bounds = array<i64: 128, 128>}, {pipeline_mode = #tpu.pipeline_mode<synchronous>, transform_indices = @transform_4, window_bounds = array<i64: 1, 128>}, {pipeline_mode = #tpu.pipeline_mode<synchronous>, transform_indices = @transform_5, window_bounds = array<i64: 128, 128>}, {pipeline_mode = #tpu.pipeline_mode<synchronous>, transform_indices = @transform_6, window_bounds = array<i64: 1, 128>}, {pipeline_mode = #tpu.pipeline_mode<synchronous>, transform_indices = @transform_7, window_bounds = array<i64: 1, 128>}, {pipeline_mode = #tpu.pipeline_mode<synchronous>, transform_indices = @transform_8, window_bounds = array<i64: 1, 128>}, {transform_indices = @transform_9, window_bounds = array<i64: 4000, 128>}]} {
    %get3A = arith.constant 0 : index
    %get3A_0 = arith.constant 0 : index
    %get3A_1 = vector.load %arg1[%get3A, %get3A_0] : memref<4000x16xf32, #tpu.memory_space<vmem>>, vector<4000x16xf32>
    %convert_element_type3A = arith.truncf %get3A_1 : vector<4000x16xf32> to vector<4000x16xbf16>
    %get3A_2 = arith.constant 0 : index
    %get3A_3 = arith.constant 0 : index
    %get3A_4 = vector.load %arg2[%get3A_2, %get3A_3] : memref<16x128xbf16, #tpu.memory_space<vmem>>, vector<16x128xbf16>
    %dot_general3A = arith.constant dense<0.000000e+00> : vector<4000x128xf32>
    %dot_general3A_5 = tpu.matmul %convert_element_type3A, %get3A_4, %dot_general3A {dimension_numbers = #tpu.dot_dimension_numbers<[1], [0], [0], [1], [0, 0, 1, 1], [], []>, transpose_lhs_hint = false} : vector<4000x16xbf16>, vector<16x128xbf16>, vector<4000x128xf32> -> vector<4000x128xf32>
    %get3A_6 = arith.constant 0 : index
    %get3A_7 = arith.constant 0 : index
    %get3A_8 = vector.load %arg3[%get3A_6, %get3A_7] : memref<1x128xf32, #tpu.memory_space<vmem>>, vector<1x128xf32>
    %add3A = vector.broadcast %get3A_8 : vector<1x128xf32> to vector<4000x128xf32>
    %add3A_9 = arith.addf %dot_general3A_5, %add3A : vector<4000x128xf32>
    %max3A = arith.constant 0.000000e+00 : f32
    %max3A_10 = vector.broadcast %max3A : f32 to vector<4000x128xf32>
    %max3A_11 = arith.maximumf %add3A_9, %max3A_10 : vector<4000x128xf32>
    %convert_element_type3A_12 = arith.truncf %max3A_11 : vector<4000x128xf32> to vector<4000x128xbf16>
    %get3A_13 = arith.constant 0 : index
    %get3A_14 = arith.constant 0 : index
    %get3A_15 = vector.load %arg4[%get3A_13, %get3A_14] : memref<128x128xbf16, #tpu.memory_space<vmem>>, vector<128x128xbf16>
    %dot_general3A_16 = arith.constant dense<0.000000e+00> : vector<4000x128xf32>
    %dot_general3A_17 = tpu.matmul %convert_element_type3A_12, %get3A_15, %dot_general3A_16 {dimension_numbers = #tpu.dot_dimension_numbers<[1], [0], [0], [1], [0, 0, 1, 1], [], []>, transpose_lhs_hint = false} : vector<4000x128xbf16>, vector<128x128xbf16>, vector<4000x128xf32> -> vector<4000x128xf32>
    %get3A_18 = arith.constant 0 : index
    %get3A_19 = arith.constant 0 : index
    %get3A_20 = vector.load %arg5[%get3A_18, %get3A_19] : memref<1x128xf32, #tpu.memory_space<vmem>>, vector<1x128xf32>
    %add3A_21 = vector.broadcast %get3A_20 : vector<1x128xf32> to vector<4000x128xf32>
    %add3A_22 = arith.addf %dot_general3A_17, %add3A_21 : vector<4000x128xf32>
    %max3A_23 = arith.constant 0.000000e+00 : f32
    %max3A_24 = vector.broadcast %max3A_23 : f32 to vector<4000x128xf32>
    %max3A_25 = arith.maximumf %add3A_22, %max3A_24 : vector<4000x128xf32>
    %convert_element_type3A_26 = arith.truncf %max3A_25 : vector<4000x128xf32> to vector<4000x128xbf16>
    %get3A_27 = arith.constant 0 : index
    %get3A_28 = arith.constant 0 : index
    %get3A_29 = vector.load %arg6[%get3A_27, %get3A_28] : memref<128x128xbf16, #tpu.memory_space<vmem>>, vector<128x128xbf16>
    %dot_general3A_30 = arith.constant dense<0.000000e+00> : vector<4000x128xf32>
    %dot_general3A_31 = tpu.matmul %convert_element_type3A_26, %get3A_29, %dot_general3A_30 {dimension_numbers = #tpu.dot_dimension_numbers<[1], [0], [0], [1], [0, 0, 1, 1], [], []>, transpose_lhs_hint = false} : vector<4000x128xbf16>, vector<128x128xbf16>, vector<4000x128xf32> -> vector<4000x128xf32>
    %get3A_32 = arith.constant 0 : index
    %get3A_33 = arith.constant 0 : index
    %get3A_34 = vector.load %arg7[%get3A_32, %get3A_33] : memref<1x128xf32, #tpu.memory_space<vmem>>, vector<1x128xf32>
    %add3A_35 = vector.broadcast %get3A_34 : vector<1x128xf32> to vector<4000x128xf32>
    %add3A_36 = arith.addf %dot_general3A_31, %add3A_35 : vector<4000x128xf32>
    %get3A_37 = arith.constant 0 : index
    %get3A_38 = arith.constant 0 : index
    %get3A_39 = vector.load %arg8[%get3A_37, %get3A_38] : memref<1x128xf32, #tpu.memory_space<vmem>>, vector<1x128xf32>
    %get3A_40 = arith.constant 0 : index
    %get3A_41 = arith.constant 0 : index
    %get3A_42 = vector.load %arg9[%get3A_40, %get3A_41] : memref<1x128xf32, #tpu.memory_space<vmem>>, vector<1x128xf32>
    %reduce_sum3A = arith.constant dense<0.000000e+00> : vector<4000xf32>
    %reduce_sum3A_43 = vector.multi_reduction <add>, %add3A_36, %reduce_sum3A [1] : vector<4000x128xf32> to vector<4000xf32>
    %broadcast_in_dim3A = vector.shape_cast %reduce_sum3A_43 : vector<4000xf32> to vector<4000x1xf32>
    %div3A = arith.constant 1.280000e+02 : f32
    %div3A_44 = vector.broadcast %div3A : f32 to vector<4000x1xf32>
    %div3A_45 = arith.divf %broadcast_in_dim3A, %div3A_44 : vector<4000x1xf32>
    %sub3A = vector.broadcast %div3A_45 : vector<4000x1xf32> to vector<4000x128xf32>
    %sub3A_46 = arith.subf %add3A_36, %sub3A : vector<4000x128xf32>
    %integer_pow3A = arith.mulf %sub3A_46, %sub3A_46 : vector<4000x128xf32>
    %reduce_sum3A_47 = arith.constant dense<0.000000e+00> : vector<4000xf32>
    %reduce_sum3A_48 = vector.multi_reduction <add>, %integer_pow3A, %reduce_sum3A_47 [1] : vector<4000x128xf32> to vector<4000xf32>
    %broadcast_in_dim3A_49 = vector.shape_cast %reduce_sum3A_48 : vector<4000xf32> to vector<4000x1xf32>
    %div3A_50 = arith.constant 1.280000e+02 : f32
    %div3A_51 = vector.broadcast %div3A_50 : f32 to vector<4000x1xf32>
    %div3A_52 = arith.divf %broadcast_in_dim3A_49, %div3A_51 : vector<4000x1xf32>
    %sub3A_53 = vector.broadcast %div3A_45 : vector<4000x1xf32> to vector<4000x128xf32>
    %sub3A_54 = arith.subf %add3A_36, %sub3A_53 : vector<4000x128xf32>
    %add3A_55 = arith.constant 9.99999974E-6 : f32
    %add3A_56 = vector.broadcast %add3A_55 : f32 to vector<4000x1xf32>
    %add3A_57 = arith.addf %div3A_52, %add3A_56 : vector<4000x1xf32>
    %rsqrt3A = math.rsqrt %add3A_57 : vector<4000x1xf32>
    %mul3A = vector.broadcast %rsqrt3A : vector<4000x1xf32> to vector<4000x128xf32>
    %mul3A_58 = arith.mulf %sub3A_54, %mul3A : vector<4000x128xf32>
    %mul3A_59 = vector.broadcast %get3A_39 : vector<1x128xf32> to vector<4000x128xf32>
    %mul3A_60 = arith.mulf %mul3A_58, %mul3A_59 : vector<4000x128xf32>
    %add3A_61 = vector.broadcast %get3A_42 : vector<1x128xf32> to vector<4000x128xf32>
    %add3A_62 = arith.addf %mul3A_60, %add3A_61 : vector<4000x128xf32>
    %convert_element_type3A_63 = arith.truncf %add3A_62 : vector<4000x128xf32> to vector<4000x128xbf16>
    %swap3A = arith.constant 0 : index
    %swap3A_64 = arith.constant 0 : index
    %swap3A_65 = vector.load %arg10[%swap3A, %swap3A_64] : memref<4000x128xbf16, #tpu.memory_space<vmem>>, vector<4000x128xbf16>
    tpu.vector_store %arg10[%swap3A, %swap3A_64], %convert_element_type3A_63 {strides = array<i32>} : memref<4000x128xbf16, #tpu.memory_space<vmem>>, vector<4000x128xbf16>,
    return
  }
  func.func @transform_0(%arg0: i32) -> (i32, i32) {
    %add3A = arith.constant 0 : i32
    %add3A_0 = arith.addi %arg0, %add3A : i32
    %c0_i32 = arith.constant 0 : i32
    %c0_i32_1 = arith.constant 0 : i32
    return %add3A_0, %c0_i32 : i32, i32
  }
  func.func @transform_1(%arg0: i32) -> (i32, i32) {
    %c0_i32 = arith.constant 0 : i32
    %c0_i32_0 = arith.constant 0 : i32
    %c0_i32_1 = arith.constant 0 : i32
    return %c0_i32, %c0_i32_0 : i32, i32
  }
  func.func @transform_2(%arg0: i32) -> (i32, i32) {
    %c0_i32 = arith.constant 0 : i32
    %c0_i32_0 = arith.constant 0 : i32
    %c0_i32_1 = arith.constant 0 : i32
    return %c0_i32, %c0_i32_0 : i32, i32
  }
  func.func @transform_3(%arg0: i32) -> (i32, i32) {
    %c0_i32 = arith.constant 0 : i32
    %c0_i32_0 = arith.constant 0 : i32
    %c0_i32_1 = arith.constant 0 : i32
    return %c0_i32, %c0_i32_0 : i32, i32
  }
  func.func @transform_4(%arg0: i32) -> (i32, i32) {
    %c0_i32 = arith.constant 0 : i32
    %c0_i32_0 = arith.constant 0 : i32
    %c0_i32_1 = arith.constant 0 : i32
    return %c0_i32, %c0_i32_0 : i32, i32
  }
  func.func @transform_5(%arg0: i32) -> (i32, i32) {
    %c0_i32 = arith.constant 0 : i32
    %c0_i32_0 = arith.constant 0 : i32
    %c0_i32_1 = arith.constant 0 : i32
    return %c0_i32, %c0_i32_0 : i32, i32
  }
  func.func @transform_6(%arg0: i32) -> (i32, i32) {
    %c0_i32 = arith.constant 0 : i32
    %c0_i32_0 = arith.constant 0 : i32
    %c0_i32_1 = arith.constant 0 : i32
    return %c0_i32, %c0_i32_0 : i32, i32
  }
  func.func @transform_7(%arg0: i32) -> (i32, i32) {
    %c0_i32 = arith.constant 0 : i32
    %c0_i32_0 = arith.constant 0 : i32
    %c0_i32_1 = arith.constant 0 : i32
    return %c0_i32, %c0_i32_0 : i32, i32
  }
  func.func @transform_8(%arg0: i32) -> (i32, i32) {
    %c0_i32 = arith.constant 0 : i32
    %c0_i32_0 = arith.constant 0 : i32
    %c0_i32_1 = arith.constant 0 : i32
    return %c0_i32, %c0_i32_0 : i32, i32
  }
  func.func @transform_9(%arg0: i32) -> (i32, i32) {
    %c0_i32 = arith.constant 0 : i32
    %c0_i32_0 = arith.constant 0 : i32
    return %arg0, %c0_i32 : i32, i32
  }
}

module attributes {stable_mosaic.version = 14 : i64} {
  func.func @_edge_mlp_body(%arg0: i32, %arg1: memref<4000x128xbf16, #tpu.memory_space<vmem>>, %arg2: memref<4000x128xf32, #tpu.memory_space<vmem>>, %arg3: memref<128x128xbf16, #tpu.memory_space<vmem>>, %arg4: memref<128x128xbf16, #tpu.memory_space<vmem>>, %arg5: memref<128x128xbf16, #tpu.memory_space<vmem>>, %arg6: memref<1x128xf32, #tpu.memory_space<vmem>>, %arg7: memref<128x128xbf16, #tpu.memory_space<vmem>>, %arg8: memref<1x128xf32, #tpu.memory_space<vmem>>, %arg9: memref<128x128xbf16, #tpu.memory_space<vmem>>, %arg10: memref<1x128xf32, #tpu.memory_space<vmem>>, %arg11: memref<1x128xf32, #tpu.memory_space<vmem>>, %arg12: memref<1x128xf32, #tpu.memory_space<vmem>>, %arg13: memref<4000x128xf32, #tpu.memory_space<vmem>>, %arg14: memref<4000x128xbf16, #tpu.memory_space<vmem>>) attributes {dimension_semantics = [#tpu.dimension_semantics<arbitrary>], iteration_bounds = array<i64: 40>, scalar_prefetch = 0 : i64, scratch_operands = 0 : i64, tpu.core_type = #tpu.core_type<tc>, window_params = [{transform_indices = @transform_0, window_bounds = array<i64: 4000, 128>}, {transform_indices = @transform_1, window_bounds = array<i64: 4000, 128>}, {pipeline_mode = #tpu.pipeline_mode<synchronous>, transform_indices = @transform_2, window_bounds = array<i64: 128, 128>}, {pipeline_mode = #tpu.pipeline_mode<synchronous>, transform_indices = @transform_3, window_bounds = array<i64: 128, 128>}, {pipeline_mode = #tpu.pipeline_mode<synchronous>, transform_indices = @transform_4, window_bounds = array<i64: 128, 128>}, {pipeline_mode = #tpu.pipeline_mode<synchronous>, transform_indices = @transform_5, window_bounds = array<i64: 1, 128>}, {pipeline_mode = #tpu.pipeline_mode<synchronous>, transform_indices = @transform_6, window_bounds = array<i64: 128, 128>}, {pipeline_mode = #tpu.pipeline_mode<synchronous>, transform_indices = @transform_7, window_bounds = array<i64: 1, 128>}, {pipeline_mode = #tpu.pipeline_mode<synchronous>, transform_indices = @transform_8, window_bounds = array<i64: 128, 128>}, {pipeline_mode = #tpu.pipeline_mode<synchronous>, transform_indices = @transform_9, window_bounds = array<i64: 1, 128>}, {pipeline_mode = #tpu.pipeline_mode<synchronous>, transform_indices = @transform_10, window_bounds = array<i64: 1, 128>}, {pipeline_mode = #tpu.pipeline_mode<synchronous>, transform_indices = @transform_11, window_bounds = array<i64: 1, 128>}, {transform_indices = @transform_12, window_bounds = array<i64: 4000, 128>}, {transform_indices = @transform_13, window_bounds = array<i64: 4000, 128>}]} {
    %get3A = arith.constant 0 : index
    %get3A_0 = arith.constant 0 : index
    %get3A_1 = vector.load %arg2[%get3A, %get3A_0] : memref<4000x128xf32, #tpu.memory_space<vmem>>, vector<4000x128xf32>
    %bitcast_convert_type3A = tpu.bitcast %get3A_1 : vector<4000x128xf32> -> vector<4000x128xi32>
    %shift_left3A = arith.constant 16 : i32
    %shift_left3A_2 = vector.broadcast %shift_left3A : i32 to vector<4000x128xi32>
    %shift_left3A_3 = arith.shli %bitcast_convert_type3A, %shift_left3A_2 : vector<4000x128xi32>
    %bitcast_convert_type3A_4 = tpu.bitcast %shift_left3A_3 : vector<4000x128xi32> -> vector<4000x128xf32>
    %convert_element_type3A = arith.truncf %bitcast_convert_type3A_4 : vector<4000x128xf32> to vector<4000x128xbf16>
    %and3A = arith.constant -65536 : i32
    %and3A_5 = vector.broadcast %and3A : i32 to vector<4000x128xi32>
    %and3A_6 = arith.andi %bitcast_convert_type3A, %and3A_5 : vector<4000x128xi32>
    %bitcast_convert_type3A_7 = tpu.bitcast %and3A_6 : vector<4000x128xi32> -> vector<4000x128xf32>
    %convert_element_type3A_8 = arith.truncf %bitcast_convert_type3A_7 : vector<4000x128xf32> to vector<4000x128xbf16>
    %get3A_9 = arith.constant 0 : index
    %get3A_10 = arith.constant 0 : index
    %get3A_11 = vector.load %arg1[%get3A_9, %get3A_10] : memref<4000x128xbf16, #tpu.memory_space<vmem>>, vector<4000x128xbf16>
    %get3A_12 = arith.constant 0 : index
    %get3A_13 = arith.constant 0 : index
    %get3A_14 = vector.load %arg3[%get3A_12, %get3A_13] : memref<128x128xbf16, #tpu.memory_space<vmem>>, vector<128x128xbf16>
    %dot_general3A = arith.constant dense<0.000000e+00> : vector<4000x128xf32>
    %dot_general3A_15 = tpu.matmul %get3A_11, %get3A_14, %dot_general3A {dimension_numbers = #tpu.dot_dimension_numbers<[1], [0], [0], [1], [0, 0, 1, 1], [], []>, transpose_lhs_hint = false} : vector<4000x128xbf16>, vector<128x128xbf16>, vector<4000x128xf32> -> vector<4000x128xf32>
    %get3A_16 = arith.constant 0 : index
    %get3A_17 = arith.constant 0 : index
    %get3A_18 = vector.load %arg4[%get3A_16, %get3A_17] : memref<128x128xbf16, #tpu.memory_space<vmem>>, vector<128x128xbf16>
    %dot_general3A_19 = arith.constant dense<0.000000e+00> : vector<4000x128xf32>
    %dot_general3A_20 = tpu.matmul %convert_element_type3A, %get3A_18, %dot_general3A_19 {dimension_numbers = #tpu.dot_dimension_numbers<[1], [0], [0], [1], [0, 0, 1, 1], [], []>, transpose_lhs_hint = false} : vector<4000x128xbf16>, vector<128x128xbf16>, vector<4000x128xf32> -> vector<4000x128xf32>
    %add3A = arith.addf %dot_general3A_15, %dot_general3A_20 : vector<4000x128xf32>
    %get3A_21 = arith.constant 0 : index
    %get3A_22 = arith.constant 0 : index
    %get3A_23 = vector.load %arg5[%get3A_21, %get3A_22] : memref<128x128xbf16, #tpu.memory_space<vmem>>, vector<128x128xbf16>
    %dot_general3A_24 = arith.constant dense<0.000000e+00> : vector<4000x128xf32>
    %dot_general3A_25 = tpu.matmul %convert_element_type3A_8, %get3A_23, %dot_general3A_24 {dimension_numbers = #tpu.dot_dimension_numbers<[1], [0], [0], [1], [0, 0, 1, 1], [], []>, transpose_lhs_hint = false} : vector<4000x128xbf16>, vector<128x128xbf16>, vector<4000x128xf32> -> vector<4000x128xf32>
    %add3A_26 = arith.addf %add3A, %dot_general3A_25 : vector<4000x128xf32>
    %get3A_27 = arith.constant 0 : index
    %get3A_28 = arith.constant 0 : index
    %get3A_29 = vector.load %arg6[%get3A_27, %get3A_28] : memref<1x128xf32, #tpu.memory_space<vmem>>, vector<1x128xf32>
    %add3A_30 = vector.broadcast %get3A_29 : vector<1x128xf32> to vector<4000x128xf32>
    %add3A_31 = arith.addf %add3A_26, %add3A_30 : vector<4000x128xf32>
    %max3A = arith.constant 0.000000e+00 : f32
    %max3A_32 = vector.broadcast %max3A : f32 to vector<4000x128xf32>
    %max3A_33 = arith.maximumf %add3A_31, %max3A_32 : vector<4000x128xf32>
    %convert_element_type3A_34 = arith.truncf %max3A_33 : vector<4000x128xf32> to vector<4000x128xbf16>
    %get3A_35 = arith.constant 0 : index
    %get3A_36 = arith.constant 0 : index
    %get3A_37 = vector.load %arg7[%get3A_35, %get3A_36] : memref<128x128xbf16, #tpu.memory_space<vmem>>, vector<128x128xbf16>
    %dot_general3A_38 = arith.constant dense<0.000000e+00> : vector<4000x128xf32>
    %dot_general3A_39 = tpu.matmul %convert_element_type3A_34, %get3A_37, %dot_general3A_38 {dimension_numbers = #tpu.dot_dimension_numbers<[1], [0], [0], [1], [0, 0, 1, 1], [], []>, transpose_lhs_hint = false} : vector<4000x128xbf16>, vector<128x128xbf16>, vector<4000x128xf32> -> vector<4000x128xf32>
    %get3A_40 = arith.constant 0 : index
    %get3A_41 = arith.constant 0 : index
    %get3A_42 = vector.load %arg8[%get3A_40, %get3A_41] : memref<1x128xf32, #tpu.memory_space<vmem>>, vector<1x128xf32>
    %add3A_43 = vector.broadcast %get3A_42 : vector<1x128xf32> to vector<4000x128xf32>
    %add3A_44 = arith.addf %dot_general3A_39, %add3A_43 : vector<4000x128xf32>
    %max3A_45 = arith.constant 0.000000e+00 : f32
    %max3A_46 = vector.broadcast %max3A_45 : f32 to vector<4000x128xf32>
    %max3A_47 = arith.maximumf %add3A_44, %max3A_46 : vector<4000x128xf32>
    %convert_element_type3A_48 = arith.truncf %max3A_47 : vector<4000x128xf32> to vector<4000x128xbf16>
    %get3A_49 = arith.constant 0 : index
    %get3A_50 = arith.constant 0 : index
    %get3A_51 = vector.load %arg9[%get3A_49, %get3A_50] : memref<128x128xbf16, #tpu.memory_space<vmem>>, vector<128x128xbf16>
    %dot_general3A_52 = arith.constant dense<0.000000e+00> : vector<4000x128xf32>
    %dot_general3A_53 = tpu.matmul %convert_element_type3A_48, %get3A_51, %dot_general3A_52 {dimension_numbers = #tpu.dot_dimension_numbers<[1], [0], [0], [1], [0, 0, 1, 1], [], []>, transpose_lhs_hint = false} : vector<4000x128xbf16>, vector<128x128xbf16>, vector<4000x128xf32> -> vector<4000x128xf32>
    %get3A_54 = arith.constant 0 : index
    %get3A_55 = arith.constant 0 : index
    %get3A_56 = vector.load %arg10[%get3A_54, %get3A_55] : memref<1x128xf32, #tpu.memory_space<vmem>>, vector<1x128xf32>
    %add3A_57 = vector.broadcast %get3A_56 : vector<1x128xf32> to vector<4000x128xf32>
    %add3A_58 = arith.addf %dot_general3A_53, %add3A_57 : vector<4000x128xf32>
    %get3A_59 = arith.constant 0 : index
    %get3A_60 = arith.constant 0 : index
    %get3A_61 = vector.load %arg11[%get3A_59, %get3A_60] : memref<1x128xf32, #tpu.memory_space<vmem>>, vector<1x128xf32>
    %get3A_62 = arith.constant 0 : index
    %get3A_63 = arith.constant 0 : index
    %get3A_64 = vector.load %arg12[%get3A_62, %get3A_63] : memref<1x128xf32, #tpu.memory_space<vmem>>, vector<1x128xf32>
    %reduce_sum3A = arith.constant dense<0.000000e+00> : vector<4000xf32>
    %reduce_sum3A_65 = vector.multi_reduction <add>, %add3A_58, %reduce_sum3A [1] : vector<4000x128xf32> to vector<4000xf32>
    %broadcast_in_dim3A = vector.shape_cast %reduce_sum3A_65 : vector<4000xf32> to vector<4000x1xf32>
    %div3A = arith.constant 1.280000e+02 : f32
    %div3A_66 = vector.broadcast %div3A : f32 to vector<4000x1xf32>
    %div3A_67 = arith.divf %broadcast_in_dim3A, %div3A_66 : vector<4000x1xf32>
    %sub3A = vector.broadcast %div3A_67 : vector<4000x1xf32> to vector<4000x128xf32>
    %sub3A_68 = arith.subf %add3A_58, %sub3A : vector<4000x128xf32>
    %integer_pow3A = arith.mulf %sub3A_68, %sub3A_68 : vector<4000x128xf32>
    %reduce_sum3A_69 = arith.constant dense<0.000000e+00> : vector<4000xf32>
    %reduce_sum3A_70 = vector.multi_reduction <add>, %integer_pow3A, %reduce_sum3A_69 [1] : vector<4000x128xf32> to vector<4000xf32>
    %broadcast_in_dim3A_71 = vector.shape_cast %reduce_sum3A_70 : vector<4000xf32> to vector<4000x1xf32>
    %div3A_72 = arith.constant 1.280000e+02 : f32
    %div3A_73 = vector.broadcast %div3A_72 : f32 to vector<4000x1xf32>
    %div3A_74 = arith.divf %broadcast_in_dim3A_71, %div3A_73 : vector<4000x1xf32>
    %sub3A_75 = vector.broadcast %div3A_67 : vector<4000x1xf32> to vector<4000x128xf32>
    %sub3A_76 = arith.subf %add3A_58, %sub3A_75 : vector<4000x128xf32>
    %add3A_77 = arith.constant 9.99999974E-6 : f32
    %add3A_78 = vector.broadcast %add3A_77 : f32 to vector<4000x1xf32>
    %add3A_79 = arith.addf %div3A_74, %add3A_78 : vector<4000x1xf32>
    %rsqrt3A = math.rsqrt %add3A_79 : vector<4000x1xf32>
    %mul3A = vector.broadcast %rsqrt3A : vector<4000x1xf32> to vector<4000x128xf32>
    %mul3A_80 = arith.mulf %sub3A_76, %mul3A : vector<4000x128xf32>
    %mul3A_81 = vector.broadcast %get3A_61 : vector<1x128xf32> to vector<4000x128xf32>
    %mul3A_82 = arith.mulf %mul3A_80, %mul3A_81 : vector<4000x128xf32>
    %add3A_83 = vector.broadcast %get3A_64 : vector<1x128xf32> to vector<4000x128xf32>
    %add3A_84 = arith.addf %mul3A_82, %add3A_83 : vector<4000x128xf32>
    %swap3A = arith.constant 0 : index
    %swap3A_85 = arith.constant 0 : index
    %swap3A_86 = vector.load %arg13[%swap3A, %swap3A_85] : memref<4000x128xf32, #tpu.memory_space<vmem>>, vector<4000x128xf32>
    tpu.vector_store %arg13[%swap3A, %swap3A_85], %add3A_84 {strides = array<i32>} : memref<4000x128xf32, #tpu.memory_space<vmem>>, vector<4000x128xf32>,
    %get3A_87 = arith.constant 0 : index
    %get3A_88 = arith.constant 0 : index
    %get3A_89 = vector.load %arg1[%get3A_87, %get3A_88] : memref<4000x128xbf16, #tpu.memory_space<vmem>>, vector<4000x128xbf16>
    %convert_element_type3A_90 = arith.extf %get3A_89 : vector<4000x128xbf16> to vector<4000x128xf32>
    %add3A_91 = arith.addf %convert_element_type3A_90, %add3A_84 : vector<4000x128xf32>
    %convert_element_type3A_92 = arith.truncf %add3A_91 : vector<4000x128xf32> to vector<4000x128xbf16>
    %swap3A_93 = arith.constant 0 : index
    %swap3A_94 = arith.constant 0 : index
    %swap3A_95 = vector.load %arg14[%swap3A_93, %swap3A_94] : memref<4000x128xbf16, #tpu.memory_space<vmem>>, vector<4000x128xbf16>
    tpu.vector_store %arg14[%swap3A_93, %swap3A_94], %convert_element_type3A_92 {strides = array<i32>} : memref<4000x128xbf16, #tpu.memory_space<vmem>>, vector<4000x128xbf16>,
    return
  }
  func.func @transform_0(%arg0: i32) -> (i32, i32) {
    %c0_i32 = arith.constant 0 : i32
    %c0_i32_0 = arith.constant 0 : i32
    return %arg0, %c0_i32 : i32, i32
  }
  func.func @transform_1(%arg0: i32) -> (i32, i32) {
    %c0_i32 = arith.constant 0 : i32
    %c0_i32_0 = arith.constant 0 : i32
    return %arg0, %c0_i32 : i32, i32
  }
  func.func @transform_2(%arg0: i32) -> (i32, i32) {
    %c0_i32 = arith.constant 0 : i32
    %c0_i32_0 = arith.constant 0 : i32
    %c0_i32_1 = arith.constant 0 : i32
    return %c0_i32, %c0_i32_0 : i32, i32
  }
  func.func @transform_3(%arg0: i32) -> (i32, i32) {
    %c0_i32 = arith.constant 0 : i32
    %c0_i32_0 = arith.constant 0 : i32
    %c0_i32_1 = arith.constant 0 : i32
    return %c0_i32, %c0_i32_0 : i32, i32
  }
  func.func @transform_4(%arg0: i32) -> (i32, i32) {
    %c0_i32 = arith.constant 0 : i32
    %c0_i32_0 = arith.constant 0 : i32
    %c0_i32_1 = arith.constant 0 : i32
    return %c0_i32, %c0_i32_0 : i32, i32
  }
  func.func @transform_5(%arg0: i32) -> (i32, i32) {
    %c0_i32 = arith.constant 0 : i32
    %c0_i32_0 = arith.constant 0 : i32
    %c0_i32_1 = arith.constant 0 : i32
    return %c0_i32, %c0_i32_0 : i32, i32
  }
  func.func @transform_6(%arg0: i32) -> (i32, i32) {
    %c0_i32 = arith.constant 0 : i32
    %c0_i32_0 = arith.constant 0 : i32
    %c0_i32_1 = arith.constant 0 : i32
    return %c0_i32, %c0_i32_0 : i32, i32
  }
  func.func @transform_7(%arg0: i32) -> (i32, i32) {
    %c0_i32 = arith.constant 0 : i32
    %c0_i32_0 = arith.constant 0 : i32
    %c0_i32_1 = arith.constant 0 : i32
    return %c0_i32, %c0_i32_0 : i32, i32
  }
  func.func @transform_8(%arg0: i32) -> (i32, i32) {
    %c0_i32 = arith.constant 0 : i32
    %c0_i32_0 = arith.constant 0 : i32
    %c0_i32_1 = arith.constant 0 : i32
    return %c0_i32, %c0_i32_0 : i32, i32
  }
  func.func @transform_9(%arg0: i32) -> (i32, i32) {
    %c0_i32 = arith.constant 0 : i32
    %c0_i32_0 = arith.constant 0 : i32
    %c0_i32_1 = arith.constant 0 : i32
    return %c0_i32, %c0_i32_0 : i32, i32
  }
  func.func @transform_10(%arg0: i32) -> (i32, i32) {
    %c0_i32 = arith.constant 0 : i32
    %c0_i32_0 = arith.constant 0 : i32
    %c0_i32_1 = arith.constant 0 : i32
    return %c0_i32, %c0_i32_0 : i32, i32
  }
  func.func @transform_11(%arg0: i32) -> (i32, i32) {
    %c0_i32 = arith.constant 0 : i32
    %c0_i32_0 = arith.constant 0 : i32
    %c0_i32_1 = arith.constant 0 : i32
    return %c0_i32, %c0_i32_0 : i32, i32
  }
  func.func @transform_12(%arg0: i32) -> (i32, i32) {
    %c0_i32 = arith.constant 0 : i32
    %c0_i32_0 = arith.constant 0 : i32
    return %arg0, %c0_i32 : i32, i32
  }
  func.func @transform_13(%arg0: i32) -> (i32, i32) {
    %c0_i32 = arith.constant 0 : i32
    %c0_i32_0 = arith.constant 0 : i32
    return %arg0, %c0_i32 : i32, i32
  }
}

module attributes {stable_mosaic.version = 14 : i64} {
  func.func @_enc_edge_body(%arg0: i32, %arg1: memref<4000x16xf32, #tpu.memory_space<vmem>>, %arg2: memref<16x128xbf16, #tpu.memory_space<vmem>>, %arg3: memref<1x128xf32, #tpu.memory_space<vmem>>, %arg4: memref<128x128xbf16, #tpu.memory_space<vmem>>, %arg5: memref<1x128xf32, #tpu.memory_space<vmem>>, %arg6: memref<128x128xbf16, #tpu.memory_space<vmem>>, %arg7: memref<1x128xf32, #tpu.memory_space<vmem>>, %arg8: memref<1x128xf32, #tpu.memory_space<vmem>>, %arg9: memref<1x128xf32, #tpu.memory_space<vmem>>, %arg10: memref<4000x128xbf16, #tpu.memory_space<vmem>>) attributes {dimension_semantics = [#tpu.dimension_semantics<arbitrary>], iteration_bounds = array<i64: 40>, scalar_prefetch = 0 : i64, scratch_operands = 0 : i64, tpu.core_type = #tpu.core_type<tc>, window_params = [{transform_indices = @transform_0, window_bounds = array<i64: 4000, 16>}, {pipeline_mode = #tpu.pipeline_mode<synchronous>, transform_indices = @transform_1, window_bounds = array<i64: 16, 128>}, {pipeline_mode = #tpu.pipeline_mode<synchronous>, transform_indices = @transform_2, window_bounds = array<i64: 1, 128>}, {pipeline_mode = #tpu.pipeline_mode<synchronous>, transform_indices = @transform_3, window_bounds = array<i64: 128, 128>}, {pipeline_mode = #tpu.pipeline_mode<synchronous>, transform_indices = @transform_4, window_bounds = array<i64: 1, 128>}, {pipeline_mode = #tpu.pipeline_mode<synchronous>, transform_indices = @transform_5, window_bounds = array<i64: 128, 128>}, {pipeline_mode = #tpu.pipeline_mode<synchronous>, transform_indices = @transform_6, window_bounds = array<i64: 1, 128>}, {pipeline_mode = #tpu.pipeline_mode<synchronous>, transform_indices = @transform_7, window_bounds = array<i64: 1, 128>}, {pipeline_mode = #tpu.pipeline_mode<synchronous>, transform_indices = @transform_8, window_bounds = array<i64: 1, 128>}, {transform_indices = @transform_9, window_bounds = array<i64: 4000, 128>}]} {
    %get3A = arith.constant 0 : index
    %get3A_0 = arith.constant 0 : index
    %get3A_1 = vector.load %arg1[%get3A, %get3A_0] : memref<4000x16xf32, #tpu.memory_space<vmem>>, vector<4000x16xf32>
    %convert_element_type3A = arith.truncf %get3A_1 : vector<4000x16xf32> to vector<4000x16xbf16>
    %get3A_2 = arith.constant 0 : index
    %get3A_3 = arith.constant 0 : index
    %get3A_4 = vector.load %arg2[%get3A_2, %get3A_3] : memref<16x128xbf16, #tpu.memory_space<vmem>>, vector<16x128xbf16>
    %dot_general3A = arith.constant dense<0.000000e+00> : vector<4000x128xf32>
    %dot_general3A_5 = tpu.matmul %convert_element_type3A, %get3A_4, %dot_general3A {dimension_numbers = #tpu.dot_dimension_numbers<[1], [0], [0], [1], [0, 0, 1, 1], [], []>, transpose_lhs_hint = false} : vector<4000x16xbf16>, vector<16x128xbf16>, vector<4000x128xf32> -> vector<4000x128xf32>
    %get3A_6 = arith.constant 0 : index
    %get3A_7 = arith.constant 0 : index
    %get3A_8 = vector.load %arg3[%get3A_6, %get3A_7] : memref<1x128xf32, #tpu.memory_space<vmem>>, vector<1x128xf32>
    %add3A = vector.broadcast %get3A_8 : vector<1x128xf32> to vector<4000x128xf32>
    %add3A_9 = arith.addf %dot_general3A_5, %add3A : vector<4000x128xf32>
    %max3A = arith.constant 0.000000e+00 : f32
    %max3A_10 = vector.broadcast %max3A : f32 to vector<4000x128xf32>
    %max3A_11 = arith.maximumf %add3A_9, %max3A_10 : vector<4000x128xf32>
    %convert_element_type3A_12 = arith.truncf %max3A_11 : vector<4000x128xf32> to vector<4000x128xbf16>
    %get3A_13 = arith.constant 0 : index
    %get3A_14 = arith.constant 0 : index
    %get3A_15 = vector.load %arg4[%get3A_13, %get3A_14] : memref<128x128xbf16, #tpu.memory_space<vmem>>, vector<128x128xbf16>
    %dot_general3A_16 = arith.constant dense<0.000000e+00> : vector<4000x128xf32>
    %dot_general3A_17 = tpu.matmul %convert_element_type3A_12, %get3A_15, %dot_general3A_16 {dimension_numbers = #tpu.dot_dimension_numbers<[1], [0], [0], [1], [0, 0, 1, 1], [], []>, transpose_lhs_hint = false} : vector<4000x128xbf16>, vector<128x128xbf16>, vector<4000x128xf32> -> vector<4000x128xf32>
    %get3A_18 = arith.constant 0 : index
    %get3A_19 = arith.constant 0 : index
    %get3A_20 = vector.load %arg5[%get3A_18, %get3A_19] : memref<1x128xf32, #tpu.memory_space<vmem>>, vector<1x128xf32>
    %add3A_21 = vector.broadcast %get3A_20 : vector<1x128xf32> to vector<4000x128xf32>
    %add3A_22 = arith.addf %dot_general3A_17, %add3A_21 : vector<4000x128xf32>
    %max3A_23 = arith.constant 0.000000e+00 : f32
    %max3A_24 = vector.broadcast %max3A_23 : f32 to vector<4000x128xf32>
    %max3A_25 = arith.maximumf %add3A_22, %max3A_24 : vector<4000x128xf32>
    %convert_element_type3A_26 = arith.truncf %max3A_25 : vector<4000x128xf32> to vector<4000x128xbf16>
    %get3A_27 = arith.constant 0 : index
    %get3A_28 = arith.constant 0 : index
    %get3A_29 = vector.load %arg6[%get3A_27, %get3A_28] : memref<128x128xbf16, #tpu.memory_space<vmem>>, vector<128x128xbf16>
    %dot_general3A_30 = arith.constant dense<0.000000e+00> : vector<4000x128xf32>
    %dot_general3A_31 = tpu.matmul %convert_element_type3A_26, %get3A_29, %dot_general3A_30 {dimension_numbers = #tpu.dot_dimension_numbers<[1], [0], [0], [1], [0, 0, 1, 1], [], []>, transpose_lhs_hint = false} : vector<4000x128xbf16>, vector<128x128xbf16>, vector<4000x128xf32> -> vector<4000x128xf32>
    %get3A_32 = arith.constant 0 : index
    %get3A_33 = arith.constant 0 : index
    %get3A_34 = vector.load %arg7[%get3A_32, %get3A_33] : memref<1x128xf32, #tpu.memory_space<vmem>>, vector<1x128xf32>
    %add3A_35 = vector.broadcast %get3A_34 : vector<1x128xf32> to vector<4000x128xf32>
    %add3A_36 = arith.addf %dot_general3A_31, %add3A_35 : vector<4000x128xf32>
    %get3A_37 = arith.constant 0 : index
    %get3A_38 = arith.constant 0 : index
    %get3A_39 = vector.load %arg8[%get3A_37, %get3A_38] : memref<1x128xf32, #tpu.memory_space<vmem>>, vector<1x128xf32>
    %get3A_40 = arith.constant 0 : index
    %get3A_41 = arith.constant 0 : index
    %get3A_42 = vector.load %arg9[%get3A_40, %get3A_41] : memref<1x128xf32, #tpu.memory_space<vmem>>, vector<1x128xf32>
    %reduce_sum3A = arith.constant dense<0.000000e+00> : vector<4000xf32>
    %reduce_sum3A_43 = vector.multi_reduction <add>, %add3A_36, %reduce_sum3A [1] : vector<4000x128xf32> to vector<4000xf32>
    %broadcast_in_dim3A = vector.shape_cast %reduce_sum3A_43 : vector<4000xf32> to vector<4000x1xf32>
    %div3A = arith.constant 1.280000e+02 : f32
    %div3A_44 = vector.broadcast %div3A : f32 to vector<4000x1xf32>
    %div3A_45 = arith.divf %broadcast_in_dim3A, %div3A_44 : vector<4000x1xf32>
    %sub3A = vector.broadcast %div3A_45 : vector<4000x1xf32> to vector<4000x128xf32>
    %sub3A_46 = arith.subf %add3A_36, %sub3A : vector<4000x128xf32>
    %integer_pow3A = arith.mulf %sub3A_46, %sub3A_46 : vector<4000x128xf32>
    %reduce_sum3A_47 = arith.constant dense<0.000000e+00> : vector<4000xf32>
    %reduce_sum3A_48 = vector.multi_reduction <add>, %integer_pow3A, %reduce_sum3A_47 [1] : vector<4000x128xf32> to vector<4000xf32>
    %broadcast_in_dim3A_49 = vector.shape_cast %reduce_sum3A_48 : vector<4000xf32> to vector<4000x1xf32>
    %div3A_50 = arith.constant 1.280000e+02 : f32
    %div3A_51 = vector.broadcast %div3A_50 : f32 to vector<4000x1xf32>
    %div3A_52 = arith.divf %broadcast_in_dim3A_49, %div3A_51 : vector<4000x1xf32>
    %sub3A_53 = vector.broadcast %div3A_45 : vector<4000x1xf32> to vector<4000x128xf32>
    %sub3A_54 = arith.subf %add3A_36, %sub3A_53 : vector<4000x128xf32>
    %add3A_55 = arith.constant 9.99999974E-6 : f32
    %add3A_56 = vector.broadcast %add3A_55 : f32 to vector<4000x1xf32>
    %add3A_57 = arith.addf %div3A_52, %add3A_56 : vector<4000x1xf32>
    %rsqrt3A = math.rsqrt %add3A_57 : vector<4000x1xf32>
    %mul3A = vector.broadcast %rsqrt3A : vector<4000x1xf32> to vector<4000x128xf32>
    %mul3A_58 = arith.mulf %sub3A_54, %mul3A : vector<4000x128xf32>
    %mul3A_59 = vector.broadcast %get3A_39 : vector<1x128xf32> to vector<4000x128xf32>
    %mul3A_60 = arith.mulf %mul3A_58, %mul3A_59 : vector<4000x128xf32>
    %add3A_61 = vector.broadcast %get3A_42 : vector<1x128xf32> to vector<4000x128xf32>
    %add3A_62 = arith.addf %mul3A_60, %add3A_61 : vector<4000x128xf32>
    %convert_element_type3A_63 = arith.truncf %add3A_62 : vector<4000x128xf32> to vector<4000x128xbf16>
    %swap3A = arith.constant 0 : index
    %swap3A_64 = arith.constant 0 : index
    %swap3A_65 = vector.load %arg10[%swap3A, %swap3A_64] : memref<4000x128xbf16, #tpu.memory_space<vmem>>, vector<4000x128xbf16>
    tpu.vector_store %arg10[%swap3A, %swap3A_64], %convert_element_type3A_63 {strides = array<i32>} : memref<4000x128xbf16, #tpu.memory_space<vmem>>, vector<4000x128xbf16>,
    return
  }
  func.func @transform_0(%arg0: i32) -> (i32, i32) {
    %add3A = arith.constant 40 : i32
    %add3A_0 = arith.addi %arg0, %add3A : i32
    %c0_i32 = arith.constant 0 : i32
    %c0_i32_1 = arith.constant 0 : i32
    return %add3A_0, %c0_i32 : i32, i32
  }
  func.func @transform_1(%arg0: i32) -> (i32, i32) {
    %c0_i32 = arith.constant 0 : i32
    %c0_i32_0 = arith.constant 0 : i32
    %c0_i32_1 = arith.constant 0 : i32
    return %c0_i32, %c0_i32_0 : i32, i32
  }
  func.func @transform_2(%arg0: i32) -> (i32, i32) {
    %c0_i32 = arith.constant 0 : i32
    %c0_i32_0 = arith.constant 0 : i32
    %c0_i32_1 = arith.constant 0 : i32
    return %c0_i32, %c0_i32_0 : i32, i32
  }
  func.func @transform_3(%arg0: i32) -> (i32, i32) {
    %c0_i32 = arith.constant 0 : i32
    %c0_i32_0 = arith.constant 0 : i32
    %c0_i32_1 = arith.constant 0 : i32
    return %c0_i32, %c0_i32_0 : i32, i32
  }
  func.func @transform_4(%arg0: i32) -> (i32, i32) {
    %c0_i32 = arith.constant 0 : i32
    %c0_i32_0 = arith.constant 0 : i32
    %c0_i32_1 = arith.constant 0 : i32
    return %c0_i32, %c0_i32_0 : i32, i32
  }
  func.func @transform_5(%arg0: i32) -> (i32, i32) {
    %c0_i32 = arith.constant 0 : i32
    %c0_i32_0 = arith.constant 0 : i32
    %c0_i32_1 = arith.constant 0 : i32
    return %c0_i32, %c0_i32_0 : i32, i32
  }
  func.func @transform_6(%arg0: i32) -> (i32, i32) {
    %c0_i32 = arith.constant 0 : i32
    %c0_i32_0 = arith.constant 0 : i32
    %c0_i32_1 = arith.constant 0 : i32
    return %c0_i32, %c0_i32_0 : i32, i32
  }
  func.func @transform_7(%arg0: i32) -> (i32, i32) {
    %c0_i32 = arith.constant 0 : i32
    %c0_i32_0 = arith.constant 0 : i32
    %c0_i32_1 = arith.constant 0 : i32
    return %c0_i32, %c0_i32_0 : i32, i32
  }
  func.func @transform_8(%arg0: i32) -> (i32, i32) {
    %c0_i32 = arith.constant 0 : i32
    %c0_i32_0 = arith.constant 0 : i32
    %c0_i32_1 = arith.constant 0 : i32
    return %c0_i32, %c0_i32_0 : i32, i32
  }
  func.func @transform_9(%arg0: i32) -> (i32, i32) {
    %c0_i32 = arith.constant 0 : i32
    %c0_i32_0 = arith.constant 0 : i32
    return %arg0, %c0_i32 : i32, i32
  }
}

module attributes {stable_mosaic.version = 14 : i64} {
  func.func @_node_mlp_body(%arg0: i32, %arg1: memref<10000x128xf32, #tpu.memory_space<vmem>>, %arg2: memref<10000x128xf32, #tpu.memory_space<vmem>>, %arg3: memref<10000x128xf32, #tpu.memory_space<vmem>>, %arg4: memref<128x128xf32, #tpu.memory_space<vmem>>, %arg5: memref<128x128xf32, #tpu.memory_space<vmem>>, %arg6: memref<1x128xf32, #tpu.memory_space<vmem>>, %arg7: memref<128x128xf32, #tpu.memory_space<vmem>>, %arg8: memref<1x128xf32, #tpu.memory_space<vmem>>, %arg9: memref<128x128xf32, #tpu.memory_space<vmem>>, %arg10: memref<1x128xf32, #tpu.memory_space<vmem>>, %arg11: memref<1x128xf32, #tpu.memory_space<vmem>>, %arg12: memref<1x128xf32, #tpu.memory_space<vmem>>, %arg13: memref<128x64xf32, #tpu.memory_space<vmem>>, %arg14: memref<128x64xf32, #tpu.memory_space<vmem>>, %arg15: memref<128x64xf32, #tpu.memory_space<vmem>>, %arg16: memref<128x64xf32, #tpu.memory_space<vmem>>, %arg17: memref<10000x128xf32, #tpu.memory_space<vmem>>, %arg18: memref<10000x64xf32, #tpu.memory_space<vmem>>, %arg19: memref<10000x64xf32, #tpu.memory_space<vmem>>) attributes {dimension_semantics = [#tpu.dimension_semantics<arbitrary>], iteration_bounds = array<i64: 1>, scalar_prefetch = 0 : i64, scratch_operands = 0 : i64, tpu.core_type = #tpu.core_type<tc>, window_params = [{transform_indices = @transform_0, window_bounds = array<i64: 10000, 128>}, {transform_indices = @transform_1, window_bounds = array<i64: 10000, 128>}, {transform_indices = @transform_2, window_bounds = array<i64: 10000, 128>}, {pipeline_mode = #tpu.pipeline_mode<synchronous>, transform_indices = @transform_3, window_bounds = array<i64: 128, 128>}, {pipeline_mode = #tpu.pipeline_mode<synchronous>, transform_indices = @transform_4, window_bounds = array<i64: 128, 128>}, {pipeline_mode = #tpu.pipeline_mode<synchronous>, transform_indices = @transform_5, window_bounds = array<i64: 1, 128>}, {pipeline_mode = #tpu.pipeline_mode<synchronous>, transform_indices = @transform_6, window_bounds = array<i64: 128, 128>}, {pipeline_mode = #tpu.pipeline_mode<synchronous>, transform_indices = @transform_7, window_bounds = array<i64: 1, 128>}, {pipeline_mode = #tpu.pipeline_mode<synchronous>, transform_indices = @transform_8, window_bounds = array<i64: 128, 128>}, {pipeline_mode = #tpu.pipeline_mode<synchronous>, transform_indices = @transform_9, window_bounds = array<i64: 1, 128>}, {pipeline_mode = #tpu.pipeline_mode<synchronous>, transform_indices = @transform_10, window_bounds = array<i64: 1, 128>}, {pipeline_mode = #tpu.pipeline_mode<synchronous>, transform_indices = @transform_11, window_bounds = array<i64: 1, 128>}, {pipeline_mode = #tpu.pipeline_mode<synchronous>, transform_indices = @transform_12, window_bounds = array<i64: 128, 64>}, {pipeline_mode = #tpu.pipeline_mode<synchronous>, transform_indices = @transform_13, window_bounds = array<i64: 128, 64>}, {pipeline_mode = #tpu.pipeline_mode<synchronous>, transform_indices = @transform_14, window_bounds = array<i64: 128, 64>}, {pipeline_mode = #tpu.pipeline_mode<synchronous>, transform_indices = @transform_15, window_bounds = array<i64: 128, 64>}, {transform_indices = @transform_16, window_bounds = array<i64: 10000, 128>}, {transform_indices = @transform_17, window_bounds = array<i64: 10000, 64>}, {transform_indices = @transform_18, window_bounds = array<i64: 10000, 64>}]} {
    %get3A = arith.constant 0 : index
    %get3A_0 = arith.constant 0 : index
    %get3A_1 = vector.load %arg2[%get3A, %get3A_0] : memref<10000x128xf32, #tpu.memory_space<vmem>>, vector<10000x128xf32>
    %get3A_2 = arith.constant 0 : index
    %get3A_3 = arith.constant 0 : index
    %get3A_4 = vector.load %arg3[%get3A_2, %get3A_3] : memref<10000x128xf32, #tpu.memory_space<vmem>>, vector<10000x128xf32>
    %add3A = arith.addf %get3A_1, %get3A_4 : vector<10000x128xf32>
    %get3A_5 = arith.constant 0 : index
    %get3A_6 = arith.constant 0 : index
    %get3A_7 = vector.load %arg1[%get3A_5, %get3A_6] : memref<10000x128xf32, #tpu.memory_space<vmem>>, vector<10000x128xf32>
    %get3A_8 = arith.constant 0 : index
    %get3A_9 = arith.constant 0 : index
    %get3A_10 = vector.load %arg4[%get3A_8, %get3A_9] : memref<128x128xf32, #tpu.memory_space<vmem>>, vector<128x128xf32>
    %dot_general3A = arith.constant dense<0.000000e+00> : vector<10000x128xf32>
    %dot_general3A_11 = tpu.matmul %get3A_7, %get3A_10, %dot_general3A {dimension_numbers = #tpu.dot_dimension_numbers<[1], [0], [0], [1], [0, 0, 1, 1], [], []>, transpose_lhs_hint = false} : vector<10000x128xf32>, vector<128x128xf32>, vector<10000x128xf32> -> vector<10000x128xf32>
    %get3A_12 = arith.constant 0 : index
    %get3A_13 = arith.constant 0 : index
    %get3A_14 = vector.load %arg5[%get3A_12, %get3A_13] : memref<128x128xf32, #tpu.memory_space<vmem>>, vector<128x128xf32>
    %dot_general3A_15 = arith.constant dense<0.000000e+00> : vector<10000x128xf32>
    %dot_general3A_16 = tpu.matmul %add3A, %get3A_14, %dot_general3A_15 {dimension_numbers = #tpu.dot_dimension_numbers<[1], [0], [0], [1], [0, 0, 1, 1], [], []>, transpose_lhs_hint = false} : vector<10000x128xf32>, vector<128x128xf32>, vector<10000x128xf32> -> vector<10000x128xf32>
    %add3A_17 = arith.addf %dot_general3A_11, %dot_general3A_16 : vector<10000x128xf32>
    %get3A_18 = arith.constant 0 : index
    %get3A_19 = arith.constant 0 : index
    %get3A_20 = vector.load %arg6[%get3A_18, %get3A_19] : memref<1x128xf32, #tpu.memory_space<vmem>>, vector<1x128xf32>
    %add3A_21 = vector.broadcast %get3A_20 : vector<1x128xf32> to vector<10000x128xf32>
    %add3A_22 = arith.addf %add3A_17, %add3A_21 : vector<10000x128xf32>
    %max3A = arith.constant 0.000000e+00 : f32
    %max3A_23 = vector.broadcast %max3A : f32 to vector<10000x128xf32>
    %max3A_24 = arith.maximumf %add3A_22, %max3A_23 : vector<10000x128xf32>
    %get3A_25 = arith.constant 0 : index
    %get3A_26 = arith.constant 0 : index
    %get3A_27 = vector.load %arg7[%get3A_25, %get3A_26] : memref<128x128xf32, #tpu.memory_space<vmem>>, vector<128x128xf32>
    %dot_general3A_28 = arith.constant dense<0.000000e+00> : vector<10000x128xf32>
    %dot_general3A_29 = tpu.matmul %max3A_24, %get3A_27, %dot_general3A_28 {dimension_numbers = #tpu.dot_dimension_numbers<[1], [0], [0], [1], [0, 0, 1, 1], [], []>, transpose_lhs_hint = false} : vector<10000x128xf32>, vector<128x128xf32>, vector<10000x128xf32> -> vector<10000x128xf32>
    %get3A_30 = arith.constant 0 : index
    %get3A_31 = arith.constant 0 : index
    %get3A_32 = vector.load %arg8[%get3A_30, %get3A_31] : memref<1x128xf32, #tpu.memory_space<vmem>>, vector<1x128xf32>
    %add3A_33 = vector.broadcast %get3A_32 : vector<1x128xf32> to vector<10000x128xf32>
    %add3A_34 = arith.addf %dot_general3A_29, %add3A_33 : vector<10000x128xf32>
    %max3A_35 = arith.constant 0.000000e+00 : f32
    %max3A_36 = vector.broadcast %max3A_35 : f32 to vector<10000x128xf32>
    %max3A_37 = arith.maximumf %add3A_34, %max3A_36 : vector<10000x128xf32>
    %get3A_38 = arith.constant 0 : index
    %get3A_39 = arith.constant 0 : index
    %get3A_40 = vector.load %arg9[%get3A_38, %get3A_39] : memref<128x128xf32, #tpu.memory_space<vmem>>, vector<128x128xf32>
    %dot_general3A_41 = arith.constant dense<0.000000e+00> : vector<10000x128xf32>
    %dot_general3A_42 = tpu.matmul %max3A_37, %get3A_40, %dot_general3A_41 {dimension_numbers = #tpu.dot_dimension_numbers<[1], [0], [0], [1], [0, 0, 1, 1], [], []>, transpose_lhs_hint = false} : vector<10000x128xf32>, vector<128x128xf32>, vector<10000x128xf32> -> vector<10000x128xf32>
    %get3A_43 = arith.constant 0 : index
    %get3A_44 = arith.constant 0 : index
    %get3A_45 = vector.load %arg10[%get3A_43, %get3A_44] : memref<1x128xf32, #tpu.memory_space<vmem>>, vector<1x128xf32>
    %add3A_46 = vector.broadcast %get3A_45 : vector<1x128xf32> to vector<10000x128xf32>
    %add3A_47 = arith.addf %dot_general3A_42, %add3A_46 : vector<10000x128xf32>
    %get3A_48 = arith.constant 0 : index
    %get3A_49 = arith.constant 0 : index
    %get3A_50 = vector.load %arg1[%get3A_48, %get3A_49] : memref<10000x128xf32, #tpu.memory_space<vmem>>, vector<10000x128xf32>
    %get3A_51 = arith.constant 0 : index
    %get3A_52 = arith.constant 0 : index
    %get3A_53 = vector.load %arg11[%get3A_51, %get3A_52] : memref<1x128xf32, #tpu.memory_space<vmem>>, vector<1x128xf32>
    %get3A_54 = arith.constant 0 : index
    %get3A_55 = arith.constant 0 : index
    %get3A_56 = vector.load %arg12[%get3A_54, %get3A_55] : memref<1x128xf32, #tpu.memory_space<vmem>>, vector<1x128xf32>
    %reduce_sum3A = arith.constant dense<0.000000e+00> : vector<10000xf32>
    %reduce_sum3A_57 = vector.multi_reduction <add>, %add3A_47, %reduce_sum3A [1] : vector<10000x128xf32> to vector<10000xf32>
    %broadcast_in_dim3A = vector.shape_cast %reduce_sum3A_57 : vector<10000xf32> to vector<10000x1xf32>
    %div3A = arith.constant 1.280000e+02 : f32
    %div3A_58 = vector.broadcast %div3A : f32 to vector<10000x1xf32>
    %div3A_59 = arith.divf %broadcast_in_dim3A, %div3A_58 : vector<10000x1xf32>
    %sub3A = vector.broadcast %div3A_59 : vector<10000x1xf32> to vector<10000x128xf32>
    %sub3A_60 = arith.subf %add3A_47, %sub3A : vector<10000x128xf32>
    %integer_pow3A = arith.mulf %sub3A_60, %sub3A_60 : vector<10000x128xf32>
    %reduce_sum3A_61 = arith.constant dense<0.000000e+00> : vector<10000xf32>
    %reduce_sum3A_62 = vector.multi_reduction <add>, %integer_pow3A, %reduce_sum3A_61 [1] : vector<10000x128xf32> to vector<10000xf32>
    %broadcast_in_dim3A_63 = vector.shape_cast %reduce_sum3A_62 : vector<10000xf32> to vector<10000x1xf32>
    %div3A_64 = arith.constant 1.280000e+02 : f32
    %div3A_65 = vector.broadcast %div3A_64 : f32 to vector<10000x1xf32>
    %div3A_66 = arith.divf %broadcast_in_dim3A_63, %div3A_65 : vector<10000x1xf32>
    %sub3A_67 = vector.broadcast %div3A_59 : vector<10000x1xf32> to vector<10000x128xf32>
    %sub3A_68 = arith.subf %add3A_47, %sub3A_67 : vector<10000x128xf32>
    %add3A_69 = arith.constant 9.99999974E-6 : f32
    %add3A_70 = vector.broadcast %add3A_69 : f32 to vector<10000x1xf32>
    %add3A_71 = arith.addf %div3A_66, %add3A_70 : vector<10000x1xf32>
    %rsqrt3A = math.rsqrt %add3A_71 : vector<10000x1xf32>
    %mul3A = vector.broadcast %rsqrt3A : vector<10000x1xf32> to vector<10000x128xf32>
    %mul3A_72 = arith.mulf %sub3A_68, %mul3A : vector<10000x128xf32>
    %mul3A_73 = vector.broadcast %get3A_53 : vector<1x128xf32> to vector<10000x128xf32>
    %mul3A_74 = arith.mulf %mul3A_72, %mul3A_73 : vector<10000x128xf32>
    %add3A_75 = vector.broadcast %get3A_56 : vector<1x128xf32> to vector<10000x128xf32>
    %add3A_76 = arith.addf %mul3A_74, %add3A_75 : vector<10000x128xf32>
    %add3A_77 = arith.addf %get3A_50, %add3A_76 : vector<10000x128xf32>
    %swap3A = arith.constant 0 : index
    %swap3A_78 = arith.constant 0 : index
    %swap3A_79 = vector.load %arg17[%swap3A, %swap3A_78] : memref<10000x128xf32, #tpu.memory_space<vmem>>, vector<10000x128xf32>
    tpu.vector_store %arg17[%swap3A, %swap3A_78], %add3A_77 {strides = array<i32>} : memref<10000x128xf32, #tpu.memory_space<vmem>>, vector<10000x128xf32>,
    %get3A_80 = arith.constant 0 : index
    %get3A_81 = arith.constant 0 : index
    %get3A_82 = vector.load %arg13[%get3A_80, %get3A_81] : memref<128x64xf32, #tpu.memory_space<vmem>>, vector<128x64xf32>
    %dot_general3A_83 = arith.constant dense<0.000000e+00> : vector<10000x64xf32>
    %dot_general3A_84 = tpu.matmul %add3A_77, %get3A_82, %dot_general3A_83 {dimension_numbers = #tpu.dot_dimension_numbers<[1], [0], [0], [1], [0, 0, 1, 1], [], []>, transpose_lhs_hint = false} : vector<10000x128xf32>, vector<128x64xf32>, vector<10000x64xf32> -> vector<10000x64xf32>
    %get3A_85 = arith.constant 0 : index
    %get3A_86 = arith.constant 0 : index
    %get3A_87 = vector.load %arg14[%get3A_85, %get3A_86] : memref<128x64xf32, #tpu.memory_space<vmem>>, vector<128x64xf32>
    %dot_general3A_88 = arith.constant dense<0.000000e+00> : vector<10000x64xf32>
    %dot_general3A_89 = tpu.matmul %add3A_77, %get3A_87, %dot_general3A_88 {dimension_numbers = #tpu.dot_dimension_numbers<[1], [0], [0], [1], [0, 0, 1, 1], [], []>, transpose_lhs_hint = false} : vector<10000x128xf32>, vector<128x64xf32>, vector<10000x64xf32> -> vector<10000x64xf32>
    %bitcast_convert_type3A = tpu.bitcast %dot_general3A_84 : vector<10000x64xf32> -> vector<10000x64xi32>
    %bitcast_convert_type3A_90 = tpu.bitcast %dot_general3A_89 : vector<10000x64xf32> -> vector<10000x64xi32>
    %shift_right_logical3A = arith.constant 16 : i32
    %shift_right_logical3A_91 = vector.broadcast %shift_right_logical3A : i32 to vector<10000x64xi32>
    %shift_right_logical3A_92 = arith.shrui %bitcast_convert_type3A, %shift_right_logical3A_91 : vector<10000x64xi32>
    %and3A = arith.constant 1 : i32
    %and3A_93 = vector.broadcast %and3A : i32 to vector<10000x64xi32>
    %and3A_94 = arith.andi %shift_right_logical3A_92, %and3A_93 : vector<10000x64xi32>
    %add3A_95 = arith.addi %bitcast_convert_type3A, %and3A_94 : vector<10000x64xi32>
    %add3A_96 = arith.constant 32767 : i32
    %add3A_97 = vector.broadcast %add3A_96 : i32 to vector<10000x64xi32>
    %add3A_98 = arith.addi %add3A_95, %add3A_97 : vector<10000x64xi32>
    %shift_right_logical3A_99 = arith.constant 16 : i32
    %shift_right_logical3A_100 = vector.broadcast %shift_right_logical3A_99 : i32 to vector<10000x64xi32>
    %shift_right_logical3A_101 = arith.shrui %add3A_98, %shift_right_logical3A_100 : vector<10000x64xi32>
    %shift_right_logical3A_102 = arith.constant 16 : i32
    %shift_right_logical3A_103 = vector.broadcast %shift_right_logical3A_102 : i32 to vector<10000x64xi32>
    %shift_right_logical3A_104 = arith.shrui %bitcast_convert_type3A_90, %shift_right_logical3A_103 : vector<10000x64xi32>
    %and3A_105 = arith.constant 1 : i32
    %and3A_106 = vector.broadcast %and3A_105 : i32 to vector<10000x64xi32>
    %and3A_107 = arith.andi %shift_right_logical3A_104, %and3A_106 : vector<10000x64xi32>
    %add3A_108 = arith.addi %bitcast_convert_type3A_90, %and3A_107 : vector<10000x64xi32>
    %add3A_109 = arith.constant 32767 : i32
    %add3A_110 = vector.broadcast %add3A_109 : i32 to vector<10000x64xi32>
    %add3A_111 = arith.addi %add3A_108, %add3A_110 : vector<10000x64xi32>
    %and3A_112 = arith.constant -65536 : i32
    %and3A_113 = vector.broadcast %and3A_112 : i32 to vector<10000x64xi32>
    %and3A_114 = arith.andi %add3A_111, %and3A_113 : vector<10000x64xi32>
    %or3A = arith.ori %shift_right_logical3A_101, %and3A_114 : vector<10000x64xi32>
    %bitcast_convert_type3A_115 = tpu.bitcast %or3A : vector<10000x64xi32> -> vector<10000x64xf32>
    %swap3A_116 = arith.constant 0 : index
    %swap3A_117 = arith.constant 0 : index
    %swap3A_118 = vector.load %arg18[%swap3A_116, %swap3A_117] : memref<10000x64xf32, #tpu.memory_space<vmem>>, vector<10000x64xf32>
    tpu.vector_store %arg18[%swap3A_116, %swap3A_117], %bitcast_convert_type3A_115 {strides = array<i32>} : memref<10000x64xf32, #tpu.memory_space<vmem>>, vector<10000x64xf32>,
    %get3A_119 = arith.constant 0 : index
    %get3A_120 = arith.constant 0 : index
    %get3A_121 = vector.load %arg15[%get3A_119, %get3A_120] : memref<128x64xf32, #tpu.memory_space<vmem>>, vector<128x64xf32>
    %dot_general3A_122 = arith.constant dense<0.000000e+00> : vector<10000x64xf32>
    %dot_general3A_123 = tpu.matmul %add3A_77, %get3A_121, %dot_general3A_122 {dimension_numbers = #tpu.dot_dimension_numbers<[1], [0], [0], [1], [0, 0, 1, 1], [], []>, transpose_lhs_hint = false} : vector<10000x128xf32>, vector<128x64xf32>, vector<10000x64xf32> -> vector<10000x64xf32>
    %get3A_124 = arith.constant 0 : index
    %get3A_125 = arith.constant 0 : index
    %get3A_126 = vector.load %arg16[%get3A_124, %get3A_125] : memref<128x64xf32, #tpu.memory_space<vmem>>, vector<128x64xf32>
    %dot_general3A_127 = arith.constant dense<0.000000e+00> : vector<10000x64xf32>
    %dot_general3A_128 = tpu.matmul %add3A_77, %get3A_126, %dot_general3A_127 {dimension_numbers = #tpu.dot_dimension_numbers<[1], [0], [0], [1], [0, 0, 1, 1], [], []>, transpose_lhs_hint = false} : vector<10000x128xf32>, vector<128x64xf32>, vector<10000x64xf32> -> vector<10000x64xf32>
    %bitcast_convert_type3A_129 = tpu.bitcast %dot_general3A_123 : vector<10000x64xf32> -> vector<10000x64xi32>
    %bitcast_convert_type3A_130 = tpu.bitcast %dot_general3A_128 : vector<10000x64xf32> -> vector<10000x64xi32>
    %shift_right_logical3A_131 = arith.constant 16 : i32
    %shift_right_logical3A_132 = vector.broadcast %shift_right_logical3A_131 : i32 to vector<10000x64xi32>
    %shift_right_logical3A_133 = arith.shrui %bitcast_convert_type3A_129, %shift_right_logical3A_132 : vector<10000x64xi32>
    %and3A_134 = arith.constant 1 : i32
    %and3A_135 = vector.broadcast %and3A_134 : i32 to vector<10000x64xi32>
    %and3A_136 = arith.andi %shift_right_logical3A_133, %and3A_135 : vector<10000x64xi32>
    %add3A_137 = arith.addi %bitcast_convert_type3A_129, %and3A_136 : vector<10000x64xi32>
    %add3A_138 = arith.constant 32767 : i32
    %add3A_139 = vector.broadcast %add3A_138 : i32 to vector<10000x64xi32>
    %add3A_140 = arith.addi %add3A_137, %add3A_139 : vector<10000x64xi32>
    %shift_right_logical3A_141 = arith.constant 16 : i32
    %shift_right_logical3A_142 = vector.broadcast %shift_right_logical3A_141 : i32 to vector<10000x64xi32>
    %shift_right_logical3A_143 = arith.shrui %add3A_140, %shift_right_logical3A_142 : vector<10000x64xi32>
    %shift_right_logical3A_144 = arith.constant 16 : i32
    %shift_right_logical3A_145 = vector.broadcast %shift_right_logical3A_144 : i32 to vector<10000x64xi32>
    %shift_right_logical3A_146 = arith.shrui %bitcast_convert_type3A_130, %shift_right_logical3A_145 : vector<10000x64xi32>
    %and3A_147 = arith.constant 1 : i32
    %and3A_148 = vector.broadcast %and3A_147 : i32 to vector<10000x64xi32>
    %and3A_149 = arith.andi %shift_right_logical3A_146, %and3A_148 : vector<10000x64xi32>
    %add3A_150 = arith.addi %bitcast_convert_type3A_130, %and3A_149 : vector<10000x64xi32>
    %add3A_151 = arith.constant 32767 : i32
    %add3A_152 = vector.broadcast %add3A_151 : i32 to vector<10000x64xi32>
    %add3A_153 = arith.addi %add3A_150, %add3A_152 : vector<10000x64xi32>
    %and3A_154 = arith.constant -65536 : i32
    %and3A_155 = vector.broadcast %and3A_154 : i32 to vector<10000x64xi32>
    %and3A_156 = arith.andi %add3A_153, %and3A_155 : vector<10000x64xi32>
    %or3A_157 = arith.ori %shift_right_logical3A_143, %and3A_156 : vector<10000x64xi32>
    %bitcast_convert_type3A_158 = tpu.bitcast %or3A_157 : vector<10000x64xi32> -> vector<10000x64xf32>
    %swap3A_159 = arith.constant 0 : index
    %swap3A_160 = arith.constant 0 : index
    %swap3A_161 = vector.load %arg19[%swap3A_159, %swap3A_160] : memref<10000x64xf32, #tpu.memory_space<vmem>>, vector<10000x64xf32>
    tpu.vector_store %arg19[%swap3A_159, %swap3A_160], %bitcast_convert_type3A_158 {strides = array<i32>} : memref<10000x64xf32, #tpu.memory_space<vmem>>, vector<10000x64xf32>,
    return
  }
  func.func @transform_0(%arg0: i32) -> (i32, i32) {
    %c0_i32 = arith.constant 0 : i32
    %c0_i32_0 = arith.constant 0 : i32
    return %arg0, %c0_i32 : i32, i32
  }
  func.func @transform_1(%arg0: i32) -> (i32, i32) {
    %c0_i32 = arith.constant 0 : i32
    %c0_i32_0 = arith.constant 0 : i32
    return %arg0, %c0_i32 : i32, i32
  }
  func.func @transform_2(%arg0: i32) -> (i32, i32) {
    %c0_i32 = arith.constant 0 : i32
    %c0_i32_0 = arith.constant 0 : i32
    return %arg0, %c0_i32 : i32, i32
  }
  func.func @transform_3(%arg0: i32) -> (i32, i32) {
    %c0_i32 = arith.constant 0 : i32
    %c0_i32_0 = arith.constant 0 : i32
    %c0_i32_1 = arith.constant 0 : i32
    return %c0_i32, %c0_i32_0 : i32, i32
  }
  func.func @transform_4(%arg0: i32) -> (i32, i32) {
    %c0_i32 = arith.constant 0 : i32
    %c0_i32_0 = arith.constant 0 : i32
    %c0_i32_1 = arith.constant 0 : i32
    return %c0_i32, %c0_i32_0 : i32, i32
  }
  func.func @transform_5(%arg0: i32) -> (i32, i32) {
    %c0_i32 = arith.constant 0 : i32
    %c0_i32_0 = arith.constant 0 : i32
    %c0_i32_1 = arith.constant 0 : i32
    return %c0_i32, %c0_i32_0 : i32, i32
  }
  func.func @transform_6(%arg0: i32) -> (i32, i32) {
    %c0_i32 = arith.constant 0 : i32
    %c0_i32_0 = arith.constant 0 : i32
    %c0_i32_1 = arith.constant 0 : i32
    return %c0_i32, %c0_i32_0 : i32, i32
  }
  func.func @transform_7(%arg0: i32) -> (i32, i32) {
    %c0_i32 = arith.constant 0 : i32
    %c0_i32_0 = arith.constant 0 : i32
    %c0_i32_1 = arith.constant 0 : i32
    return %c0_i32, %c0_i32_0 : i32, i32
  }
  func.func @transform_8(%arg0: i32) -> (i32, i32) {
    %c0_i32 = arith.constant 0 : i32
    %c0_i32_0 = arith.constant 0 : i32
    %c0_i32_1 = arith.constant 0 : i32
    return %c0_i32, %c0_i32_0 : i32, i32
  }
  func.func @transform_9(%arg0: i32) -> (i32, i32) {
    %c0_i32 = arith.constant 0 : i32
    %c0_i32_0 = arith.constant 0 : i32
    %c0_i32_1 = arith.constant 0 : i32
    return %c0_i32, %c0_i32_0 : i32, i32
  }
  func.func @transform_10(%arg0: i32) -> (i32, i32) {
    %c0_i32 = arith.constant 0 : i32
    %c0_i32_0 = arith.constant 0 : i32
    %c0_i32_1 = arith.constant 0 : i32
    return %c0_i32, %c0_i32_0 : i32, i32
  }
  func.func @transform_11(%arg0: i32) -> (i32, i32) {
    %c0_i32 = arith.constant 0 : i32
    %c0_i32_0 = arith.constant 0 : i32
    %c0_i32_1 = arith.constant 0 : i32
    return %c0_i32, %c0_i32_0 : i32, i32
  }
  func.func @transform_12(%arg0: i32) -> (i32, i32) {
    %c0_i32 = arith.constant 0 : i32
    %c0_i32_0 = arith.constant 0 : i32
    %c0_i32_1 = arith.constant 0 : i32
    return %c0_i32, %c0_i32_0 : i32, i32
  }
  func.func @transform_13(%arg0: i32) -> (i32, i32) {
    %c0_i32 = arith.constant 0 : i32
    %c0_i32_0 = arith.constant 0 : i32
    %c0_i32_1 = arith.constant 0 : i32
    return %c0_i32, %c0_i32_0 : i32, i32
  }
  func.func @transform_14(%arg0: i32) -> (i32, i32) {
    %c0_i32 = arith.constant 0 : i32
    %c0_i32_0 = arith.constant 0 : i32
    %c0_i32_1 = arith.constant 0 : i32
    return %c0_i32, %c0_i32_0 : i32, i32
  }
  func.func @transform_15(%arg0: i32) -> (i32, i32) {
    %c0_i32 = arith.constant 0 : i32
    %c0_i32_0 = arith.constant 0 : i32
    %c0_i32_1 = arith.constant 0 : i32
    return %c0_i32, %c0_i32_0 : i32, i32
  }
  func.func @transform_16(%arg0: i32) -> (i32, i32) {
    %c0_i32 = arith.constant 0 : i32
    %c0_i32_0 = arith.constant 0 : i32
    return %arg0, %c0_i32 : i32, i32
  }
  func.func @transform_17(%arg0: i32) -> (i32, i32) {
    %c0_i32 = arith.constant 0 : i32
    %c0_i32_0 = arith.constant 0 : i32
    return %arg0, %c0_i32 : i32, i32
  }
  func.func @transform_18(%arg0: i32) -> (i32, i32) {
    %c0_i32 = arith.constant 0 : i32
    %c0_i32_0 = arith.constant 0 : i32
    return %arg0, %c0_i32 : i32, i32
  }
}

module attributes {stable_mosaic.version = 14 : i64} {
  func.func @_edge_mlp_body(%arg0: i32, %arg1: memref<4000x128xbf16, #tpu.memory_space<vmem>>, %arg2: memref<4000x128xf32, #tpu.memory_space<vmem>>, %arg3: memref<128x128xbf16, #tpu.memory_space<vmem>>, %arg4: memref<128x128xbf16, #tpu.memory_space<vmem>>, %arg5: memref<128x128xbf16, #tpu.memory_space<vmem>>, %arg6: memref<1x128xf32, #tpu.memory_space<vmem>>, %arg7: memref<128x128xbf16, #tpu.memory_space<vmem>>, %arg8: memref<1x128xf32, #tpu.memory_space<vmem>>, %arg9: memref<128x128xbf16, #tpu.memory_space<vmem>>, %arg10: memref<1x128xf32, #tpu.memory_space<vmem>>, %arg11: memref<1x128xf32, #tpu.memory_space<vmem>>, %arg12: memref<1x128xf32, #tpu.memory_space<vmem>>, %arg13: memref<4000x128xf32, #tpu.memory_space<vmem>>) attributes {dimension_semantics = [#tpu.dimension_semantics<arbitrary>], iteration_bounds = array<i64: 40>, scalar_prefetch = 0 : i64, scratch_operands = 0 : i64, tpu.core_type = #tpu.core_type<tc>, window_params = [{transform_indices = @transform_0, window_bounds = array<i64: 4000, 128>}, {transform_indices = @transform_1, window_bounds = array<i64: 4000, 128>}, {pipeline_mode = #tpu.pipeline_mode<synchronous>, transform_indices = @transform_2, window_bounds = array<i64: 128, 128>}, {pipeline_mode = #tpu.pipeline_mode<synchronous>, transform_indices = @transform_3, window_bounds = array<i64: 128, 128>}, {pipeline_mode = #tpu.pipeline_mode<synchronous>, transform_indices = @transform_4, window_bounds = array<i64: 128, 128>}, {pipeline_mode = #tpu.pipeline_mode<synchronous>, transform_indices = @transform_5, window_bounds = array<i64: 1, 128>}, {pipeline_mode = #tpu.pipeline_mode<synchronous>, transform_indices = @transform_6, window_bounds = array<i64: 128, 128>}, {pipeline_mode = #tpu.pipeline_mode<synchronous>, transform_indices = @transform_7, window_bounds = array<i64: 1, 128>}, {pipeline_mode = #tpu.pipeline_mode<synchronous>, transform_indices = @transform_8, window_bounds = array<i64: 128, 128>}, {pipeline_mode = #tpu.pipeline_mode<synchronous>, transform_indices = @transform_9, window_bounds = array<i64: 1, 128>}, {pipeline_mode = #tpu.pipeline_mode<synchronous>, transform_indices = @transform_10, window_bounds = array<i64: 1, 128>}, {pipeline_mode = #tpu.pipeline_mode<synchronous>, transform_indices = @transform_11, window_bounds = array<i64: 1, 128>}, {transform_indices = @transform_12, window_bounds = array<i64: 4000, 128>}]} {
    %get3A = arith.constant 0 : index
    %get3A_0 = arith.constant 0 : index
    %get3A_1 = vector.load %arg2[%get3A, %get3A_0] : memref<4000x128xf32, #tpu.memory_space<vmem>>, vector<4000x128xf32>
    %bitcast_convert_type3A = tpu.bitcast %get3A_1 : vector<4000x128xf32> -> vector<4000x128xi32>
    %shift_left3A = arith.constant 16 : i32
    %shift_left3A_2 = vector.broadcast %shift_left3A : i32 to vector<4000x128xi32>
    %shift_left3A_3 = arith.shli %bitcast_convert_type3A, %shift_left3A_2 : vector<4000x128xi32>
    %bitcast_convert_type3A_4 = tpu.bitcast %shift_left3A_3 : vector<4000x128xi32> -> vector<4000x128xf32>
    %convert_element_type3A = arith.truncf %bitcast_convert_type3A_4 : vector<4000x128xf32> to vector<4000x128xbf16>
    %and3A = arith.constant -65536 : i32
    %and3A_5 = vector.broadcast %and3A : i32 to vector<4000x128xi32>
    %and3A_6 = arith.andi %bitcast_convert_type3A, %and3A_5 : vector<4000x128xi32>
    %bitcast_convert_type3A_7 = tpu.bitcast %and3A_6 : vector<4000x128xi32> -> vector<4000x128xf32>
    %convert_element_type3A_8 = arith.truncf %bitcast_convert_type3A_7 : vector<4000x128xf32> to vector<4000x128xbf16>
    %get3A_9 = arith.constant 0 : index
    %get3A_10 = arith.constant 0 : index
    %get3A_11 = vector.load %arg1[%get3A_9, %get3A_10] : memref<4000x128xbf16, #tpu.memory_space<vmem>>, vector<4000x128xbf16>
    %get3A_12 = arith.constant 0 : index
    %get3A_13 = arith.constant 0 : index
    %get3A_14 = vector.load %arg3[%get3A_12, %get3A_13] : memref<128x128xbf16, #tpu.memory_space<vmem>>, vector<128x128xbf16>
    %dot_general3A = arith.constant dense<0.000000e+00> : vector<4000x128xf32>
    %dot_general3A_15 = tpu.matmul %get3A_11, %get3A_14, %dot_general3A {dimension_numbers = #tpu.dot_dimension_numbers<[1], [0], [0], [1], [0, 0, 1, 1], [], []>, transpose_lhs_hint = false} : vector<4000x128xbf16>, vector<128x128xbf16>, vector<4000x128xf32> -> vector<4000x128xf32>
    %get3A_16 = arith.constant 0 : index
    %get3A_17 = arith.constant 0 : index
    %get3A_18 = vector.load %arg4[%get3A_16, %get3A_17] : memref<128x128xbf16, #tpu.memory_space<vmem>>, vector<128x128xbf16>
    %dot_general3A_19 = arith.constant dense<0.000000e+00> : vector<4000x128xf32>
    %dot_general3A_20 = tpu.matmul %convert_element_type3A, %get3A_18, %dot_general3A_19 {dimension_numbers = #tpu.dot_dimension_numbers<[1], [0], [0], [1], [0, 0, 1, 1], [], []>, transpose_lhs_hint = false} : vector<4000x128xbf16>, vector<128x128xbf16>, vector<4000x128xf32> -> vector<4000x128xf32>
    %add3A = arith.addf %dot_general3A_15, %dot_general3A_20 : vector<4000x128xf32>
    %get3A_21 = arith.constant 0 : index
    %get3A_22 = arith.constant 0 : index
    %get3A_23 = vector.load %arg5[%get3A_21, %get3A_22] : memref<128x128xbf16, #tpu.memory_space<vmem>>, vector<128x128xbf16>
    %dot_general3A_24 = arith.constant dense<0.000000e+00> : vector<4000x128xf32>
    %dot_general3A_25 = tpu.matmul %convert_element_type3A_8, %get3A_23, %dot_general3A_24 {dimension_numbers = #tpu.dot_dimension_numbers<[1], [0], [0], [1], [0, 0, 1, 1], [], []>, transpose_lhs_hint = false} : vector<4000x128xbf16>, vector<128x128xbf16>, vector<4000x128xf32> -> vector<4000x128xf32>
    %add3A_26 = arith.addf %add3A, %dot_general3A_25 : vector<4000x128xf32>
    %get3A_27 = arith.constant 0 : index
    %get3A_28 = arith.constant 0 : index
    %get3A_29 = vector.load %arg6[%get3A_27, %get3A_28] : memref<1x128xf32, #tpu.memory_space<vmem>>, vector<1x128xf32>
    %add3A_30 = vector.broadcast %get3A_29 : vector<1x128xf32> to vector<4000x128xf32>
    %add3A_31 = arith.addf %add3A_26, %add3A_30 : vector<4000x128xf32>
    %max3A = arith.constant 0.000000e+00 : f32
    %max3A_32 = vector.broadcast %max3A : f32 to vector<4000x128xf32>
    %max3A_33 = arith.maximumf %add3A_31, %max3A_32 : vector<4000x128xf32>
    %convert_element_type3A_34 = arith.truncf %max3A_33 : vector<4000x128xf32> to vector<4000x128xbf16>
    %get3A_35 = arith.constant 0 : index
    %get3A_36 = arith.constant 0 : index
    %get3A_37 = vector.load %arg7[%get3A_35, %get3A_36] : memref<128x128xbf16, #tpu.memory_space<vmem>>, vector<128x128xbf16>
    %dot_general3A_38 = arith.constant dense<0.000000e+00> : vector<4000x128xf32>
    %dot_general3A_39 = tpu.matmul %convert_element_type3A_34, %get3A_37, %dot_general3A_38 {dimension_numbers = #tpu.dot_dimension_numbers<[1], [0], [0], [1], [0, 0, 1, 1], [], []>, transpose_lhs_hint = false} : vector<4000x128xbf16>, vector<128x128xbf16>, vector<4000x128xf32> -> vector<4000x128xf32>
    %get3A_40 = arith.constant 0 : index
    %get3A_41 = arith.constant 0 : index
    %get3A_42 = vector.load %arg8[%get3A_40, %get3A_41] : memref<1x128xf32, #tpu.memory_space<vmem>>, vector<1x128xf32>
    %add3A_43 = vector.broadcast %get3A_42 : vector<1x128xf32> to vector<4000x128xf32>
    %add3A_44 = arith.addf %dot_general3A_39, %add3A_43 : vector<4000x128xf32>
    %max3A_45 = arith.constant 0.000000e+00 : f32
    %max3A_46 = vector.broadcast %max3A_45 : f32 to vector<4000x128xf32>
    %max3A_47 = arith.maximumf %add3A_44, %max3A_46 : vector<4000x128xf32>
    %convert_element_type3A_48 = arith.truncf %max3A_47 : vector<4000x128xf32> to vector<4000x128xbf16>
    %get3A_49 = arith.constant 0 : index
    %get3A_50 = arith.constant 0 : index
    %get3A_51 = vector.load %arg9[%get3A_49, %get3A_50] : memref<128x128xbf16, #tpu.memory_space<vmem>>, vector<128x128xbf16>
    %dot_general3A_52 = arith.constant dense<0.000000e+00> : vector<4000x128xf32>
    %dot_general3A_53 = tpu.matmul %convert_element_type3A_48, %get3A_51, %dot_general3A_52 {dimension_numbers = #tpu.dot_dimension_numbers<[1], [0], [0], [1], [0, 0, 1, 1], [], []>, transpose_lhs_hint = false} : vector<4000x128xbf16>, vector<128x128xbf16>, vector<4000x128xf32> -> vector<4000x128xf32>
    %get3A_54 = arith.constant 0 : index
    %get3A_55 = arith.constant 0 : index
    %get3A_56 = vector.load %arg10[%get3A_54, %get3A_55] : memref<1x128xf32, #tpu.memory_space<vmem>>, vector<1x128xf32>
    %add3A_57 = vector.broadcast %get3A_56 : vector<1x128xf32> to vector<4000x128xf32>
    %add3A_58 = arith.addf %dot_general3A_53, %add3A_57 : vector<4000x128xf32>
    %get3A_59 = arith.constant 0 : index
    %get3A_60 = arith.constant 0 : index
    %get3A_61 = vector.load %arg11[%get3A_59, %get3A_60] : memref<1x128xf32, #tpu.memory_space<vmem>>, vector<1x128xf32>
    %get3A_62 = arith.constant 0 : index
    %get3A_63 = arith.constant 0 : index
    %get3A_64 = vector.load %arg12[%get3A_62, %get3A_63] : memref<1x128xf32, #tpu.memory_space<vmem>>, vector<1x128xf32>
    %reduce_sum3A = arith.constant dense<0.000000e+00> : vector<4000xf32>
    %reduce_sum3A_65 = vector.multi_reduction <add>, %add3A_58, %reduce_sum3A [1] : vector<4000x128xf32> to vector<4000xf32>
    %broadcast_in_dim3A = vector.shape_cast %reduce_sum3A_65 : vector<4000xf32> to vector<4000x1xf32>
    %div3A = arith.constant 1.280000e+02 : f32
    %div3A_66 = vector.broadcast %div3A : f32 to vector<4000x1xf32>
    %div3A_67 = arith.divf %broadcast_in_dim3A, %div3A_66 : vector<4000x1xf32>
    %sub3A = vector.broadcast %div3A_67 : vector<4000x1xf32> to vector<4000x128xf32>
    %sub3A_68 = arith.subf %add3A_58, %sub3A : vector<4000x128xf32>
    %integer_pow3A = arith.mulf %sub3A_68, %sub3A_68 : vector<4000x128xf32>
    %reduce_sum3A_69 = arith.constant dense<0.000000e+00> : vector<4000xf32>
    %reduce_sum3A_70 = vector.multi_reduction <add>, %integer_pow3A, %reduce_sum3A_69 [1] : vector<4000x128xf32> to vector<4000xf32>
    %broadcast_in_dim3A_71 = vector.shape_cast %reduce_sum3A_70 : vector<4000xf32> to vector<4000x1xf32>
    %div3A_72 = arith.constant 1.280000e+02 : f32
    %div3A_73 = vector.broadcast %div3A_72 : f32 to vector<4000x1xf32>
    %div3A_74 = arith.divf %broadcast_in_dim3A_71, %div3A_73 : vector<4000x1xf32>
    %sub3A_75 = vector.broadcast %div3A_67 : vector<4000x1xf32> to vector<4000x128xf32>
    %sub3A_76 = arith.subf %add3A_58, %sub3A_75 : vector<4000x128xf32>
    %add3A_77 = arith.constant 9.99999974E-6 : f32
    %add3A_78 = vector.broadcast %add3A_77 : f32 to vector<4000x1xf32>
    %add3A_79 = arith.addf %div3A_74, %add3A_78 : vector<4000x1xf32>
    %rsqrt3A = math.rsqrt %add3A_79 : vector<4000x1xf32>
    %mul3A = vector.broadcast %rsqrt3A : vector<4000x1xf32> to vector<4000x128xf32>
    %mul3A_80 = arith.mulf %sub3A_76, %mul3A : vector<4000x128xf32>
    %mul3A_81 = vector.broadcast %get3A_61 : vector<1x128xf32> to vector<4000x128xf32>
    %mul3A_82 = arith.mulf %mul3A_80, %mul3A_81 : vector<4000x128xf32>
    %add3A_83 = vector.broadcast %get3A_64 : vector<1x128xf32> to vector<4000x128xf32>
    %add3A_84 = arith.addf %mul3A_82, %add3A_83 : vector<4000x128xf32>
    %swap3A = arith.constant 0 : index
    %swap3A_85 = arith.constant 0 : index
    %swap3A_86 = vector.load %arg13[%swap3A, %swap3A_85] : memref<4000x128xf32, #tpu.memory_space<vmem>>, vector<4000x128xf32>
    tpu.vector_store %arg13[%swap3A, %swap3A_85], %add3A_84 {strides = array<i32>} : memref<4000x128xf32, #tpu.memory_space<vmem>>, vector<4000x128xf32>,
    return
  }
  func.func @transform_0(%arg0: i32) -> (i32, i32) {
    %c0_i32 = arith.constant 0 : i32
    %c0_i32_0 = arith.constant 0 : i32
    return %arg0, %c0_i32 : i32, i32
  }
  func.func @transform_1(%arg0: i32) -> (i32, i32) {
    %c0_i32 = arith.constant 0 : i32
    %c0_i32_0 = arith.constant 0 : i32
    return %arg0, %c0_i32 : i32, i32
  }
  func.func @transform_2(%arg0: i32) -> (i32, i32) {
    %c0_i32 = arith.constant 0 : i32
    %c0_i32_0 = arith.constant 0 : i32
    %c0_i32_1 = arith.constant 0 : i32
    return %c0_i32, %c0_i32_0 : i32, i32
  }
  func.func @transform_3(%arg0: i32) -> (i32, i32) {
    %c0_i32 = arith.constant 0 : i32
    %c0_i32_0 = arith.constant 0 : i32
    %c0_i32_1 = arith.constant 0 : i32
    return %c0_i32, %c0_i32_0 : i32, i32
  }
  func.func @transform_4(%arg0: i32) -> (i32, i32) {
    %c0_i32 = arith.constant 0 : i32
    %c0_i32_0 = arith.constant 0 : i32
    %c0_i32_1 = arith.constant 0 : i32
    return %c0_i32, %c0_i32_0 : i32, i32
  }
  func.func @transform_5(%arg0: i32) -> (i32, i32) {
    %c0_i32 = arith.constant 0 : i32
    %c0_i32_0 = arith.constant 0 : i32
    %c0_i32_1 = arith.constant 0 : i32
    return %c0_i32, %c0_i32_0 : i32, i32
  }
  func.func @transform_6(%arg0: i32) -> (i32, i32) {
    %c0_i32 = arith.constant 0 : i32
    %c0_i32_0 = arith.constant 0 : i32
    %c0_i32_1 = arith.constant 0 : i32
    return %c0_i32, %c0_i32_0 : i32, i32
  }
  func.func @transform_7(%arg0: i32) -> (i32, i32) {
    %c0_i32 = arith.constant 0 : i32
    %c0_i32_0 = arith.constant 0 : i32
    %c0_i32_1 = arith.constant 0 : i32
    return %c0_i32, %c0_i32_0 : i32, i32
  }
  func.func @transform_8(%arg0: i32) -> (i32, i32) {
    %c0_i32 = arith.constant 0 : i32
    %c0_i32_0 = arith.constant 0 : i32
    %c0_i32_1 = arith.constant 0 : i32
    return %c0_i32, %c0_i32_0 : i32, i32
  }
  func.func @transform_9(%arg0: i32) -> (i32, i32) {
    %c0_i32 = arith.constant 0 : i32
    %c0_i32_0 = arith.constant 0 : i32
    %c0_i32_1 = arith.constant 0 : i32
    return %c0_i32, %c0_i32_0 : i32, i32
  }
  func.func @transform_10(%arg0: i32) -> (i32, i32) {
    %c0_i32 = arith.constant 0 : i32
    %c0_i32_0 = arith.constant 0 : i32
    %c0_i32_1 = arith.constant 0 : i32
    return %c0_i32, %c0_i32_0 : i32, i32
  }
  func.func @transform_11(%arg0: i32) -> (i32, i32) {
    %c0_i32 = arith.constant 0 : i32
    %c0_i32_0 = arith.constant 0 : i32
    %c0_i32_1 = arith.constant 0 : i32
    return %c0_i32, %c0_i32_0 : i32, i32
  }
  func.func @transform_12(%arg0: i32) -> (i32, i32) {
    %c0_i32 = arith.constant 0 : i32
    %c0_i32_0 = arith.constant 0 : i32
    return %arg0, %c0_i32 : i32, i32
  }
}

module attributes {stable_mosaic.version = 14 : i64} {
  func.func @_node_mlp_body(%arg0: i32, %arg1: memref<10000x128xf32, #tpu.memory_space<vmem>>, %arg2: memref<10000x128xf32, #tpu.memory_space<vmem>>, %arg3: memref<10000x128xf32, #tpu.memory_space<vmem>>, %arg4: memref<128x128xf32, #tpu.memory_space<vmem>>, %arg5: memref<128x128xf32, #tpu.memory_space<vmem>>, %arg6: memref<1x128xf32, #tpu.memory_space<vmem>>, %arg7: memref<128x128xf32, #tpu.memory_space<vmem>>, %arg8: memref<1x128xf32, #tpu.memory_space<vmem>>, %arg9: memref<128x128xf32, #tpu.memory_space<vmem>>, %arg10: memref<1x128xf32, #tpu.memory_space<vmem>>, %arg11: memref<1x128xf32, #tpu.memory_space<vmem>>, %arg12: memref<1x128xf32, #tpu.memory_space<vmem>>, %arg13: memref<128x64xf32, #tpu.memory_space<vmem>>, %arg14: memref<128x64xf32, #tpu.memory_space<vmem>>, %arg15: memref<128x64xf32, #tpu.memory_space<vmem>>, %arg16: memref<128x64xf32, #tpu.memory_space<vmem>>, %arg17: memref<10000x128xf32, #tpu.memory_space<vmem>>) attributes {dimension_semantics = [#tpu.dimension_semantics<arbitrary>], iteration_bounds = array<i64: 1>, scalar_prefetch = 0 : i64, scratch_operands = 0 : i64, tpu.core_type = #tpu.core_type<tc>, window_params = [{transform_indices = @transform_0, window_bounds = array<i64: 10000, 128>}, {transform_indices = @transform_1, window_bounds = array<i64: 10000, 128>}, {transform_indices = @transform_2, window_bounds = array<i64: 10000, 128>}, {pipeline_mode = #tpu.pipeline_mode<synchronous>, transform_indices = @transform_3, window_bounds = array<i64: 128, 128>}, {pipeline_mode = #tpu.pipeline_mode<synchronous>, transform_indices = @transform_4, window_bounds = array<i64: 128, 128>}, {pipeline_mode = #tpu.pipeline_mode<synchronous>, transform_indices = @transform_5, window_bounds = array<i64: 1, 128>}, {pipeline_mode = #tpu.pipeline_mode<synchronous>, transform_indices = @transform_6, window_bounds = array<i64: 128, 128>}, {pipeline_mode = #tpu.pipeline_mode<synchronous>, transform_indices = @transform_7, window_bounds = array<i64: 1, 128>}, {pipeline_mode = #tpu.pipeline_mode<synchronous>, transform_indices = @transform_8, window_bounds = array<i64: 128, 128>}, {pipeline_mode = #tpu.pipeline_mode<synchronous>, transform_indices = @transform_9, window_bounds = array<i64: 1, 128>}, {pipeline_mode = #tpu.pipeline_mode<synchronous>, transform_indices = @transform_10, window_bounds = array<i64: 1, 128>}, {pipeline_mode = #tpu.pipeline_mode<synchronous>, transform_indices = @transform_11, window_bounds = array<i64: 1, 128>}, {pipeline_mode = #tpu.pipeline_mode<synchronous>, transform_indices = @transform_12, window_bounds = array<i64: 128, 64>}, {pipeline_mode = #tpu.pipeline_mode<synchronous>, transform_indices = @transform_13, window_bounds = array<i64: 128, 64>}, {pipeline_mode = #tpu.pipeline_mode<synchronous>, transform_indices = @transform_14, window_bounds = array<i64: 128, 64>}, {pipeline_mode = #tpu.pipeline_mode<synchronous>, transform_indices = @transform_15, window_bounds = array<i64: 128, 64>}, {transform_indices = @transform_16, window_bounds = array<i64: 10000, 128>}]} {
    %get3A = arith.constant 0 : index
    %get3A_0 = arith.constant 0 : index
    %get3A_1 = vector.load %arg2[%get3A, %get3A_0] : memref<10000x128xf32, #tpu.memory_space<vmem>>, vector<10000x128xf32>
    %get3A_2 = arith.constant 0 : index
    %get3A_3 = arith.constant 0 : index
    %get3A_4 = vector.load %arg3[%get3A_2, %get3A_3] : memref<10000x128xf32, #tpu.memory_space<vmem>>, vector<10000x128xf32>
    %add3A = arith.addf %get3A_1, %get3A_4 : vector<10000x128xf32>
    %get3A_5 = arith.constant 0 : index
    %get3A_6 = arith.constant 0 : index
    %get3A_7 = vector.load %arg1[%get3A_5, %get3A_6] : memref<10000x128xf32, #tpu.memory_space<vmem>>, vector<10000x128xf32>
    %get3A_8 = arith.constant 0 : index
    %get3A_9 = arith.constant 0 : index
    %get3A_10 = vector.load %arg4[%get3A_8, %get3A_9] : memref<128x128xf32, #tpu.memory_space<vmem>>, vector<128x128xf32>
    %dot_general3A = arith.constant dense<0.000000e+00> : vector<10000x128xf32>
    %dot_general3A_11 = tpu.matmul %get3A_7, %get3A_10, %dot_general3A {dimension_numbers = #tpu.dot_dimension_numbers<[1], [0], [0], [1], [0, 0, 1, 1], [], []>, transpose_lhs_hint = false} : vector<10000x128xf32>, vector<128x128xf32>, vector<10000x128xf32> -> vector<10000x128xf32>
    %get3A_12 = arith.constant 0 : index
    %get3A_13 = arith.constant 0 : index
    %get3A_14 = vector.load %arg5[%get3A_12, %get3A_13] : memref<128x128xf32, #tpu.memory_space<vmem>>, vector<128x128xf32>
    %dot_general3A_15 = arith.constant dense<0.000000e+00> : vector<10000x128xf32>
    %dot_general3A_16 = tpu.matmul %add3A, %get3A_14, %dot_general3A_15 {dimension_numbers = #tpu.dot_dimension_numbers<[1], [0], [0], [1], [0, 0, 1, 1], [], []>, transpose_lhs_hint = false} : vector<10000x128xf32>, vector<128x128xf32>, vector<10000x128xf32> -> vector<10000x128xf32>
    %add3A_17 = arith.addf %dot_general3A_11, %dot_general3A_16 : vector<10000x128xf32>
    %get3A_18 = arith.constant 0 : index
    %get3A_19 = arith.constant 0 : index
    %get3A_20 = vector.load %arg6[%get3A_18, %get3A_19] : memref<1x128xf32, #tpu.memory_space<vmem>>, vector<1x128xf32>
    %add3A_21 = vector.broadcast %get3A_20 : vector<1x128xf32> to vector<10000x128xf32>
    %add3A_22 = arith.addf %add3A_17, %add3A_21 : vector<10000x128xf32>
    %max3A = arith.constant 0.000000e+00 : f32
    %max3A_23 = vector.broadcast %max3A : f32 to vector<10000x128xf32>
    %max3A_24 = arith.maximumf %add3A_22, %max3A_23 : vector<10000x128xf32>
    %get3A_25 = arith.constant 0 : index
    %get3A_26 = arith.constant 0 : index
    %get3A_27 = vector.load %arg7[%get3A_25, %get3A_26] : memref<128x128xf32, #tpu.memory_space<vmem>>, vector<128x128xf32>
    %dot_general3A_28 = arith.constant dense<0.000000e+00> : vector<10000x128xf32>
    %dot_general3A_29 = tpu.matmul %max3A_24, %get3A_27, %dot_general3A_28 {dimension_numbers = #tpu.dot_dimension_numbers<[1], [0], [0], [1], [0, 0, 1, 1], [], []>, transpose_lhs_hint = false} : vector<10000x128xf32>, vector<128x128xf32>, vector<10000x128xf32> -> vector<10000x128xf32>
    %get3A_30 = arith.constant 0 : index
    %get3A_31 = arith.constant 0 : index
    %get3A_32 = vector.load %arg8[%get3A_30, %get3A_31] : memref<1x128xf32, #tpu.memory_space<vmem>>, vector<1x128xf32>
    %add3A_33 = vector.broadcast %get3A_32 : vector<1x128xf32> to vector<10000x128xf32>
    %add3A_34 = arith.addf %dot_general3A_29, %add3A_33 : vector<10000x128xf32>
    %max3A_35 = arith.constant 0.000000e+00 : f32
    %max3A_36 = vector.broadcast %max3A_35 : f32 to vector<10000x128xf32>
    %max3A_37 = arith.maximumf %add3A_34, %max3A_36 : vector<10000x128xf32>
    %get3A_38 = arith.constant 0 : index
    %get3A_39 = arith.constant 0 : index
    %get3A_40 = vector.load %arg9[%get3A_38, %get3A_39] : memref<128x128xf32, #tpu.memory_space<vmem>>, vector<128x128xf32>
    %dot_general3A_41 = arith.constant dense<0.000000e+00> : vector<10000x128xf32>
    %dot_general3A_42 = tpu.matmul %max3A_37, %get3A_40, %dot_general3A_41 {dimension_numbers = #tpu.dot_dimension_numbers<[1], [0], [0], [1], [0, 0, 1, 1], [], []>, transpose_lhs_hint = false} : vector<10000x128xf32>, vector<128x128xf32>, vector<10000x128xf32> -> vector<10000x128xf32>
    %get3A_43 = arith.constant 0 : index
    %get3A_44 = arith.constant 0 : index
    %get3A_45 = vector.load %arg10[%get3A_43, %get3A_44] : memref<1x128xf32, #tpu.memory_space<vmem>>, vector<1x128xf32>
    %add3A_46 = vector.broadcast %get3A_45 : vector<1x128xf32> to vector<10000x128xf32>
    %add3A_47 = arith.addf %dot_general3A_42, %add3A_46 : vector<10000x128xf32>
    %get3A_48 = arith.constant 0 : index
    %get3A_49 = arith.constant 0 : index
    %get3A_50 = vector.load %arg1[%get3A_48, %get3A_49] : memref<10000x128xf32, #tpu.memory_space<vmem>>, vector<10000x128xf32>
    %get3A_51 = arith.constant 0 : index
    %get3A_52 = arith.constant 0 : index
    %get3A_53 = vector.load %arg11[%get3A_51, %get3A_52] : memref<1x128xf32, #tpu.memory_space<vmem>>, vector<1x128xf32>
    %get3A_54 = arith.constant 0 : index
    %get3A_55 = arith.constant 0 : index
    %get3A_56 = vector.load %arg12[%get3A_54, %get3A_55] : memref<1x128xf32, #tpu.memory_space<vmem>>, vector<1x128xf32>
    %reduce_sum3A = arith.constant dense<0.000000e+00> : vector<10000xf32>
    %reduce_sum3A_57 = vector.multi_reduction <add>, %add3A_47, %reduce_sum3A [1] : vector<10000x128xf32> to vector<10000xf32>
    %broadcast_in_dim3A = vector.shape_cast %reduce_sum3A_57 : vector<10000xf32> to vector<10000x1xf32>
    %div3A = arith.constant 1.280000e+02 : f32
    %div3A_58 = vector.broadcast %div3A : f32 to vector<10000x1xf32>
    %div3A_59 = arith.divf %broadcast_in_dim3A, %div3A_58 : vector<10000x1xf32>
    %sub3A = vector.broadcast %div3A_59 : vector<10000x1xf32> to vector<10000x128xf32>
    %sub3A_60 = arith.subf %add3A_47, %sub3A : vector<10000x128xf32>
    %integer_pow3A = arith.mulf %sub3A_60, %sub3A_60 : vector<10000x128xf32>
    %reduce_sum3A_61 = arith.constant dense<0.000000e+00> : vector<10000xf32>
    %reduce_sum3A_62 = vector.multi_reduction <add>, %integer_pow3A, %reduce_sum3A_61 [1] : vector<10000x128xf32> to vector<10000xf32>
    %broadcast_in_dim3A_63 = vector.shape_cast %reduce_sum3A_62 : vector<10000xf32> to vector<10000x1xf32>
    %div3A_64 = arith.constant 1.280000e+02 : f32
    %div3A_65 = vector.broadcast %div3A_64 : f32 to vector<10000x1xf32>
    %div3A_66 = arith.divf %broadcast_in_dim3A_63, %div3A_65 : vector<10000x1xf32>
    %sub3A_67 = vector.broadcast %div3A_59 : vector<10000x1xf32> to vector<10000x128xf32>
    %sub3A_68 = arith.subf %add3A_47, %sub3A_67 : vector<10000x128xf32>
    %add3A_69 = arith.constant 9.99999974E-6 : f32
    %add3A_70 = vector.broadcast %add3A_69 : f32 to vector<10000x1xf32>
    %add3A_71 = arith.addf %div3A_66, %add3A_70 : vector<10000x1xf32>
    %rsqrt3A = math.rsqrt %add3A_71 : vector<10000x1xf32>
    %mul3A = vector.broadcast %rsqrt3A : vector<10000x1xf32> to vector<10000x128xf32>
    %mul3A_72 = arith.mulf %sub3A_68, %mul3A : vector<10000x128xf32>
    %mul3A_73 = vector.broadcast %get3A_53 : vector<1x128xf32> to vector<10000x128xf32>
    %mul3A_74 = arith.mulf %mul3A_72, %mul3A_73 : vector<10000x128xf32>
    %add3A_75 = vector.broadcast %get3A_56 : vector<1x128xf32> to vector<10000x128xf32>
    %add3A_76 = arith.addf %mul3A_74, %add3A_75 : vector<10000x128xf32>
    %add3A_77 = arith.addf %get3A_50, %add3A_76 : vector<10000x128xf32>
    %swap3A = arith.constant 0 : index
    %swap3A_78 = arith.constant 0 : index
    %swap3A_79 = vector.load %arg17[%swap3A, %swap3A_78] : memref<10000x128xf32, #tpu.memory_space<vmem>>, vector<10000x128xf32>
    tpu.vector_store %arg17[%swap3A, %swap3A_78], %add3A_77 {strides = array<i32>} : memref<10000x128xf32, #tpu.memory_space<vmem>>, vector<10000x128xf32>,
    return
  }
  func.func @transform_0(%arg0: i32) -> (i32, i32) {
    %c0_i32 = arith.constant 0 : i32
    %c0_i32_0 = arith.constant 0 : i32
    return %arg0, %c0_i32 : i32, i32
  }
  func.func @transform_1(%arg0: i32) -> (i32, i32) {
    %c0_i32 = arith.constant 0 : i32
    %c0_i32_0 = arith.constant 0 : i32
    return %arg0, %c0_i32 : i32, i32
  }
  func.func @transform_2(%arg0: i32) -> (i32, i32) {
    %c0_i32 = arith.constant 0 : i32
    %c0_i32_0 = arith.constant 0 : i32
    return %arg0, %c0_i32 : i32, i32
  }
  func.func @transform_3(%arg0: i32) -> (i32, i32) {
    %c0_i32 = arith.constant 0 : i32
    %c0_i32_0 = arith.constant 0 : i32
    %c0_i32_1 = arith.constant 0 : i32
    return %c0_i32, %c0_i32_0 : i32, i32
  }
  func.func @transform_4(%arg0: i32) -> (i32, i32) {
    %c0_i32 = arith.constant 0 : i32
    %c0_i32_0 = arith.constant 0 : i32
    %c0_i32_1 = arith.constant 0 : i32
    return %c0_i32, %c0_i32_0 : i32, i32
  }
  func.func @transform_5(%arg0: i32) -> (i32, i32) {
    %c0_i32 = arith.constant 0 : i32
    %c0_i32_0 = arith.constant 0 : i32
    %c0_i32_1 = arith.constant 0 : i32
    return %c0_i32, %c0_i32_0 : i32, i32
  }
  func.func @transform_6(%arg0: i32) -> (i32, i32) {
    %c0_i32 = arith.constant 0 : i32
    %c0_i32_0 = arith.constant 0 : i32
    %c0_i32_1 = arith.constant 0 : i32
    return %c0_i32, %c0_i32_0 : i32, i32
  }
  func.func @transform_7(%arg0: i32) -> (i32, i32) {
    %c0_i32 = arith.constant 0 : i32
    %c0_i32_0 = arith.constant 0 : i32
    %c0_i32_1 = arith.constant 0 : i32
    return %c0_i32, %c0_i32_0 : i32, i32
  }
  func.func @transform_8(%arg0: i32) -> (i32, i32) {
    %c0_i32 = arith.constant 0 : i32
    %c0_i32_0 = arith.constant 0 : i32
    %c0_i32_1 = arith.constant 0 : i32
    return %c0_i32, %c0_i32_0 : i32, i32
  }
  func.func @transform_9(%arg0: i32) -> (i32, i32) {
    %c0_i32 = arith.constant 0 : i32
    %c0_i32_0 = arith.constant 0 : i32
    %c0_i32_1 = arith.constant 0 : i32
    return %c0_i32, %c0_i32_0 : i32, i32
  }
  func.func @transform_10(%arg0: i32) -> (i32, i32) {
    %c0_i32 = arith.constant 0 : i32
    %c0_i32_0 = arith.constant 0 : i32
    %c0_i32_1 = arith.constant 0 : i32
    return %c0_i32, %c0_i32_0 : i32, i32
  }
  func.func @transform_11(%arg0: i32) -> (i32, i32) {
    %c0_i32 = arith.constant 0 : i32
    %c0_i32_0 = arith.constant 0 : i32
    %c0_i32_1 = arith.constant 0 : i32
    return %c0_i32, %c0_i32_0 : i32, i32
  }
  func.func @transform_12(%arg0: i32) -> (i32, i32) {
    %c0_i32 = arith.constant 0 : i32
    %c0_i32_0 = arith.constant 0 : i32
    %c0_i32_1 = arith.constant 0 : i32
    return %c0_i32, %c0_i32_0 : i32, i32
  }
  func.func @transform_13(%arg0: i32) -> (i32, i32) {
    %c0_i32 = arith.constant 0 : i32
    %c0_i32_0 = arith.constant 0 : i32
    %c0_i32_1 = arith.constant 0 : i32
    return %c0_i32, %c0_i32_0 : i32, i32
  }
  func.func @transform_14(%arg0: i32) -> (i32, i32) {
    %c0_i32 = arith.constant 0 : i32
    %c0_i32_0 = arith.constant 0 : i32
    %c0_i32_1 = arith.constant 0 : i32
    return %c0_i32, %c0_i32_0 : i32, i32
  }
  func.func @transform_15(%arg0: i32) -> (i32, i32) {
    %c0_i32 = arith.constant 0 : i32
    %c0_i32_0 = arith.constant 0 : i32
    %c0_i32_1 = arith.constant 0 : i32
    return %c0_i32, %c0_i32_0 : i32, i32
  }
  func.func @transform_16(%arg0: i32) -> (i32, i32) {
    %c0_i32 = arith.constant 0 : i32
    %c0_i32_0 = arith.constant 0 : i32
    return %arg0, %c0_i32 : i32, i32
  }
}

module attributes {stable_mosaic.version = 14 : i64} {
  func.func @_knn_body(%arg0: i32, %arg1: memref<1000x8xf32, #tpu.memory_space<vmem>>, %arg2: memref<8x2560xf32, #tpu.memory_space<vmem>>, %arg3: memref<1000x128xf32, #tpu.memory_space<vmem>>, %arg4: memref<2560x128xf32, #tpu.memory_space<vmem>>, %arg5: memref<128x128xf32, #tpu.memory_space<vmem>>, %arg6: memref<1x128xf32, #tpu.memory_space<vmem>>, %arg7: memref<128x128xf32, #tpu.memory_space<vmem>>, %arg8: memref<1x128xf32, #tpu.memory_space<vmem>>, %arg9: memref<128x128xf32, #tpu.memory_space<vmem>>, %arg10: memref<1x128xf32, #tpu.memory_space<vmem>>, %arg11: memref<1x128xf32, #tpu.memory_space<vmem>>, %arg12: memref<1x128xf32, #tpu.memory_space<vmem>>, %arg13: memref<128x128xf32, #tpu.memory_space<vmem>>, %arg14: memref<1x128xf32, #tpu.memory_space<vmem>>, %arg15: memref<128x128xf32, #tpu.memory_space<vmem>>, %arg16: memref<1x128xf32, #tpu.memory_space<vmem>>, %arg17: memref<128x128xf32, #tpu.memory_space<vmem>>, %arg18: memref<1x128xf32, #tpu.memory_space<vmem>>, %arg19: memref<1000x128xf32, #tpu.memory_space<vmem>>) attributes {dimension_semantics = [#tpu.dimension_semantics<arbitrary>], iteration_bounds = array<i64: 10>, scalar_prefetch = 0 : i64, scratch_operands = 0 : i64, tpu.core_type = #tpu.core_type<tc>, window_params = [{transform_indices = @transform_0, window_bounds = array<i64: 1000, 8>}, {pipeline_mode = #tpu.pipeline_mode<synchronous>, transform_indices = @transform_1, window_bounds = array<i64: 8, 2560>}, {transform_indices = @transform_2, window_bounds = array<i64: 1000, 128>}, {pipeline_mode = #tpu.pipeline_mode<synchronous>, transform_indices = @transform_3, window_bounds = array<i64: 2560, 128>}, {pipeline_mode = #tpu.pipeline_mode<synchronous>, transform_indices = @transform_4, window_bounds = array<i64: 128, 128>}, {pipeline_mode = #tpu.pipeline_mode<synchronous>, transform_indices = @transform_5, window_bounds = array<i64: 1, 128>}, {pipeline_mode = #tpu.pipeline_mode<synchronous>, transform_indices = @transform_6, window_bounds = array<i64: 128, 128>}, {pipeline_mode = #tpu.pipeline_mode<synchronous>, transform_indices = @transform_7, window_bounds = array<i64: 1, 128>}, {pipeline_mode = #tpu.pipeline_mode<synchronous>, transform_indices = @transform_8, window_bounds = array<i64: 128, 128>}, {pipeline_mode = #tpu.pipeline_mode<synchronous>, transform_indices = @transform_9, window_bounds = array<i64: 1, 128>}, {pipeline_mode = #tpu.pipeline_mode<synchronous>, transform_indices = @transform_10, window_bounds = array<i64: 1, 128>}, {pipeline_mode = #tpu.pipeline_mode<synchronous>, transform_indices = @transform_11, window_bounds = array<i64: 1, 128>}, {pipeline_mode = #tpu.pipeline_mode<synchronous>, transform_indices = @transform_12, window_bounds = array<i64: 128, 128>}, {pipeline_mode = #tpu.pipeline_mode<synchronous>, transform_indices = @transform_13, window_bounds = array<i64: 1, 128>}, {pipeline_mode = #tpu.pipeline_mode<synchronous>, transform_indices = @transform_14, window_bounds = array<i64: 128, 128>}, {pipeline_mode = #tpu.pipeline_mode<synchronous>, transform_indices = @transform_15, window_bounds = array<i64: 1, 128>}, {pipeline_mode = #tpu.pipeline_mode<synchronous>, transform_indices = @transform_16, window_bounds = array<i64: 128, 128>}, {pipeline_mode = #tpu.pipeline_mode<synchronous>, transform_indices = @transform_17, window_bounds = array<i64: 1, 128>}, {transform_indices = @transform_18, window_bounds = array<i64: 1000, 128>}]} {
    %broadcast_in_dim3A = arith.constant 0.000000e+00 : f32
    %broadcast_in_dim3A_0 = vector.broadcast %broadcast_in_dim3A : f32 to vector<1000x2560xf32>
    %get3A = arith.constant 0 : index
    %get3A_1 = arith.constant 0 : index
    %get3A_2 = vector.load %arg1[%get3A, %get3A_1] : memref<1000x8xf32, #tpu.memory_space<vmem>>, vector<1000x1xf32>
    %get3A_3 = arith.constant 0 : index
    %get3A_4 = arith.constant 0 : index
    %get3A_5 = vector.load %arg2[%get3A_3, %get3A_4] : memref<8x2560xf32, #tpu.memory_space<vmem>>, vector<1x2560xf32>
    %get3A_6 = vector.shape_cast %get3A_5 : vector<1x2560xf32> to vector<2560xf32>
    %broadcast_in_dim3A_7 = vector.shape_cast %get3A_6 : vector<2560xf32> to vector<1x2560xf32>
    %sub3A = vector.broadcast %get3A_2 : vector<1000x1xf32> to vector<1000x2560xf32>
    %sub3A_8 = vector.broadcast %broadcast_in_dim3A_7 : vector<1x2560xf32> to vector<1000x2560xf32>
    %sub3A_9 = arith.subf %sub3A, %sub3A_8 : vector<1000x2560xf32>
    %mul3A = arith.mulf %sub3A_9, %sub3A_9 : vector<1000x2560xf32>
    %add3A = arith.addf %broadcast_in_dim3A_0, %mul3A : vector<1000x2560xf32>
    %get3A_10 = arith.constant 0 : index
    %get3A_11 = arith.constant 1 : index
    %get3A_12 = vector.load %arg1[%get3A_10, %get3A_11] : memref<1000x8xf32, #tpu.memory_space<vmem>>, vector<1000x1xf32>
    %get3A_13 = arith.constant 1 : index
    %get3A_14 = arith.constant 0 : index
    %get3A_15 = vector.load %arg2[%get3A_13, %get3A_14] : memref<8x2560xf32, #tpu.memory_space<vmem>>, vector<1x2560xf32>
    %get3A_16 = vector.shape_cast %get3A_15 : vector<1x2560xf32> to vector<2560xf32>
    %broadcast_in_dim3A_17 = vector.shape_cast %get3A_16 : vector<2560xf32> to vector<1x2560xf32>
    %sub3A_18 = vector.broadcast %get3A_12 : vector<1000x1xf32> to vector<1000x2560xf32>
    %sub3A_19 = vector.broadcast %broadcast_in_dim3A_17 : vector<1x2560xf32> to vector<1000x2560xf32>
    %sub3A_20 = arith.subf %sub3A_18, %sub3A_19 : vector<1000x2560xf32>
    %mul3A_21 = arith.mulf %sub3A_20, %sub3A_20 : vector<1000x2560xf32>
    %add3A_22 = arith.addf %add3A, %mul3A_21 : vector<1000x2560xf32>
    %get3A_23 = arith.constant 0 : index
    %get3A_24 = arith.constant 2 : index
    %get3A_25 = vector.load %arg1[%get3A_23, %get3A_24] : memref<1000x8xf32, #tpu.memory_space<vmem>>, vector<1000x1xf32>
    %get3A_26 = arith.constant 2 : index
    %get3A_27 = arith.constant 0 : index
    %get3A_28 = vector.load %arg2[%get3A_26, %get3A_27] : memref<8x2560xf32, #tpu.memory_space<vmem>>, vector<1x2560xf32>
    %get3A_29 = vector.shape_cast %get3A_28 : vector<1x2560xf32> to vector<2560xf32>
    %broadcast_in_dim3A_30 = vector.shape_cast %get3A_29 : vector<2560xf32> to vector<1x2560xf32>
    %sub3A_31 = vector.broadcast %get3A_25 : vector<1000x1xf32> to vector<1000x2560xf32>
    %sub3A_32 = vector.broadcast %broadcast_in_dim3A_30 : vector<1x2560xf32> to vector<1000x2560xf32>
    %sub3A_33 = arith.subf %sub3A_31, %sub3A_32 : vector<1000x2560xf32>
    %mul3A_34 = arith.mulf %sub3A_33, %sub3A_33 : vector<1000x2560xf32>
    %add3A_35 = arith.addf %add3A_22, %mul3A_34 : vector<1000x2560xf32>
    %iota3A = tpu.iota {dimensions = array<i32: 1>} : vector<1000x2560xi32>
    %ge3A = arith.constant 2500 : i32
    %ge3A_36 = vector.broadcast %ge3A : i32 to vector<1000x2560xi32>
    %ge3A_37 = arith.cmpi sge, %iota3A, %ge3A_36 : vector<1000x2560xi32>
    %jit3A = arith.constant 0x7F800000 : f32
    %broadcast_in_dim3A_38 = vector.broadcast %jit3A : f32 to vector<1000x2560xf32>
    %select_n3A = arith.select %ge3A_37, %broadcast_in_dim3A_38, %add3A_35 : vector<1000x2560xi1>, vector<1000x2560xf32>
    %broadcast_in_dim3A_39 = arith.constant 0.000000e+00 : f32
    %broadcast_in_dim3A_40 = vector.broadcast %broadcast_in_dim3A_39 : f32 to vector<1000x2560xf32>
    %broadcast_in_dim3A_41 = arith.constant 0.000000e+00 : f32
    %broadcast_in_dim3A_42 = vector.broadcast %broadcast_in_dim3A_41 : f32 to vector<1000x1xf32>
    %reduce_min3A = arith.constant dense<0x7F800000> : vector<1000xf32>
    %reduce_min3A_43 = vector.multi_reduction <minimumf>, %select_n3A, %reduce_min3A [1] : vector<1000x2560xf32> to vector<1000xf32>
    %broadcast_in_dim3A_44 = vector.shape_cast %reduce_min3A_43 : vector<1000xf32> to vector<1000x1xf32>
    %eq3A = vector.broadcast %broadcast_in_dim3A_44 : vector<1000x1xf32> to vector<1000x2560xf32>
    %eq3A_45 = arith.cmpf oeq, %select_n3A, %eq3A : vector<1000x2560xf32>
    %jit3A_46 = arith.constant 2560 : i32
    %broadcast_in_dim3A_47 = vector.broadcast %jit3A_46 : i32 to vector<1000x2560xi32>
    %select_n3A_48 = arith.select %eq3A_45, %iota3A, %broadcast_in_dim3A_47 : vector<1000x2560xi1>, vector<1000x2560xi32>
    %reduce_min3A_49 = arith.constant dense<2147483647> : vector<1000xi32>
    %reduce_min3A_50 = vector.multi_reduction <minsi>, %select_n3A_48, %reduce_min3A_49 [1] : vector<1000x2560xi32> to vector<1000xi32>
    %broadcast_in_dim3A_51 = vector.shape_cast %reduce_min3A_50 : vector<1000xi32> to vector<1000x1xi32>
    %eq3A_52 = vector.broadcast %broadcast_in_dim3A_51 : vector<1000x1xi32> to vector<1000x2560xi32>
    %eq3A_53 = arith.cmpi eq, %iota3A, %eq3A_52 : vector<1000x2560xi32>
    %max3A = arith.constant 1.000000e-16 : f32
    %max3A_54 = vector.broadcast %max3A : f32 to vector<1000x1xf32>
    %max3A_55 = arith.maximumf %broadcast_in_dim3A_44, %max3A_54 : vector<1000x1xf32>
    %div3A = arith.constant 1.000000e+00 : f32
    %div3A_56 = vector.broadcast %div3A : f32 to vector<1000x1xf32>
    %div3A_57 = arith.divf %div3A_56, %max3A_55 : vector<1000x1xf32>
    %jit3A_58 = arith.constant 0.000000e+00 : f32
    %broadcast_in_dim3A_59 = vector.shape_cast %div3A_57 : vector<1000x1xf32> to vector<1000x1xf32>
    %broadcast_in_dim3A_60 = vector.broadcast %broadcast_in_dim3A_59 : vector<1000x1xf32> to vector<1000x2560xf32>
    %broadcast_in_dim3A_61 = vector.broadcast %jit3A_58 : f32 to vector<1000x2560xf32>
    %select_n3A_62 = arith.select %eq3A_53, %broadcast_in_dim3A_60, %broadcast_in_dim3A_61 : vector<1000x2560xi1>, vector<1000x2560xf32>
    %add3A_63 = arith.addf %broadcast_in_dim3A_40, %select_n3A_62 : vector<1000x2560xf32>
    %add3A_64 = arith.addf %broadcast_in_dim3A_42, %div3A_57 : vector<1000x1xf32>
    %jit3A_65 = arith.constant 0x7F800000 : f32
    %broadcast_in_dim3A_66 = vector.broadcast %jit3A_65 : f32 to vector<1000x2560xf32>
    %select_n3A_67 = arith.select %eq3A_53, %broadcast_in_dim3A_66, %select_n3A : vector<1000x2560xi1>, vector<1000x2560xf32>
    %reduce_min3A_68 = arith.constant dense<0x7F800000> : vector<1000xf32>
    %reduce_min3A_69 = vector.multi_reduction <minimumf>, %select_n3A_67, %reduce_min3A_68 [1] : vector<1000x2560xf32> to vector<1000xf32>
    %broadcast_in_dim3A_70 = vector.shape_cast %reduce_min3A_69 : vector<1000xf32> to vector<1000x1xf32>
    %eq3A_71 = vector.broadcast %broadcast_in_dim3A_70 : vector<1000x1xf32> to vector<1000x2560xf32>
    %eq3A_72 = arith.cmpf oeq, %select_n3A_67, %eq3A_71 : vector<1000x2560xf32>
    %jit3A_73 = arith.constant 2560 : i32
    %broadcast_in_dim3A_74 = vector.broadcast %jit3A_73 : i32 to vector<1000x2560xi32>
    %select_n3A_75 = arith.select %eq3A_72, %iota3A, %broadcast_in_dim3A_74 : vector<1000x2560xi1>, vector<1000x2560xi32>
    %reduce_min3A_76 = arith.constant dense<2147483647> : vector<1000xi32>
    %reduce_min3A_77 = vector.multi_reduction <minsi>, %select_n3A_75, %reduce_min3A_76 [1] : vector<1000x2560xi32> to vector<1000xi32>
    %broadcast_in_dim3A_78 = vector.shape_cast %reduce_min3A_77 : vector<1000xi32> to vector<1000x1xi32>
    %eq3A_79 = vector.broadcast %broadcast_in_dim3A_78 : vector<1000x1xi32> to vector<1000x2560xi32>
    %eq3A_80 = arith.cmpi eq, %iota3A, %eq3A_79 : vector<1000x2560xi32>
    %max3A_81 = arith.constant 1.000000e-16 : f32
    %max3A_82 = vector.broadcast %max3A_81 : f32 to vector<1000x1xf32>
    %max3A_83 = arith.maximumf %broadcast_in_dim3A_70, %max3A_82 : vector<1000x1xf32>
    %div3A_84 = arith.constant 1.000000e+00 : f32
    %div3A_85 = vector.broadcast %div3A_84 : f32 to vector<1000x1xf32>
    %div3A_86 = arith.divf %div3A_85, %max3A_83 : vector<1000x1xf32>
    %jit3A_87 = arith.constant 0.000000e+00 : f32
    %broadcast_in_dim3A_88 = vector.shape_cast %div3A_86 : vector<1000x1xf32> to vector<1000x1xf32>
    %broadcast_in_dim3A_89 = vector.broadcast %broadcast_in_dim3A_88 : vector<1000x1xf32> to vector<1000x2560xf32>
    %broadcast_in_dim3A_90 = vector.broadcast %jit3A_87 : f32 to vector<1000x2560xf32>
    %select_n3A_91 = arith.select %eq3A_80, %broadcast_in_dim3A_89, %broadcast_in_dim3A_90 : vector<1000x2560xi1>, vector<1000x2560xf32>
    %add3A_92 = arith.addf %add3A_63, %select_n3A_91 : vector<1000x2560xf32>
    %add3A_93 = arith.addf %add3A_64, %div3A_86 : vector<1000x1xf32>
    %jit3A_94 = arith.constant 0x7F800000 : f32
    %broadcast_in_dim3A_95 = vector.broadcast %jit3A_94 : f32 to vector<1000x2560xf32>
    %select_n3A_96 = arith.select %eq3A_80, %broadcast_in_dim3A_95, %select_n3A_67 : vector<1000x2560xi1>, vector<1000x2560xf32>
    %reduce_min3A_97 = arith.constant dense<0x7F800000> : vector<1000xf32>
    %reduce_min3A_98 = vector.multi_reduction <minimumf>, %select_n3A_96, %reduce_min3A_97 [1] : vector<1000x2560xf32> to vector<1000xf32>
    %broadcast_in_dim3A_99 = vector.shape_cast %reduce_min3A_98 : vector<1000xf32> to vector<1000x1xf32>
    %eq3A_100 = vector.broadcast %broadcast_in_dim3A_99 : vector<1000x1xf32> to vector<1000x2560xf32>
    %eq3A_101 = arith.cmpf oeq, %select_n3A_96, %eq3A_100 : vector<1000x2560xf32>
    %jit3A_102 = arith.constant 2560 : i32
    %broadcast_in_dim3A_103 = vector.broadcast %jit3A_102 : i32 to vector<1000x2560xi32>
    %select_n3A_104 = arith.select %eq3A_101, %iota3A, %broadcast_in_dim3A_103 : vector<1000x2560xi1>, vector<1000x2560xi32>
    %reduce_min3A_105 = arith.constant dense<2147483647> : vector<1000xi32>
    %reduce_min3A_106 = vector.multi_reduction <minsi>, %select_n3A_104, %reduce_min3A_105 [1] : vector<1000x2560xi32> to vector<1000xi32>
    %broadcast_in_dim3A_107 = vector.shape_cast %reduce_min3A_106 : vector<1000xi32> to vector<1000x1xi32>
    %eq3A_108 = vector.broadcast %broadcast_in_dim3A_107 : vector<1000x1xi32> to vector<1000x2560xi32>
    %eq3A_109 = arith.cmpi eq, %iota3A, %eq3A_108 : vector<1000x2560xi32>
    %max3A_110 = arith.constant 1.000000e-16 : f32
    %max3A_111 = vector.broadcast %max3A_110 : f32 to vector<1000x1xf32>
    %max3A_112 = arith.maximumf %broadcast_in_dim3A_99, %max3A_111 : vector<1000x1xf32>
    %div3A_113 = arith.constant 1.000000e+00 : f32
    %div3A_114 = vector.broadcast %div3A_113 : f32 to vector<1000x1xf32>
    %div3A_115 = arith.divf %div3A_114, %max3A_112 : vector<1000x1xf32>
    %jit3A_116 = arith.constant 0.000000e+00 : f32
    %broadcast_in_dim3A_117 = vector.shape_cast %div3A_115 : vector<1000x1xf32> to vector<1000x1xf32>
    %broadcast_in_dim3A_118 = vector.broadcast %broadcast_in_dim3A_117 : vector<1000x1xf32> to vector<1000x2560xf32>
    %broadcast_in_dim3A_119 = vector.broadcast %jit3A_116 : f32 to vector<1000x2560xf32>
    %select_n3A_120 = arith.select %eq3A_109, %broadcast_in_dim3A_118, %broadcast_in_dim3A_119 : vector<1000x2560xi1>, vector<1000x2560xf32>
    %add3A_121 = arith.addf %add3A_92, %select_n3A_120 : vector<1000x2560xf32>
    %add3A_122 = arith.addf %add3A_93, %div3A_115 : vector<1000x1xf32>
    %get3A_123 = arith.constant 0 : index
    %get3A_124 = arith.constant 0 : index
    %get3A_125 = vector.load %arg4[%get3A_123, %get3A_124] : memref<2560x128xf32, #tpu.memory_space<vmem>>, vector<2560x128xf32>
    %dot_general3A = arith.constant dense<0.000000e+00> : vector<1000x128xf32>
    %dot_general3A_126 = tpu.matmul %add3A_121, %get3A_125, %dot_general3A {dimension_numbers = #tpu.dot_dimension_numbers<[1], [0], [0], [1], [0, 0, 1, 1], [], []>, transpose_lhs_hint = false} : vector<1000x2560xf32>, vector<2560x128xf32>, vector<1000x128xf32> -> vector<1000x128xf32>
    %div3A_127 = vector.broadcast %add3A_122 : vector<1000x1xf32> to vector<1000x128xf32>
    %div3A_128 = arith.divf %dot_general3A_126, %div3A_127 : vector<1000x128xf32>
    %get3A_129 = arith.constant 0 : index
    %get3A_130 = arith.constant 0 : index
    %get3A_131 = vector.load %arg3[%get3A_129, %get3A_130] : memref<1000x128xf32, #tpu.memory_space<vmem>>, vector<1000x128xf32>
    %add3A_132 = arith.addf %get3A_131, %div3A_128 : vector<1000x128xf32>
    %get3A_133 = arith.constant 0 : index
    %get3A_134 = arith.constant 0 : index
    %get3A_135 = vector.load %arg5[%get3A_133, %get3A_134] : memref<128x128xf32, #tpu.memory_space<vmem>>, vector<128x128xf32>
    %dot_general3A_136 = arith.constant dense<0.000000e+00> : vector<1000x128xf32>
    %dot_general3A_137 = tpu.matmul %add3A_132, %get3A_135, %dot_general3A_136 {dimension_numbers = #tpu.dot_dimension_numbers<[1], [0], [0], [1], [0, 0, 1, 1], [], []>, transpose_lhs_hint = false} : vector<1000x128xf32>, vector<128x128xf32>, vector<1000x128xf32> -> vector<1000x128xf32>
    %get3A_138 = arith.constant 0 : index
    %get3A_139 = arith.constant 0 : index
    %get3A_140 = vector.load %arg6[%get3A_138, %get3A_139] : memref<1x128xf32, #tpu.memory_space<vmem>>, vector<1x128xf32>
    %add3A_141 = vector.broadcast %get3A_140 : vector<1x128xf32> to vector<1000x128xf32>
    %add3A_142 = arith.addf %dot_general3A_137, %add3A_141 : vector<1000x128xf32>
    %max3A_143 = arith.constant 0.000000e+00 : f32
    %max3A_144 = vector.broadcast %max3A_143 : f32 to vector<1000x128xf32>
    %max3A_145 = arith.maximumf %add3A_142, %max3A_144 : vector<1000x128xf32>
    %get3A_146 = arith.constant 0 : index
    %get3A_147 = arith.constant 0 : index
    %get3A_148 = vector.load %arg7[%get3A_146, %get3A_147] : memref<128x128xf32, #tpu.memory_space<vmem>>, vector<128x128xf32>
    %dot_general3A_149 = arith.constant dense<0.000000e+00> : vector<1000x128xf32>
    %dot_general3A_150 = tpu.matmul %max3A_145, %get3A_148, %dot_general3A_149 {dimension_numbers = #tpu.dot_dimension_numbers<[1], [0], [0], [1], [0, 0, 1, 1], [], []>, transpose_lhs_hint = false} : vector<1000x128xf32>, vector<128x128xf32>, vector<1000x128xf32> -> vector<1000x128xf32>
    %get3A_151 = arith.constant 0 : index
    %get3A_152 = arith.constant 0 : index
    %get3A_153 = vector.load %arg8[%get3A_151, %get3A_152] : memref<1x128xf32, #tpu.memory_space<vmem>>, vector<1x128xf32>
    %add3A_154 = vector.broadcast %get3A_153 : vector<1x128xf32> to vector<1000x128xf32>
    %add3A_155 = arith.addf %dot_general3A_150, %add3A_154 : vector<1000x128xf32>
    %max3A_156 = arith.constant 0.000000e+00 : f32
    %max3A_157 = vector.broadcast %max3A_156 : f32 to vector<1000x128xf32>
    %max3A_158 = arith.maximumf %add3A_155, %max3A_157 : vector<1000x128xf32>
    %get3A_159 = arith.constant 0 : index
    %get3A_160 = arith.constant 0 : index
    %get3A_161 = vector.load %arg9[%get3A_159, %get3A_160] : memref<128x128xf32, #tpu.memory_space<vmem>>, vector<128x128xf32>
    %dot_general3A_162 = arith.constant dense<0.000000e+00> : vector<1000x128xf32>
    %dot_general3A_163 = tpu.matmul %max3A_158, %get3A_161, %dot_general3A_162 {dimension_numbers = #tpu.dot_dimension_numbers<[1], [0], [0], [1], [0, 0, 1, 1], [], []>, transpose_lhs_hint = false} : vector<1000x128xf32>, vector<128x128xf32>, vector<1000x128xf32> -> vector<1000x128xf32>
    %get3A_164 = arith.constant 0 : index
    %get3A_165 = arith.constant 0 : index
    %get3A_166 = vector.load %arg10[%get3A_164, %get3A_165] : memref<1x128xf32, #tpu.memory_space<vmem>>, vector<1x128xf32>
    %add3A_167 = vector.broadcast %get3A_166 : vector<1x128xf32> to vector<1000x128xf32>
    %add3A_168 = arith.addf %dot_general3A_163, %add3A_167 : vector<1000x128xf32>
    %get3A_169 = arith.constant 0 : index
    %get3A_170 = arith.constant 0 : index
    %get3A_171 = vector.load %arg11[%get3A_169, %get3A_170] : memref<1x128xf32, #tpu.memory_space<vmem>>, vector<1x128xf32>
    %get3A_172 = arith.constant 0 : index
    %get3A_173 = arith.constant 0 : index
    %get3A_174 = vector.load %arg12[%get3A_172, %get3A_173] : memref<1x128xf32, #tpu.memory_space<vmem>>, vector<1x128xf32>
    %reduce_sum3A = arith.constant dense<0.000000e+00> : vector<1000xf32>
    %reduce_sum3A_175 = vector.multi_reduction <add>, %add3A_168, %reduce_sum3A [1] : vector<1000x128xf32> to vector<1000xf32>
    %broadcast_in_dim3A_176 = vector.shape_cast %reduce_sum3A_175 : vector<1000xf32> to vector<1000x1xf32>
    %div3A_177 = arith.constant 1.280000e+02 : f32
    %div3A_178 = vector.broadcast %div3A_177 : f32 to vector<1000x1xf32>
    %div3A_179 = arith.divf %broadcast_in_dim3A_176, %div3A_178 : vector<1000x1xf32>
    %sub3A_180 = vector.broadcast %div3A_179 : vector<1000x1xf32> to vector<1000x128xf32>
    %sub3A_181 = arith.subf %add3A_168, %sub3A_180 : vector<1000x128xf32>
    %integer_pow3A = arith.mulf %sub3A_181, %sub3A_181 : vector<1000x128xf32>
    %reduce_sum3A_182 = arith.constant dense<0.000000e+00> : vector<1000xf32>
    %reduce_sum3A_183 = vector.multi_reduction <add>, %integer_pow3A, %reduce_sum3A_182 [1] : vector<1000x128xf32> to vector<1000xf32>
    %broadcast_in_dim3A_184 = vector.shape_cast %reduce_sum3A_183 : vector<1000xf32> to vector<1000x1xf32>
    %div3A_185 = arith.constant 1.280000e+02 : f32
    %div3A_186 = vector.broadcast %div3A_185 : f32 to vector<1000x1xf32>
    %div3A_187 = arith.divf %broadcast_in_dim3A_184, %div3A_186 : vector<1000x1xf32>
    %sub3A_188 = vector.broadcast %div3A_179 : vector<1000x1xf32> to vector<1000x128xf32>
    %sub3A_189 = arith.subf %add3A_168, %sub3A_188 : vector<1000x128xf32>
    %add3A_190 = arith.constant 9.99999974E-6 : f32
    %add3A_191 = vector.broadcast %add3A_190 : f32 to vector<1000x1xf32>
    %add3A_192 = arith.addf %div3A_187, %add3A_191 : vector<1000x1xf32>
    %rsqrt3A = math.rsqrt %add3A_192 : vector<1000x1xf32>
    %mul3A_193 = vector.broadcast %rsqrt3A : vector<1000x1xf32> to vector<1000x128xf32>
    %mul3A_194 = arith.mulf %sub3A_189, %mul3A_193 : vector<1000x128xf32>
    %mul3A_195 = vector.broadcast %get3A_171 : vector<1x128xf32> to vector<1000x128xf32>
    %mul3A_196 = arith.mulf %mul3A_194, %mul3A_195 : vector<1000x128xf32>
    %add3A_197 = vector.broadcast %get3A_174 : vector<1x128xf32> to vector<1000x128xf32>
    %add3A_198 = arith.addf %mul3A_196, %add3A_197 : vector<1000x128xf32>
    %get3A_199 = arith.constant 0 : index
    %get3A_200 = arith.constant 0 : index
    %get3A_201 = vector.load %arg13[%get3A_199, %get3A_200] : memref<128x128xf32, #tpu.memory_space<vmem>>, vector<128x128xf32>
    %dot_general3A_202 = arith.constant dense<0.000000e+00> : vector<1000x128xf32>
    %dot_general3A_203 = tpu.matmul %add3A_198, %get3A_201, %dot_general3A_202 {dimension_numbers = #tpu.dot_dimension_numbers<[1], [0], [0], [1], [0, 0, 1, 1], [], []>, transpose_lhs_hint = false} : vector<1000x128xf32>, vector<128x128xf32>, vector<1000x128xf32> -> vector<1000x128xf32>
    %get3A_204 = arith.constant 0 : index
    %get3A_205 = arith.constant 0 : index
    %get3A_206 = vector.load %arg14[%get3A_204, %get3A_205] : memref<1x128xf32, #tpu.memory_space<vmem>>, vector<1x128xf32>
    %add3A_207 = vector.broadcast %get3A_206 : vector<1x128xf32> to vector<1000x128xf32>
    %add3A_208 = arith.addf %dot_general3A_203, %add3A_207 : vector<1000x128xf32>
    %max3A_209 = arith.constant 0.000000e+00 : f32
    %max3A_210 = vector.broadcast %max3A_209 : f32 to vector<1000x128xf32>
    %max3A_211 = arith.maximumf %add3A_208, %max3A_210 : vector<1000x128xf32>
    %get3A_212 = arith.constant 0 : index
    %get3A_213 = arith.constant 0 : index
    %get3A_214 = vector.load %arg15[%get3A_212, %get3A_213] : memref<128x128xf32, #tpu.memory_space<vmem>>, vector<128x128xf32>
    %dot_general3A_215 = arith.constant dense<0.000000e+00> : vector<1000x128xf32>
    %dot_general3A_216 = tpu.matmul %max3A_211, %get3A_214, %dot_general3A_215 {dimension_numbers = #tpu.dot_dimension_numbers<[1], [0], [0], [1], [0, 0, 1, 1], [], []>, transpose_lhs_hint = false} : vector<1000x128xf32>, vector<128x128xf32>, vector<1000x128xf32> -> vector<1000x128xf32>
    %get3A_217 = arith.constant 0 : index
    %get3A_218 = arith.constant 0 : index
    %get3A_219 = vector.load %arg16[%get3A_217, %get3A_218] : memref<1x128xf32, #tpu.memory_space<vmem>>, vector<1x128xf32>
    %add3A_220 = vector.broadcast %get3A_219 : vector<1x128xf32> to vector<1000x128xf32>
    %add3A_221 = arith.addf %dot_general3A_216, %add3A_220 : vector<1000x128xf32>
    %max3A_222 = arith.constant 0.000000e+00 : f32
    %max3A_223 = vector.broadcast %max3A_222 : f32 to vector<1000x128xf32>
    %max3A_224 = arith.maximumf %add3A_221, %max3A_223 : vector<1000x128xf32>
    %get3A_225 = arith.constant 0 : index
    %get3A_226 = arith.constant 0 : index
    %get3A_227 = vector.load %arg17[%get3A_225, %get3A_226] : memref<128x128xf32, #tpu.memory_space<vmem>>, vector<128x128xf32>
    %dot_general3A_228 = arith.constant dense<0.000000e+00> : vector<1000x128xf32>
    %dot_general3A_229 = tpu.matmul %max3A_224, %get3A_227, %dot_general3A_228 {dimension_numbers = #tpu.dot_dimension_numbers<[1], [0], [0], [1], [0, 0, 1, 1], [], []>, transpose_lhs_hint = false} : vector<1000x128xf32>, vector<128x128xf32>, vector<1000x128xf32> -> vector<1000x128xf32>
    %get3A_230 = arith.constant 0 : index
    %get3A_231 = arith.constant 0 : index
    %get3A_232 = vector.load %arg18[%get3A_230, %get3A_231] : memref<1x128xf32, #tpu.memory_space<vmem>>, vector<1x128xf32>
    %add3A_233 = vector.broadcast %get3A_232 : vector<1x128xf32> to vector<1000x128xf32>
    %add3A_234 = arith.addf %dot_general3A_229, %add3A_233 : vector<1000x128xf32>
    %swap3A = arith.constant 0 : index
    %swap3A_235 = arith.constant 0 : index
    %swap3A_236 = vector.load %arg19[%swap3A, %swap3A_235] : memref<1000x128xf32, #tpu.memory_space<vmem>>, vector<1000x128xf32>
    tpu.vector_store %arg19[%swap3A, %swap3A_235], %add3A_234 {strides = array<i32>} : memref<1000x128xf32, #tpu.memory_space<vmem>>, vector<1000x128xf32>,
    return
  }
  func.func @transform_0(%arg0: i32) -> (i32, i32) {
    %c0_i32 = arith.constant 0 : i32
    %c0_i32_0 = arith.constant 0 : i32
    return %arg0, %c0_i32 : i32, i32
  }
  func.func @transform_1(%arg0: i32) -> (i32, i32) {
    %c0_i32 = arith.constant 0 : i32
    %c0_i32_0 = arith.constant 0 : i32
    %c0_i32_1 = arith.constant 0 : i32
    return %c0_i32, %c0_i32_0 : i32, i32
  }
  func.func @transform_2(%arg0: i32) -> (i32, i32) {
    %c0_i32 = arith.constant 0 : i32
    %c0_i32_0 = arith.constant 0 : i32
    return %arg0, %c0_i32 : i32, i32
  }
  func.func @transform_3(%arg0: i32) -> (i32, i32) {
    %c0_i32 = arith.constant 0 : i32
    %c0_i32_0 = arith.constant 0 : i32
    %c0_i32_1 = arith.constant 0 : i32
    return %c0_i32, %c0_i32_0 : i32, i32
  }
  func.func @transform_4(%arg0: i32) -> (i32, i32) {
    %c0_i32 = arith.constant 0 : i32
    %c0_i32_0 = arith.constant 0 : i32
    %c0_i32_1 = arith.constant 0 : i32
    return %c0_i32, %c0_i32_0 : i32, i32
  }
  func.func @transform_5(%arg0: i32) -> (i32, i32) {
    %c0_i32 = arith.constant 0 : i32
    %c0_i32_0 = arith.constant 0 : i32
    %c0_i32_1 = arith.constant 0 : i32
    return %c0_i32, %c0_i32_0 : i32, i32
  }
  func.func @transform_6(%arg0: i32) -> (i32, i32) {
    %c0_i32 = arith.constant 0 : i32
    %c0_i32_0 = arith.constant 0 : i32
    %c0_i32_1 = arith.constant 0 : i32
    return %c0_i32, %c0_i32_0 : i32, i32
  }
  func.func @transform_7(%arg0: i32) -> (i32, i32) {
    %c0_i32 = arith.constant 0 : i32
    %c0_i32_0 = arith.constant 0 : i32
    %c0_i32_1 = arith.constant 0 : i32
    return %c0_i32, %c0_i32_0 : i32, i32
  }
  func.func @transform_8(%arg0: i32) -> (i32, i32) {
    %c0_i32 = arith.constant 0 : i32
    %c0_i32_0 = arith.constant 0 : i32
    %c0_i32_1 = arith.constant 0 : i32
    return %c0_i32, %c0_i32_0 : i32, i32
  }
  func.func @transform_9(%arg0: i32) -> (i32, i32) {
    %c0_i32 = arith.constant 0 : i32
    %c0_i32_0 = arith.constant 0 : i32
    %c0_i32_1 = arith.constant 0 : i32
    return %c0_i32, %c0_i32_0 : i32, i32
  }
  func.func @transform_10(%arg0: i32) -> (i32, i32) {
    %c0_i32 = arith.constant 0 : i32
    %c0_i32_0 = arith.constant 0 : i32
    %c0_i32_1 = arith.constant 0 : i32
    return %c0_i32, %c0_i32_0 : i32, i32
  }
  func.func @transform_11(%arg0: i32) -> (i32, i32) {
    %c0_i32 = arith.constant 0 : i32
    %c0_i32_0 = arith.constant 0 : i32
    %c0_i32_1 = arith.constant 0 : i32
    return %c0_i32, %c0_i32_0 : i32, i32
  }
  func.func @transform_12(%arg0: i32) -> (i32, i32) {
    %c0_i32 = arith.constant 0 : i32
    %c0_i32_0 = arith.constant 0 : i32
    %c0_i32_1 = arith.constant 0 : i32
    return %c0_i32, %c0_i32_0 : i32, i32
  }
  func.func @transform_13(%arg0: i32) -> (i32, i32) {
    %c0_i32 = arith.constant 0 : i32
    %c0_i32_0 = arith.constant 0 : i32
    %c0_i32_1 = arith.constant 0 : i32
    return %c0_i32, %c0_i32_0 : i32, i32
  }
  func.func @transform_14(%arg0: i32) -> (i32, i32) {
    %c0_i32 = arith.constant 0 : i32
    %c0_i32_0 = arith.constant 0 : i32
    %c0_i32_1 = arith.constant 0 : i32
    return %c0_i32, %c0_i32_0 : i32, i32
  }
  func.func @transform_15(%arg0: i32) -> (i32, i32) {
    %c0_i32 = arith.constant 0 : i32
    %c0_i32_0 = arith.constant 0 : i32
    %c0_i32_1 = arith.constant 0 : i32
    return %c0_i32, %c0_i32_0 : i32, i32
  }
  func.func @transform_16(%arg0: i32) -> (i32, i32) {
    %c0_i32 = arith.constant 0 : i32
    %c0_i32_0 = arith.constant 0 : i32
    %c0_i32_1 = arith.constant 0 : i32
    return %c0_i32, %c0_i32_0 : i32, i32
  }
  func.func @transform_17(%arg0: i32) -> (i32, i32) {
    %c0_i32 = arith.constant 0 : i32
    %c0_i32_0 = arith.constant 0 : i32
    %c0_i32_1 = arith.constant 0 : i32
    return %c0_i32, %c0_i32_0 : i32, i32
  }
  func.func @transform_18(%arg0: i32) -> (i32, i32) {
    %c0_i32 = arith.constant 0 : i32
    %c0_i32_0 = arith.constant 0 : i32
    return %arg0, %c0_i32 : i32, i32
  }
}

</mosaic_0001>

<sc_bundles>
// kernel: kernel.21.cloned.1.call-start
scs
__scs_entry_jumppad:
0x0: {  	(pc) =	sbr.rel $0x88, $3  }
0x1: {  	(tag) =	ssettag $0x0;
	lr =	simm.s32 $0x1  }
0x2: {  	[smem:$0x3F6E] =	sst lr;
	_ =	strace $0xD0000000  }
0x3: {  	_ = 	snop  }
0x4: {  	_ = 	snop  }
0x5: {  	_ = 	snop  }
0x6: {  	_ = 	snop  }
0x7: {  	_ = 	snop  }
__scs_overlays_trampoline_lowered:
0x8: {  	[smem:$0x3F7D] =	sst s0  }
0x9: {  	[smem:$0x3F7E] =	sst s1  }
0xa: {  	[smem:$0x3F7F] =	sst s2  }
0xb: {  	[smem:$0x3F80] =	sst s3  }
0xc: {  	[smem:$0x3F81] =	sst s4  }
0xd: {  	[smem:$0x3F82] =	sst s5  }
0xe: {  	[smem:$0x3F83] =	sst s6  }
0xf: {  	[smem:$0x3F84] =	sst s7  }
0x10: {  	[smem:$0x3F85] =	sst s8  }
0x11: {  	[smem:$0x3F86] =	sst s9;
	s0 =	simm.s32 @!p0 $0x0  }
0x12: {  	s1 =	sld [smem:$0x3F6C];
	s0 =	simm.s32 @p0 $0x1  }
0x13: {  	[smem:$0x3F87] =	sst s0;
	s0 =	simm.s32 @!p1 $0x0  }
0x14: {  	s2 =	sld [smem:$0x3F6B];
	s0 =	simm.s32 @p1 $0x1  }
0x15: {  	[smem:$0x3F88] =	sst s0;
	s0 =	simm.s32 @!p2 $0x0  }
0x16: {  	s3 =	sld [smem:$0x3FDB];
	s0 =	simm.s32 @p2 $0x1  }
0x17: {  	s4 =	simm.s32 $0x1BF5;
	[smem:$0x3F8A] =	sst s0  }
0x18: {  	s0 =	sld [smem:$0x3F6D];
	_ =	swait.ge [sflag:s4], $0x0  }
0x19: {  	s7 =	sld [smem:$0x3F6E]  }
0x1a: {  	s8 =	sadd.s32 $0xFFFFE003, lr  }
0x1b: {  	s9 =	sadd.s32 $0xFFFFFEF7, lr;
	s5 =	simm.s32 $0xFFFFFFFF;
	p2 =	slt.u32 s8, $0xFFFFF086  }
0x1c: {  	p1 =	slt.u32 s9, $0xF7A;
	s5 =	simm.s32 @!p2 $0x0  }
0x1d: {  	s5 =	simm.s32 @p1 $0x1;
	p0 =	seq.s32 s7, s2  }
0x1e: {  	s7 =	smul.u32 @!p0 $0xF7A, s2;
	p2 =	seq.s32 @!p0 s5, $0x0  }
0x1f: {  	s9 =	smul.u32 $0xF7A, s1;
	s8 =	simm.s32 @!p0 $0x1BF5;
	p2 =	por !p2, p0  }
0x20: {  	[sflag:s8] =	ssyncset.s32 @!p0 $0xFFFFF086;
	s6 =	sadd.s32 @!p0 s3, s7;
	s7 =	simm.s32 @!p0 $0x108  }
0x21: {  	s3 =	sadd.s32 s3, s9;
	s6 =	sadd.s32 @!p0 $0x88, s6;
	s7 =	simm.s32 @p2 $0x1082  }
0x22: {  	[simem:s7], [sflag:s8] =	dma.local @!p0 [hbm:s6], $0xF7A  }
0x23: {  	s9 =	sor.u32 $0xD0000000, s2;
	s6 =	simm.s32 $0x108;
	_ =	swait.ge @!p0 [sflag:s8], $0x0  }
0x24: {  	s3 =	sadd.s32 $0x88, s3;
	s6 =	simm.s32 @!p1 $0x1082;
	[sflag:s4] =	ssyncset.s32 $0xFFFFF086  }
0x25: {  	[simem:s6], [sflag:s4] =	dma.local [hbm:s3], $0xF7A  }
0x26: {  	[smem:$0x3F6E] =	sst s1;
	(tag) =	ssettag s2;
	_ =	strace s9  }
0x27: {  	s1 =	sld [smem:$0x3F7E]  }
0x28: {  	s2 =	sld [smem:$0x3F7F]  }
0x29: {  	s4 =	sld [smem:$0x3F81]  }
0x2a: {  	p0 =	seq.s32 s5, $0x0;
	s5 =	sld [smem:$0x3F82]  }
0x2b: {  	s6 =	sld [smem:$0x3F83]  }
0x2c: {  	s7 =	sld [smem:$0x3F84]  }
0x2d: {  	s3 =	simm.s32 $0x108;
	s8 =	sld [smem:$0x3F85]  }
0x2e: {  	s3 =	simm.s32 @!p0 $0x1082;
	s9 =	sld [smem:$0x3F86]  }
0x2f: {  	lr =	sadd.s32 s0, s3;
	s0 =	sld [smem:$0x3F7D]  }
0x30: {  	s3 =	sld [smem:$0x3F80]  }
0x31: {  	[smem:$0x3F89] =	sst s10  }
0x32: {  	s10 =	sld [smem:$0x3F87];
	_ =	sdelay $0x3  }
0x33: {  	p0 =	seq.s32 s10, $0x1;
	s10 =	sld [smem:$0x3F89];
	_ =	sdelay $0x3  }
0x34: {  	[smem:$0x3F89] =	sst s10  }
0x35: {  	s10 =	sld [smem:$0x3F88];
	_ =	sdelay $0x3  }
0x36: {  	p1 =	seq.s32 s10, $0x1;
	s10 =	sld [smem:$0x3F89];
	_ =	sdelay $0x3  }
0x37: {  	[smem:$0x3F89] =	sst s10  }
0x38: {  	s10 =	sld [smem:$0x3F8A]  }
0x39: {  	_ = 	snop;
	(pc) =	sbr.ind lr, $3  }
0x3a: {  	_ = 	snop  }
0x3b: {  	_ = 	snop  }
0x3c: {  	p2 =	seq.s32 s10, $0x1;
	s10 =	sld [smem:$0x3F89]  }
0x3d: {  	_ =	shalt  }
0x3e: {  	_ =	shalt  }
0x3f: {  	_ =	shalt  }
0x40: {  	_ =	shalt  }
0x41: {  	_ =	shalt  }
0x42: {  	_ =	shalt  }
0x43: {  	_ =	shalt  }
0x44: {  	_ =	shalt  }
0x45: {  	_ =	shalt  }
0x46: {  	_ =	shalt  }
0x47: {  	_ =	shalt  }
0x48: {  	_ =	shalt  }
0x49: {  	_ =	shalt  }
0x4a: {  	_ =	shalt  }
0x4b: {  	_ =	shalt  }
0x4c: {  	_ =	shalt  }
0x4d: {  	_ =	shalt  }
0x4e: {  	_ =	shalt  }
0x4f: {  	_ =	shalt  }
0x50: {  	_ =	shalt  }
0x51: {  	_ =	shalt  }
0x52: {  	_ =	shalt  }
0x53: {  	_ =	shalt  }
0x54: {  	_ =	shalt  }
0x55: {  	_ =	shalt  }
0x56: {  	_ =	shalt  }
0x57: {  	_ =	shalt  }
0x58: {  	_ =	shalt  }
0x59: {  	_ =	shalt  }
0x5a: {  	_ =	shalt  }
0x5b: {  	_ =	shalt  }
0x5c: {  	_ =	shalt  }
0x5d: {  	_ =	shalt  }
0x5e: {  	_ =	shalt  }
0x5f: {  	_ =	shalt  }
0x60: {  	_ =	shalt  }
0x61: {  	_ =	shalt  }
0x62: {  	_ =	shalt  }
0x63: {  	_ =	shalt  }
0x64: {  	_ =	shalt  }
0x65: {  	_ =	shalt  }
0x66: {  	_ =	shalt  }
0x67: {  	_ =	shalt  }
0x68: {  	_ =	shalt  }
0x69: {  	_ =	shalt  }
0x6a: {  	_ =	shalt  }
0x6b: {  	_ =	shalt  }
0x6c: {  	_ =	shalt  }
0x6d: {  	_ =	shalt  }
0x6e: {  	_ =	shalt  }
0x6f: {  	_ =	shalt  }
0x70: {  	_ =	shalt  }
0x71: {  	_ =	shalt  }
0x72: {  	_ =	shalt  }
0x73: {  	_ =	shalt  }
0x74: {  	_ =	shalt  }
0x75: {  	_ =	shalt  }
0x76: {  	_ =	shalt  }
0x77: {  	_ =	shalt  }
0x78: {  	_ =	shalt  }
0x79: {  	_ =	shalt  }
0x7a: {  	_ =	shalt  }
0x7b: {  	_ =	shalt  }
0x7c: {  	_ =	shalt  }
0x7d: {  	_ =	shalt  }
0x7e: {  	_ =	shalt  }
0x7f: {  	_ =	shalt  }
0x80: {  	_ =	shalt  }
0x81: {  	_ =	shalt  }
0x82: {  	_ =	shalt  }
0x83: {  	_ =	shalt  }
0x84: {  	_ =	shalt  }
0x85: {  	_ =	shalt  }
0x86: {  	_ =	shalt  }
0x87: {  	_ =	shalt  }
.Lfunc_end0:
.L_simem_size_0:
called_computation_lowered:
.L_overlay_start_0:
0x88: {  	s2 =	sld [smem:$0x3FD9]  }
0x89: {  	s3 =	sld [smem:$0x3FFE];
	_ =	sdelay $0x1  }
0x8a: {  	s1 =	srdreg.scid  }
0x8b: {  	s0 =	sand.u32 $0x1, s1  }
0x8c: {  	s16 =	sshll.u32 s0, $0xA;
	s2 =	sadd.s32 s3, s2  }
0x8d: {  	s2 =	sadd.s32 s2, s16  }
0x8e: {  	[smem:$0x3F95] =	sst s2  }
0x8f: {  	_ = 	snop  }
0x90: {  	(tm) =	ssettm $0x1  }
0x91: {  	s17 =	sld [smem:$0x3FFB];
	_ =	sdelay $0x3  }
0x92: {  	_ =	strace s17  }
0x93: {  	s2 =	sld [smem:$0x3FFC];
	_ =	sdelay $0x3  }
0x94: {  	_ =	strace s2  }
0x95: {  	s2 =	sld [smem:$0x3FFD];
	_ =	sdelay $0x3  }
0x96: {  	_ =	strace s2  }
0x97: {  	_ =	strace $0x8FFFFFFF  }
0x98: {  	s18 =	sld [smem:$0x3FDB];
	_ =	sdelay $0x1  }
0x99: {  	s19 =	simm.s32 $_scs_section_size  }
0x9a: {  	s4 =	simm.s32 $_size__tile_overlayer_lowered;
	s5 =	simm.s32 $_tile_overlayer_lowered  }
0x9b: {  	s22 =	simm.s32 $0x1BFF;
	s21 =	sshll.u32 s5, $0x1;
	s2 =	sadd.s32 s19, s18  }
0x9c: {  	s6 =	simm.s32 $0x0;
	s20 =	sshll.u32 s4, $0x1;
	s4 =	sadd.s32 s21, s2  }
0x9d: {  	[timem:s6], [sflag:s22] =	dma.local [hbm:s4], s20  }
0x9e: {  	_ =	swait.ge [sflag:s22], s20  }
0x9f: {  	s3 =	ssub.s32 $0x0, s20;
	[sflag:s22] =	ssyncset.done $0x0  }
0xa0: {  	[sflag:s22] =	ssyncadd.s32 s3;
	_ =	sdelay $0x1  }
0xa1: {  	s23 =	simm.s32 $0x1B8B  }
0xa2: {  	_ =	swait.ge [sflag:s23], $0x1  }
0xa3: {  	[sflag:s23] =	ssyncset.done $0x0  }
0xa4: {  	s25 =	simm.s32 $0x1B8E;
	s24 =	sld [smem:$0x3FFE];
	[sflag:s23] =	ssyncadd.s32 $0xFFFFFFFF  }
0xa5: {  	s26 =	simm.s32 $execute0_lowered;
	[smem:$0x3FD2] =	sst s25  }
0xa6: {  	s4 =	sshll.u32 s26, $0x1;
	_ =	strace $0x80000046;
	[dreg:$0x1] =	wrdreg $0xFFFFFFFF  }
0xa7: {  	s28 =	simm.s32 $_size_execute0_lowered;
	s2 =	sadd.s32 s2, s4;
	[dreg:$0x0] =	wrdreg $0x0  }
0xa8: {  	s4 =	sshll.u32 s28, $0x1;
	[dreg:$0x2] =	wrdreg s2  }
0xa9: {  	[dreg:$0x3] =	wrdreg s4  }
0xaa: {  	[dreg:$0x4] =	wrdreg $0xC0  }
0xab: {  	_ =	task [dreg:s6], $0x5FFFF  }
0xac: {  	[dreg:$0x1] =	wrdreg $0xFFFFFFFF  }
0xad: {  	[dreg:$0x0] =	wrdreg $0x60  }
0xae: {  	[dreg:$0x2] =	wrdreg s24  }
0xaf: {  	[dreg:$0x3] =	wrdreg $0xA  }
0xb0: {  	_ =	task.clear_ibuf [dreg:s6], $0x4FFFF;
	_ =	strace $0x90000046  }
0xb1: {  	s29 =	simm.s32 $0xA;
	_ =	strace $0x80000048  }
0xb2: {  	_ =	swait.ge [sflag:s29], $0x1  }
0xb3: {  	[sflag:s29] =	ssyncadd.s32 $0xFFFFFFFF  }
0xb4: {  	_ =	strace $0x90000048  }
0xb5: {  	_ =	sfence  }
0xb6: {  	s30 =	sld [smem:$0x0];
	_ =	sdelay $0x2  }
0xb7: {  	s31 =	sshll.u32 s1, $0xD;
	s1 =	sshrl.u32 s1, $0x2  }
0xb8: {  	s3 =	sand.u32 $0x4000, s31;
	s1 =	sadd.s32 s1, s30  }
0xb9: {  	s0 =	sor.u32 s3, s0;
	s1 =	sshll.u32 s1, $0x11  }
0xba: {  	s0 =	sor.u32 s1, s0  }
0xbb: {  	s0 =	sadd.s32 $0x8F2B, s0  }
0xbc: {  	[sflag:s0] =	ssyncadd.remote.s32 $0x1  }
0xbd: {  	_ =	sfence.sel $0xFFFF  }
0xbe: {  	[dreg:$0x0] =	wrdreg $0xFFFFFFFF;
	(pc) =	sbr.abs _section_cstart, $3  }
0xbf: {  	[dreg:$0x1] =	wrdreg $0xFFFFFFFF  }
0xc0: {  	_ =	task.clear_ibuf [dreg:s6], $0x2FFFF;
	_ =	strace $0x9FFFFFFF  }
0xc1: {  	(tm) =	ssettm $0x7FFFFFFF  }
tec
execute0_lowered:
.L_overlay_start_1:
0x0: {  	(tag) =	ssettag $0x1  }
0x1: {  	s4 =	rddreg [dreg:$0x0]  }
0x2: {  	s0 =	rddreg [dreg:$0x1];
	s2 =	simm.s32 $0x0;
	s1 =	stileid.u32  }
0x3: {  	s3 =	srdreg.scid;
	s10 =	simm.s32 $0x0;
	s6 =	smul.u32 $0x4E20, s1  }
0x4: {  	[smem:$0x7FF] =	sst s2;
	s5 =	sand.u32 $0x1, s3;
	s8 =	smul.u32 $0x27100, s1  }
0x5: {  	s3 =	sadd.s32 $0x39200, s4;
	s7 =	smul.u32 $0x2710, s5;
	s9 =	ssub.s32 $0x2, s5  }
0x6: {  	_ =	strace $0x80000047;
	s5 =	smul.u32 $0x13880, s5;
	s31 =	sshrl.u32 s9, $0x1  }
0x7: {  	s8 =	sadd.s32 s8, s4;
	s6 =	sadd.s32 s7, s6;
	s7 =	ssub.s32 s9, s31  }
0x8: {  	s5 =	sadd.s32 s5, s8;
	s8 =	simm.s32 $0x3E8;
	s6 =	sshrl.u32 s6, $0x3  }
0x9: {  	s9 =	simm.s32 $0x1;
	s5 =	sadd.s32 $0x65400, s5;
	s6 =	sadd.s32 s6, s4  }
0xa: {  	s4 =	smax.u32 s7, $0x1;
	s7 =	simm.s32 $0x2;
	s6 =	sadd.s32 $0x2D6400, s6  }
.LBB2_1:
0xb: {  	s11 =	sadd.s32 $0x0, s6  }
0xc: {  	[tilespmem:s2], [sflag:$0x2] =	stream.linear.gather [hbm4b:s11+s2], $0x3E8, $0x38;
	[tilespmem:$0xFDE8] =	vst v63  }
0xd: {  	_ =	swait.ge [sflag:s7], $0x3E8  }
0xe: {  	[sflag:s7] =	ssyncset.done $0x0  }
0xf: {  	[sflag:s7] =	ssyncadd.s32 $0xFFFFFC18  }
0x10: {  	[tilespmem:s8], [sflag:$0x1] =	stream.indirect.gather [hbm4b:s3+s8], $0x40, s2, s8, $0xb8;
	[tilespmem:$0xFDE8] =	vst v63  }
0x11: {  	_ =	swait.ge [sflag:s9], $0xFA00  }
0x12: {  	[sflag:s9] =	ssyncset.done $0x0  }
0x13: {  	[sflag:s9] =	ssyncadd.s32 $0xFFFF0600  }
0x14: {  	[hbm4b:s5+s2] =	stream.linear.scatter [tilespmem:s8], [sflag:$0x2], $0xFA00, $0x38;
	[tilespmem:$0xFDE8] =	vst v63  }
0x15: {  	s12 =	simm.s32 $0x7D;
	_ =	swait.ge [sflag:s7], $0xFA00  }
0x16: {  	s13 =	simm.s32 $0xFA;
	s11 =	sadd.s32 $0x1F40, s5;
	[sflag:s7] =	ssyncset.done $0x0  }
.LBB2_2:
0x17: {  	s14 =	sadd.s32 s12, s6  }
0x18: {  	[sflag:s7] =	ssyncadd.s32 $0xFFFF0600;
	s12 =	smov.u32 s13;
	s15 =	sadd.s32 $0x7D, s13  }
0x19: {  	[tilespmem:s2], [sflag:$0x2] =	stream.linear.gather [hbm4b:s14+s2], $0x3E8, $0x38;
	[tilespmem:$0xFDE8] =	vst v63  }
0x1a: {  	p0 =	sne.s32 s13, $0x465;
	_ =	swait.ge [sflag:s7], $0x3E8  }
0x1b: {  	[sflag:s7] =	ssyncset.done $0x0  }
0x1c: {  	[sflag:s7] =	ssyncadd.s32 $0xFFFFFC18  }
0x1d: {  	[tilespmem:s8], [sflag:$0x1] =	stream.indirect.gather [hbm4b:s3+s8], $0x40, s2, s8, $0xb8;
	[tilespmem:$0xFDE8] =	vst v63  }
0x1e: {  	_ =	swait.ge [sflag:s9], $0xFA00  }
.Ltmp0:
0x1f: {  	[sflag:s9] =	ssyncset.done $0x0;
	(pc) =	sbr.rel @p0 .LBB2_2-.Ltmp0, $4  }
0x20: {  	[sflag:s9] =	ssyncadd.s32 $0xFFFF0600  }
0x21: {  	[hbm4b:s11+s2] =	stream.linear.scatter [tilespmem:s8], [sflag:$0x2], $0xFA00, $0x38;
	[tilespmem:$0xFDE8] =	vst v63  }
0x22: {  	_ =	swait.ge [sflag:s7], $0xFA00  }
0x23: {  	s13 =	smov.u32 s15;
	s11 =	sadd.s32 $0x1F40, s11;
	[sflag:s7] =	ssyncset.done $0x0  }
0x24: {  	s12 =	sadd.s32 s12, s6;
	[sflag:s7] =	ssyncadd.s32 $0xFFFF0600  }
0x25: {  	[tilespmem:s2], [sflag:$0x2] =	stream.linear.gather [hbm4b:s12+s2], $0x3E8, $0x38;
	[tilespmem:$0xFDE8] =	vst v63  }
0x26: {  	_ =	swait.ge [sflag:s7], $0x3E8  }
0x27: {  	[sflag:s7] =	ssyncset.done $0x0  }
0x28: {  	[sflag:s7] =	ssyncadd.s32 $0xFFFFFC18  }
0x29: {  	[tilespmem:s8], [sflag:$0x1] =	stream.indirect.gather [hbm4b:s3+s8], $0x40, s2, s8, $0xb8;
	[tilespmem:$0xFDE8] =	vst v63  }
0x2a: {  	s10 =	sadd.s32 $0x1, s10;
	_ =	swait.ge [sflag:s9], $0xFA00  }
0x2b: {  	p0 =	sne.s32 s10, s4;
	[sflag:s9] =	ssyncset.done $0x0  }
.Ltmp1:
0x2c: {  	[sflag:s9] =	ssyncadd.s32 $0xFFFF0600;
	(pc) =	sbr.rel @p0 .LBB2_1-.Ltmp1, $4  }
0x2d: {  	[hbm4b:s11+s2] =	stream.linear.scatter [tilespmem:s8], [sflag:$0x2], $0xFA00, $0x38;
	[tilespmem:$0xFDE8] =	vst v63  }
0x2e: {  	_ =	swait.ge [sflag:s7], $0xFA00  }
0x2f: {  	[sflag:s7] =	ssyncset.done $0x0  }
0x30: {  	[sflag:s7] =	ssyncadd.s32 $0xFFFF0600  }
0x31: {  	_ =	sfence.sel $0x180000  }
0x32: {  	[bflag:$0x0] =	sbarrier.arrive $0xFFFF  }
0x33: {  	p0 =	sne.s32 s1, $0x0;
	_ =	strace $0x90000047  }
0x34: {  	s0 =	sadd.s32 @!p0 $0x100000, s0;
	[bflag:$0x2] =	sbarrier.arrive $0xFFFF  }
0x35: {  	[sflag:s0] =	ssyncadd.tile.s32 @!p0 $0x1;
	_ =	shalt  }
.Lfunc_end2:
_tile_overlayer_lowered:
.L_overlay_start_2:
0x36: {  	(tag) =	ssettag $0x2  }
0x37: {  	s0 =	rddreg [dreg:$0x0];
	s2 =	stileid.u32  }
0x38: {  	s1 =	rddreg [dreg:$0x1];
	p0 =	sne.s32 s2, $0x0  }
0x39: {  	s3 =	rddreg [dreg:$0x2];
	[bflag:$0x3] =	sbarrier.arrive $0xFFFF;
	s2 =	simm.s32 @!p0 $0x1C02  }
0x3a: {  	[timem:s3], [sflag:s2] =	dma.local @!p0 [hbm:s0], s1  }
0x3b: {  	s0 =	simm.s32 @!p0 $0x2  }
0x3c: {  	_ =	swait.ge @!p0 [sflag:s0], s1  }
0x3d: {  	s1 =	ssub.s32 @!p0 $0x0, s1;
	[sflag:s0] =	ssyncset.done @!p0 $0x0  }
0x3e: {  	[sflag:s0] =	ssyncadd.s32 @!p0 s1  }
0x3f: {  	[bflag:$0x3] =	sbarrier.arrive $0xFFFF  }
0x40: {  	_ =	shalt  }

// kernel: kernel.24.cloned.1.call-start
scs
__scs_entry_jumppad:
0x0: {  	(pc) =	sbr.rel $0x88, $3  }
0x1: {  	(tag) =	ssettag $0x0;
	lr =	simm.s32 $0x1  }
0x2: {  	[smem:$0x3F6E] =	sst lr;
	_ =	strace $0xD0000000  }
0x3: {  	_ = 	snop  }
0x4: {  	_ = 	snop  }
0x5: {  	_ = 	snop  }
0x6: {  	_ = 	snop  }
0x7: {  	_ = 	snop  }
__scs_overlays_trampoline_lowered:
0x8: {  	[smem:$0x3F7D] =	sst s0  }
0x9: {  	[smem:$0x3F7E] =	sst s1  }
0xa: {  	[smem:$0x3F7F] =	sst s2  }
0xb: {  	[smem:$0x3F80] =	sst s3  }
0xc: {  	[smem:$0x3F81] =	sst s4  }
0xd: {  	[smem:$0x3F82] =	sst s5  }
0xe: {  	[smem:$0x3F83] =	sst s6  }
0xf: {  	[smem:$0x3F84] =	sst s7  }
0x10: {  	[smem:$0x3F85] =	sst s8  }
0x11: {  	[smem:$0x3F86] =	sst s9;
	s0 =	simm.s32 @!p0 $0x0  }
0x12: {  	s1 =	sld [smem:$0x3F6C];
	s0 =	simm.s32 @p0 $0x1  }
0x13: {  	[smem:$0x3F87] =	sst s0;
	s0 =	simm.s32 @!p1 $0x0  }
0x14: {  	s2 =	sld [smem:$0x3F6B];
	s0 =	simm.s32 @p1 $0x1  }
0x15: {  	[smem:$0x3F88] =	sst s0;
	s0 =	simm.s32 @!p2 $0x0  }
0x16: {  	s3 =	sld [smem:$0x3FDB];
	s0 =	simm.s32 @p2 $0x1  }
0x17: {  	s4 =	simm.s32 $0x1BF5;
	[smem:$0x3F8A] =	sst s0  }
0x18: {  	s0 =	sld [smem:$0x3F6D];
	_ =	swait.ge [sflag:s4], $0x0  }
0x19: {  	s7 =	sld [smem:$0x3F6E]  }
0x1a: {  	s8 =	sadd.s32 $0xFFFFE003, lr  }
0x1b: {  	s9 =	sadd.s32 $0xFFFFFEF7, lr;
	s5 =	simm.s32 $0xFFFFFFFF;
	p2 =	slt.u32 s8, $0xFFFFF086  }
0x1c: {  	p1 =	slt.u32 s9, $0xF7A;
	s5 =	simm.s32 @!p2 $0x0  }
0x1d: {  	s5 =	simm.s32 @p1 $0x1;
	p0 =	seq.s32 s7, s2  }
0x1e: {  	s7 =	smul.u32 @!p0 $0xF7A, s2;
	p2 =	seq.s32 @!p0 s5, $0x0  }
0x1f: {  	s9 =	smul.u32 $0xF7A, s1;
	s8 =	simm.s32 @!p0 $0x1BF5;
	p2 =	por !p2, p0  }
0x20: {  	[sflag:s8] =	ssyncset.s32 @!p0 $0xFFFFF086;
	s6 =	sadd.s32 @!p0 s3, s7;
	s7 =	simm.s32 @!p0 $0x108  }
0x21: {  	s3 =	sadd.s32 s3, s9;
	s6 =	sadd.s32 @!p0 $0x88, s6;
	s7 =	simm.s32 @p2 $0x1082  }
0x22: {  	[simem:s7], [sflag:s8] =	dma.local @!p0 [hbm:s6], $0xF7A  }
0x23: {  	s9 =	sor.u32 $0xD0000000, s2;
	s6 =	simm.s32 $0x108;
	_ =	swait.ge @!p0 [sflag:s8], $0x0  }
0x24: {  	s3 =	sadd.s32 $0x88, s3;
	s6 =	simm.s32 @!p1 $0x1082;
	[sflag:s4] =	ssyncset.s32 $0xFFFFF086  }
0x25: {  	[simem:s6], [sflag:s4] =	dma.local [hbm:s3], $0xF7A  }
0x26: {  	[smem:$0x3F6E] =	sst s1;
	(tag) =	ssettag s2;
	_ =	strace s9  }
0x27: {  	s1 =	sld [smem:$0x3F7E]  }
0x28: {  	s2 =	sld [smem:$0x3F7F]  }
0x29: {  	s4 =	sld [smem:$0x3F81]  }
0x2a: {  	p0 =	seq.s32 s5, $0x0;
	s5 =	sld [smem:$0x3F82]  }
0x2b: {  	s6 =	sld [smem:$0x3F83]  }
0x2c: {  	s7 =	sld [smem:$0x3F84]  }
0x2d: {  	s3 =	simm.s32 $0x108;
	s8 =	sld [smem:$0x3F85]  }
0x2e: {  	s3 =	simm.s32 @!p0 $0x1082;
	s9 =	sld [smem:$0x3F86]  }
0x2f: {  	lr =	sadd.s32 s0, s3;
	s0 =	sld [smem:$0x3F7D]  }
0x30: {  	s3 =	sld [smem:$0x3F80]  }
0x31: {  	[smem:$0x3F89] =	sst s10  }
0x32: {  	s10 =	sld [smem:$0x3F87];
	_ =	sdelay $0x3  }
0x33: {  	p0 =	seq.s32 s10, $0x1;
	s10 =	sld [smem:$0x3F89];
	_ =	sdelay $0x3  }
0x34: {  	[smem:$0x3F89] =	sst s10  }
0x35: {  	s10 =	sld [smem:$0x3F88];
	_ =	sdelay $0x3  }
0x36: {  	p1 =	seq.s32 s10, $0x1;
	s10 =	sld [smem:$0x3F89];
	_ =	sdelay $0x3  }
0x37: {  	[smem:$0x3F89] =	sst s10  }
0x38: {  	s10 =	sld [smem:$0x3F8A]  }
0x39: {  	_ = 	snop;
	(pc) =	sbr.ind lr, $3  }
0x3a: {  	_ = 	snop  }
0x3b: {  	_ = 	snop  }
0x3c: {  	p2 =	seq.s32 s10, $0x1;
	s10 =	sld [smem:$0x3F89]  }
0x3d: {  	_ =	shalt  }
0x3e: {  	_ =	shalt  }
0x3f: {  	_ =	shalt  }
0x40: {  	_ =	shalt  }
0x41: {  	_ =	shalt  }
0x42: {  	_ =	shalt  }
0x43: {  	_ =	shalt  }
0x44: {  	_ =	shalt  }
0x45: {  	_ =	shalt  }
0x46: {  	_ =	shalt  }
0x47: {  	_ =	shalt  }
0x48: {  	_ =	shalt  }
0x49: {  	_ =	shalt  }
0x4a: {  	_ =	shalt  }
0x4b: {  	_ =	shalt  }
0x4c: {  	_ =	shalt  }
0x4d: {  	_ =	shalt  }
0x4e: {  	_ =	shalt  }
0x4f: {  	_ =	shalt  }
0x50: {  	_ =	shalt  }
0x51: {  	_ =	shalt  }
0x52: {  	_ =	shalt  }
0x53: {  	_ =	shalt  }
0x54: {  	_ =	shalt  }
0x55: {  	_ =	shalt  }
0x56: {  	_ =	shalt  }
0x57: {  	_ =	shalt  }
0x58: {  	_ =	shalt  }
0x59: {  	_ =	shalt  }
0x5a: {  	_ =	shalt  }
0x5b: {  	_ =	shalt  }
0x5c: {  	_ =	shalt  }
0x5d: {  	_ =	shalt  }
0x5e: {  	_ =	shalt  }
0x5f: {  	_ =	shalt  }
0x60: {  	_ =	shalt  }
0x61: {  	_ =	shalt  }
0x62: {  	_ =	shalt  }
0x63: {  	_ =	shalt  }
0x64: {  	_ =	shalt  }
0x65: {  	_ =	shalt  }
0x66: {  	_ =	shalt  }
0x67: {  	_ =	shalt  }
0x68: {  	_ =	shalt  }
0x69: {  	_ =	shalt  }
0x6a: {  	_ =	shalt  }
0x6b: {  	_ =	shalt  }
0x6c: {  	_ =	shalt  }
0x6d: {  	_ =	shalt  }
0x6e: {  	_ =	shalt  }
0x6f: {  	_ =	shalt  }
0x70: {  	_ =	shalt  }
0x71: {  	_ =	shalt  }
0x72: {  	_ =	shalt  }
0x73: {  	_ =	shalt  }
0x74: {  	_ =	shalt  }
0x75: {  	_ =	shalt  }
0x76: {  	_ =	shalt  }
0x77: {  	_ =	shalt  }
0x78: {  	_ =	shalt  }
0x79: {  	_ =	shalt  }
0x7a: {  	_ =	shalt  }
0x7b: {  	_ =	shalt  }
0x7c: {  	_ =	shalt  }
0x7d: {  	_ =	shalt  }
0x7e: {  	_ =	shalt  }
0x7f: {  	_ =	shalt  }
0x80: {  	_ =	shalt  }
0x81: {  	_ =	shalt  }
0x82: {  	_ =	shalt  }
0x83: {  	_ =	shalt  }
0x84: {  	_ =	shalt  }
0x85: {  	_ =	shalt  }
0x86: {  	_ =	shalt  }
0x87: {  	_ =	shalt  }
.Lfunc_end0:
.L_simem_size_0:
called_computation.1_lowered:
.L_overlay_start_0:
0x88: {  	s2 =	sld [smem:$0x3FD9]  }
0x89: {  	s3 =	sld [smem:$0x3FFE];
	_ =	sdelay $0x1  }
0x8a: {  	s1 =	srdreg.scid  }
0x8b: {  	s0 =	sand.u32 $0x1, s1  }
0x8c: {  	s17 =	sshll.u32 s0, $0xA;
	s2 =	sadd.s32 s3, s2  }
0x8d: {  	s2 =	sadd.s32 s2, s17  }
0x8e: {  	[smem:$0x3F95] =	sst s2  }
0x8f: {  	_ = 	snop  }
0x90: {  	(tm) =	ssettm $0x1  }
0x91: {  	s18 =	sld [smem:$0x3FFB];
	_ =	sdelay $0x3  }
0x92: {  	_ =	strace s18  }
0x93: {  	s2 =	sld [smem:$0x3FFC];
	_ =	sdelay $0x3  }
0x94: {  	_ =	strace s2  }
0x95: {  	s2 =	sld [smem:$0x3FFD];
	_ =	sdelay $0x3  }
0x96: {  	_ =	strace s2  }
0x97: {  	_ =	strace $0x8FFFFFFF  }
0x98: {  	s19 =	sld [smem:$0x3FDB];
	_ =	sdelay $0x1  }
0x99: {  	s20 =	simm.s32 $_scs_section_size  }
0x9a: {  	s4 =	simm.s32 $_size__tile_overlayer_lowered;
	s5 =	simm.s32 $_tile_overlayer_lowered  }
0x9b: {  	s6 =	simm.s32 $0x1BFF;
	s21 =	sshll.u32 s5, $0x1;
	s3 =	sadd.s32 s20, s19  }
0x9c: {  	s22 =	simm.s32 $0x0;
	s4 =	sshll.u32 s4, $0x1;
	s5 =	sadd.s32 s21, s3  }
0x9d: {  	[timem:s22], [sflag:s6] =	dma.local [hbm:s5], s4  }
0x9e: {  	_ =	swait.ge [sflag:s6], s4  }
0x9f: {  	s4 =	ssub.s32 $0x0, s4;
	[sflag:s6] =	ssyncset.done $0x0  }
0xa0: {  	[sflag:s6] =	ssyncadd.s32 s4;
	_ =	sdelay $0x1  }
0xa1: {  	s23 =	simm.s32 $0x1B8B  }
0xa2: {  	_ =	swait.ge [sflag:s23], $0x1  }
0xa3: {  	[sflag:s23] =	ssyncset.done $0x0  }
0xa4: {  	[sflag:s23] =	ssyncadd.s32 $0xFFFFFFFF  }
0xa5: {  	s4 =	sld [smem:$0x0]  }
0xa6: {  	s5 =	sand.u32 $0xFFFFFFFE, s1  }
0xa7: {  	p0 =	sne.s32 s1, s5  }
0xa8: {  	s5 =	sshll.u32 @p0 s5, $0xE  }
0xa9: {  	s5 =	sadd.s32 @p0 $0x11B8D, s5;
	s6 =	sshll.u32 @p0 s4, $0x11  }
0xaa: {  	s5 =	sor.u32 @p0 s6, s5  }
0xab: {  	[sflag:s5] =	ssyncadd.remote.s32 @p0 $0x1;
	_ =	sdelay $0x1  }
0xac: {  	s5 =	simm.s32 @p0 $0x1B8D  }
0xad: {  	_ =	swait.eq @p0 [sflag:s5], $0x1  }
0xae: {  	[sflag:s5] =	ssyncadd.s32 @p0 $0xFFFFFFFF  }
0xaf: {  	s6 =	sshll.u32 @!p0 s1, $0xE  }
0xb0: {  	s6 =	sor.u32 @!p0 $0x4000, s6;
	s5 =	simm.s32 @!p0 $0x1B8D  }
0xb1: {  	s4 =	sshll.u32 @!p0 s4, $0x11;
	s6 =	sadd.s32 @!p0 $0x11B8D, s6;
	_ =	swait.eq @!p0 [sflag:s5], $0x1  }
0xb2: {  	s4 =	sor.u32 @!p0 s4, s6;
	[sflag:s5] =	ssyncadd.s32 @!p0 $0xFFFFFFFF  }
0xb3: {  	s25 =	simm.s32 $0x1B8E;
	s24 =	sld [smem:$0x3FFE];
	[sflag:s4] =	ssyncadd.remote.s32 @!p0 $0x1  }
0xb4: {  	s26 =	simm.s32 $execute0_lowered;
	[smem:$0x3FD2] =	sst s25  }
0xb5: {  	s5 =	sshll.u32 s26, $0x1;
	_ =	strace $0x80000049;
	[dreg:$0x1] =	wrdreg $0xFFFFFFFF  }
0xb6: {  	s28 =	simm.s32 $_size_execute0_lowered;
	s3 =	sadd.s32 s3, s5;
	[dreg:$0x0] =	wrdreg $0x0  }
0xb7: {  	s5 =	sshll.u32 s28, $0x1;
	[dreg:$0x2] =	wrdreg s3  }
0xb8: {  	[dreg:$0x3] =	wrdreg s5  }
0xb9: {  	[dreg:$0x4] =	wrdreg $0xC0  }
0xba: {  	_ =	task [dreg:s22], $0x5FFFF  }
0xbb: {  	[dreg:$0x1] =	wrdreg $0xFFFFFFFF  }
0xbc: {  	[dreg:$0x0] =	wrdreg $0x60  }
0xbd: {  	[dreg:$0x2] =	wrdreg s24  }
0xbe: {  	[dreg:$0x3] =	wrdreg $0x9  }
0xbf: {  	_ =	task.clear_ibuf [dreg:s22], $0x4FFFF;
	_ =	strace $0x90000049  }
0xc0: {  	s29 =	simm.s32 $0x9;
	_ =	strace $0x8000004B  }
0xc1: {  	_ =	swait.ge [sflag:s29], $0x1  }
0xc2: {  	[sflag:s29] =	ssyncadd.s32 $0xFFFFFFFF  }
0xc3: {  	_ =	strace $0x9000004B  }
0xc4: {  	_ =	sfence  }
0xc5: {  	s30 =	sld [smem:$0x0];
	_ =	sdelay $0x2  }
0xc6: {  	s31 =	sshll.u32 s1, $0xD;
	s1 =	sshrl.u32 s1, $0x2  }
0xc7: {  	s4 =	sand.u32 $0x4000, s31;
	s1 =	sadd.s32 s1, s30  }
0xc8: {  	s0 =	sor.u32 s4, s0;
	s1 =	sshll.u32 s1, $0x11  }
0xc9: {  	s0 =	sor.u32 s1, s0  }
0xca: {  	s0 =	sadd.s32 $0x8F2B, s0  }
0xcb: {  	[sflag:s0] =	ssyncadd.remote.s32 $0x1  }
0xcc: {  	_ =	sfence.sel $0xFFFF  }
0xcd: {  	[dreg:$0x0] =	wrdreg $0xFFFFFFFF;
	(pc) =	sbr.abs _section_cstart, $3  }
0xce: {  	[dreg:$0x1] =	wrdreg $0xFFFFFFFF  }
0xcf: {  	_ =	task.clear_ibuf [dreg:s22], $0x2FFFF;
	_ =	strace $0x9FFFFFFF  }
0xd0: {  	(tm) =	ssettm $0x7FFFFFFF  }
0xd1: {  	_ =	shalt  }
tec
execute0_lowered:
.L_overlay_start_1:
0x0: {  	(tag) =	ssettag $0x1  }
0x1: {  	s4 =	rddreg [dreg:$0x0]  }
0x2: {  	s0 =	rddreg [dreg:$0x1];
	s2 =	simm.s32 $0x0;
	s1 =	stileid.u32  }
0x3: {  	s3 =	srdreg.scid;
	s10 =	simm.s32 $0x0;
	s6 =	smul.u32 $0x4E20, s1  }
0x4: {  	[smem:$0x7FF] =	sst s2;
	s5 =	sand.u32 $0x1, s3;
	s8 =	smul.u32 $0x27100, s1  }
0x5: {  	s3 =	sadd.s32 $0x39200, s4;
	s7 =	smul.u32 $0x2710, s5;
	s9 =	ssub.s32 $0x2, s5  }
0x6: {  	_ =	strace $0x8000004A;
	s5 =	smul.u32 $0x13880, s5;
	s31 =	sshrl.u32 s9, $0x1  }
0x7: {  	s8 =	sadd.s32 s8, s4;
	s6 =	sadd.s32 s7, s6;
	s7 =	ssub.s32 s9, s31  }
0x8: {  	s5 =	sadd.s32 s5, s8;
	s8 =	simm.s32 $0x3E8;
	s6 =	sshrl.u32 s6, $0x3  }
0x9: {  	s9 =	simm.s32 $0x1;
	s5 =	sadd.s32 $0x2E5200, s5;
	s6 =	sadd.s32 s6, s4  }
0xa: {  	s4 =	smax.u32 s7, $0x1;
	s7 =	simm.s32 $0x2;
	s6 =	sadd.s32 $0x556200, s6  }
.LBB2_1:
0xb: {  	s11 =	sadd.s32 $0x0, s6  }
0xc: {  	[tilespmem:s2], [sflag:$0x2] =	stream.linear.gather [hbm4b:s11+s2], $0x3E8, $0x38;
	[tilespmem:$0xFDE8] =	vst v63  }
0xd: {  	_ =	swait.ge [sflag:s7], $0x3E8  }
0xe: {  	[sflag:s7] =	ssyncset.done $0x0  }
0xf: {  	[sflag:s7] =	ssyncadd.s32 $0xFFFFFC18  }
0x10: {  	[tilespmem:s8], [sflag:$0x1] =	stream.indirect.gather [hbm4b:s3+s8], $0x40, s2, s8, $0xb8;
	[tilespmem:$0xFDE8] =	vst v63  }
0x11: {  	_ =	swait.ge [sflag:s9], $0xFA00  }
0x12: {  	[sflag:s9] =	ssyncset.done $0x0  }
0x13: {  	[sflag:s9] =	ssyncadd.s32 $0xFFFF0600  }
0x14: {  	[hbm4b:s5+s2] =	stream.linear.scatter [tilespmem:s8], [sflag:$0x2], $0xFA00, $0x38;
	[tilespmem:$0xFDE8] =	vst v63  }
0x15: {  	s12 =	simm.s32 $0x7D;
	_ =	swait.ge [sflag:s7], $0xFA00  }
0x16: {  	s13 =	simm.s32 $0xFA;
	s11 =	sadd.s32 $0x1F40, s5;
	[sflag:s7] =	ssyncset.done $0x0  }
.LBB2_2:
0x17: {  	s14 =	sadd.s32 s12, s6  }
0x18: {  	[sflag:s7] =	ssyncadd.s32 $0xFFFF0600;
	s12 =	smov.u32 s13;
	s15 =	sadd.s32 $0x7D, s13  }
0x19: {  	[tilespmem:s2], [sflag:$0x2] =	stream.linear.gather [hbm4b:s14+s2], $0x3E8, $0x38;
	[tilespmem:$0xFDE8] =	vst v63  }
0x1a: {  	p0 =	sne.s32 s13, $0x465;
	_ =	swait.ge [sflag:s7], $0x3E8  }
0x1b: {  	[sflag:s7] =	ssyncset.done $0x0  }
0x1c: {  	[sflag:s7] =	ssyncadd.s32 $0xFFFFFC18  }
0x1d: {  	[tilespmem:s8], [sflag:$0x1] =	stream.indirect.gather [hbm4b:s3+s8], $0x40, s2, s8, $0xb8;
	[tilespmem:$0xFDE8] =	vst v63  }
0x1e: {  	_ =	swait.ge [sflag:s9], $0xFA00  }
.Ltmp0:
0x1f: {  	[sflag:s9] =	ssyncset.done $0x0;
	(pc) =	sbr.rel @p0 .LBB2_2-.Ltmp0, $4  }
0x20: {  	[sflag:s9] =	ssyncadd.s32 $0xFFFF0600  }
0x21: {  	[hbm4b:s11+s2] =	stream.linear.scatter [tilespmem:s8], [sflag:$0x2], $0xFA00, $0x38;
	[tilespmem:$0xFDE8] =	vst v63  }
0x22: {  	_ =	swait.ge [sflag:s7], $0xFA00  }
0x23: {  	s13 =	smov.u32 s15;
	s11 =	sadd.s32 $0x1F40, s11;
	[sflag:s7] =	ssyncset.done $0x0  }
0x24: {  	s12 =	sadd.s32 s12, s6;
	[sflag:s7] =	ssyncadd.s32 $0xFFFF0600  }
0x25: {  	[tilespmem:s2], [sflag:$0x2] =	stream.linear.gather [hbm4b:s12+s2], $0x3E8, $0x38;
	[tilespmem:$0xFDE8] =	vst v63  }
0x26: {  	_ =	swait.ge [sflag:s7], $0x3E8  }
0x27: {  	[sflag:s7] =	ssyncset.done $0x0  }
0x28: {  	[sflag:s7] =	ssyncadd.s32 $0xFFFFFC18  }
0x29: {  	[tilespmem:s8], [sflag:$0x1] =	stream.indirect.gather [hbm4b:s3+s8], $0x40, s2, s8, $0xb8;
	[tilespmem:$0xFDE8] =	vst v63  }
0x2a: {  	s10 =	sadd.s32 $0x1, s10;
	_ =	swait.ge [sflag:s9], $0xFA00  }
0x2b: {  	p0 =	sne.s32 s10, s4;
	[sflag:s9] =	ssyncset.done $0x0  }
.Ltmp1:
0x2c: {  	[sflag:s9] =	ssyncadd.s32 $0xFFFF0600;
	(pc) =	sbr.rel @p0 .LBB2_1-.Ltmp1, $4  }
0x2d: {  	[hbm4b:s11+s2] =	stream.linear.scatter [tilespmem:s8], [sflag:$0x2], $0xFA00, $0x38;
	[tilespmem:$0xFDE8] =	vst v63  }
0x2e: {  	_ =	swait.ge [sflag:s7], $0xFA00  }
0x2f: {  	[sflag:s7] =	ssyncset.done $0x0  }
0x30: {  	[sflag:s7] =	ssyncadd.s32 $0xFFFF0600  }
0x31: {  	_ =	sfence.sel $0x180000  }
0x32: {  	[bflag:$0x0] =	sbarrier.arrive $0xFFFF  }
0x33: {  	p0 =	sne.s32 s1, $0x0;
	_ =	strace $0x9000004A  }
0x34: {  	s0 =	sadd.s32 @!p0 $0x100000, s0;
	[bflag:$0x2] =	sbarrier.arrive $0xFFFF  }
0x35: {  	[sflag:s0] =	ssyncadd.tile.s32 @!p0 $0x1;
	_ =	shalt  }
.Lfunc_end2:
_tile_overlayer_lowered:
.L_overlay_start_2:
0x36: {  	(tag) =	ssettag $0x2  }
0x37: {  	s0 =	rddreg [dreg:$0x0];
	s2 =	stileid.u32  }
0x38: {  	s1 =	rddreg [dreg:$0x1];
	p0 =	sne.s32 s2, $0x0  }
0x39: {  	s3 =	rddreg [dreg:$0x2];
	[bflag:$0x3] =	sbarrier.arrive $0xFFFF;
	s2 =	simm.s32 @!p0 $0x1C02  }
0x3a: {  	[timem:s3], [sflag:s2] =	dma.local @!p0 [hbm:s0], s1  }
0x3b: {  	s0 =	simm.s32 @!p0 $0x2  }
0x3c: {  	_ =	swait.ge @!p0 [sflag:s0], s1  }
0x3d: {  	s1 =	ssub.s32 @!p0 $0x0, s1;
	[sflag:s0] =	ssyncset.done @!p0 $0x0  }
0x3e: {  	[sflag:s0] =	ssyncadd.s32 @!p0 s1  }
0x3f: {  	[bflag:$0x3] =	sbarrier.arrive $0xFFFF  }
0x40: {  	_ =	shalt  }

// kernel: kernel.27.cloned.1.call-start
scs
__scs_entry_jumppad:
0x0: {  	(pc) =	sbr.rel $0x88, $3  }
0x1: {  	(tag) =	ssettag $0x0;
	lr =	simm.s32 $0x1  }
0x2: {  	[smem:$0x3F6E] =	sst lr;
	_ =	strace $0xD0000000  }
0x3: {  	_ = 	snop  }
0x4: {  	_ = 	snop  }
0x5: {  	_ = 	snop  }
0x6: {  	_ = 	snop  }
0x7: {  	_ = 	snop  }
__scs_overlays_trampoline_lowered:
0x8: {  	[smem:$0x3F7D] =	sst s0  }
0x9: {  	[smem:$0x3F7E] =	sst s1  }
0xa: {  	[smem:$0x3F7F] =	sst s2  }
0xb: {  	[smem:$0x3F80] =	sst s3  }
0xc: {  	[smem:$0x3F81] =	sst s4  }
0xd: {  	[smem:$0x3F82] =	sst s5  }
0xe: {  	[smem:$0x3F83] =	sst s6  }
0xf: {  	[smem:$0x3F84] =	sst s7  }
0x10: {  	[smem:$0x3F85] =	sst s8  }
0x11: {  	[smem:$0x3F86] =	sst s9;
	s0 =	simm.s32 @!p0 $0x0  }
0x12: {  	s1 =	sld [smem:$0x3F6C];
	s0 =	simm.s32 @p0 $0x1  }
0x13: {  	[smem:$0x3F87] =	sst s0;
	s0 =	simm.s32 @!p1 $0x0  }
0x14: {  	s2 =	sld [smem:$0x3F6B];
	s0 =	simm.s32 @p1 $0x1  }
0x15: {  	[smem:$0x3F88] =	sst s0;
	s0 =	simm.s32 @!p2 $0x0  }
0x16: {  	s3 =	sld [smem:$0x3FDB];
	s0 =	simm.s32 @p2 $0x1  }
0x17: {  	s4 =	simm.s32 $0x1BF5;
	[smem:$0x3F8A] =	sst s0  }
0x18: {  	s0 =	sld [smem:$0x3F6D];
	_ =	swait.ge [sflag:s4], $0x0  }
0x19: {  	s7 =	sld [smem:$0x3F6E]  }
0x1a: {  	s8 =	sadd.s32 $0xFFFFE003, lr  }
0x1b: {  	s9 =	sadd.s32 $0xFFFFFEF7, lr;
	s5 =	simm.s32 $0xFFFFFFFF;
	p2 =	slt.u32 s8, $0xFFFFF086  }
0x1c: {  	p1 =	slt.u32 s9, $0xF7A;
	s5 =	simm.s32 @!p2 $0x0  }
0x1d: {  	s5 =	simm.s32 @p1 $0x1;
	p0 =	seq.s32 s7, s2  }
0x1e: {  	s7 =	smul.u32 @!p0 $0xF7A, s2;
	p2 =	seq.s32 @!p0 s5, $0x0  }
0x1f: {  	s9 =	smul.u32 $0xF7A, s1;
	s8 =	simm.s32 @!p0 $0x1BF5;
	p2 =	por !p2, p0  }
0x20: {  	[sflag:s8] =	ssyncset.s32 @!p0 $0xFFFFF086;
	s6 =	sadd.s32 @!p0 s3, s7;
	s7 =	simm.s32 @!p0 $0x108  }
0x21: {  	s3 =	sadd.s32 s3, s9;
	s6 =	sadd.s32 @!p0 $0x88, s6;
	s7 =	simm.s32 @p2 $0x1082  }
0x22: {  	[simem:s7], [sflag:s8] =	dma.local @!p0 [hbm:s6], $0xF7A  }
0x23: {  	s9 =	sor.u32 $0xD0000000, s2;
	s6 =	simm.s32 $0x108;
	_ =	swait.ge @!p0 [sflag:s8], $0x0  }
0x24: {  	s3 =	sadd.s32 $0x88, s3;
	s6 =	simm.s32 @!p1 $0x1082;
	[sflag:s4] =	ssyncset.s32 $0xFFFFF086  }
0x25: {  	[simem:s6], [sflag:s4] =	dma.local [hbm:s3], $0xF7A  }
0x26: {  	[smem:$0x3F6E] =	sst s1;
	(tag) =	ssettag s2;
	_ =	strace s9  }
0x27: {  	s1 =	sld [smem:$0x3F7E]  }
0x28: {  	s2 =	sld [smem:$0x3F7F]  }
0x29: {  	s4 =	sld [smem:$0x3F81]  }
0x2a: {  	p0 =	seq.s32 s5, $0x0;
	s5 =	sld [smem:$0x3F82]  }
0x2b: {  	s6 =	sld [smem:$0x3F83]  }
0x2c: {  	s7 =	sld [smem:$0x3F84]  }
0x2d: {  	s3 =	simm.s32 $0x108;
	s8 =	sld [smem:$0x3F85]  }
0x2e: {  	s3 =	simm.s32 @!p0 $0x1082;
	s9 =	sld [smem:$0x3F86]  }
0x2f: {  	lr =	sadd.s32 s0, s3;
	s0 =	sld [smem:$0x3F7D]  }
0x30: {  	s3 =	sld [smem:$0x3F80]  }
0x31: {  	[smem:$0x3F89] =	sst s10  }
0x32: {  	s10 =	sld [smem:$0x3F87];
	_ =	sdelay $0x3  }
0x33: {  	p0 =	seq.s32 s10, $0x1;
	s10 =	sld [smem:$0x3F89];
	_ =	sdelay $0x3  }
0x34: {  	[smem:$0x3F89] =	sst s10  }
0x35: {  	s10 =	sld [smem:$0x3F88];
	_ =	sdelay $0x3  }
0x36: {  	p1 =	seq.s32 s10, $0x1;
	s10 =	sld [smem:$0x3F89];
	_ =	sdelay $0x3  }
0x37: {  	[smem:$0x3F89] =	sst s10  }
0x38: {  	s10 =	sld [smem:$0x3F8A]  }
0x39: {  	_ = 	snop;
	(pc) =	sbr.ind lr, $3  }
0x3a: {  	_ = 	snop  }
0x3b: {  	_ = 	snop  }
0x3c: {  	p2 =	seq.s32 s10, $0x1;
	s10 =	sld [smem:$0x3F89]  }
0x3d: {  	_ =	shalt  }
0x3e: {  	_ =	shalt  }
0x3f: {  	_ =	shalt  }
0x40: {  	_ =	shalt  }
0x41: {  	_ =	shalt  }
0x42: {  	_ =	shalt  }
0x43: {  	_ =	shalt  }
0x44: {  	_ =	shalt  }
0x45: {  	_ =	shalt  }
0x46: {  	_ =	shalt  }
0x47: {  	_ =	shalt  }
0x48: {  	_ =	shalt  }
0x49: {  	_ =	shalt  }
0x4a: {  	_ =	shalt  }
0x4b: {  	_ =	shalt  }
0x4c: {  	_ =	shalt  }
0x4d: {  	_ =	shalt  }
0x4e: {  	_ =	shalt  }
0x4f: {  	_ =	shalt  }
0x50: {  	_ =	shalt  }
0x51: {  	_ =	shalt  }
0x52: {  	_ =	shalt  }
0x53: {  	_ =	shalt  }
0x54: {  	_ =	shalt  }
0x55: {  	_ =	shalt  }
0x56: {  	_ =	shalt  }
0x57: {  	_ =	shalt  }
0x58: {  	_ =	shalt  }
0x59: {  	_ =	shalt  }
0x5a: {  	_ =	shalt  }
0x5b: {  	_ =	shalt  }
0x5c: {  	_ =	shalt  }
0x5d: {  	_ =	shalt  }
0x5e: {  	_ =	shalt  }
0x5f: {  	_ =	shalt  }
0x60: {  	_ =	shalt  }
0x61: {  	_ =	shalt  }
0x62: {  	_ =	shalt  }
0x63: {  	_ =	shalt  }
0x64: {  	_ =	shalt  }
0x65: {  	_ =	shalt  }
0x66: {  	_ =	shalt  }
0x67: {  	_ =	shalt  }
0x68: {  	_ =	shalt  }
0x69: {  	_ =	shalt  }
0x6a: {  	_ =	shalt  }
0x6b: {  	_ =	shalt  }
0x6c: {  	_ =	shalt  }
0x6d: {  	_ =	shalt  }
0x6e: {  	_ =	shalt  }
0x6f: {  	_ =	shalt  }
0x70: {  	_ =	shalt  }
0x71: {  	_ =	shalt  }
0x72: {  	_ =	shalt  }
0x73: {  	_ =	shalt  }
0x74: {  	_ =	shalt  }
0x75: {  	_ =	shalt  }
0x76: {  	_ =	shalt  }
0x77: {  	_ =	shalt  }
0x78: {  	_ =	shalt  }
0x79: {  	_ =	shalt  }
0x7a: {  	_ =	shalt  }
0x7b: {  	_ =	shalt  }
0x7c: {  	_ =	shalt  }
0x7d: {  	_ =	shalt  }
0x7e: {  	_ =	shalt  }
0x7f: {  	_ =	shalt  }
0x80: {  	_ =	shalt  }
0x81: {  	_ =	shalt  }
0x82: {  	_ =	shalt  }
0x83: {  	_ =	shalt  }
0x84: {  	_ =	shalt  }
0x85: {  	_ =	shalt  }
0x86: {  	_ =	shalt  }
0x87: {  	_ =	shalt  }
.Lfunc_end0:
.L_simem_size_0:
called_computation.2_lowered:
.L_overlay_start_0:
0x88: {  	s2 =	sld [smem:$0x3FD9]  }
0x89: {  	s3 =	sld [smem:$0x3FFE];
	_ =	sdelay $0x1  }
0x8a: {  	s1 =	srdreg.scid  }
0x8b: {  	s0 =	sand.u32 $0x1, s1  }
0x8c: {  	s17 =	sshll.u32 s0, $0xA;
	s2 =	sadd.s32 s3, s2  }
0x8d: {  	s2 =	sadd.s32 s2, s17  }
0x8e: {  	[smem:$0x3F95] =	sst s2  }
0x8f: {  	_ = 	snop  }
0x90: {  	(tm) =	ssettm $0x1  }
0x91: {  	s18 =	sld [smem:$0x3FFB];
	_ =	sdelay $0x3  }
0x92: {  	_ =	strace s18  }
0x93: {  	s2 =	sld [smem:$0x3FFC];
	_ =	sdelay $0x3  }
0x94: {  	_ =	strace s2  }
0x95: {  	s2 =	sld [smem:$0x3FFD];
	_ =	sdelay $0x3  }
0x96: {  	_ =	strace s2  }
0x97: {  	_ =	strace $0x8FFFFFFF  }
0x98: {  	s19 =	sld [smem:$0x3FDB];
	_ =	sdelay $0x1  }
0x99: {  	s20 =	simm.s32 $_scs_section_size  }
0x9a: {  	s4 =	simm.s32 $_size__tile_overlayer_lowered;
	s5 =	simm.s32 $_tile_overlayer_lowered  }
0x9b: {  	s6 =	simm.s32 $0x1BFF;
	s21 =	sshll.u32 s5, $0x1;
	s3 =	sadd.s32 s20, s19  }
0x9c: {  	s22 =	simm.s32 $0x0;
	s4 =	sshll.u32 s4, $0x1;
	s5 =	sadd.s32 s21, s3  }
0x9d: {  	[timem:s22], [sflag:s6] =	dma.local [hbm:s5], s4  }
0x9e: {  	_ =	swait.ge [sflag:s6], s4  }
0x9f: {  	s4 =	ssub.s32 $0x0, s4;
	[sflag:s6] =	ssyncset.done $0x0  }
0xa0: {  	[sflag:s6] =	ssyncadd.s32 s4;
	_ =	sdelay $0x1  }
0xa1: {  	s23 =	simm.s32 $0x1B8B  }
0xa2: {  	_ =	swait.ge [sflag:s23], $0x1  }
0xa3: {  	[sflag:s23] =	ssyncset.done $0x0  }
0xa4: {  	[sflag:s23] =	ssyncadd.s32 $0xFFFFFFFF  }
0xa5: {  	s4 =	sld [smem:$0x0]  }
0xa6: {  	s5 =	sand.u32 $0xFFFFFFFE, s1  }
0xa7: {  	p0 =	sne.s32 s1, s5  }
0xa8: {  	s5 =	sshll.u32 @p0 s5, $0xE  }
0xa9: {  	s5 =	sadd.s32 @p0 $0x11B8D, s5;
	s6 =	sshll.u32 @p0 s4, $0x11  }
0xaa: {  	s5 =	sor.u32 @p0 s6, s5  }
0xab: {  	[sflag:s5] =	ssyncadd.remote.s32 @p0 $0x1;
	_ =	sdelay $0x1  }
0xac: {  	s5 =	simm.s32 @p0 $0x1B8D  }
0xad: {  	_ =	swait.eq @p0 [sflag:s5], $0x1  }
0xae: {  	[sflag:s5] =	ssyncadd.s32 @p0 $0xFFFFFFFF  }
0xaf: {  	s6 =	sshll.u32 @!p0 s1, $0xE  }
0xb0: {  	s6 =	sor.u32 @!p0 $0x4000, s6;
	s5 =	simm.s32 @!p0 $0x1B8D  }
0xb1: {  	s4 =	sshll.u32 @!p0 s4, $0x11;
	s6 =	sadd.s32 @!p0 $0x11B8D, s6;
	_ =	swait.eq @!p0 [sflag:s5], $0x1  }
0xb2: {  	s4 =	sor.u32 @!p0 s4, s6;
	[sflag:s5] =	ssyncadd.s32 @!p0 $0xFFFFFFFF  }
0xb3: {  	s25 =	simm.s32 $0x1B8E;
	s24 =	sld [smem:$0x3FFE];
	[sflag:s4] =	ssyncadd.remote.s32 @!p0 $0x1  }
0xb4: {  	s26 =	simm.s32 $execute0_lowered;
	[smem:$0x3FD2] =	sst s25  }
0xb5: {  	s5 =	sshll.u32 s26, $0x1;
	_ =	strace $0x8000004C;
	[dreg:$0x1] =	wrdreg $0xFFFFFFFF  }
0xb6: {  	s28 =	simm.s32 $_size_execute0_lowered;
	s3 =	sadd.s32 s3, s5;
	[dreg:$0x0] =	wrdreg $0x0  }
0xb7: {  	s5 =	sshll.u32 s28, $0x1;
	[dreg:$0x2] =	wrdreg s3  }
0xb8: {  	[dreg:$0x3] =	wrdreg s5  }
0xb9: {  	[dreg:$0x4] =	wrdreg $0xC0  }
0xba: {  	_ =	task [dreg:s22], $0x5FFFF  }
0xbb: {  	[dreg:$0x1] =	wrdreg $0xFFFFFFFF  }
0xbc: {  	[dreg:$0x0] =	wrdreg $0x60  }
0xbd: {  	[dreg:$0x2] =	wrdreg s24  }
0xbe: {  	[dreg:$0x3] =	wrdreg $0xFDE80  }
0xbf: {  	[dreg:$0x4] =	wrdreg $0xA  }
0xc0: {  	_ =	task.clear_ibuf [dreg:s22], $0x5FFFF;
	_ =	strace $0x9000004C  }
0xc1: {  	s29 =	simm.s32 $0xA;
	_ =	strace $0x8000004E  }
0xc2: {  	_ =	swait.ge [sflag:s29], $0x1  }
0xc3: {  	[sflag:s29] =	ssyncadd.s32 $0xFFFFFFFF  }
0xc4: {  	_ =	strace $0x9000004E  }
0xc5: {  	_ =	sfence  }
0xc6: {  	s30 =	sld [smem:$0x0];
	_ =	sdelay $0x2  }
0xc7: {  	s31 =	sshll.u32 s1, $0xD;
	s1 =	sshrl.u32 s1, $0x2  }
0xc8: {  	s4 =	sand.u32 $0x4000, s31;
	s1 =	sadd.s32 s1, s30  }
0xc9: {  	s0 =	sor.u32 s4, s0;
	s1 =	sshll.u32 s1, $0x11  }
0xca: {  	s0 =	sor.u32 s1, s0  }
0xcb: {  	s0 =	sadd.s32 $0x8F2B, s0  }
0xcc: {  	[sflag:s0] =	ssyncadd.remote.s32 $0x1  }
0xcd: {  	_ =	sfence.sel $0xFFFF  }
0xce: {  	[dreg:$0x0] =	wrdreg $0xFFFFFFFF;
	(pc) =	sbr.abs _section_cstart, $3  }
0xcf: {  	[dreg:$0x1] =	wrdreg $0xFFFFFFFF  }
0xd0: {  	_ =	task.clear_ibuf [dreg:s22], $0x2FFFF;
	_ =	strace $0x9FFFFFFF  }
0xd1: {  	(tm) =	ssettm $0x7FFFFFFF  }
tec
execute0_lowered:
.L_overlay_start_1:
0x0: {  	(tag) =	ssettag $0x1  }
0x1: {  	s9 =	rddreg [dreg:$0x0]  }
0x2: {  	s2 =	rddreg [dreg:$0x1]  }
0x3: {  	s0 =	rddreg [dreg:$0x2];
	s1 =	stileid.u32  }
0x4: {  	s3 =	simm.s32 $0x0;
	s6 =	srdreg.scid;
	s4 =	smul.u32 $0x27100, s1  }
0x5: {  	s18 =	simm.s32 $0x40;
	s19 =	simm.s32 $0x80;
	s5 =	smul.u32 $0x4E2, s1  }
0x6: {  	s20 =	simm.s32 $0x3E8;
	s22 =	simm.s32 $0x0;
	s7 =	smul.u32 $0x9E00, s1  }
0x7: {  	[smem:$0x7FF] =	sst s3;
	s17 =	sand.u32 $0x1, s6;
	s29 =	smul.u32 $0x2780, s1  }
0x8: {  	s14 =	sadd.s32 $0x94200, s2;
	s31 =	smul.u32 $0x27800, s1;
	p0 =	seq.s32 s1, $0xF  }
0x9: {  	_ =	strace $0x8000004D;
	s6 =	ssub.s32 $0x2, s17;
	s14 =	sshrl.u32 @p0 s14, $0x3  }
0xa: {  	p1 =	sne.s32 s17, $0x0;
	s17 =	simm.s32 $0x1;
	s12 =	sadd.s32 s4, s9  }
0xb: {  	s13 =	sadd.s32 s5, s9;
	s30 =	sshrl.u32 s7, $0x3;
	s8 =	sshrl.u32 s6, $0x1  }
0xc: {  	s10 =	sadd.s32 s29, s9;
	s16 =	sadd.s32 s7, s2;
	s15 =	sshrl.u32 s31, $0x2  }
0xd: {  	s7 =	sadd.s32 $0xA7B688, s9;
	s11 =	ssub.s32 s6, s8;
	s6 =	sadd.s32 $0xA56608, s10  }
.Ltmp0:
0xe: {  	s5 =	sadd.s32 s30, s9;
	s8 =	sadd.s32 $0xA56600, s10;
	(pc) =	sbr.rel .LBB2_1-.Ltmp0, $4  }
0xf: {  	s21 =	sadd.s32 s15, s2;
	s10 =	sadd.s32 $0xB7BC00, s12;
	s12 =	sadd.s32 $0xB7BC08, s12  }
0x10: {  	s13 =	sadd.s32 $0x60400, s13;
	s15 =	sshll.u32 @!p0 s1, $0x6;
	s4 =	sadd.s32 $0xA42C00, s5  }
0x11: {  	s16 =	sshrl.u32 @!p0 s16, $0x3;
	s5 =	sadd.s32 $0xA55440, s9;
	s9 =	sadd.s32 $0xA7B680, s9  }
0x12: {  	s11 =	smax.u32 s11, $0x1;
	s15 =	sor.u32 @!p0 $0x1C01, s15;
	s21 =	sshrl.u32 @!p0 s21, $0x3  }
.LBB2_7:
0x13: {  	s24 =	sadd.s32 s24, s13;
	[sflag:s17] =	ssyncadd.s32 $0xFFFF0600  }
0x14: {  	[tilespmem:s3], [sflag:$0x1] =	stream.linear.gather [hbm4b:s24+s3], $0x3E8, $0x38;
	[tilespmem:$0x19A28] =	vst v63  }
0x15: {  	_ =	swait.ge [sflag:s17], $0x3E8  }
0x16: {  	[sflag:s17] =	ssyncset.done $0x0  }
0x17: {  	[sflag:s17] =	ssyncadd.s32 $0xFFFFFC18  }
0x18: {  	[tilespmem:s20], [sflag:$0x1] =	stream.strided.gather [hbm4b:s23+s18], $0xFA00, s19, s18, $0x38;
	[tilespmem:$0x19A28] =	vst v63  }
0x19: {  	_ =	swait.ge [sflag:s17], $0xFA00  }
0x1a: {  	[sflag:s17] =	ssyncset.done $0x0  }
0x1b: {  	[sflag:s17] =	ssyncadd.s32 $0xFFFF0600  }
0x1c: {  	[spmem:s2] =	stream.indirect.scatter.add.f32 [tilespmem:s20], [sflag:$0x1], $0x40, s3, s20, $0xb8;
	[tilespmem:$0x19A28] =	vst v63  }
0x1d: {  	_ =	swait.ge [sflag:s17], $0xFA00  }
0x1e: {  	[sflag:s17] =	ssyncset.done $0x0  }
0x1f: {  	s25 =	simm.s32 @p0 $0x8;
	s26 =	simm.s32 @p0 $0x1FC1;
	[sflag:s17] =	ssyncadd.s32 $0xFFFF0600  }
0x20: {  	s24 =	simm.s32 @p0 $0x10;
	s23 =	simm.s32 @p0 $0x1;
	[bflag:$0x0] =	sbarrier.arrive $0xFFFF  }
0x21: {  	[hbm:s7@s24], [sflag:s26] =	dma.strided @p0 [spmem:s14@s25], $0x1040, s23, $0x8   }
0x22: {  	_ =	swait.ge @p0 [sflag:s23], $0x1040  }
0x23: {  	s24 =	simm.s32 @!p0 $0x10;
	[sflag:s23] =	ssyncset.done @p0 $0x0  }
0x24: {  	s25 =	simm.s32 @!p0 $0x8;
	[sflag:s23] =	ssyncadd.s32 @p0 $0xFFFFEFC0;
	s23 =	simm.s32 @!p0 $0x1  }
0x25: {  	[hbm:s6@s24], [sflag:s15] =	dma.strided @!p0 [spmem:s21@s25], $0x13C0, s23, $0x8   }
0x26: {  	_ =	swait.ge @!p0 [sflag:s23], $0x13C0  }
0x27: {  	[sflag:s23] =	ssyncset.done @!p0 $0x0  }
0x28: {  	[sflag:s23] =	ssyncadd.s32 @!p0 $0xFFFFEC40  }
.LBB2_8:
0x29: {  	s22 =	sadd.s32 $0x1, s22  }
0x2a: {  	p2 =	sne.s32 s22, s11  }
.Ltmp1:
0x2b: {  	_ = 	snop;
	(pc) =	sbr.rel @!p2 .LBB2_9-.Ltmp1, $1  }
0x2c: {  	_ =	sdelay $0x3  }
.LBB2_1:
0x2d: {  	s23 =	simm.s32 @p0 $0x1FC1  }
0x2e: {  	[spmem:s14], [sflag:s23] =	dma.local @p0 [hbm:s5], $0x1040  }
0x2f: {  	s23 =	simm.s32 @p0 $0x1  }
0x30: {  	_ =	swait.ge @p0 [sflag:s23], $0x1040  }
0x31: {  	[sflag:s23] =	ssyncset.done @p0 $0x0  }
0x32: {  	[sflag:s23] =	ssyncadd.s32 @p0 $0xFFFFEFC0;
	s23 =	simm.s32 @!p0 $0x1  }
0x33: {  	[spmem:s16], [sflag:s15] =	dma.local @!p0 [hbm:s4], $0x13C0  }
.Ltmp2:
0x34: {  	_ =	swait.ge @!p0 [sflag:s23], $0x13C0;
	(pc) =	sbr.rel @p1 .LBB2_5-.Ltmp2, $4  }
0x35: {  	[sflag:s23] =	ssyncset.done @!p0 $0x0  }
0x36: {  	[sflag:s23] =	ssyncadd.s32 @!p0 $0xFFFFEC40  }
0x37: {  	[bflag:$0x0] =	sbarrier.arrive $0xFFFF  }
0x38: {  	s23 =	sadd.s32 $0x0, s13  }
0x39: {  	[tilespmem:s3], [sflag:$0x1] =	stream.linear.gather [hbm4b:s23+s3], $0x3E8, $0x38;
	[tilespmem:$0x19A28] =	vst v63  }
0x3a: {  	_ =	swait.ge [sflag:s17], $0x3E8  }
0x3b: {  	[sflag:s17] =	ssyncset.done $0x0  }
0x3c: {  	[sflag:s17] =	ssyncadd.s32 $0xFFFFFC18  }
0x3d: {  	[tilespmem:s20], [sflag:$0x1] =	stream.strided.gather [hbm4b:s10+s18], $0xFA00, s19, s18, $0x38;
	[tilespmem:$0x19A28] =	vst v63  }
0x3e: {  	_ =	swait.ge [sflag:s17], $0xFA00  }
0x3f: {  	[sflag:s17] =	ssyncset.done $0x0  }
0x40: {  	[sflag:s17] =	ssyncadd.s32 $0xFFFF0600  }
0x41: {  	[spmem:s2] =	stream.indirect.scatter.add.f32 [tilespmem:s20], [sflag:$0x1], $0x40, s3, s20, $0xb8;
	[tilespmem:$0x19A28] =	vst v63  }
0x42: {  	s24 =	simm.s32 $0x7D;
	_ =	swait.ge [sflag:s17], $0xFA00  }
0x43: {  	s25 =	simm.s32 $0xFA;
	s23 =	sadd.s32 $0x3E80, s10;
	[sflag:s17] =	ssyncset.done $0x0  }
.LBB2_3:
0x44: {  	s26 =	sadd.s32 s24, s13  }
0x45: {  	[sflag:s17] =	ssyncadd.s32 $0xFFFF0600;
	s24 =	smov.u32 s25;
	s28 =	sadd.s32 $0x7D, s25  }
0x46: {  	[tilespmem:s3], [sflag:$0x1] =	stream.linear.gather [hbm4b:s26+s3], $0x3E8, $0x38;
	[tilespmem:$0x19A28] =	vst v63  }
0x47: {  	p2 =	sne.s32 s25, $0x465;
	_ =	swait.ge [sflag:s17], $0x3E8  }
0x48: {  	[sflag:s17] =	ssyncset.done $0x0  }
0x49: {  	[sflag:s17] =	ssyncadd.s32 $0xFFFFFC18  }
0x4a: {  	[tilespmem:s20], [sflag:$0x1] =	stream.strided.gather [hbm4b:s23+s18], $0xFA00, s19, s18, $0x38;
	[tilespmem:$0x19A28] =	vst v63  }
0x4b: {  	_ =	swait.ge [sflag:s17], $0xFA00  }
.Ltmp3:
0x4c: {  	[sflag:s17] =	ssyncset.done $0x0;
	(pc) =	sbr.rel @p2 .LBB2_3-.Ltmp3, $4  }
0x4d: {  	[sflag:s17] =	ssyncadd.s32 $0xFFFF0600  }
0x4e: {  	[spmem:s2] =	stream.indirect.scatter.add.f32 [tilespmem:s20], [sflag:$0x1], $0x40, s3, s20, $0xb8;
	[tilespmem:$0x19A28] =	vst v63  }
0x4f: {  	_ =	swait.ge [sflag:s17], $0xFA00  }
0x50: {  	s25 =	smov.u32 s28;
	s23 =	sadd.s32 $0x3E80, s23;
	[sflag:s17] =	ssyncset.done $0x0  }
0x51: {  	s24 =	sadd.s32 s24, s13;
	[sflag:s17] =	ssyncadd.s32 $0xFFFF0600  }
0x52: {  	[tilespmem:s3], [sflag:$0x1] =	stream.linear.gather [hbm4b:s24+s3], $0x3E8, $0x38;
	[tilespmem:$0x19A28] =	vst v63  }
0x53: {  	_ =	swait.ge [sflag:s17], $0x3E8  }
0x54: {  	[sflag:s17] =	ssyncset.done $0x0  }
0x55: {  	[sflag:s17] =	ssyncadd.s32 $0xFFFFFC18  }
0x56: {  	[tilespmem:s20], [sflag:$0x1] =	stream.strided.gather [hbm4b:s23+s18], $0xFA00, s19, s18, $0x38;
	[tilespmem:$0x19A28] =	vst v63  }
0x57: {  	_ =	swait.ge [sflag:s17], $0xFA00  }
0x58: {  	[sflag:s17] =	ssyncset.done $0x0  }
0x59: {  	[sflag:s17] =	ssyncadd.s32 $0xFFFF0600  }
0x5a: {  	[spmem:s2] =	stream.indirect.scatter.add.f32 [tilespmem:s20], [sflag:$0x1], $0x40, s3, s20, $0xb8;
	[tilespmem:$0x19A28] =	vst v63  }
0x5b: {  	_ =	swait.ge [sflag:s17], $0xFA00  }
0x5c: {  	[sflag:s17] =	ssyncset.done $0x0  }
0x5d: {  	s25 =	simm.s32 @p0 $0x8;
	s26 =	simm.s32 @p0 $0x1FC1;
	[sflag:s17] =	ssyncadd.s32 $0xFFFF0600  }
0x5e: {  	s24 =	simm.s32 @p0 $0x10;
	s23 =	simm.s32 @p0 $0x1;
	[bflag:$0x0] =	sbarrier.arrive $0xFFFF  }
0x5f: {  	[hbm:s9@s24], [sflag:s26] =	dma.strided @p0 [spmem:s14@s25], $0x1040, s23, $0x8   }
0x60: {  	_ =	swait.ge @p0 [sflag:s23], $0x1040  }
0x61: {  	s24 =	simm.s32 @!p0 $0x10;
	s25 =	simm.s32 @!p0 $0x8;
	[sflag:s23] =	ssyncset.done @p0 $0x0  }
.Ltmp4:
0x62: {  	[sflag:s23] =	ssyncadd.s32 @p0 $0xFFFFEFC0;
	s23 =	simm.s32 @!p0 $0x1;
	(pc) =	sbr.rel .LBB2_8-.Ltmp4, $4  }
0x63: {  	[hbm:s8@s24], [sflag:s15] =	dma.strided @!p0 [spmem:s21@s25], $0x13C0, s23, $0x8   }
0x64: {  	_ =	swait.ge @!p0 [sflag:s23], $0x13C0  }
0x65: {  	[sflag:s23] =	ssyncset.done @!p0 $0x0  }
0x66: {  	[sflag:s23] =	ssyncadd.s32 @!p0 $0xFFFFEC40  }
.LBB2_5:
0x67: {  	[tilespmem:s3], [sflag:$0x1] =	stream.linear.gather [hbm4b:s23+s3], $0x3E8, $0x38;
	[tilespmem:$0x19A28] =	vst v63  }
0x68: {  	_ =	swait.ge [sflag:s17], $0x3E8  }
0x69: {  	[sflag:s17] =	ssyncset.done $0x0  }
0x6a: {  	[sflag:s17] =	ssyncadd.s32 $0xFFFFFC18  }
0x6b: {  	[tilespmem:s20], [sflag:$0x1] =	stream.strided.gather [hbm4b:s12+s18], $0xFA00, s19, s18, $0x38;
	[tilespmem:$0x19A28] =	vst v63  }
0x6c: {  	_ =	swait.ge [sflag:s17], $0xFA00  }
0x6d: {  	[sflag:s17] =	ssyncset.done $0x0  }
0x6e: {  	[sflag:s17] =	ssyncadd.s32 $0xFFFF0600  }
0x6f: {  	[spmem:s2] =	stream.indirect.scatter.add.f32 [tilespmem:s20], [sflag:$0x1], $0x40, s3, s20, $0xb8;
	[tilespmem:$0x19A28] =	vst v63  }
0x70: {  	s24 =	simm.s32 $0x7D;
	_ =	swait.ge [sflag:s17], $0xFA00  }
0x71: {  	s25 =	simm.s32 $0xFA;
	s23 =	sadd.s32 $0x3E80, s12;
	[sflag:s17] =	ssyncset.done $0x0  }
.LBB2_6:
0x72: {  	s26 =	sadd.s32 s24, s13  }
0x73: {  	[sflag:s17] =	ssyncadd.s32 $0xFFFF0600;
	s24 =	smov.u32 s25;
	s28 =	sadd.s32 $0x7D, s25  }
0x74: {  	[tilespmem:s3], [sflag:$0x1] =	stream.linear.gather [hbm4b:s26+s3], $0x3E8, $0x38;
	[tilespmem:$0x19A28] =	vst v63  }
0x75: {  	p2 =	sne.s32 s25, $0x465;
	_ =	swait.ge [sflag:s17], $0x3E8  }
0x76: {  	[sflag:s17] =	ssyncset.done $0x0  }
0x77: {  	[sflag:s17] =	ssyncadd.s32 $0xFFFFFC18  }
0x78: {  	[tilespmem:s20], [sflag:$0x1] =	stream.strided.gather [hbm4b:s23+s18], $0xFA00, s19, s18, $0x38;
	[tilespmem:$0x19A28] =	vst v63  }
0x79: {  	_ =	swait.ge [sflag:s17], $0xFA00  }
.Ltmp5:
0x7a: {  	[sflag:s17] =	ssyncset.done $0x0;
	(pc) =	sbr.rel @p2 .LBB2_6-.Ltmp5, $4  }
0x7b: {  	[sflag:s17] =	ssyncadd.s32 $0xFFFF0600  }
0x7c: {  	[spmem:s2] =	stream.indirect.scatter.add.f32 [tilespmem:s20], [sflag:$0x1], $0x40, s3, s20, $0xb8;
	[tilespmem:$0x19A28] =	vst v63  }
0x7d: {  	_ =	swait.ge [sflag:s17], $0xFA00  }
0x7e: {  	s25 =	smov.u32 s28;
	s23 =	sadd.s32 $0x3E80, s23;
	[sflag:s17] =	ssyncset.done $0x0  }
.Ltmp6:
0x7f: {  	_ = 	snop;
	(pc) =	sbr.rel .LBB2_7-.Ltmp6, $1  }
0x80: {  	_ =	sdelay $0x3  }
.LBB2_9:
0x81: {  	_ =	sfence.sel $0x180000  }
0x82: {  	[bflag:$0x0] =	sbarrier.arrive $0xFFFF  }
0x83: {  	p0 =	sne.s32 s1, $0x0;
	_ =	strace $0x9000004D  }
0x84: {  	s0 =	sadd.s32 @!p0 $0x100000, s0;
	[bflag:$0x2] =	sbarrier.arrive $0xFFFF  }
0x85: {  	[sflag:s0] =	ssyncadd.tile.s32 @!p0 $0x1;
	_ =	shalt  }
.Lfunc_end2:
_tile_overlayer_lowered:
.L_overlay_start_2:
0x86: {  	(tag) =	ssettag $0x2  }
0x87: {  	s0 =	rddreg [dreg:$0x0];
	s2 =	stileid.u32  }
0x88: {  	s1 =	rddreg [dreg:$0x1];
	p0 =	sne.s32 s2, $0x0  }
0x89: {  	s3 =	rddreg [dreg:$0x2];
	[bflag:$0x3] =	sbarrier.arrive $0xFFFF;
	s2 =	simm.s32 @!p0 $0x1C01  }
0x8a: {  	[timem:s3], [sflag:s2] =	dma.local @!p0 [hbm:s0], s1  }
0x8b: {  	s0 =	simm.s32 @!p0 $0x1  }
0x8c: {  	_ =	swait.ge @!p0 [sflag:s0], s1  }
0x8d: {  	s1 =	ssub.s32 @!p0 $0x0, s1;
	[sflag:s0] =	ssyncset.done @!p0 $0x0  }
0x8e: {  	[sflag:s0] =	ssyncadd.s32 @!p0 s1  }
0x8f: {  	[bflag:$0x3] =	sbarrier.arrive $0xFFFF  }
0x90: {  	_ =	shalt  }

// kernel: kernel.30.cloned.1.call-start
scs
__scs_entry_jumppad:
0x0: {  	(pc) =	sbr.rel $0x88, $3  }
0x1: {  	(tag) =	ssettag $0x0;
	lr =	simm.s32 $0x1  }
0x2: {  	[smem:$0x3F6E] =	sst lr;
	_ =	strace $0xD0000000  }
0x3: {  	_ = 	snop  }
0x4: {  	_ = 	snop  }
0x5: {  	_ = 	snop  }
0x6: {  	_ = 	snop  }
0x7: {  	_ = 	snop  }
__scs_overlays_trampoline_lowered:
0x8: {  	[smem:$0x3F7D] =	sst s0  }
0x9: {  	[smem:$0x3F7E] =	sst s1  }
0xa: {  	[smem:$0x3F7F] =	sst s2  }
0xb: {  	[smem:$0x3F80] =	sst s3  }
0xc: {  	[smem:$0x3F81] =	sst s4  }
0xd: {  	[smem:$0x3F82] =	sst s5  }
0xe: {  	[smem:$0x3F83] =	sst s6  }
0xf: {  	[smem:$0x3F84] =	sst s7  }
0x10: {  	[smem:$0x3F85] =	sst s8  }
0x11: {  	[smem:$0x3F86] =	sst s9;
	s0 =	simm.s32 @!p0 $0x0  }
0x12: {  	s1 =	sld [smem:$0x3F6C];
	s0 =	simm.s32 @p0 $0x1  }
0x13: {  	[smem:$0x3F87] =	sst s0;
	s0 =	simm.s32 @!p1 $0x0  }
0x14: {  	s2 =	sld [smem:$0x3F6B];
	s0 =	simm.s32 @p1 $0x1  }
0x15: {  	[smem:$0x3F88] =	sst s0;
	s0 =	simm.s32 @!p2 $0x0  }
0x16: {  	s3 =	sld [smem:$0x3FDB];
	s0 =	simm.s32 @p2 $0x1  }
0x17: {  	s4 =	simm.s32 $0x1BF5;
	[smem:$0x3F8A] =	sst s0  }
0x18: {  	s0 =	sld [smem:$0x3F6D];
	_ =	swait.ge [sflag:s4], $0x0  }
0x19: {  	s7 =	sld [smem:$0x3F6E]  }
0x1a: {  	s8 =	sadd.s32 $0xFFFFE003, lr  }
0x1b: {  	s9 =	sadd.s32 $0xFFFFFEF7, lr;
	s5 =	simm.s32 $0xFFFFFFFF;
	p2 =	slt.u32 s8, $0xFFFFF086  }
0x1c: {  	p1 =	slt.u32 s9, $0xF7A;
	s5 =	simm.s32 @!p2 $0x0  }
0x1d: {  	s5 =	simm.s32 @p1 $0x1;
	p0 =	seq.s32 s7, s2  }
0x1e: {  	s7 =	smul.u32 @!p0 $0xF7A, s2;
	p2 =	seq.s32 @!p0 s5, $0x0  }
0x1f: {  	s9 =	smul.u32 $0xF7A, s1;
	s8 =	simm.s32 @!p0 $0x1BF5;
	p2 =	por !p2, p0  }
0x20: {  	[sflag:s8] =	ssyncset.s32 @!p0 $0xFFFFF086;
	s6 =	sadd.s32 @!p0 s3, s7;
	s7 =	simm.s32 @!p0 $0x108  }
0x21: {  	s3 =	sadd.s32 s3, s9;
	s6 =	sadd.s32 @!p0 $0x88, s6;
	s7 =	simm.s32 @p2 $0x1082  }
0x22: {  	[simem:s7], [sflag:s8] =	dma.local @!p0 [hbm:s6], $0xF7A  }
0x23: {  	s9 =	sor.u32 $0xD0000000, s2;
	s6 =	simm.s32 $0x108;
	_ =	swait.ge @!p0 [sflag:s8], $0x0  }
0x24: {  	s3 =	sadd.s32 $0x88, s3;
	s6 =	simm.s32 @!p1 $0x1082;
	[sflag:s4] =	ssyncset.s32 $0xFFFFF086  }
0x25: {  	[simem:s6], [sflag:s4] =	dma.local [hbm:s3], $0xF7A  }
0x26: {  	[smem:$0x3F6E] =	sst s1;
	(tag) =	ssettag s2;
	_ =	strace s9  }
0x27: {  	s1 =	sld [smem:$0x3F7E]  }
0x28: {  	s2 =	sld [smem:$0x3F7F]  }
0x29: {  	s4 =	sld [smem:$0x3F81]  }
0x2a: {  	p0 =	seq.s32 s5, $0x0;
	s5 =	sld [smem:$0x3F82]  }
0x2b: {  	s6 =	sld [smem:$0x3F83]  }
0x2c: {  	s7 =	sld [smem:$0x3F84]  }
0x2d: {  	s3 =	simm.s32 $0x108;
	s8 =	sld [smem:$0x3F85]  }
0x2e: {  	s3 =	simm.s32 @!p0 $0x1082;
	s9 =	sld [smem:$0x3F86]  }
0x2f: {  	lr =	sadd.s32 s0, s3;
	s0 =	sld [smem:$0x3F7D]  }
0x30: {  	s3 =	sld [smem:$0x3F80]  }
0x31: {  	[smem:$0x3F89] =	sst s10  }
0x32: {  	s10 =	sld [smem:$0x3F87];
	_ =	sdelay $0x3  }
0x33: {  	p0 =	seq.s32 s10, $0x1;
	s10 =	sld [smem:$0x3F89];
	_ =	sdelay $0x3  }
0x34: {  	[smem:$0x3F89] =	sst s10  }
0x35: {  	s10 =	sld [smem:$0x3F88];
	_ =	sdelay $0x3  }
0x36: {  	p1 =	seq.s32 s10, $0x1;
	s10 =	sld [smem:$0x3F89];
	_ =	sdelay $0x3  }
0x37: {  	[smem:$0x3F89] =	sst s10  }
0x38: {  	s10 =	sld [smem:$0x3F8A]  }
0x39: {  	_ = 	snop;
	(pc) =	sbr.ind lr, $3  }
0x3a: {  	_ = 	snop  }
0x3b: {  	_ = 	snop  }
0x3c: {  	p2 =	seq.s32 s10, $0x1;
	s10 =	sld [smem:$0x3F89]  }
0x3d: {  	_ =	shalt  }
0x3e: {  	_ =	shalt  }
0x3f: {  	_ =	shalt  }
0x40: {  	_ =	shalt  }
0x41: {  	_ =	shalt  }
0x42: {  	_ =	shalt  }
0x43: {  	_ =	shalt  }
0x44: {  	_ =	shalt  }
0x45: {  	_ =	shalt  }
0x46: {  	_ =	shalt  }
0x47: {  	_ =	shalt  }
0x48: {  	_ =	shalt  }
0x49: {  	_ =	shalt  }
0x4a: {  	_ =	shalt  }
0x4b: {  	_ =	shalt  }
0x4c: {  	_ =	shalt  }
0x4d: {  	_ =	shalt  }
0x4e: {  	_ =	shalt  }
0x4f: {  	_ =	shalt  }
0x50: {  	_ =	shalt  }
0x51: {  	_ =	shalt  }
0x52: {  	_ =	shalt  }
0x53: {  	_ =	shalt  }
0x54: {  	_ =	shalt  }
0x55: {  	_ =	shalt  }
0x56: {  	_ =	shalt  }
0x57: {  	_ =	shalt  }
0x58: {  	_ =	shalt  }
0x59: {  	_ =	shalt  }
0x5a: {  	_ =	shalt  }
0x5b: {  	_ =	shalt  }
0x5c: {  	_ =	shalt  }
0x5d: {  	_ =	shalt  }
0x5e: {  	_ =	shalt  }
0x5f: {  	_ =	shalt  }
0x60: {  	_ =	shalt  }
0x61: {  	_ =	shalt  }
0x62: {  	_ =	shalt  }
0x63: {  	_ =	shalt  }
0x64: {  	_ =	shalt  }
0x65: {  	_ =	shalt  }
0x66: {  	_ =	shalt  }
0x67: {  	_ =	shalt  }
0x68: {  	_ =	shalt  }
0x69: {  	_ =	shalt  }
0x6a: {  	_ =	shalt  }
0x6b: {  	_ =	shalt  }
0x6c: {  	_ =	shalt  }
0x6d: {  	_ =	shalt  }
0x6e: {  	_ =	shalt  }
0x6f: {  	_ =	shalt  }
0x70: {  	_ =	shalt  }
0x71: {  	_ =	shalt  }
0x72: {  	_ =	shalt  }
0x73: {  	_ =	shalt  }
0x74: {  	_ =	shalt  }
0x75: {  	_ =	shalt  }
0x76: {  	_ =	shalt  }
0x77: {  	_ =	shalt  }
0x78: {  	_ =	shalt  }
0x79: {  	_ =	shalt  }
0x7a: {  	_ =	shalt  }
0x7b: {  	_ =	shalt  }
0x7c: {  	_ =	shalt  }
0x7d: {  	_ =	shalt  }
0x7e: {  	_ =	shalt  }
0x7f: {  	_ =	shalt  }
0x80: {  	_ =	shalt  }
0x81: {  	_ =	shalt  }
0x82: {  	_ =	shalt  }
0x83: {  	_ =	shalt  }
0x84: {  	_ =	shalt  }
0x85: {  	_ =	shalt  }
0x86: {  	_ =	shalt  }
0x87: {  	_ =	shalt  }
.Lfunc_end0:
.L_simem_size_0:
called_computation.3_lowered:
.L_overlay_start_0:
0x88: {  	s2 =	sld [smem:$0x3FD9]  }
0x89: {  	s3 =	sld [smem:$0x3FFE];
	_ =	sdelay $0x1  }
0x8a: {  	s1 =	srdreg.scid  }
0x8b: {  	s0 =	sand.u32 $0x1, s1  }
0x8c: {  	s17 =	sshll.u32 s0, $0xA;
	s2 =	sadd.s32 s3, s2  }
0x8d: {  	s2 =	sadd.s32 s2, s17  }
0x8e: {  	[smem:$0x3F95] =	sst s2  }
0x8f: {  	_ = 	snop  }
0x90: {  	(tm) =	ssettm $0x1  }
0x91: {  	s18 =	sld [smem:$0x3FFB];
	_ =	sdelay $0x3  }
0x92: {  	_ =	strace s18  }
0x93: {  	s2 =	sld [smem:$0x3FFC];
	_ =	sdelay $0x3  }
0x94: {  	_ =	strace s2  }
0x95: {  	s2 =	sld [smem:$0x3FFD];
	_ =	sdelay $0x3  }
0x96: {  	_ =	strace s2  }
0x97: {  	_ =	strace $0x8FFFFFFF  }
0x98: {  	s19 =	sld [smem:$0x3FDB];
	_ =	sdelay $0x1  }
0x99: {  	s20 =	simm.s32 $_scs_section_size  }
0x9a: {  	s4 =	simm.s32 $_size__tile_overlayer_lowered;
	s5 =	simm.s32 $_tile_overlayer_lowered  }
0x9b: {  	s6 =	simm.s32 $0x1BFF;
	s21 =	sshll.u32 s5, $0x1;
	s3 =	sadd.s32 s20, s19  }
0x9c: {  	s22 =	simm.s32 $0x0;
	s4 =	sshll.u32 s4, $0x1;
	s5 =	sadd.s32 s21, s3  }
0x9d: {  	[timem:s22], [sflag:s6] =	dma.local [hbm:s5], s4  }
0x9e: {  	_ =	swait.ge [sflag:s6], s4  }
0x9f: {  	s4 =	ssub.s32 $0x0, s4;
	[sflag:s6] =	ssyncset.done $0x0  }
0xa0: {  	[sflag:s6] =	ssyncadd.s32 s4;
	_ =	sdelay $0x1  }
0xa1: {  	s23 =	simm.s32 $0x1B8B  }
0xa2: {  	_ =	swait.ge [sflag:s23], $0x1  }
0xa3: {  	[sflag:s23] =	ssyncset.done $0x0  }
0xa4: {  	[sflag:s23] =	ssyncadd.s32 $0xFFFFFFFF  }
0xa5: {  	s4 =	sld [smem:$0x0]  }
0xa6: {  	s5 =	sand.u32 $0xFFFFFFFE, s1  }
0xa7: {  	p0 =	sne.s32 s1, s5  }
0xa8: {  	s5 =	sshll.u32 @p0 s5, $0xE  }
0xa9: {  	s5 =	sadd.s32 @p0 $0x11B8D, s5;
	s6 =	sshll.u32 @p0 s4, $0x11  }
0xaa: {  	s5 =	sor.u32 @p0 s6, s5  }
0xab: {  	[sflag:s5] =	ssyncadd.remote.s32 @p0 $0x1;
	_ =	sdelay $0x1  }
0xac: {  	s5 =	simm.s32 @p0 $0x1B8D  }
0xad: {  	_ =	swait.eq @p0 [sflag:s5], $0x1  }
0xae: {  	[sflag:s5] =	ssyncadd.s32 @p0 $0xFFFFFFFF  }
0xaf: {  	s6 =	sshll.u32 @!p0 s1, $0xE  }
0xb0: {  	s6 =	sor.u32 @!p0 $0x4000, s6;
	s5 =	simm.s32 @!p0 $0x1B8D  }
0xb1: {  	s4 =	sshll.u32 @!p0 s4, $0x11;
	s6 =	sadd.s32 @!p0 $0x11B8D, s6;
	_ =	swait.eq @!p0 [sflag:s5], $0x1  }
0xb2: {  	s4 =	sor.u32 @!p0 s4, s6;
	[sflag:s5] =	ssyncadd.s32 @!p0 $0xFFFFFFFF  }
0xb3: {  	s25 =	simm.s32 $0x1B8E;
	s24 =	sld [smem:$0x3FFE];
	[sflag:s4] =	ssyncadd.remote.s32 @!p0 $0x1  }
0xb4: {  	s26 =	simm.s32 $execute0_lowered;
	[smem:$0x3FD2] =	sst s25  }
0xb5: {  	s5 =	sshll.u32 s26, $0x1;
	_ =	strace $0x8000004F;
	[dreg:$0x1] =	wrdreg $0xFFFFFFFF  }
0xb6: {  	s28 =	simm.s32 $_size_execute0_lowered;
	s3 =	sadd.s32 s3, s5;
	[dreg:$0x0] =	wrdreg $0x0  }
0xb7: {  	s5 =	sshll.u32 s28, $0x1;
	[dreg:$0x2] =	wrdreg s3  }
0xb8: {  	[dreg:$0x3] =	wrdreg s5  }
0xb9: {  	[dreg:$0x4] =	wrdreg $0xC0  }
0xba: {  	_ =	task [dreg:s22], $0x5FFFF  }
0xbb: {  	[dreg:$0x1] =	wrdreg $0xFFFFFFFF  }
0xbc: {  	[dreg:$0x0] =	wrdreg $0x60  }
0xbd: {  	[dreg:$0x2] =	wrdreg s24  }
0xbe: {  	[dreg:$0x3] =	wrdreg $0xFDE80  }
0xbf: {  	[dreg:$0x4] =	wrdreg $0x9  }
0xc0: {  	_ =	task.clear_ibuf [dreg:s22], $0x5FFFF;
	_ =	strace $0x9000004F  }
0xc1: {  	s29 =	simm.s32 $0x9;
	_ =	strace $0x80000051  }
0xc2: {  	_ =	swait.ge [sflag:s29], $0x1  }
0xc3: {  	[sflag:s29] =	ssyncadd.s32 $0xFFFFFFFF  }
0xc4: {  	_ =	strace $0x90000051  }
0xc5: {  	_ =	sfence  }
0xc6: {  	s30 =	sld [smem:$0x0];
	_ =	sdelay $0x2  }
0xc7: {  	s31 =	sshll.u32 s1, $0xD;
	s1 =	sshrl.u32 s1, $0x2  }
0xc8: {  	s4 =	sand.u32 $0x4000, s31;
	s1 =	sadd.s32 s1, s30  }
0xc9: {  	s0 =	sor.u32 s4, s0;
	s1 =	sshll.u32 s1, $0x11  }
0xca: {  	s0 =	sor.u32 s1, s0  }
0xcb: {  	s0 =	sadd.s32 $0x8F2B, s0  }
0xcc: {  	[sflag:s0] =	ssyncadd.remote.s32 $0x1  }
0xcd: {  	_ =	sfence.sel $0xFFFF  }
0xce: {  	[dreg:$0x0] =	wrdreg $0xFFFFFFFF;
	(pc) =	sbr.abs _section_cstart, $3  }
0xcf: {  	[dreg:$0x1] =	wrdreg $0xFFFFFFFF  }
0xd0: {  	_ =	task.clear_ibuf [dreg:s22], $0x2FFFF;
	_ =	strace $0x9FFFFFFF  }
0xd1: {  	(tm) =	ssettm $0x7FFFFFFF  }
tec
execute0_lowered:
.L_overlay_start_1:
0x0: {  	(tag) =	ssettag $0x1  }
0x1: {  	s9 =	rddreg [dreg:$0x0]  }
0x2: {  	s2 =	rddreg [dreg:$0x1]  }
0x3: {  	s0 =	rddreg [dreg:$0x2];
	s1 =	stileid.u32  }
0x4: {  	s3 =	simm.s32 $0x0;
	s6 =	srdreg.scid;
	s4 =	smul.u32 $0x27100, s1  }
0x5: {  	s18 =	simm.s32 $0x40;
	s19 =	simm.s32 $0x80;
	s5 =	smul.u32 $0x9E00, s1  }
0x6: {  	s20 =	simm.s32 $0x3E8;
	s22 =	simm.s32 $0x0;
	s28 =	smul.u32 $0x4E2, s1  }
0x7: {  	[smem:$0x7FF] =	sst s3;
	s8 =	smul.u32 $0x2780, s1;
	s17 =	sand.u32 $0x1, s6  }
0x8: {  	s10 =	smul.u32 $0x27800, s1;
	s14 =	sadd.s32 $0x94200, s2;
	p0 =	seq.s32 s1, $0xF  }
0x9: {  	_ =	strace $0x80000050;
	s6 =	ssub.s32 $0x2, s17;
	s14 =	sshrl.u32 @p0 s14, $0x3  }
0xa: {  	s15 =	sshll.u32 @!p0 s1, $0x6;
	p1 =	sne.s32 s17, $0x0;
	s17 =	simm.s32 $0x1  }
0xb: {  	s12 =	sadd.s32 s4, s9;
	s7 =	sshrl.u32 s5, $0x3;
	s13 =	sadd.s32 s28, s9  }
0xc: {  	s8 =	sadd.s32 s8, s9;
	s30 =	sshrl.u32 s6, $0x1;
	s16 =	sadd.s32 s5, s2  }
0xd: {  	s5 =	sadd.s32 $0xA55440, s9;
	s31 =	sshrl.u32 s10, $0x2;
	s15 =	sor.u32 @!p0 $0x1C01, s15  }
.Ltmp0:
0xe: {  	s29 =	sadd.s32 s7, s9;
	s11 =	ssub.s32 s6, s30;
	(pc) =	sbr.rel .LBB2_1-.Ltmp0, $4  }
0xf: {  	s6 =	sadd.s32 $0x39208, s8;
	s21 =	sadd.s32 s31, s2;
	s7 =	sadd.s32 $0x5E288, s9  }
0x10: {  	s8 =	sadd.s32 $0x39200, s8;
	s9 =	sadd.s32 $0x5E280, s9;
	s10 =	sadd.s32 $0x560400, s12  }
0x11: {  	s12 =	sadd.s32 $0x560408, s12;
	s13 =	sadd.s32 $0x2E0200, s13;
	s16 =	sshrl.u32 @!p0 s16, $0x3  }
0x12: {  	s4 =	sadd.s32 $0xA42C00, s29;
	s11 =	smax.u32 s11, $0x1;
	s21 =	sshrl.u32 @!p0 s21, $0x3  }
.LBB2_7:
0x13: {  	s24 =	sadd.s32 s24, s13;
	[sflag:s17] =	ssyncadd.s32 $0xFFFF0600  }
0x14: {  	[tilespmem:s3], [sflag:$0x1] =	stream.linear.gather [hbm4b:s24+s3], $0x3E8, $0x38;
	[tilespmem:$0x19A28] =	vst v63  }
0x15: {  	_ =	swait.ge [sflag:s17], $0x3E8  }
0x16: {  	[sflag:s17] =	ssyncset.done $0x0  }
0x17: {  	[sflag:s17] =	ssyncadd.s32 $0xFFFFFC18  }
0x18: {  	[tilespmem:s20], [sflag:$0x1] =	stream.strided.gather [hbm4b:s23+s18], $0xFA00, s19, s18, $0x38;
	[tilespmem:$0x19A28] =	vst v63  }
0x19: {  	_ =	swait.ge [sflag:s17], $0xFA00  }
0x1a: {  	[sflag:s17] =	ssyncset.done $0x0  }
0x1b: {  	[sflag:s17] =	ssyncadd.s32 $0xFFFF0600  }
0x1c: {  	[spmem:s2] =	stream.indirect.scatter.add.f32 [tilespmem:s20], [sflag:$0x1], $0x40, s3, s20, $0xb8;
	[tilespmem:$0x19A28] =	vst v63  }
0x1d: {  	_ =	swait.ge [sflag:s17], $0xFA00  }
0x1e: {  	[sflag:s17] =	ssyncset.done $0x0  }
0x1f: {  	s25 =	simm.s32 @p0 $0x8;
	s26 =	simm.s32 @p0 $0x1FC1;
	[sflag:s17] =	ssyncadd.s32 $0xFFFF0600  }
0x20: {  	s24 =	simm.s32 @p0 $0x10;
	s23 =	simm.s32 @p0 $0x1;
	[bflag:$0x0] =	sbarrier.arrive $0xFFFF  }
0x21: {  	[hbm:s7@s24], [sflag:s26] =	dma.strided @p0 [spmem:s14@s25], $0x1040, s23, $0x8   }
0x22: {  	_ =	swait.ge @p0 [sflag:s23], $0x1040  }
0x23: {  	s24 =	simm.s32 @!p0 $0x10;
	[sflag:s23] =	ssyncset.done @p0 $0x0  }
0x24: {  	s25 =	simm.s32 @!p0 $0x8;
	[sflag:s23] =	ssyncadd.s32 @p0 $0xFFFFEFC0;
	s23 =	simm.s32 @!p0 $0x1  }
0x25: {  	[hbm:s6@s24], [sflag:s15] =	dma.strided @!p0 [spmem:s21@s25], $0x13C0, s23, $0x8   }
0x26: {  	_ =	swait.ge @!p0 [sflag:s23], $0x13C0  }
0x27: {  	[sflag:s23] =	ssyncset.done @!p0 $0x0  }
0x28: {  	[sflag:s23] =	ssyncadd.s32 @!p0 $0xFFFFEC40  }
.LBB2_8:
0x29: {  	s22 =	sadd.s32 $0x1, s22  }
0x2a: {  	p2 =	sne.s32 s22, s11  }
.Ltmp1:
0x2b: {  	_ = 	snop;
	(pc) =	sbr.rel @!p2 .LBB2_9-.Ltmp1, $1  }
0x2c: {  	_ =	sdelay $0x3  }
.LBB2_1:
0x2d: {  	s23 =	simm.s32 @p0 $0x1FC1  }
0x2e: {  	[spmem:s14], [sflag:s23] =	dma.local @p0 [hbm:s5], $0x1040  }
0x2f: {  	s23 =	simm.s32 @p0 $0x1  }
0x30: {  	_ =	swait.ge @p0 [sflag:s23], $0x1040  }
0x31: {  	[sflag:s23] =	ssyncset.done @p0 $0x0  }
0x32: {  	[sflag:s23] =	ssyncadd.s32 @p0 $0xFFFFEFC0;
	s23 =	simm.s32 @!p0 $0x1  }
0x33: {  	[spmem:s16], [sflag:s15] =	dma.local @!p0 [hbm:s4], $0x13C0  }
.Ltmp2:
0x34: {  	_ =	swait.ge @!p0 [sflag:s23], $0x13C0;
	(pc) =	sbr.rel @p1 .LBB2_5-.Ltmp2, $4  }
0x35: {  	[sflag:s23] =	ssyncset.done @!p0 $0x0  }
0x36: {  	[sflag:s23] =	ssyncadd.s32 @!p0 $0xFFFFEC40  }
0x37: {  	[bflag:$0x0] =	sbarrier.arrive $0xFFFF  }
0x38: {  	s23 =	sadd.s32 $0x0, s13  }
0x39: {  	[tilespmem:s3], [sflag:$0x1] =	stream.linear.gather [hbm4b:s23+s3], $0x3E8, $0x38;
	[tilespmem:$0x19A28] =	vst v63  }
0x3a: {  	_ =	swait.ge [sflag:s17], $0x3E8  }
0x3b: {  	[sflag:s17] =	ssyncset.done $0x0  }
0x3c: {  	[sflag:s17] =	ssyncadd.s32 $0xFFFFFC18  }
0x3d: {  	[tilespmem:s20], [sflag:$0x1] =	stream.strided.gather [hbm4b:s10+s18], $0xFA00, s19, s18, $0x38;
	[tilespmem:$0x19A28] =	vst v63  }
0x3e: {  	_ =	swait.ge [sflag:s17], $0xFA00  }
0x3f: {  	[sflag:s17] =	ssyncset.done $0x0  }
0x40: {  	[sflag:s17] =	ssyncadd.s32 $0xFFFF0600  }
0x41: {  	[spmem:s2] =	stream.indirect.scatter.add.f32 [tilespmem:s20], [sflag:$0x1], $0x40, s3, s20, $0xb8;
	[tilespmem:$0x19A28] =	vst v63  }
0x42: {  	s24 =	simm.s32 $0x7D;
	_ =	swait.ge [sflag:s17], $0xFA00  }
0x43: {  	s25 =	simm.s32 $0xFA;
	s23 =	sadd.s32 $0x3E80, s10;
	[sflag:s17] =	ssyncset.done $0x0  }
.LBB2_3:
0x44: {  	s26 =	sadd.s32 s24, s13  }
0x45: {  	[sflag:s17] =	ssyncadd.s32 $0xFFFF0600;
	s24 =	smov.u32 s25;
	s28 =	sadd.s32 $0x7D, s25  }
0x46: {  	[tilespmem:s3], [sflag:$0x1] =	stream.linear.gather [hbm4b:s26+s3], $0x3E8, $0x38;
	[tilespmem:$0x19A28] =	vst v63  }
0x47: {  	p2 =	sne.s32 s25, $0x465;
	_ =	swait.ge [sflag:s17], $0x3E8  }
0x48: {  	[sflag:s17] =	ssyncset.done $0x0  }
0x49: {  	[sflag:s17] =	ssyncadd.s32 $0xFFFFFC18  }
0x4a: {  	[tilespmem:s20], [sflag:$0x1] =	stream.strided.gather [hbm4b:s23+s18], $0xFA00, s19, s18, $0x38;
	[tilespmem:$0x19A28] =	vst v63  }
0x4b: {  	_ =	swait.ge [sflag:s17], $0xFA00  }
.Ltmp3:
0x4c: {  	[sflag:s17] =	ssyncset.done $0x0;
	(pc) =	sbr.rel @p2 .LBB2_3-.Ltmp3, $4  }
0x4d: {  	[sflag:s17] =	ssyncadd.s32 $0xFFFF0600  }
0x4e: {  	[spmem:s2] =	stream.indirect.scatter.add.f32 [tilespmem:s20], [sflag:$0x1], $0x40, s3, s20, $0xb8;
	[tilespmem:$0x19A28] =	vst v63  }
0x4f: {  	_ =	swait.ge [sflag:s17], $0xFA00  }
0x50: {  	s25 =	smov.u32 s28;
	s23 =	sadd.s32 $0x3E80, s23;
	[sflag:s17] =	ssyncset.done $0x0  }
0x51: {  	s24 =	sadd.s32 s24, s13;
	[sflag:s17] =	ssyncadd.s32 $0xFFFF0600  }
0x52: {  	[tilespmem:s3], [sflag:$0x1] =	stream.linear.gather [hbm4b:s24+s3], $0x3E8, $0x38;
	[tilespmem:$0x19A28] =	vst v63  }
0x53: {  	_ =	swait.ge [sflag:s17], $0x3E8  }
0x54: {  	[sflag:s17] =	ssyncset.done $0x0  }
0x55: {  	[sflag:s17] =	ssyncadd.s32 $0xFFFFFC18  }
0x56: {  	[tilespmem:s20], [sflag:$0x1] =	stream.strided.gather [hbm4b:s23+s18], $0xFA00, s19, s18, $0x38;
	[tilespmem:$0x19A28] =	vst v63  }
0x57: {  	_ =	swait.ge [sflag:s17], $0xFA00  }
0x58: {  	[sflag:s17] =	ssyncset.done $0x0  }
0x59: {  	[sflag:s17] =	ssyncadd.s32 $0xFFFF0600  }
0x5a: {  	[spmem:s2] =	stream.indirect.scatter.add.f32 [tilespmem:s20], [sflag:$0x1], $0x40, s3, s20, $0xb8;
	[tilespmem:$0x19A28] =	vst v63  }
0x5b: {  	_ =	swait.ge [sflag:s17], $0xFA00  }
0x5c: {  	[sflag:s17] =	ssyncset.done $0x0  }
0x5d: {  	s25 =	simm.s32 @p0 $0x8;
	s26 =	simm.s32 @p0 $0x1FC1;
	[sflag:s17] =	ssyncadd.s32 $0xFFFF0600  }
0x5e: {  	s24 =	simm.s32 @p0 $0x10;
	s23 =	simm.s32 @p0 $0x1;
	[bflag:$0x0] =	sbarrier.arrive $0xFFFF  }
0x5f: {  	[hbm:s9@s24], [sflag:s26] =	dma.strided @p0 [spmem:s14@s25], $0x1040, s23, $0x8   }
0x60: {  	_ =	swait.ge @p0 [sflag:s23], $0x1040  }
0x61: {  	s24 =	simm.s32 @!p0 $0x10;
	s25 =	simm.s32 @!p0 $0x8;
	[sflag:s23] =	ssyncset.done @p0 $0x0  }
.Ltmp4:
0x62: {  	[sflag:s23] =	ssyncadd.s32 @p0 $0xFFFFEFC0;
	s23 =	simm.s32 @!p0 $0x1;
	(pc) =	sbr.rel .LBB2_8-.Ltmp4, $4  }
0x63: {  	[hbm:s8@s24], [sflag:s15] =	dma.strided @!p0 [spmem:s21@s25], $0x13C0, s23, $0x8   }
0x64: {  	_ =	swait.ge @!p0 [sflag:s23], $0x13C0  }
0x65: {  	[sflag:s23] =	ssyncset.done @!p0 $0x0  }
0x66: {  	[sflag:s23] =	ssyncadd.s32 @!p0 $0xFFFFEC40  }
.LBB2_5:
0x67: {  	[tilespmem:s3], [sflag:$0x1] =	stream.linear.gather [hbm4b:s23+s3], $0x3E8, $0x38;
	[tilespmem:$0x19A28] =	vst v63  }
0x68: {  	_ =	swait.ge [sflag:s17], $0x3E8  }
0x69: {  	[sflag:s17] =	ssyncset.done $0x0  }
0x6a: {  	[sflag:s17] =	ssyncadd.s32 $0xFFFFFC18  }
0x6b: {  	[tilespmem:s20], [sflag:$0x1] =	stream.strided.gather [hbm4b:s12+s18], $0xFA00, s19, s18, $0x38;
	[tilespmem:$0x19A28] =	vst v63  }
0x6c: {  	_ =	swait.ge [sflag:s17], $0xFA00  }
0x6d: {  	[sflag:s17] =	ssyncset.done $0x0  }
0x6e: {  	[sflag:s17] =	ssyncadd.s32 $0xFFFF0600  }
0x6f: {  	[spmem:s2] =	stream.indirect.scatter.add.f32 [tilespmem:s20], [sflag:$0x1], $0x40, s3, s20, $0xb8;
	[tilespmem:$0x19A28] =	vst v63  }
0x70: {  	s24 =	simm.s32 $0x7D;
	_ =	swait.ge [sflag:s17], $0xFA00  }
0x71: {  	s25 =	simm.s32 $0xFA;
	s23 =	sadd.s32 $0x3E80, s12;
	[sflag:s17] =	ssyncset.done $0x0  }
.LBB2_6:
0x72: {  	s26 =	sadd.s32 s24, s13  }
0x73: {  	[sflag:s17] =	ssyncadd.s32 $0xFFFF0600;
	s24 =	smov.u32 s25;
	s28 =	sadd.s32 $0x7D, s25  }
0x74: {  	[tilespmem:s3], [sflag:$0x1] =	stream.linear.gather [hbm4b:s26+s3], $0x3E8, $0x38;
	[tilespmem:$0x19A28] =	vst v63  }
0x75: {  	p2 =	sne.s32 s25, $0x465;
	_ =	swait.ge [sflag:s17], $0x3E8  }
0x76: {  	[sflag:s17] =	ssyncset.done $0x0  }
0x77: {  	[sflag:s17] =	ssyncadd.s32 $0xFFFFFC18  }
0x78: {  	[tilespmem:s20], [sflag:$0x1] =	stream.strided.gather [hbm4b:s23+s18], $0xFA00, s19, s18, $0x38;
	[tilespmem:$0x19A28] =	vst v63  }
0x79: {  	_ =	swait.ge [sflag:s17], $0xFA00  }
.Ltmp5:
0x7a: {  	[sflag:s17] =	ssyncset.done $0x0;
	(pc) =	sbr.rel @p2 .LBB2_6-.Ltmp5, $4  }
0x7b: {  	[sflag:s17] =	ssyncadd.s32 $0xFFFF0600  }
0x7c: {  	[spmem:s2] =	stream.indirect.scatter.add.f32 [tilespmem:s20], [sflag:$0x1], $0x40, s3, s20, $0xb8;
	[tilespmem:$0x19A28] =	vst v63  }
0x7d: {  	_ =	swait.ge [sflag:s17], $0xFA00  }
0x7e: {  	s25 =	smov.u32 s28;
	s23 =	sadd.s32 $0x3E80, s23;
	[sflag:s17] =	ssyncset.done $0x0  }
.Ltmp6:
0x7f: {  	_ = 	snop;
	(pc) =	sbr.rel .LBB2_7-.Ltmp6, $1  }
0x80: {  	_ =	sdelay $0x3  }
.LBB2_9:
0x81: {  	_ =	sfence.sel $0x180000  }
0x82: {  	[bflag:$0x0] =	sbarrier.arrive $0xFFFF  }
0x83: {  	p0 =	sne.s32 s1, $0x0;
	_ =	strace $0x90000050  }
0x84: {  	s0 =	sadd.s32 @!p0 $0x100000, s0;
	[bflag:$0x2] =	sbarrier.arrive $0xFFFF  }
0x85: {  	[sflag:s0] =	ssyncadd.tile.s32 @!p0 $0x1;
	_ =	shalt  }
.Lfunc_end2:
_tile_overlayer_lowered:
.L_overlay_start_2:
0x86: {  	(tag) =	ssettag $0x2  }
0x87: {  	s0 =	rddreg [dreg:$0x0];
	s2 =	stileid.u32  }
0x88: {  	s1 =	rddreg [dreg:$0x1];
	p0 =	sne.s32 s2, $0x0  }
0x89: {  	s3 =	rddreg [dreg:$0x2];
	[bflag:$0x3] =	sbarrier.arrive $0xFFFF;
	s2 =	simm.s32 @!p0 $0x1C01  }
0x8a: {  	[timem:s3], [sflag:s2] =	dma.local @!p0 [hbm:s0], s1  }
0x8b: {  	s0 =	simm.s32 @!p0 $0x1  }
0x8c: {  	_ =	swait.ge @!p0 [sflag:s0], s1  }
0x8d: {  	s1 =	ssub.s32 @!p0 $0x0, s1;
	[sflag:s0] =	ssyncset.done @!p0 $0x0  }
0x8e: {  	[sflag:s0] =	ssyncadd.s32 @!p0 s1  }
0x8f: {  	[bflag:$0x3] =	sbarrier.arrive $0xFFFF  }
0x90: {  	_ =	shalt  }

// kernel: kernel.33.cloned.1.call-start
scs
__scs_entry_jumppad:
0x0: {  	(pc) =	sbr.rel $0x88, $3  }
0x1: {  	(tag) =	ssettag $0x0;
	lr =	simm.s32 $0x1  }
0x2: {  	[smem:$0x3F6E] =	sst lr;
	_ =	strace $0xD0000000  }
0x3: {  	_ = 	snop  }
0x4: {  	_ = 	snop  }
0x5: {  	_ = 	snop  }
0x6: {  	_ = 	snop  }
0x7: {  	_ = 	snop  }
__scs_overlays_trampoline_lowered:
0x8: {  	[smem:$0x3F7D] =	sst s0  }
0x9: {  	[smem:$0x3F7E] =	sst s1  }
0xa: {  	[smem:$0x3F7F] =	sst s2  }
0xb: {  	[smem:$0x3F80] =	sst s3  }
0xc: {  	[smem:$0x3F81] =	sst s4  }
0xd: {  	[smem:$0x3F82] =	sst s5  }
0xe: {  	[smem:$0x3F83] =	sst s6  }
0xf: {  	[smem:$0x3F84] =	sst s7  }
0x10: {  	[smem:$0x3F85] =	sst s8  }
0x11: {  	[smem:$0x3F86] =	sst s9;
	s0 =	simm.s32 @!p0 $0x0  }
0x12: {  	s1 =	sld [smem:$0x3F6C];
	s0 =	simm.s32 @p0 $0x1  }
0x13: {  	[smem:$0x3F87] =	sst s0;
	s0 =	simm.s32 @!p1 $0x0  }
0x14: {  	s2 =	sld [smem:$0x3F6B];
	s0 =	simm.s32 @p1 $0x1  }
0x15: {  	[smem:$0x3F88] =	sst s0;
	s0 =	simm.s32 @!p2 $0x0  }
0x16: {  	s3 =	sld [smem:$0x3FDB];
	s0 =	simm.s32 @p2 $0x1  }
0x17: {  	s4 =	simm.s32 $0x1BF5;
	[smem:$0x3F8A] =	sst s0  }
0x18: {  	s0 =	sld [smem:$0x3F6D];
	_ =	swait.ge [sflag:s4], $0x0  }
0x19: {  	s7 =	sld [smem:$0x3F6E]  }
0x1a: {  	s8 =	sadd.s32 $0xFFFFE003, lr  }
0x1b: {  	s9 =	sadd.s32 $0xFFFFFEF7, lr;
	s5 =	simm.s32 $0xFFFFFFFF;
	p2 =	slt.u32 s8, $0xFFFFF086  }
0x1c: {  	p1 =	slt.u32 s9, $0xF7A;
	s5 =	simm.s32 @!p2 $0x0  }
0x1d: {  	s5 =	simm.s32 @p1 $0x1;
	p0 =	seq.s32 s7, s2  }
0x1e: {  	s7 =	smul.u32 @!p0 $0xF7A, s2;
	p2 =	seq.s32 @!p0 s5, $0x0  }
0x1f: {  	s9 =	smul.u32 $0xF7A, s1;
	s8 =	simm.s32 @!p0 $0x1BF5;
	p2 =	por !p2, p0  }
0x20: {  	[sflag:s8] =	ssyncset.s32 @!p0 $0xFFFFF086;
	s6 =	sadd.s32 @!p0 s3, s7;
	s7 =	simm.s32 @!p0 $0x108  }
0x21: {  	s3 =	sadd.s32 s3, s9;
	s6 =	sadd.s32 @!p0 $0x88, s6;
	s7 =	simm.s32 @p2 $0x1082  }
0x22: {  	[simem:s7], [sflag:s8] =	dma.local @!p0 [hbm:s6], $0xF7A  }
0x23: {  	s9 =	sor.u32 $0xD0000000, s2;
	s6 =	simm.s32 $0x108;
	_ =	swait.ge @!p0 [sflag:s8], $0x0  }
0x24: {  	s3 =	sadd.s32 $0x88, s3;
	s6 =	simm.s32 @!p1 $0x1082;
	[sflag:s4] =	ssyncset.s32 $0xFFFFF086  }
0x25: {  	[simem:s6], [sflag:s4] =	dma.local [hbm:s3], $0xF7A  }
0x26: {  	[smem:$0x3F6E] =	sst s1;
	(tag) =	ssettag s2;
	_ =	strace s9  }
0x27: {  	s1 =	sld [smem:$0x3F7E]  }
0x28: {  	s2 =	sld [smem:$0x3F7F]  }
0x29: {  	s4 =	sld [smem:$0x3F81]  }
0x2a: {  	p0 =	seq.s32 s5, $0x0;
	s5 =	sld [smem:$0x3F82]  }
0x2b: {  	s6 =	sld [smem:$0x3F83]  }
0x2c: {  	s7 =	sld [smem:$0x3F84]  }
0x2d: {  	s3 =	simm.s32 $0x108;
	s8 =	sld [smem:$0x3F85]  }
0x2e: {  	s3 =	simm.s32 @!p0 $0x1082;
	s9 =	sld [smem:$0x3F86]  }
0x2f: {  	lr =	sadd.s32 s0, s3;
	s0 =	sld [smem:$0x3F7D]  }
0x30: {  	s3 =	sld [smem:$0x3F80]  }
0x31: {  	[smem:$0x3F89] =	sst s10  }
0x32: {  	s10 =	sld [smem:$0x3F87];
	_ =	sdelay $0x3  }
0x33: {  	p0 =	seq.s32 s10, $0x1;
	s10 =	sld [smem:$0x3F89];
	_ =	sdelay $0x3  }
0x34: {  	[smem:$0x3F89] =	sst s10  }
0x35: {  	s10 =	sld [smem:$0x3F88];
	_ =	sdelay $0x3  }
0x36: {  	p1 =	seq.s32 s10, $0x1;
	s10 =	sld [smem:$0x3F89];
	_ =	sdelay $0x3  }
0x37: {  	[smem:$0x3F89] =	sst s10  }
0x38: {  	s10 =	sld [smem:$0x3F8A]  }
0x39: {  	_ = 	snop;
	(pc) =	sbr.ind lr, $3  }
0x3a: {  	_ = 	snop  }
0x3b: {  	_ = 	snop  }
0x3c: {  	p2 =	seq.s32 s10, $0x1;
	s10 =	sld [smem:$0x3F89]  }
0x3d: {  	_ =	shalt  }
0x3e: {  	_ =	shalt  }
0x3f: {  	_ =	shalt  }
0x40: {  	_ =	shalt  }
0x41: {  	_ =	shalt  }
0x42: {  	_ =	shalt  }
0x43: {  	_ =	shalt  }
0x44: {  	_ =	shalt  }
0x45: {  	_ =	shalt  }
0x46: {  	_ =	shalt  }
0x47: {  	_ =	shalt  }
0x48: {  	_ =	shalt  }
0x49: {  	_ =	shalt  }
0x4a: {  	_ =	shalt  }
0x4b: {  	_ =	shalt  }
0x4c: {  	_ =	shalt  }
0x4d: {  	_ =	shalt  }
0x4e: {  	_ =	shalt  }
0x4f: {  	_ =	shalt  }
0x50: {  	_ =	shalt  }
0x51: {  	_ =	shalt  }
0x52: {  	_ =	shalt  }
0x53: {  	_ =	shalt  }
0x54: {  	_ =	shalt  }
0x55: {  	_ =	shalt  }
0x56: {  	_ =	shalt  }
0x57: {  	_ =	shalt  }
0x58: {  	_ =	shalt  }
0x59: {  	_ =	shalt  }
0x5a: {  	_ =	shalt  }
0x5b: {  	_ =	shalt  }
0x5c: {  	_ =	shalt  }
0x5d: {  	_ =	shalt  }
0x5e: {  	_ =	shalt  }
0x5f: {  	_ =	shalt  }
0x60: {  	_ =	shalt  }
0x61: {  	_ =	shalt  }
0x62: {  	_ =	shalt  }
0x63: {  	_ =	shalt  }
0x64: {  	_ =	shalt  }
0x65: {  	_ =	shalt  }
0x66: {  	_ =	shalt  }
0x67: {  	_ =	shalt  }
0x68: {  	_ =	shalt  }
0x69: {  	_ =	shalt  }
0x6a: {  	_ =	shalt  }
0x6b: {  	_ =	shalt  }
0x6c: {  	_ =	shalt  }
0x6d: {  	_ =	shalt  }
0x6e: {  	_ =	shalt  }
0x6f: {  	_ =	shalt  }
0x70: {  	_ =	shalt  }
0x71: {  	_ =	shalt  }
0x72: {  	_ =	shalt  }
0x73: {  	_ =	shalt  }
0x74: {  	_ =	shalt  }
0x75: {  	_ =	shalt  }
0x76: {  	_ =	shalt  }
0x77: {  	_ =	shalt  }
0x78: {  	_ =	shalt  }
0x79: {  	_ =	shalt  }
0x7a: {  	_ =	shalt  }
0x7b: {  	_ =	shalt  }
0x7c: {  	_ =	shalt  }
0x7d: {  	_ =	shalt  }
0x7e: {  	_ =	shalt  }
0x7f: {  	_ =	shalt  }
0x80: {  	_ =	shalt  }
0x81: {  	_ =	shalt  }
0x82: {  	_ =	shalt  }
0x83: {  	_ =	shalt  }
0x84: {  	_ =	shalt  }
0x85: {  	_ =	shalt  }
0x86: {  	_ =	shalt  }
0x87: {  	_ =	shalt  }
.Lfunc_end0:
.L_simem_size_0:
called_computation.4_lowered:
.L_overlay_start_0:
0x88: {  	s2 =	sld [smem:$0x3FD9]  }
0x89: {  	s3 =	sld [smem:$0x3FFE];
	_ =	sdelay $0x1  }
0x8a: {  	s1 =	srdreg.scid  }
0x8b: {  	s0 =	sand.u32 $0x1, s1  }
0x8c: {  	s17 =	sshll.u32 s0, $0xA;
	s2 =	sadd.s32 s3, s2  }
0x8d: {  	s2 =	sadd.s32 s2, s17  }
0x8e: {  	[smem:$0x3F95] =	sst s2  }
0x8f: {  	_ = 	snop  }
0x90: {  	(tm) =	ssettm $0x1  }
0x91: {  	s18 =	sld [smem:$0x3FFB];
	_ =	sdelay $0x3  }
0x92: {  	_ =	strace s18  }
0x93: {  	s2 =	sld [smem:$0x3FFC];
	_ =	sdelay $0x3  }
0x94: {  	_ =	strace s2  }
0x95: {  	s2 =	sld [smem:$0x3FFD];
	_ =	sdelay $0x3  }
0x96: {  	_ =	strace s2  }
0x97: {  	_ =	strace $0x8FFFFFFF  }
0x98: {  	s19 =	sld [smem:$0x3FDB];
	_ =	sdelay $0x1  }
0x99: {  	s20 =	simm.s32 $_scs_section_size  }
0x9a: {  	s4 =	simm.s32 $_size__tile_overlayer_lowered;
	s5 =	simm.s32 $_tile_overlayer_lowered  }
0x9b: {  	s6 =	simm.s32 $0x1BFF;
	s21 =	sshll.u32 s5, $0x1;
	s3 =	sadd.s32 s20, s19  }
0x9c: {  	s22 =	simm.s32 $0x0;
	s4 =	sshll.u32 s4, $0x1;
	s5 =	sadd.s32 s21, s3  }
0x9d: {  	[timem:s22], [sflag:s6] =	dma.local [hbm:s5], s4  }
0x9e: {  	_ =	swait.ge [sflag:s6], s4  }
0x9f: {  	s4 =	ssub.s32 $0x0, s4;
	[sflag:s6] =	ssyncset.done $0x0  }
0xa0: {  	[sflag:s6] =	ssyncadd.s32 s4;
	_ =	sdelay $0x1  }
0xa1: {  	s23 =	simm.s32 $0x1B8B  }
0xa2: {  	_ =	swait.ge [sflag:s23], $0x1  }
0xa3: {  	[sflag:s23] =	ssyncset.done $0x0  }
0xa4: {  	[sflag:s23] =	ssyncadd.s32 $0xFFFFFFFF  }
0xa5: {  	s4 =	sld [smem:$0x0]  }
0xa6: {  	s5 =	sand.u32 $0xFFFFFFFE, s1  }
0xa7: {  	p0 =	sne.s32 s1, s5  }
0xa8: {  	s5 =	sshll.u32 @p0 s5, $0xE  }
0xa9: {  	s5 =	sadd.s32 @p0 $0x11B8D, s5;
	s6 =	sshll.u32 @p0 s4, $0x11  }
0xaa: {  	s5 =	sor.u32 @p0 s6, s5  }
0xab: {  	[sflag:s5] =	ssyncadd.remote.s32 @p0 $0x1;
	_ =	sdelay $0x1  }
0xac: {  	s5 =	simm.s32 @p0 $0x1B8D  }
0xad: {  	_ =	swait.eq @p0 [sflag:s5], $0x1  }
0xae: {  	[sflag:s5] =	ssyncadd.s32 @p0 $0xFFFFFFFF  }
0xaf: {  	s6 =	sshll.u32 @!p0 s1, $0xE  }
0xb0: {  	s6 =	sor.u32 @!p0 $0x4000, s6;
	s5 =	simm.s32 @!p0 $0x1B8D  }
0xb1: {  	s4 =	sshll.u32 @!p0 s4, $0x11;
	s6 =	sadd.s32 @!p0 $0x11B8D, s6;
	_ =	swait.eq @!p0 [sflag:s5], $0x1  }
0xb2: {  	s4 =	sor.u32 @!p0 s4, s6;
	[sflag:s5] =	ssyncadd.s32 @!p0 $0xFFFFFFFF  }
0xb3: {  	s25 =	simm.s32 $0x1B8E;
	s24 =	sld [smem:$0x3FFE];
	[sflag:s4] =	ssyncadd.remote.s32 @!p0 $0x1  }
0xb4: {  	s26 =	simm.s32 $execute0_lowered;
	[smem:$0x3FD2] =	sst s25  }
0xb5: {  	s5 =	sshll.u32 s26, $0x1;
	_ =	strace $0x80000055;
	[dreg:$0x1] =	wrdreg $0xFFFFFFFF  }
0xb6: {  	s28 =	simm.s32 $_size_execute0_lowered;
	s3 =	sadd.s32 s3, s5;
	[dreg:$0x0] =	wrdreg $0x0  }
0xb7: {  	s5 =	sshll.u32 s28, $0x1;
	[dreg:$0x2] =	wrdreg s3  }
0xb8: {  	[dreg:$0x3] =	wrdreg s5  }
0xb9: {  	[dreg:$0x4] =	wrdreg $0xC0  }
0xba: {  	_ =	task [dreg:s22], $0x5FFFF  }
0xbb: {  	[dreg:$0x1] =	wrdreg $0xFFFFFFFF  }
0xbc: {  	[dreg:$0x0] =	wrdreg $0x60  }
0xbd: {  	[dreg:$0x2] =	wrdreg s24  }
0xbe: {  	[dreg:$0x3] =	wrdreg $0x9  }
0xbf: {  	_ =	task.clear_ibuf [dreg:s22], $0x4FFFF;
	_ =	strace $0x90000055  }
0xc0: {  	s29 =	simm.s32 $0x9;
	_ =	strace $0x80000057  }
0xc1: {  	_ =	swait.ge [sflag:s29], $0x1  }
0xc2: {  	[sflag:s29] =	ssyncadd.s32 $0xFFFFFFFF  }
0xc3: {  	_ =	strace $0x90000057  }
0xc4: {  	_ =	sfence  }
0xc5: {  	s30 =	sld [smem:$0x0];
	_ =	sdelay $0x2  }
0xc6: {  	s31 =	sshll.u32 s1, $0xD;
	s1 =	sshrl.u32 s1, $0x2  }
0xc7: {  	s4 =	sand.u32 $0x4000, s31;
	s1 =	sadd.s32 s1, s30  }
0xc8: {  	s0 =	sor.u32 s4, s0;
	s1 =	sshll.u32 s1, $0x11  }
0xc9: {  	s0 =	sor.u32 s1, s0  }
0xca: {  	s0 =	sadd.s32 $0x8F2B, s0  }
0xcb: {  	[sflag:s0] =	ssyncadd.remote.s32 $0x1  }
0xcc: {  	_ =	sfence.sel $0xFFFF  }
0xcd: {  	[dreg:$0x0] =	wrdreg $0xFFFFFFFF;
	(pc) =	sbr.abs _section_cstart, $3  }
0xce: {  	[dreg:$0x1] =	wrdreg $0xFFFFFFFF  }
0xcf: {  	_ =	task.clear_ibuf [dreg:s22], $0x2FFFF;
	_ =	strace $0x9FFFFFFF  }
0xd0: {  	(tm) =	ssettm $0x7FFFFFFF  }
0xd1: {  	_ =	shalt  }
tec
execute0_lowered:
.L_overlay_start_1:
0x0: {  	(tag) =	ssettag $0x1  }
0x1: {  	s4 =	rddreg [dreg:$0x0]  }
0x2: {  	s0 =	rddreg [dreg:$0x1];
	s2 =	simm.s32 $0x0;
	s1 =	stileid.u32  }
0x3: {  	s3 =	srdreg.scid;
	s10 =	simm.s32 $0x0;
	s6 =	smul.u32 $0x4E20, s1  }
0x4: {  	[smem:$0x7FF] =	sst s2;
	s5 =	sand.u32 $0x1, s3;
	s8 =	smul.u32 $0x27100, s1  }
0x5: {  	s3 =	sadd.s32 $0x12000, s4;
	s7 =	smul.u32 $0x2710, s5;
	s9 =	ssub.s32 $0x2, s5  }
0x6: {  	_ =	strace $0x80000056;
	s5 =	smul.u32 $0x13880, s5;
	s31 =	sshrl.u32 s9, $0x1  }
0x7: {  	s8 =	sadd.s32 s8, s4;
	s6 =	sadd.s32 s7, s6;
	s7 =	ssub.s32 s9, s31  }
0x8: {  	s5 =	sadd.s32 s5, s8;
	s8 =	simm.s32 $0x3E8;
	s6 =	sshrl.u32 s6, $0x3  }
0x9: {  	s9 =	simm.s32 $0x1;
	s5 =	sadd.s32 $0xB7BC00, s5;
	s6 =	sadd.s32 s6, s4  }
0xa: {  	s4 =	smax.u32 s7, $0x1;
	s7 =	simm.s32 $0x2;
	s6 =	sadd.s32 $0x2D6400, s6  }
.LBB2_1:
0xb: {  	s11 =	sadd.s32 $0x0, s6  }
0xc: {  	[tilespmem:s2], [sflag:$0x2] =	stream.linear.gather [hbm4b:s11+s2], $0x3E8, $0x38;
	[tilespmem:$0xFDE8] =	vst v63  }
0xd: {  	_ =	swait.ge [sflag:s7], $0x3E8  }
0xe: {  	[sflag:s7] =	ssyncset.done $0x0  }
0xf: {  	[sflag:s7] =	ssyncadd.s32 $0xFFFFFC18  }
0x10: {  	[tilespmem:s8], [sflag:$0x1] =	stream.indirect.gather [hbm4b:s3+s8], $0x40, s2, s8, $0xb8;
	[tilespmem:$0xFDE8] =	vst v63  }
0x11: {  	_ =	swait.ge [sflag:s9], $0xFA00  }
0x12: {  	[sflag:s9] =	ssyncset.done $0x0  }
0x13: {  	[sflag:s9] =	ssyncadd.s32 $0xFFFF0600  }
0x14: {  	[hbm4b:s5+s2] =	stream.linear.scatter [tilespmem:s8], [sflag:$0x2], $0xFA00, $0x38;
	[tilespmem:$0xFDE8] =	vst v63  }
0x15: {  	s12 =	simm.s32 $0x7D;
	_ =	swait.ge [sflag:s7], $0xFA00  }
0x16: {  	s13 =	simm.s32 $0xFA;
	s11 =	sadd.s32 $0x1F40, s5;
	[sflag:s7] =	ssyncset.done $0x0  }
.LBB2_2:
0x17: {  	s14 =	sadd.s32 s12, s6  }
0x18: {  	[sflag:s7] =	ssyncadd.s32 $0xFFFF0600;
	s12 =	smov.u32 s13;
	s15 =	sadd.s32 $0x7D, s13  }
0x19: {  	[tilespmem:s2], [sflag:$0x2] =	stream.linear.gather [hbm4b:s14+s2], $0x3E8, $0x38;
	[tilespmem:$0xFDE8] =	vst v63  }
0x1a: {  	p0 =	sne.s32 s13, $0x465;
	_ =	swait.ge [sflag:s7], $0x3E8  }
0x1b: {  	[sflag:s7] =	ssyncset.done $0x0  }
0x1c: {  	[sflag:s7] =	ssyncadd.s32 $0xFFFFFC18  }
0x1d: {  	[tilespmem:s8], [sflag:$0x1] =	stream.indirect.gather [hbm4b:s3+s8], $0x40, s2, s8, $0xb8;
	[tilespmem:$0xFDE8] =	vst v63  }
0x1e: {  	_ =	swait.ge [sflag:s9], $0xFA00  }
.Ltmp0:
0x1f: {  	[sflag:s9] =	ssyncset.done $0x0;
	(pc) =	sbr.rel @p0 .LBB2_2-.Ltmp0, $4  }
0x20: {  	[sflag:s9] =	ssyncadd.s32 $0xFFFF0600  }
0x21: {  	[hbm4b:s11+s2] =	stream.linear.scatter [tilespmem:s8], [sflag:$0x2], $0xFA00, $0x38;
	[tilespmem:$0xFDE8] =	vst v63  }
0x22: {  	_ =	swait.ge [sflag:s7], $0xFA00  }
0x23: {  	s13 =	smov.u32 s15;
	s11 =	sadd.s32 $0x1F40, s11;
	[sflag:s7] =	ssyncset.done $0x0  }
0x24: {  	s12 =	sadd.s32 s12, s6;
	[sflag:s7] =	ssyncadd.s32 $0xFFFF0600  }
0x25: {  	[tilespmem:s2], [sflag:$0x2] =	stream.linear.gather [hbm4b:s12+s2], $0x3E8, $0x38;
	[tilespmem:$0xFDE8] =	vst v63  }
0x26: {  	_ =	swait.ge [sflag:s7], $0x3E8  }
0x27: {  	[sflag:s7] =	ssyncset.done $0x0  }
0x28: {  	[sflag:s7] =	ssyncadd.s32 $0xFFFFFC18  }
0x29: {  	[tilespmem:s8], [sflag:$0x1] =	stream.indirect.gather [hbm4b:s3+s8], $0x40, s2, s8, $0xb8;
	[tilespmem:$0xFDE8] =	vst v63  }
0x2a: {  	s10 =	sadd.s32 $0x1, s10;
	_ =	swait.ge [sflag:s9], $0xFA00  }
0x2b: {  	p0 =	sne.s32 s10, s4;
	[sflag:s9] =	ssyncset.done $0x0  }
.Ltmp1:
0x2c: {  	[sflag:s9] =	ssyncadd.s32 $0xFFFF0600;
	(pc) =	sbr.rel @p0 .LBB2_1-.Ltmp1, $4  }
0x2d: {  	[hbm4b:s11+s2] =	stream.linear.scatter [tilespmem:s8], [sflag:$0x2], $0xFA00, $0x38;
	[tilespmem:$0xFDE8] =	vst v63  }
0x2e: {  	_ =	swait.ge [sflag:s7], $0xFA00  }
0x2f: {  	[sflag:s7] =	ssyncset.done $0x0  }
0x30: {  	[sflag:s7] =	ssyncadd.s32 $0xFFFF0600  }
0x31: {  	_ =	sfence.sel $0x180000  }
0x32: {  	[bflag:$0x0] =	sbarrier.arrive $0xFFFF  }
0x33: {  	p0 =	sne.s32 s1, $0x0;
	_ =	strace $0x90000056  }
0x34: {  	s0 =	sadd.s32 @!p0 $0x100000, s0;
	[bflag:$0x2] =	sbarrier.arrive $0xFFFF  }
0x35: {  	[sflag:s0] =	ssyncadd.tile.s32 @!p0 $0x1;
	_ =	shalt  }
.Lfunc_end2:
_tile_overlayer_lowered:
.L_overlay_start_2:
0x36: {  	(tag) =	ssettag $0x2  }
0x37: {  	s0 =	rddreg [dreg:$0x0];
	s2 =	stileid.u32  }
0x38: {  	s1 =	rddreg [dreg:$0x1];
	p0 =	sne.s32 s2, $0x0  }
0x39: {  	s3 =	rddreg [dreg:$0x2];
	[bflag:$0x3] =	sbarrier.arrive $0xFFFF;
	s2 =	simm.s32 @!p0 $0x1C02  }
0x3a: {  	[timem:s3], [sflag:s2] =	dma.local @!p0 [hbm:s0], s1  }
0x3b: {  	s0 =	simm.s32 @!p0 $0x2  }
0x3c: {  	_ =	swait.ge @!p0 [sflag:s0], s1  }
0x3d: {  	s1 =	ssub.s32 @!p0 $0x0, s1;
	[sflag:s0] =	ssyncset.done @!p0 $0x0  }
0x3e: {  	[sflag:s0] =	ssyncadd.s32 @!p0 s1  }
0x3f: {  	[bflag:$0x3] =	sbarrier.arrive $0xFFFF  }
0x40: {  	_ =	shalt  }

// kernel: kernel.36.cloned.1.call-start
scs
__scs_entry_jumppad:
0x0: {  	(pc) =	sbr.rel $0x88, $3  }
0x1: {  	(tag) =	ssettag $0x0;
	lr =	simm.s32 $0x1  }
0x2: {  	[smem:$0x3F6E] =	sst lr;
	_ =	strace $0xD0000000  }
0x3: {  	_ = 	snop  }
0x4: {  	_ = 	snop  }
0x5: {  	_ = 	snop  }
0x6: {  	_ = 	snop  }
0x7: {  	_ = 	snop  }
__scs_overlays_trampoline_lowered:
0x8: {  	[smem:$0x3F7D] =	sst s0  }
0x9: {  	[smem:$0x3F7E] =	sst s1  }
0xa: {  	[smem:$0x3F7F] =	sst s2  }
0xb: {  	[smem:$0x3F80] =	sst s3  }
0xc: {  	[smem:$0x3F81] =	sst s4  }
0xd: {  	[smem:$0x3F82] =	sst s5  }
0xe: {  	[smem:$0x3F83] =	sst s6  }
0xf: {  	[smem:$0x3F84] =	sst s7  }
0x10: {  	[smem:$0x3F85] =	sst s8  }
0x11: {  	[smem:$0x3F86] =	sst s9;
	s0 =	simm.s32 @!p0 $0x0  }
0x12: {  	s1 =	sld [smem:$0x3F6C];
	s0 =	simm.s32 @p0 $0x1  }
0x13: {  	[smem:$0x3F87] =	sst s0;
	s0 =	simm.s32 @!p1 $0x0  }
0x14: {  	s2 =	sld [smem:$0x3F6B];
	s0 =	simm.s32 @p1 $0x1  }
0x15: {  	[smem:$0x3F88] =	sst s0;
	s0 =	simm.s32 @!p2 $0x0  }
0x16: {  	s3 =	sld [smem:$0x3FDB];
	s0 =	simm.s32 @p2 $0x1  }
0x17: {  	s4 =	simm.s32 $0x1BF5;
	[smem:$0x3F8A] =	sst s0  }
0x18: {  	s0 =	sld [smem:$0x3F6D];
	_ =	swait.ge [sflag:s4], $0x0  }
0x19: {  	s7 =	sld [smem:$0x3F6E]  }
0x1a: {  	s8 =	sadd.s32 $0xFFFFE003, lr  }
0x1b: {  	s9 =	sadd.s32 $0xFFFFFEF7, lr;
	s5 =	simm.s32 $0xFFFFFFFF;
	p2 =	slt.u32 s8, $0xFFFFF086  }
0x1c: {  	p1 =	slt.u32 s9, $0xF7A;
	s5 =	simm.s32 @!p2 $0x0  }
0x1d: {  	s5 =	simm.s32 @p1 $0x1;
	p0 =	seq.s32 s7, s2  }
0x1e: {  	s7 =	smul.u32 @!p0 $0xF7A, s2;
	p2 =	seq.s32 @!p0 s5, $0x0  }
0x1f: {  	s9 =	smul.u32 $0xF7A, s1;
	s8 =	simm.s32 @!p0 $0x1BF5;
	p2 =	por !p2, p0  }
0x20: {  	[sflag:s8] =	ssyncset.s32 @!p0 $0xFFFFF086;
	s6 =	sadd.s32 @!p0 s3, s7;
	s7 =	simm.s32 @!p0 $0x108  }
0x21: {  	s3 =	sadd.s32 s3, s9;
	s6 =	sadd.s32 @!p0 $0x88, s6;
	s7 =	simm.s32 @p2 $0x1082  }
0x22: {  	[simem:s7], [sflag:s8] =	dma.local @!p0 [hbm:s6], $0xF7A  }
0x23: {  	s9 =	sor.u32 $0xD0000000, s2;
	s6 =	simm.s32 $0x108;
	_ =	swait.ge @!p0 [sflag:s8], $0x0  }
0x24: {  	s3 =	sadd.s32 $0x88, s3;
	s6 =	simm.s32 @!p1 $0x1082;
	[sflag:s4] =	ssyncset.s32 $0xFFFFF086  }
0x25: {  	[simem:s6], [sflag:s4] =	dma.local [hbm:s3], $0xF7A  }
0x26: {  	[smem:$0x3F6E] =	sst s1;
	(tag) =	ssettag s2;
	_ =	strace s9  }
0x27: {  	s1 =	sld [smem:$0x3F7E]  }
0x28: {  	s2 =	sld [smem:$0x3F7F]  }
0x29: {  	s4 =	sld [smem:$0x3F81]  }
0x2a: {  	p0 =	seq.s32 s5, $0x0;
	s5 =	sld [smem:$0x3F82]  }
0x2b: {  	s6 =	sld [smem:$0x3F83]  }
0x2c: {  	s7 =	sld [smem:$0x3F84]  }
0x2d: {  	s3 =	simm.s32 $0x108;
	s8 =	sld [smem:$0x3F85]  }
0x2e: {  	s3 =	simm.s32 @!p0 $0x1082;
	s9 =	sld [smem:$0x3F86]  }
0x2f: {  	lr =	sadd.s32 s0, s3;
	s0 =	sld [smem:$0x3F7D]  }
0x30: {  	s3 =	sld [smem:$0x3F80]  }
0x31: {  	[smem:$0x3F89] =	sst s10  }
0x32: {  	s10 =	sld [smem:$0x3F87];
	_ =	sdelay $0x3  }
0x33: {  	p0 =	seq.s32 s10, $0x1;
	s10 =	sld [smem:$0x3F89];
	_ =	sdelay $0x3  }
0x34: {  	[smem:$0x3F89] =	sst s10  }
0x35: {  	s10 =	sld [smem:$0x3F88];
	_ =	sdelay $0x3  }
0x36: {  	p1 =	seq.s32 s10, $0x1;
	s10 =	sld [smem:$0x3F89];
	_ =	sdelay $0x3  }
0x37: {  	[smem:$0x3F89] =	sst s10  }
0x38: {  	s10 =	sld [smem:$0x3F8A]  }
0x39: {  	_ = 	snop;
	(pc) =	sbr.ind lr, $3  }
0x3a: {  	_ = 	snop  }
0x3b: {  	_ = 	snop  }
0x3c: {  	p2 =	seq.s32 s10, $0x1;
	s10 =	sld [smem:$0x3F89]  }
0x3d: {  	_ =	shalt  }
0x3e: {  	_ =	shalt  }
0x3f: {  	_ =	shalt  }
0x40: {  	_ =	shalt  }
0x41: {  	_ =	shalt  }
0x42: {  	_ =	shalt  }
0x43: {  	_ =	shalt  }
0x44: {  	_ =	shalt  }
0x45: {  	_ =	shalt  }
0x46: {  	_ =	shalt  }
0x47: {  	_ =	shalt  }
0x48: {  	_ =	shalt  }
0x49: {  	_ =	shalt  }
0x4a: {  	_ =	shalt  }
0x4b: {  	_ =	shalt  }
0x4c: {  	_ =	shalt  }
0x4d: {  	_ =	shalt  }
0x4e: {  	_ =	shalt  }
0x4f: {  	_ =	shalt  }
0x50: {  	_ =	shalt  }
0x51: {  	_ =	shalt  }
0x52: {  	_ =	shalt  }
0x53: {  	_ =	shalt  }
0x54: {  	_ =	shalt  }
0x55: {  	_ =	shalt  }
0x56: {  	_ =	shalt  }
0x57: {  	_ =	shalt  }
0x58: {  	_ =	shalt  }
0x59: {  	_ =	shalt  }
0x5a: {  	_ =	shalt  }
0x5b: {  	_ =	shalt  }
0x5c: {  	_ =	shalt  }
0x5d: {  	_ =	shalt  }
0x5e: {  	_ =	shalt  }
0x5f: {  	_ =	shalt  }
0x60: {  	_ =	shalt  }
0x61: {  	_ =	shalt  }
0x62: {  	_ =	shalt  }
0x63: {  	_ =	shalt  }
0x64: {  	_ =	shalt  }
0x65: {  	_ =	shalt  }
0x66: {  	_ =	shalt  }
0x67: {  	_ =	shalt  }
0x68: {  	_ =	shalt  }
0x69: {  	_ =	shalt  }
0x6a: {  	_ =	shalt  }
0x6b: {  	_ =	shalt  }
0x6c: {  	_ =	shalt  }
0x6d: {  	_ =	shalt  }
0x6e: {  	_ =	shalt  }
0x6f: {  	_ =	shalt  }
0x70: {  	_ =	shalt  }
0x71: {  	_ =	shalt  }
0x72: {  	_ =	shalt  }
0x73: {  	_ =	shalt  }
0x74: {  	_ =	shalt  }
0x75: {  	_ =	shalt  }
0x76: {  	_ =	shalt  }
0x77: {  	_ =	shalt  }
0x78: {  	_ =	shalt  }
0x79: {  	_ =	shalt  }
0x7a: {  	_ =	shalt  }
0x7b: {  	_ =	shalt  }
0x7c: {  	_ =	shalt  }
0x7d: {  	_ =	shalt  }
0x7e: {  	_ =	shalt  }
0x7f: {  	_ =	shalt  }
0x80: {  	_ =	shalt  }
0x81: {  	_ =	shalt  }
0x82: {  	_ =	shalt  }
0x83: {  	_ =	shalt  }
0x84: {  	_ =	shalt  }
0x85: {  	_ =	shalt  }
0x86: {  	_ =	shalt  }
0x87: {  	_ =	shalt  }
.Lfunc_end0:
.L_simem_size_0:
called_computation.5_lowered:
.L_overlay_start_0:
0x88: {  	s2 =	sld [smem:$0x3FD9]  }
0x89: {  	s3 =	sld [smem:$0x3FFE];
	_ =	sdelay $0x1  }
0x8a: {  	s1 =	srdreg.scid  }
0x8b: {  	s0 =	sand.u32 $0x1, s1  }
0x8c: {  	s16 =	sshll.u32 s0, $0xA;
	s2 =	sadd.s32 s3, s2  }
0x8d: {  	s2 =	sadd.s32 s2, s16  }
0x8e: {  	[smem:$0x3F95] =	sst s2  }
0x8f: {  	_ = 	snop  }
0x90: {  	(tm) =	ssettm $0x1  }
0x91: {  	s17 =	sld [smem:$0x3FFB];
	_ =	sdelay $0x3  }
0x92: {  	_ =	strace s17  }
0x93: {  	s2 =	sld [smem:$0x3FFC];
	_ =	sdelay $0x3  }
0x94: {  	_ =	strace s2  }
0x95: {  	s2 =	sld [smem:$0x3FFD];
	_ =	sdelay $0x3  }
0x96: {  	_ =	strace s2  }
0x97: {  	_ =	strace $0x8FFFFFFF  }
0x98: {  	s18 =	sld [smem:$0x3FDB];
	_ =	sdelay $0x1  }
0x99: {  	s19 =	simm.s32 $_scs_section_size  }
0x9a: {  	s4 =	simm.s32 $_size__tile_overlayer_lowered;
	s5 =	simm.s32 $_tile_overlayer_lowered  }
0x9b: {  	s22 =	simm.s32 $0x1BFF;
	s21 =	sshll.u32 s5, $0x1;
	s2 =	sadd.s32 s19, s18  }
0x9c: {  	s6 =	simm.s32 $0x0;
	s20 =	sshll.u32 s4, $0x1;
	s4 =	sadd.s32 s21, s2  }
0x9d: {  	[timem:s6], [sflag:s22] =	dma.local [hbm:s4], s20  }
0x9e: {  	_ =	swait.ge [sflag:s22], s20  }
0x9f: {  	s3 =	ssub.s32 $0x0, s20;
	[sflag:s22] =	ssyncset.done $0x0  }
0xa0: {  	[sflag:s22] =	ssyncadd.s32 s3;
	_ =	sdelay $0x1  }
0xa1: {  	s23 =	simm.s32 $0x1B8B  }
0xa2: {  	_ =	swait.ge [sflag:s23], $0x1  }
0xa3: {  	[sflag:s23] =	ssyncset.done $0x0  }
0xa4: {  	s25 =	simm.s32 $0x1B8E;
	s24 =	sld [smem:$0x3FFE];
	[sflag:s23] =	ssyncadd.s32 $0xFFFFFFFF  }
0xa5: {  	s26 =	simm.s32 $execute0_lowered;
	[smem:$0x3FD2] =	sst s25  }
0xa6: {  	s4 =	sshll.u32 s26, $0x1;
	_ =	strace $0x80000052;
	[dreg:$0x1] =	wrdreg $0xFFFFFFFF  }
0xa7: {  	s28 =	simm.s32 $_size_execute0_lowered;
	s2 =	sadd.s32 s2, s4;
	[dreg:$0x0] =	wrdreg $0x0  }
0xa8: {  	s4 =	sshll.u32 s28, $0x1;
	[dreg:$0x2] =	wrdreg s2  }
0xa9: {  	[dreg:$0x3] =	wrdreg s4  }
0xaa: {  	[dreg:$0x4] =	wrdreg $0xC0  }
0xab: {  	_ =	task [dreg:s6], $0x5FFFF  }
0xac: {  	[dreg:$0x1] =	wrdreg $0xFFFFFFFF  }
0xad: {  	[dreg:$0x0] =	wrdreg $0x60  }
0xae: {  	[dreg:$0x2] =	wrdreg s24  }
0xaf: {  	[dreg:$0x3] =	wrdreg $0xA  }
0xb0: {  	_ =	task.clear_ibuf [dreg:s6], $0x4FFFF;
	_ =	strace $0x90000052  }
0xb1: {  	s29 =	simm.s32 $0xA;
	_ =	strace $0x80000054  }
0xb2: {  	_ =	swait.ge [sflag:s29], $0x1  }
0xb3: {  	[sflag:s29] =	ssyncadd.s32 $0xFFFFFFFF  }
0xb4: {  	_ =	strace $0x90000054  }
0xb5: {  	_ =	sfence  }
0xb6: {  	s30 =	sld [smem:$0x0];
	_ =	sdelay $0x2  }
0xb7: {  	s31 =	sshll.u32 s1, $0xD;
	s1 =	sshrl.u32 s1, $0x2  }
0xb8: {  	s3 =	sand.u32 $0x4000, s31;
	s1 =	sadd.s32 s1, s30  }
0xb9: {  	s0 =	sor.u32 s3, s0;
	s1 =	sshll.u32 s1, $0x11  }
0xba: {  	s0 =	sor.u32 s1, s0  }
0xbb: {  	s0 =	sadd.s32 $0x8F2B, s0  }
0xbc: {  	[sflag:s0] =	ssyncadd.remote.s32 $0x1  }
0xbd: {  	_ =	sfence.sel $0xFFFF  }
0xbe: {  	[dreg:$0x0] =	wrdreg $0xFFFFFFFF;
	(pc) =	sbr.abs _section_cstart, $3  }
0xbf: {  	[dreg:$0x1] =	wrdreg $0xFFFFFFFF  }
0xc0: {  	_ =	task.clear_ibuf [dreg:s6], $0x2FFFF;
	_ =	strace $0x9FFFFFFF  }
0xc1: {  	(tm) =	ssettm $0x7FFFFFFF  }
tec
execute0_lowered:
.L_overlay_start_1:
0x0: {  	(tag) =	ssettag $0x1  }
0x1: {  	s4 =	rddreg [dreg:$0x0]  }
0x2: {  	s0 =	rddreg [dreg:$0x1];
	s2 =	simm.s32 $0x0;
	s1 =	stileid.u32  }
0x3: {  	s3 =	srdreg.scid;
	s10 =	simm.s32 $0x0;
	s6 =	smul.u32 $0x4E20, s1  }
0x4: {  	[smem:$0x7FF] =	sst s2;
	s5 =	sand.u32 $0x1, s3;
	s8 =	smul.u32 $0x27100, s1  }
0x5: {  	s3 =	sadd.s32 $0x12000, s4;
	s7 =	smul.u32 $0x2710, s5;
	s9 =	ssub.s32 $0x2, s5  }
0x6: {  	_ =	strace $0x80000053;
	s5 =	smul.u32 $0x13880, s5;
	s31 =	sshrl.u32 s9, $0x1  }
0x7: {  	s8 =	sadd.s32 s8, s4;
	s6 =	sadd.s32 s7, s6;
	s7 =	ssub.s32 s9, s31  }
0x8: {  	s5 =	sadd.s32 s5, s8;
	s8 =	simm.s32 $0x3E8;
	s6 =	sshrl.u32 s6, $0x3  }
0x9: {  	s9 =	simm.s32 $0x1;
	s5 =	sadd.s32 $0x2E5200, s5;
	s6 =	sadd.s32 s6, s4  }
0xa: {  	s4 =	smax.u32 s7, $0x1;
	s7 =	simm.s32 $0x2;
	s6 =	sadd.s32 $0x556200, s6  }
.LBB2_1:
0xb: {  	s11 =	sadd.s32 $0x0, s6  }
0xc: {  	[tilespmem:s2], [sflag:$0x2] =	stream.linear.gather [hbm4b:s11+s2], $0x3E8, $0x38;
	[tilespmem:$0xFDE8] =	vst v63  }
0xd: {  	_ =	swait.ge [sflag:s7], $0x3E8  }
0xe: {  	[sflag:s7] =	ssyncset.done $0x0  }
0xf: {  	[sflag:s7] =	ssyncadd.s32 $0xFFFFFC18  }
0x10: {  	[tilespmem:s8], [sflag:$0x1] =	stream.indirect.gather [hbm4b:s3+s8], $0x40, s2, s8, $0xb8;
	[tilespmem:$0xFDE8] =	vst v63  }
0x11: {  	_ =	swait.ge [sflag:s9], $0xFA00  }
0x12: {  	[sflag:s9] =	ssyncset.done $0x0  }
0x13: {  	[sflag:s9] =	ssyncadd.s32 $0xFFFF0600  }
0x14: {  	[hbm4b:s5+s2] =	stream.linear.scatter [tilespmem:s8], [sflag:$0x2], $0xFA00, $0x38;
	[tilespmem:$0xFDE8] =	vst v63  }
0x15: {  	s12 =	simm.s32 $0x7D;
	_ =	swait.ge [sflag:s7], $0xFA00  }
0x16: {  	s13 =	simm.s32 $0xFA;
	s11 =	sadd.s32 $0x1F40, s5;
	[sflag:s7] =	ssyncset.done $0x0  }
.LBB2_2:
0x17: {  	s14 =	sadd.s32 s12, s6  }
0x18: {  	[sflag:s7] =	ssyncadd.s32 $0xFFFF0600;
	s12 =	smov.u32 s13;
	s15 =	sadd.s32 $0x7D, s13  }
0x19: {  	[tilespmem:s2], [sflag:$0x2] =	stream.linear.gather [hbm4b:s14+s2], $0x3E8, $0x38;
	[tilespmem:$0xFDE8] =	vst v63  }
0x1a: {  	p0 =	sne.s32 s13, $0x465;
	_ =	swait.ge [sflag:s7], $0x3E8  }
0x1b: {  	[sflag:s7] =	ssyncset.done $0x0  }
0x1c: {  	[sflag:s7] =	ssyncadd.s32 $0xFFFFFC18  }
0x1d: {  	[tilespmem:s8], [sflag:$0x1] =	stream.indirect.gather [hbm4b:s3+s8], $0x40, s2, s8, $0xb8;
	[tilespmem:$0xFDE8] =	vst v63  }
0x1e: {  	_ =	swait.ge [sflag:s9], $0xFA00  }
.Ltmp0:
0x1f: {  	[sflag:s9] =	ssyncset.done $0x0;
	(pc) =	sbr.rel @p0 .LBB2_2-.Ltmp0, $4  }
0x20: {  	[sflag:s9] =	ssyncadd.s32 $0xFFFF0600  }
0x21: {  	[hbm4b:s11+s2] =	stream.linear.scatter [tilespmem:s8], [sflag:$0x2], $0xFA00, $0x38;
	[tilespmem:$0xFDE8] =	vst v63  }
0x22: {  	_ =	swait.ge [sflag:s7], $0xFA00  }
0x23: {  	s13 =	smov.u32 s15;
	s11 =	sadd.s32 $0x1F40, s11;
	[sflag:s7] =	ssyncset.done $0x0  }
0x24: {  	s12 =	sadd.s32 s12, s6;
	[sflag:s7] =	ssyncadd.s32 $0xFFFF0600  }
0x25: {  	[tilespmem:s2], [sflag:$0x2] =	stream.linear.gather [hbm4b:s12+s2], $0x3E8, $0x38;
	[tilespmem:$0xFDE8] =	vst v63  }
0x26: {  	_ =	swait.ge [sflag:s7], $0x3E8  }
0x27: {  	[sflag:s7] =	ssyncset.done $0x0  }
0x28: {  	[sflag:s7] =	ssyncadd.s32 $0xFFFFFC18  }
0x29: {  	[tilespmem:s8], [sflag:$0x1] =	stream.indirect.gather [hbm4b:s3+s8], $0x40, s2, s8, $0xb8;
	[tilespmem:$0xFDE8] =	vst v63  }
0x2a: {  	s10 =	sadd.s32 $0x1, s10;
	_ =	swait.ge [sflag:s9], $0xFA00  }
0x2b: {  	p0 =	sne.s32 s10, s4;
	[sflag:s9] =	ssyncset.done $0x0  }
.Ltmp1:
0x2c: {  	[sflag:s9] =	ssyncadd.s32 $0xFFFF0600;
	(pc) =	sbr.rel @p0 .LBB2_1-.Ltmp1, $4  }
0x2d: {  	[hbm4b:s11+s2] =	stream.linear.scatter [tilespmem:s8], [sflag:$0x2], $0xFA00, $0x38;
	[tilespmem:$0xFDE8] =	vst v63  }
0x2e: {  	_ =	swait.ge [sflag:s7], $0xFA00  }
0x2f: {  	[sflag:s7] =	ssyncset.done $0x0  }
0x30: {  	[sflag:s7] =	ssyncadd.s32 $0xFFFF0600  }
0x31: {  	_ =	sfence.sel $0x180000  }
0x32: {  	[bflag:$0x0] =	sbarrier.arrive $0xFFFF  }
0x33: {  	p0 =	sne.s32 s1, $0x0;
	_ =	strace $0x90000053  }
0x34: {  	s0 =	sadd.s32 @!p0 $0x100000, s0;
	[bflag:$0x2] =	sbarrier.arrive $0xFFFF  }
0x35: {  	[sflag:s0] =	ssyncadd.tile.s32 @!p0 $0x1;
	_ =	shalt  }
.Lfunc_end2:
_tile_overlayer_lowered:
.L_overlay_start_2:
0x36: {  	(tag) =	ssettag $0x2  }
0x37: {  	s0 =	rddreg [dreg:$0x0];
	s2 =	stileid.u32  }
0x38: {  	s1 =	rddreg [dreg:$0x1];
	p0 =	sne.s32 s2, $0x0  }
0x39: {  	s3 =	rddreg [dreg:$0x2];
	[bflag:$0x3] =	sbarrier.arrive $0xFFFF;
	s2 =	simm.s32 @!p0 $0x1C02  }
0x3a: {  	[timem:s3], [sflag:s2] =	dma.local @!p0 [hbm:s0], s1  }
0x3b: {  	s0 =	simm.s32 @!p0 $0x2  }
0x3c: {  	_ =	swait.ge @!p0 [sflag:s0], s1  }
0x3d: {  	s1 =	ssub.s32 @!p0 $0x0, s1;
	[sflag:s0] =	ssyncset.done @!p0 $0x0  }
0x3e: {  	[sflag:s0] =	ssyncadd.s32 @!p0 s1  }
0x3f: {  	[bflag:$0x3] =	sbarrier.arrive $0xFFFF  }
0x40: {  	_ =	shalt  }

// kernel: kernel.39.cloned.1.call-start
scs
__scs_entry_jumppad:
0x0: {  	(pc) =	sbr.rel $0x88, $3  }
0x1: {  	(tag) =	ssettag $0x0;
	lr =	simm.s32 $0x1  }
0x2: {  	[smem:$0x3F6E] =	sst lr;
	_ =	strace $0xD0000000  }
0x3: {  	_ = 	snop  }
0x4: {  	_ = 	snop  }
0x5: {  	_ = 	snop  }
0x6: {  	_ = 	snop  }
0x7: {  	_ = 	snop  }
__scs_overlays_trampoline_lowered:
0x8: {  	[smem:$0x3F7D] =	sst s0  }
0x9: {  	[smem:$0x3F7E] =	sst s1  }
0xa: {  	[smem:$0x3F7F] =	sst s2  }
0xb: {  	[smem:$0x3F80] =	sst s3  }
0xc: {  	[smem:$0x3F81] =	sst s4  }
0xd: {  	[smem:$0x3F82] =	sst s5  }
0xe: {  	[smem:$0x3F83] =	sst s6  }
0xf: {  	[smem:$0x3F84] =	sst s7  }
0x10: {  	[smem:$0x3F85] =	sst s8  }
0x11: {  	[smem:$0x3F86] =	sst s9;
	s0 =	simm.s32 @!p0 $0x0  }
0x12: {  	s1 =	sld [smem:$0x3F6C];
	s0 =	simm.s32 @p0 $0x1  }
0x13: {  	[smem:$0x3F87] =	sst s0;
	s0 =	simm.s32 @!p1 $0x0  }
0x14: {  	s2 =	sld [smem:$0x3F6B];
	s0 =	simm.s32 @p1 $0x1  }
0x15: {  	[smem:$0x3F88] =	sst s0;
	s0 =	simm.s32 @!p2 $0x0  }
0x16: {  	s3 =	sld [smem:$0x3FDB];
	s0 =	simm.s32 @p2 $0x1  }
0x17: {  	s4 =	simm.s32 $0x1BF5;
	[smem:$0x3F8A] =	sst s0  }
0x18: {  	s0 =	sld [smem:$0x3F6D];
	_ =	swait.ge [sflag:s4], $0x0  }
0x19: {  	s7 =	sld [smem:$0x3F6E]  }
0x1a: {  	s8 =	sadd.s32 $0xFFFFE003, lr  }
0x1b: {  	s9 =	sadd.s32 $0xFFFFFEF7, lr;
	s5 =	simm.s32 $0xFFFFFFFF;
	p2 =	slt.u32 s8, $0xFFFFF086  }
0x1c: {  	p1 =	slt.u32 s9, $0xF7A;
	s5 =	simm.s32 @!p2 $0x0  }
0x1d: {  	s5 =	simm.s32 @p1 $0x1;
	p0 =	seq.s32 s7, s2  }
0x1e: {  	s7 =	smul.u32 @!p0 $0xF7A, s2;
	p2 =	seq.s32 @!p0 s5, $0x0  }
0x1f: {  	s9 =	smul.u32 $0xF7A, s1;
	s8 =	simm.s32 @!p0 $0x1BF5;
	p2 =	por !p2, p0  }
0x20: {  	[sflag:s8] =	ssyncset.s32 @!p0 $0xFFFFF086;
	s6 =	sadd.s32 @!p0 s3, s7;
	s7 =	simm.s32 @!p0 $0x108  }
0x21: {  	s3 =	sadd.s32 s3, s9;
	s6 =	sadd.s32 @!p0 $0x88, s6;
	s7 =	simm.s32 @p2 $0x1082  }
0x22: {  	[simem:s7], [sflag:s8] =	dma.local @!p0 [hbm:s6], $0xF7A  }
0x23: {  	s9 =	sor.u32 $0xD0000000, s2;
	s6 =	simm.s32 $0x108;
	_ =	swait.ge @!p0 [sflag:s8], $0x0  }
0x24: {  	s3 =	sadd.s32 $0x88, s3;
	s6 =	simm.s32 @!p1 $0x1082;
	[sflag:s4] =	ssyncset.s32 $0xFFFFF086  }
0x25: {  	[simem:s6], [sflag:s4] =	dma.local [hbm:s3], $0xF7A  }
0x26: {  	[smem:$0x3F6E] =	sst s1;
	(tag) =	ssettag s2;
	_ =	strace s9  }
0x27: {  	s1 =	sld [smem:$0x3F7E]  }
0x28: {  	s2 =	sld [smem:$0x3F7F]  }
0x29: {  	s4 =	sld [smem:$0x3F81]  }
0x2a: {  	p0 =	seq.s32 s5, $0x0;
	s5 =	sld [smem:$0x3F82]  }
0x2b: {  	s6 =	sld [smem:$0x3F83]  }
0x2c: {  	s7 =	sld [smem:$0x3F84]  }
0x2d: {  	s3 =	simm.s32 $0x108;
	s8 =	sld [smem:$0x3F85]  }
0x2e: {  	s3 =	simm.s32 @!p0 $0x1082;
	s9 =	sld [smem:$0x3F86]  }
0x2f: {  	lr =	sadd.s32 s0, s3;
	s0 =	sld [smem:$0x3F7D]  }
0x30: {  	s3 =	sld [smem:$0x3F80]  }
0x31: {  	[smem:$0x3F89] =	sst s10  }
0x32: {  	s10 =	sld [smem:$0x3F87];
	_ =	sdelay $0x3  }
0x33: {  	p0 =	seq.s32 s10, $0x1;
	s10 =	sld [smem:$0x3F89];
	_ =	sdelay $0x3  }
0x34: {  	[smem:$0x3F89] =	sst s10  }
0x35: {  	s10 =	sld [smem:$0x3F88];
	_ =	sdelay $0x3  }
0x36: {  	p1 =	seq.s32 s10, $0x1;
	s10 =	sld [smem:$0x3F89];
	_ =	sdelay $0x3  }
0x37: {  	[smem:$0x3F89] =	sst s10  }
0x38: {  	s10 =	sld [smem:$0x3F8A]  }
0x39: {  	_ = 	snop;
	(pc) =	sbr.ind lr, $3  }
0x3a: {  	_ = 	snop  }
0x3b: {  	_ = 	snop  }
0x3c: {  	p2 =	seq.s32 s10, $0x1;
	s10 =	sld [smem:$0x3F89]  }
0x3d: {  	_ =	shalt  }
0x3e: {  	_ =	shalt  }
0x3f: {  	_ =	shalt  }
0x40: {  	_ =	shalt  }
0x41: {  	_ =	shalt  }
0x42: {  	_ =	shalt  }
0x43: {  	_ =	shalt  }
0x44: {  	_ =	shalt  }
0x45: {  	_ =	shalt  }
0x46: {  	_ =	shalt  }
0x47: {  	_ =	shalt  }
0x48: {  	_ =	shalt  }
0x49: {  	_ =	shalt  }
0x4a: {  	_ =	shalt  }
0x4b: {  	_ =	shalt  }
0x4c: {  	_ =	shalt  }
0x4d: {  	_ =	shalt  }
0x4e: {  	_ =	shalt  }
0x4f: {  	_ =	shalt  }
0x50: {  	_ =	shalt  }
0x51: {  	_ =	shalt  }
0x52: {  	_ =	shalt  }
0x53: {  	_ =	shalt  }
0x54: {  	_ =	shalt  }
0x55: {  	_ =	shalt  }
0x56: {  	_ =	shalt  }
0x57: {  	_ =	shalt  }
0x58: {  	_ =	shalt  }
0x59: {  	_ =	shalt  }
0x5a: {  	_ =	shalt  }
0x5b: {  	_ =	shalt  }
0x5c: {  	_ =	shalt  }
0x5d: {  	_ =	shalt  }
0x5e: {  	_ =	shalt  }
0x5f: {  	_ =	shalt  }
0x60: {  	_ =	shalt  }
0x61: {  	_ =	shalt  }
0x62: {  	_ =	shalt  }
0x63: {  	_ =	shalt  }
0x64: {  	_ =	shalt  }
0x65: {  	_ =	shalt  }
0x66: {  	_ =	shalt  }
0x67: {  	_ =	shalt  }
0x68: {  	_ =	shalt  }
0x69: {  	_ =	shalt  }
0x6a: {  	_ =	shalt  }
0x6b: {  	_ =	shalt  }
0x6c: {  	_ =	shalt  }
0x6d: {  	_ =	shalt  }
0x6e: {  	_ =	shalt  }
0x6f: {  	_ =	shalt  }
0x70: {  	_ =	shalt  }
0x71: {  	_ =	shalt  }
0x72: {  	_ =	shalt  }
0x73: {  	_ =	shalt  }
0x74: {  	_ =	shalt  }
0x75: {  	_ =	shalt  }
0x76: {  	_ =	shalt  }
0x77: {  	_ =	shalt  }
0x78: {  	_ =	shalt  }
0x79: {  	_ =	shalt  }
0x7a: {  	_ =	shalt  }
0x7b: {  	_ =	shalt  }
0x7c: {  	_ =	shalt  }
0x7d: {  	_ =	shalt  }
0x7e: {  	_ =	shalt  }
0x7f: {  	_ =	shalt  }
0x80: {  	_ =	shalt  }
0x81: {  	_ =	shalt  }
0x82: {  	_ =	shalt  }
0x83: {  	_ =	shalt  }
0x84: {  	_ =	shalt  }
0x85: {  	_ =	shalt  }
0x86: {  	_ =	shalt  }
0x87: {  	_ =	shalt  }
.Lfunc_end0:
.L_simem_size_0:
called_computation.6_lowered:
.L_overlay_start_0:
0x88: {  	s2 =	sld [smem:$0x3FD9]  }
0x89: {  	s3 =	sld [smem:$0x3FFE];
	_ =	sdelay $0x1  }
0x8a: {  	s1 =	srdreg.scid  }
0x8b: {  	s0 =	sand.u32 $0x1, s1  }
0x8c: {  	s17 =	sshll.u32 s0, $0xA;
	s2 =	sadd.s32 s3, s2  }
0x8d: {  	s2 =	sadd.s32 s2, s17  }
0x8e: {  	[smem:$0x3F95] =	sst s2  }
0x8f: {  	_ = 	snop  }
0x90: {  	(tm) =	ssettm $0x1  }
0x91: {  	s18 =	sld [smem:$0x3FFB];
	_ =	sdelay $0x3  }
0x92: {  	_ =	strace s18  }
0x93: {  	s2 =	sld [smem:$0x3FFC];
	_ =	sdelay $0x3  }
0x94: {  	_ =	strace s2  }
0x95: {  	s2 =	sld [smem:$0x3FFD];
	_ =	sdelay $0x3  }
0x96: {  	_ =	strace s2  }
0x97: {  	_ =	strace $0x8FFFFFFF  }
0x98: {  	s19 =	sld [smem:$0x3FDB];
	_ =	sdelay $0x1  }
0x99: {  	s20 =	simm.s32 $_scs_section_size  }
0x9a: {  	s4 =	simm.s32 $_size__tile_overlayer_lowered;
	s5 =	simm.s32 $_tile_overlayer_lowered  }
0x9b: {  	s6 =	simm.s32 $0x1BFF;
	s21 =	sshll.u32 s5, $0x1;
	s3 =	sadd.s32 s20, s19  }
0x9c: {  	s22 =	simm.s32 $0x0;
	s4 =	sshll.u32 s4, $0x1;
	s5 =	sadd.s32 s21, s3  }
0x9d: {  	[timem:s22], [sflag:s6] =	dma.local [hbm:s5], s4  }
0x9e: {  	_ =	swait.ge [sflag:s6], s4  }
0x9f: {  	s4 =	ssub.s32 $0x0, s4;
	[sflag:s6] =	ssyncset.done $0x0  }
0xa0: {  	[sflag:s6] =	ssyncadd.s32 s4;
	_ =	sdelay $0x1  }
0xa1: {  	s23 =	simm.s32 $0x1B8B  }
0xa2: {  	_ =	swait.ge [sflag:s23], $0x1  }
0xa3: {  	[sflag:s23] =	ssyncset.done $0x0  }
0xa4: {  	[sflag:s23] =	ssyncadd.s32 $0xFFFFFFFF  }
0xa5: {  	s4 =	sld [smem:$0x0]  }
0xa6: {  	s5 =	sand.u32 $0xFFFFFFFE, s1  }
0xa7: {  	p0 =	sne.s32 s1, s5  }
0xa8: {  	s5 =	sshll.u32 @p0 s5, $0xE  }
0xa9: {  	s5 =	sadd.s32 @p0 $0x11B8D, s5;
	s6 =	sshll.u32 @p0 s4, $0x11  }
0xaa: {  	s5 =	sor.u32 @p0 s6, s5  }
0xab: {  	[sflag:s5] =	ssyncadd.remote.s32 @p0 $0x1;
	_ =	sdelay $0x1  }
0xac: {  	s5 =	simm.s32 @p0 $0x1B8D  }
0xad: {  	_ =	swait.eq @p0 [sflag:s5], $0x1  }
0xae: {  	[sflag:s5] =	ssyncadd.s32 @p0 $0xFFFFFFFF  }
0xaf: {  	s6 =	sshll.u32 @!p0 s1, $0xE  }
0xb0: {  	s6 =	sor.u32 @!p0 $0x4000, s6;
	s5 =	simm.s32 @!p0 $0x1B8D  }
0xb1: {  	s4 =	sshll.u32 @!p0 s4, $0x11;
	s6 =	sadd.s32 @!p0 $0x11B8D, s6;
	_ =	swait.eq @!p0 [sflag:s5], $0x1  }
0xb2: {  	s4 =	sor.u32 @!p0 s4, s6;
	[sflag:s5] =	ssyncadd.s32 @!p0 $0xFFFFFFFF  }
0xb3: {  	s25 =	simm.s32 $0x1B8E;
	s24 =	sld [smem:$0x3FFE];
	[sflag:s4] =	ssyncadd.remote.s32 @!p0 $0x1  }
0xb4: {  	s26 =	simm.s32 $execute0_lowered;
	[smem:$0x3FD2] =	sst s25  }
0xb5: {  	s5 =	sshll.u32 s26, $0x1;
	_ =	strace $0x8000005B;
	[dreg:$0x1] =	wrdreg $0xFFFFFFFF  }
0xb6: {  	s28 =	simm.s32 $_size_execute0_lowered;
	s3 =	sadd.s32 s3, s5;
	[dreg:$0x0] =	wrdreg $0x0  }
0xb7: {  	s5 =	sshll.u32 s28, $0x1;
	[dreg:$0x2] =	wrdreg s3  }
0xb8: {  	[dreg:$0x3] =	wrdreg s5  }
0xb9: {  	[dreg:$0x4] =	wrdreg $0xC0  }
0xba: {  	_ =	task [dreg:s22], $0x5FFFF  }
0xbb: {  	[dreg:$0x1] =	wrdreg $0xFFFFFFFF  }
0xbc: {  	[dreg:$0x0] =	wrdreg $0x60  }
0xbd: {  	[dreg:$0x2] =	wrdreg s24  }
0xbe: {  	[dreg:$0x3] =	wrdreg $0xFDE80  }
0xbf: {  	[dreg:$0x4] =	wrdreg $0x9  }
0xc0: {  	_ =	task.clear_ibuf [dreg:s22], $0x5FFFF;
	_ =	strace $0x9000005B  }
0xc1: {  	s29 =	simm.s32 $0x9;
	_ =	strace $0x8000005D  }
0xc2: {  	_ =	swait.ge [sflag:s29], $0x1  }
0xc3: {  	[sflag:s29] =	ssyncadd.s32 $0xFFFFFFFF  }
0xc4: {  	_ =	strace $0x9000005D  }
0xc5: {  	_ =	sfence  }
0xc6: {  	s30 =	sld [smem:$0x0];
	_ =	sdelay $0x2  }
0xc7: {  	s31 =	sshll.u32 s1, $0xD;
	s1 =	sshrl.u32 s1, $0x2  }
0xc8: {  	s4 =	sand.u32 $0x4000, s31;
	s1 =	sadd.s32 s1, s30  }
0xc9: {  	s0 =	sor.u32 s4, s0;
	s1 =	sshll.u32 s1, $0x11  }
0xca: {  	s0 =	sor.u32 s1, s0  }
0xcb: {  	s0 =	sadd.s32 $0x8F2B, s0  }
0xcc: {  	[sflag:s0] =	ssyncadd.remote.s32 $0x1  }
0xcd: {  	_ =	sfence.sel $0xFFFF  }
0xce: {  	[dreg:$0x0] =	wrdreg $0xFFFFFFFF;
	(pc) =	sbr.abs _section_cstart, $3  }
0xcf: {  	[dreg:$0x1] =	wrdreg $0xFFFFFFFF  }
0xd0: {  	_ =	task.clear_ibuf [dreg:s22], $0x2FFFF;
	_ =	strace $0x9FFFFFFF  }
0xd1: {  	(tm) =	ssettm $0x7FFFFFFF  }
tec
execute0_lowered:
.L_overlay_start_1:
0x0: {  	(tag) =	ssettag $0x1  }
0x1: {  	s9 =	rddreg [dreg:$0x0]  }
0x2: {  	s2 =	rddreg [dreg:$0x1]  }
0x3: {  	s0 =	rddreg [dreg:$0x2];
	s1 =	stileid.u32  }
0x4: {  	s3 =	simm.s32 $0x0;
	s6 =	srdreg.scid;
	s4 =	smul.u32 $0x27100, s1  }
0x5: {  	s18 =	simm.s32 $0x40;
	s19 =	simm.s32 $0x80;
	s5 =	smul.u32 $0x9E00, s1  }
0x6: {  	s20 =	simm.s32 $0x3E8;
	s22 =	simm.s32 $0x0;
	s28 =	smul.u32 $0x4E2, s1  }
0x7: {  	[smem:$0x7FF] =	sst s3;
	s8 =	smul.u32 $0x2780, s1;
	s17 =	sand.u32 $0x1, s6  }
0x8: {  	s10 =	smul.u32 $0x27800, s1;
	s14 =	sadd.s32 $0x94200, s2;
	p0 =	seq.s32 s1, $0xF  }
0x9: {  	_ =	strace $0x8000005C;
	s6 =	ssub.s32 $0x2, s17;
	s14 =	sshrl.u32 @p0 s14, $0x3  }
0xa: {  	s15 =	sshll.u32 @!p0 s1, $0x6;
	p1 =	sne.s32 s17, $0x0;
	s17 =	simm.s32 $0x1  }
0xb: {  	s12 =	sadd.s32 s4, s9;
	s7 =	sshrl.u32 s5, $0x3;
	s13 =	sadd.s32 s28, s9  }
0xc: {  	s8 =	sadd.s32 s8, s9;
	s30 =	sshrl.u32 s6, $0x1;
	s16 =	sadd.s32 s5, s2  }
0xd: {  	s5 =	sadd.s32 $0xA55440, s9;
	s31 =	sshrl.u32 s10, $0x2;
	s15 =	sor.u32 @!p0 $0x1C01, s15  }
.Ltmp0:
0xe: {  	s29 =	sadd.s32 s7, s9;
	s11 =	ssub.s32 s6, s30;
	(pc) =	sbr.rel .LBB2_1-.Ltmp0, $4  }
0xf: {  	s6 =	sadd.s32 $0x12008, s8;
	s21 =	sadd.s32 s31, s2;
	s7 =	sadd.s32 $0x37088, s9  }
0x10: {  	s8 =	sadd.s32 $0x12000, s8;
	s9 =	sadd.s32 $0x37080, s9;
	s10 =	sadd.s32 $0x2E5200, s12  }
0x11: {  	s12 =	sadd.s32 $0x2E5208, s12;
	s13 =	sadd.s32 $0x60400, s13;
	s16 =	sshrl.u32 @!p0 s16, $0x3  }
0x12: {  	s4 =	sadd.s32 $0xA42C00, s29;
	s11 =	smax.u32 s11, $0x1;
	s21 =	sshrl.u32 @!p0 s21, $0x3  }
.LBB2_7:
0x13: {  	s24 =	sadd.s32 s24, s13;
	[sflag:s17] =	ssyncadd.s32 $0xFFFF0600  }
0x14: {  	[tilespmem:s3], [sflag:$0x1] =	stream.linear.gather [hbm4b:s24+s3], $0x3E8, $0x38;
	[tilespmem:$0x19A28] =	vst v63  }
0x15: {  	_ =	swait.ge [sflag:s17], $0x3E8  }
0x16: {  	[sflag:s17] =	ssyncset.done $0x0  }
0x17: {  	[sflag:s17] =	ssyncadd.s32 $0xFFFFFC18  }
0x18: {  	[tilespmem:s20], [sflag:$0x1] =	stream.strided.gather [hbm4b:s23+s18], $0xFA00, s19, s18, $0x38;
	[tilespmem:$0x19A28] =	vst v63  }
0x19: {  	_ =	swait.ge [sflag:s17], $0xFA00  }
0x1a: {  	[sflag:s17] =	ssyncset.done $0x0  }
0x1b: {  	[sflag:s17] =	ssyncadd.s32 $0xFFFF0600  }
0x1c: {  	[spmem:s2] =	stream.indirect.scatter.add.f32 [tilespmem:s20], [sflag:$0x1], $0x40, s3, s20, $0xb8;
	[tilespmem:$0x19A28] =	vst v63  }
0x1d: {  	_ =	swait.ge [sflag:s17], $0xFA00  }
0x1e: {  	[sflag:s17] =	ssyncset.done $0x0  }
0x1f: {  	s25 =	simm.s32 @p0 $0x8;
	s26 =	simm.s32 @p0 $0x1FC1;
	[sflag:s17] =	ssyncadd.s32 $0xFFFF0600  }
0x20: {  	s24 =	simm.s32 @p0 $0x10;
	s23 =	simm.s32 @p0 $0x1;
	[bflag:$0x0] =	sbarrier.arrive $0xFFFF  }
0x21: {  	[hbm:s7@s24], [sflag:s26] =	dma.strided @p0 [spmem:s14@s25], $0x1040, s23, $0x8   }
0x22: {  	_ =	swait.ge @p0 [sflag:s23], $0x1040  }
0x23: {  	s24 =	simm.s32 @!p0 $0x10;
	[sflag:s23] =	ssyncset.done @p0 $0x0  }
0x24: {  	s25 =	simm.s32 @!p0 $0x8;
	[sflag:s23] =	ssyncadd.s32 @p0 $0xFFFFEFC0;
	s23 =	simm.s32 @!p0 $0x1  }
0x25: {  	[hbm:s6@s24], [sflag:s15] =	dma.strided @!p0 [spmem:s21@s25], $0x13C0, s23, $0x8   }
0x26: {  	_ =	swait.ge @!p0 [sflag:s23], $0x13C0  }
0x27: {  	[sflag:s23] =	ssyncset.done @!p0 $0x0  }
0x28: {  	[sflag:s23] =	ssyncadd.s32 @!p0 $0xFFFFEC40  }
.LBB2_8:
0x29: {  	s22 =	sadd.s32 $0x1, s22  }
0x2a: {  	p2 =	sne.s32 s22, s11  }
.Ltmp1:
0x2b: {  	_ = 	snop;
	(pc) =	sbr.rel @!p2 .LBB2_9-.Ltmp1, $1  }
0x2c: {  	_ =	sdelay $0x3  }
.LBB2_1:
0x2d: {  	s23 =	simm.s32 @p0 $0x1FC1  }
0x2e: {  	[spmem:s14], [sflag:s23] =	dma.local @p0 [hbm:s5], $0x1040  }
0x2f: {  	s23 =	simm.s32 @p0 $0x1  }
0x30: {  	_ =	swait.ge @p0 [sflag:s23], $0x1040  }
0x31: {  	[sflag:s23] =	ssyncset.done @p0 $0x0  }
0x32: {  	[sflag:s23] =	ssyncadd.s32 @p0 $0xFFFFEFC0;
	s23 =	simm.s32 @!p0 $0x1  }
0x33: {  	[spmem:s16], [sflag:s15] =	dma.local @!p0 [hbm:s4], $0x13C0  }
.Ltmp2:
0x34: {  	_ =	swait.ge @!p0 [sflag:s23], $0x13C0;
	(pc) =	sbr.rel @p1 .LBB2_5-.Ltmp2, $4  }
0x35: {  	[sflag:s23] =	ssyncset.done @!p0 $0x0  }
0x36: {  	[sflag:s23] =	ssyncadd.s32 @!p0 $0xFFFFEC40  }
0x37: {  	[bflag:$0x0] =	sbarrier.arrive $0xFFFF  }
0x38: {  	s23 =	sadd.s32 $0x0, s13  }
0x39: {  	[tilespmem:s3], [sflag:$0x1] =	stream.linear.gather [hbm4b:s23+s3], $0x3E8, $0x38;
	[tilespmem:$0x19A28] =	vst v63  }
0x3a: {  	_ =	swait.ge [sflag:s17], $0x3E8  }
0x3b: {  	[sflag:s17] =	ssyncset.done $0x0  }
0x3c: {  	[sflag:s17] =	ssyncadd.s32 $0xFFFFFC18  }
0x3d: {  	[tilespmem:s20], [sflag:$0x1] =	stream.strided.gather [hbm4b:s10+s18], $0xFA00, s19, s18, $0x38;
	[tilespmem:$0x19A28] =	vst v63  }
0x3e: {  	_ =	swait.ge [sflag:s17], $0xFA00  }
0x3f: {  	[sflag:s17] =	ssyncset.done $0x0  }
0x40: {  	[sflag:s17] =	ssyncadd.s32 $0xFFFF0600  }
0x41: {  	[spmem:s2] =	stream.indirect.scatter.add.f32 [tilespmem:s20], [sflag:$0x1], $0x40, s3, s20, $0xb8;
	[tilespmem:$0x19A28] =	vst v63  }
0x42: {  	s24 =	simm.s32 $0x7D;
	_ =	swait.ge [sflag:s17], $0xFA00  }
0x43: {  	s25 =	simm.s32 $0xFA;
	s23 =	sadd.s32 $0x3E80, s10;
	[sflag:s17] =	ssyncset.done $0x0  }
.LBB2_3:
0x44: {  	s26 =	sadd.s32 s24, s13  }
0x45: {  	[sflag:s17] =	ssyncadd.s32 $0xFFFF0600;
	s24 =	smov.u32 s25;
	s28 =	sadd.s32 $0x7D, s25  }
0x46: {  	[tilespmem:s3], [sflag:$0x1] =	stream.linear.gather [hbm4b:s26+s3], $0x3E8, $0x38;
	[tilespmem:$0x19A28] =	vst v63  }
0x47: {  	p2 =	sne.s32 s25, $0x465;
	_ =	swait.ge [sflag:s17], $0x3E8  }
0x48: {  	[sflag:s17] =	ssyncset.done $0x0  }
0x49: {  	[sflag:s17] =	ssyncadd.s32 $0xFFFFFC18  }
0x4a: {  	[tilespmem:s20], [sflag:$0x1] =	stream.strided.gather [hbm4b:s23+s18], $0xFA00, s19, s18, $0x38;
	[tilespmem:$0x19A28] =	vst v63  }
0x4b: {  	_ =	swait.ge [sflag:s17], $0xFA00  }
.Ltmp3:
0x4c: {  	[sflag:s17] =	ssyncset.done $0x0;
	(pc) =	sbr.rel @p2 .LBB2_3-.Ltmp3, $4  }
0x4d: {  	[sflag:s17] =	ssyncadd.s32 $0xFFFF0600  }
0x4e: {  	[spmem:s2] =	stream.indirect.scatter.add.f32 [tilespmem:s20], [sflag:$0x1], $0x40, s3, s20, $0xb8;
	[tilespmem:$0x19A28] =	vst v63  }
0x4f: {  	_ =	swait.ge [sflag:s17], $0xFA00  }
0x50: {  	s25 =	smov.u32 s28;
	s23 =	sadd.s32 $0x3E80, s23;
	[sflag:s17] =	ssyncset.done $0x0  }
0x51: {  	s24 =	sadd.s32 s24, s13;
	[sflag:s17] =	ssyncadd.s32 $0xFFFF0600  }
0x52: {  	[tilespmem:s3], [sflag:$0x1] =	stream.linear.gather [hbm4b:s24+s3], $0x3E8, $0x38;
	[tilespmem:$0x19A28] =	vst v63  }
0x53: {  	_ =	swait.ge [sflag:s17], $0x3E8  }
0x54: {  	[sflag:s17] =	ssyncset.done $0x0  }
0x55: {  	[sflag:s17] =	ssyncadd.s32 $0xFFFFFC18  }
0x56: {  	[tilespmem:s20], [sflag:$0x1] =	stream.strided.gather [hbm4b:s23+s18], $0xFA00, s19, s18, $0x38;
	[tilespmem:$0x19A28] =	vst v63  }
0x57: {  	_ =	swait.ge [sflag:s17], $0xFA00  }
0x58: {  	[sflag:s17] =	ssyncset.done $0x0  }
0x59: {  	[sflag:s17] =	ssyncadd.s32 $0xFFFF0600  }
0x5a: {  	[spmem:s2] =	stream.indirect.scatter.add.f32 [tilespmem:s20], [sflag:$0x1], $0x40, s3, s20, $0xb8;
	[tilespmem:$0x19A28] =	vst v63  }
0x5b: {  	_ =	swait.ge [sflag:s17], $0xFA00  }
0x5c: {  	[sflag:s17] =	ssyncset.done $0x0  }
0x5d: {  	s25 =	simm.s32 @p0 $0x8;
	s26 =	simm.s32 @p0 $0x1FC1;
	[sflag:s17] =	ssyncadd.s32 $0xFFFF0600  }
0x5e: {  	s24 =	simm.s32 @p0 $0x10;
	s23 =	simm.s32 @p0 $0x1;
	[bflag:$0x0] =	sbarrier.arrive $0xFFFF  }
0x5f: {  	[hbm:s9@s24], [sflag:s26] =	dma.strided @p0 [spmem:s14@s25], $0x1040, s23, $0x8   }
0x60: {  	_ =	swait.ge @p0 [sflag:s23], $0x1040  }
0x61: {  	s24 =	simm.s32 @!p0 $0x10;
	s25 =	simm.s32 @!p0 $0x8;
	[sflag:s23] =	ssyncset.done @p0 $0x0  }
.Ltmp4:
0x62: {  	[sflag:s23] =	ssyncadd.s32 @p0 $0xFFFFEFC0;
	s23 =	simm.s32 @!p0 $0x1;
	(pc) =	sbr.rel .LBB2_8-.Ltmp4, $4  }
0x63: {  	[hbm:s8@s24], [sflag:s15] =	dma.strided @!p0 [spmem:s21@s25], $0x13C0, s23, $0x8   }
0x64: {  	_ =	swait.ge @!p0 [sflag:s23], $0x13C0  }
0x65: {  	[sflag:s23] =	ssyncset.done @!p0 $0x0  }
0x66: {  	[sflag:s23] =	ssyncadd.s32 @!p0 $0xFFFFEC40  }
.LBB2_5:
0x67: {  	[tilespmem:s3], [sflag:$0x1] =	stream.linear.gather [hbm4b:s23+s3], $0x3E8, $0x38;
	[tilespmem:$0x19A28] =	vst v63  }
0x68: {  	_ =	swait.ge [sflag:s17], $0x3E8  }
0x69: {  	[sflag:s17] =	ssyncset.done $0x0  }
0x6a: {  	[sflag:s17] =	ssyncadd.s32 $0xFFFFFC18  }
0x6b: {  	[tilespmem:s20], [sflag:$0x1] =	stream.strided.gather [hbm4b:s12+s18], $0xFA00, s19, s18, $0x38;
	[tilespmem:$0x19A28] =	vst v63  }
0x6c: {  	_ =	swait.ge [sflag:s17], $0xFA00  }
0x6d: {  	[sflag:s17] =	ssyncset.done $0x0  }
0x6e: {  	[sflag:s17] =	ssyncadd.s32 $0xFFFF0600  }
0x6f: {  	[spmem:s2] =	stream.indirect.scatter.add.f32 [tilespmem:s20], [sflag:$0x1], $0x40, s3, s20, $0xb8;
	[tilespmem:$0x19A28] =	vst v63  }
0x70: {  	s24 =	simm.s32 $0x7D;
	_ =	swait.ge [sflag:s17], $0xFA00  }
0x71: {  	s25 =	simm.s32 $0xFA;
	s23 =	sadd.s32 $0x3E80, s12;
	[sflag:s17] =	ssyncset.done $0x0  }
.LBB2_6:
0x72: {  	s26 =	sadd.s32 s24, s13  }
0x73: {  	[sflag:s17] =	ssyncadd.s32 $0xFFFF0600;
	s24 =	smov.u32 s25;
	s28 =	sadd.s32 $0x7D, s25  }
0x74: {  	[tilespmem:s3], [sflag:$0x1] =	stream.linear.gather [hbm4b:s26+s3], $0x3E8, $0x38;
	[tilespmem:$0x19A28] =	vst v63  }
0x75: {  	p2 =	sne.s32 s25, $0x465;
	_ =	swait.ge [sflag:s17], $0x3E8  }
0x76: {  	[sflag:s17] =	ssyncset.done $0x0  }
0x77: {  	[sflag:s17] =	ssyncadd.s32 $0xFFFFFC18  }
0x78: {  	[tilespmem:s20], [sflag:$0x1] =	stream.strided.gather [hbm4b:s23+s18], $0xFA00, s19, s18, $0x38;
	[tilespmem:$0x19A28] =	vst v63  }
0x79: {  	_ =	swait.ge [sflag:s17], $0xFA00  }
.Ltmp5:
0x7a: {  	[sflag:s17] =	ssyncset.done $0x0;
	(pc) =	sbr.rel @p2 .LBB2_6-.Ltmp5, $4  }
0x7b: {  	[sflag:s17] =	ssyncadd.s32 $0xFFFF0600  }
0x7c: {  	[spmem:s2] =	stream.indirect.scatter.add.f32 [tilespmem:s20], [sflag:$0x1], $0x40, s3, s20, $0xb8;
	[tilespmem:$0x19A28] =	vst v63  }
0x7d: {  	_ =	swait.ge [sflag:s17], $0xFA00  }
0x7e: {  	s25 =	smov.u32 s28;
	s23 =	sadd.s32 $0x3E80, s23;
	[sflag:s17] =	ssyncset.done $0x0  }
.Ltmp6:
0x7f: {  	_ = 	snop;
	(pc) =	sbr.rel .LBB2_7-.Ltmp6, $1  }
0x80: {  	_ =	sdelay $0x3  }
.LBB2_9:
0x81: {  	_ =	sfence.sel $0x180000  }
0x82: {  	[bflag:$0x0] =	sbarrier.arrive $0xFFFF  }
0x83: {  	p0 =	sne.s32 s1, $0x0;
	_ =	strace $0x9000005C  }
0x84: {  	s0 =	sadd.s32 @!p0 $0x100000, s0;
	[bflag:$0x2] =	sbarrier.arrive $0xFFFF  }
0x85: {  	[sflag:s0] =	ssyncadd.tile.s32 @!p0 $0x1;
	_ =	shalt  }
.Lfunc_end2:
_tile_overlayer_lowered:
.L_overlay_start_2:
0x86: {  	(tag) =	ssettag $0x2  }
0x87: {  	s0 =	rddreg [dreg:$0x0];
	s2 =	stileid.u32  }
0x88: {  	s1 =	rddreg [dreg:$0x1];
	p0 =	sne.s32 s2, $0x0  }
0x89: {  	s3 =	rddreg [dreg:$0x2];
	[bflag:$0x3] =	sbarrier.arrive $0xFFFF;
	s2 =	simm.s32 @!p0 $0x1C01  }
0x8a: {  	[timem:s3], [sflag:s2] =	dma.local @!p0 [hbm:s0], s1  }
0x8b: {  	s0 =	simm.s32 @!p0 $0x1  }
0x8c: {  	_ =	swait.ge @!p0 [sflag:s0], s1  }
0x8d: {  	s1 =	ssub.s32 @!p0 $0x0, s1;
	[sflag:s0] =	ssyncset.done @!p0 $0x0  }
0x8e: {  	[sflag:s0] =	ssyncadd.s32 @!p0 s1  }
0x8f: {  	[bflag:$0x3] =	sbarrier.arrive $0xFFFF  }
0x90: {  	_ =	shalt  }

// kernel: kernel.42.cloned.1.call-start
scs
__scs_entry_jumppad:
0x0: {  	(pc) =	sbr.rel $0x88, $3  }
0x1: {  	(tag) =	ssettag $0x0;
	lr =	simm.s32 $0x1  }
0x2: {  	[smem:$0x3F6E] =	sst lr;
	_ =	strace $0xD0000000  }
0x3: {  	_ = 	snop  }
0x4: {  	_ = 	snop  }
0x5: {  	_ = 	snop  }
0x6: {  	_ = 	snop  }
0x7: {  	_ = 	snop  }
__scs_overlays_trampoline_lowered:
0x8: {  	[smem:$0x3F7D] =	sst s0  }
0x9: {  	[smem:$0x3F7E] =	sst s1  }
0xa: {  	[smem:$0x3F7F] =	sst s2  }
0xb: {  	[smem:$0x3F80] =	sst s3  }
0xc: {  	[smem:$0x3F81] =	sst s4  }
0xd: {  	[smem:$0x3F82] =	sst s5  }
0xe: {  	[smem:$0x3F83] =	sst s6  }
0xf: {  	[smem:$0x3F84] =	sst s7  }
0x10: {  	[smem:$0x3F85] =	sst s8  }
0x11: {  	[smem:$0x3F86] =	sst s9;
	s0 =	simm.s32 @!p0 $0x0  }
0x12: {  	s1 =	sld [smem:$0x3F6C];
	s0 =	simm.s32 @p0 $0x1  }
0x13: {  	[smem:$0x3F87] =	sst s0;
	s0 =	simm.s32 @!p1 $0x0  }
0x14: {  	s2 =	sld [smem:$0x3F6B];
	s0 =	simm.s32 @p1 $0x1  }
0x15: {  	[smem:$0x3F88] =	sst s0;
	s0 =	simm.s32 @!p2 $0x0  }
0x16: {  	s3 =	sld [smem:$0x3FDB];
	s0 =	simm.s32 @p2 $0x1  }
0x17: {  	s4 =	simm.s32 $0x1BF5;
	[smem:$0x3F8A] =	sst s0  }
0x18: {  	s0 =	sld [smem:$0x3F6D];
	_ =	swait.ge [sflag:s4], $0x0  }
0x19: {  	s7 =	sld [smem:$0x3F6E]  }
0x1a: {  	s8 =	sadd.s32 $0xFFFFE003, lr  }
0x1b: {  	s9 =	sadd.s32 $0xFFFFFEF7, lr;
	s5 =	simm.s32 $0xFFFFFFFF;
	p2 =	slt.u32 s8, $0xFFFFF086  }
0x1c: {  	p1 =	slt.u32 s9, $0xF7A;
	s5 =	simm.s32 @!p2 $0x0  }
0x1d: {  	s5 =	simm.s32 @p1 $0x1;
	p0 =	seq.s32 s7, s2  }
0x1e: {  	s7 =	smul.u32 @!p0 $0xF7A, s2;
	p2 =	seq.s32 @!p0 s5, $0x0  }
0x1f: {  	s9 =	smul.u32 $0xF7A, s1;
	s8 =	simm.s32 @!p0 $0x1BF5;
	p2 =	por !p2, p0  }
0x20: {  	[sflag:s8] =	ssyncset.s32 @!p0 $0xFFFFF086;
	s6 =	sadd.s32 @!p0 s3, s7;
	s7 =	simm.s32 @!p0 $0x108  }
0x21: {  	s3 =	sadd.s32 s3, s9;
	s6 =	sadd.s32 @!p0 $0x88, s6;
	s7 =	simm.s32 @p2 $0x1082  }
0x22: {  	[simem:s7], [sflag:s8] =	dma.local @!p0 [hbm:s6], $0xF7A  }
0x23: {  	s9 =	sor.u32 $0xD0000000, s2;
	s6 =	simm.s32 $0x108;
	_ =	swait.ge @!p0 [sflag:s8], $0x0  }
0x24: {  	s3 =	sadd.s32 $0x88, s3;
	s6 =	simm.s32 @!p1 $0x1082;
	[sflag:s4] =	ssyncset.s32 $0xFFFFF086  }
0x25: {  	[simem:s6], [sflag:s4] =	dma.local [hbm:s3], $0xF7A  }
0x26: {  	[smem:$0x3F6E] =	sst s1;
	(tag) =	ssettag s2;
	_ =	strace s9  }
0x27: {  	s1 =	sld [smem:$0x3F7E]  }
0x28: {  	s2 =	sld [smem:$0x3F7F]  }
0x29: {  	s4 =	sld [smem:$0x3F81]  }
0x2a: {  	p0 =	seq.s32 s5, $0x0;
	s5 =	sld [smem:$0x3F82]  }
0x2b: {  	s6 =	sld [smem:$0x3F83]  }
0x2c: {  	s7 =	sld [smem:$0x3F84]  }
0x2d: {  	s3 =	simm.s32 $0x108;
	s8 =	sld [smem:$0x3F85]  }
0x2e: {  	s3 =	simm.s32 @!p0 $0x1082;
	s9 =	sld [smem:$0x3F86]  }
0x2f: {  	lr =	sadd.s32 s0, s3;
	s0 =	sld [smem:$0x3F7D]  }
0x30: {  	s3 =	sld [smem:$0x3F80]  }
0x31: {  	[smem:$0x3F89] =	sst s10  }
0x32: {  	s10 =	sld [smem:$0x3F87];
	_ =	sdelay $0x3  }
0x33: {  	p0 =	seq.s32 s10, $0x1;
	s10 =	sld [smem:$0x3F89];
	_ =	sdelay $0x3  }
0x34: {  	[smem:$0x3F89] =	sst s10  }
0x35: {  	s10 =	sld [smem:$0x3F88];
	_ =	sdelay $0x3  }
0x36: {  	p1 =	seq.s32 s10, $0x1;
	s10 =	sld [smem:$0x3F89];
	_ =	sdelay $0x3  }
0x37: {  	[smem:$0x3F89] =	sst s10  }
0x38: {  	s10 =	sld [smem:$0x3F8A]  }
0x39: {  	_ = 	snop;
	(pc) =	sbr.ind lr, $3  }
0x3a: {  	_ = 	snop  }
0x3b: {  	_ = 	snop  }
0x3c: {  	p2 =	seq.s32 s10, $0x1;
	s10 =	sld [smem:$0x3F89]  }
0x3d: {  	_ =	shalt  }
0x3e: {  	_ =	shalt  }
0x3f: {  	_ =	shalt  }
0x40: {  	_ =	shalt  }
0x41: {  	_ =	shalt  }
0x42: {  	_ =	shalt  }
0x43: {  	_ =	shalt  }
0x44: {  	_ =	shalt  }
0x45: {  	_ =	shalt  }
0x46: {  	_ =	shalt  }
0x47: {  	_ =	shalt  }
0x48: {  	_ =	shalt  }
0x49: {  	_ =	shalt  }
0x4a: {  	_ =	shalt  }
0x4b: {  	_ =	shalt  }
0x4c: {  	_ =	shalt  }
0x4d: {  	_ =	shalt  }
0x4e: {  	_ =	shalt  }
0x4f: {  	_ =	shalt  }
0x50: {  	_ =	shalt  }
0x51: {  	_ =	shalt  }
0x52: {  	_ =	shalt  }
0x53: {  	_ =	shalt  }
0x54: {  	_ =	shalt  }
0x55: {  	_ =	shalt  }
0x56: {  	_ =	shalt  }
0x57: {  	_ =	shalt  }
0x58: {  	_ =	shalt  }
0x59: {  	_ =	shalt  }
0x5a: {  	_ =	shalt  }
0x5b: {  	_ =	shalt  }
0x5c: {  	_ =	shalt  }
0x5d: {  	_ =	shalt  }
0x5e: {  	_ =	shalt  }
0x5f: {  	_ =	shalt  }
0x60: {  	_ =	shalt  }
0x61: {  	_ =	shalt  }
0x62: {  	_ =	shalt  }
0x63: {  	_ =	shalt  }
0x64: {  	_ =	shalt  }
0x65: {  	_ =	shalt  }
0x66: {  	_ =	shalt  }
0x67: {  	_ =	shalt  }
0x68: {  	_ =	shalt  }
0x69: {  	_ =	shalt  }
0x6a: {  	_ =	shalt  }
0x6b: {  	_ =	shalt  }
0x6c: {  	_ =	shalt  }
0x6d: {  	_ =	shalt  }
0x6e: {  	_ =	shalt  }
0x6f: {  	_ =	shalt  }
0x70: {  	_ =	shalt  }
0x71: {  	_ =	shalt  }
0x72: {  	_ =	shalt  }
0x73: {  	_ =	shalt  }
0x74: {  	_ =	shalt  }
0x75: {  	_ =	shalt  }
0x76: {  	_ =	shalt  }
0x77: {  	_ =	shalt  }
0x78: {  	_ =	shalt  }
0x79: {  	_ =	shalt  }
0x7a: {  	_ =	shalt  }
0x7b: {  	_ =	shalt  }
0x7c: {  	_ =	shalt  }
0x7d: {  	_ =	shalt  }
0x7e: {  	_ =	shalt  }
0x7f: {  	_ =	shalt  }
0x80: {  	_ =	shalt  }
0x81: {  	_ =	shalt  }
0x82: {  	_ =	shalt  }
0x83: {  	_ =	shalt  }
0x84: {  	_ =	shalt  }
0x85: {  	_ =	shalt  }
0x86: {  	_ =	shalt  }
0x87: {  	_ =	shalt  }
.Lfunc_end0:
.L_simem_size_0:
called_computation.7_lowered:
.L_overlay_start_0:
0x88: {  	s2 =	sld [smem:$0x3FD9]  }
0x89: {  	s3 =	sld [smem:$0x3FFE];
	_ =	sdelay $0x1  }
0x8a: {  	s1 =	srdreg.scid  }
0x8b: {  	s0 =	sand.u32 $0x1, s1  }
0x8c: {  	s17 =	sshll.u32 s0, $0xA;
	s2 =	sadd.s32 s3, s2  }
0x8d: {  	s2 =	sadd.s32 s2, s17  }
0x8e: {  	[smem:$0x3F95] =	sst s2  }
0x8f: {  	_ = 	snop  }
0x90: {  	(tm) =	ssettm $0x1  }
0x91: {  	s18 =	sld [smem:$0x3FFB];
	_ =	sdelay $0x3  }
0x92: {  	_ =	strace s18  }
0x93: {  	s2 =	sld [smem:$0x3FFC];
	_ =	sdelay $0x3  }
0x94: {  	_ =	strace s2  }
0x95: {  	s2 =	sld [smem:$0x3FFD];
	_ =	sdelay $0x3  }
0x96: {  	_ =	strace s2  }
0x97: {  	_ =	strace $0x8FFFFFFF  }
0x98: {  	s19 =	sld [smem:$0x3FDB];
	_ =	sdelay $0x1  }
0x99: {  	s20 =	simm.s32 $_scs_section_size  }
0x9a: {  	s4 =	simm.s32 $_size__tile_overlayer_lowered;
	s5 =	simm.s32 $_tile_overlayer_lowered  }
0x9b: {  	s6 =	simm.s32 $0x1BFF;
	s21 =	sshll.u32 s5, $0x1;
	s3 =	sadd.s32 s20, s19  }
0x9c: {  	s22 =	simm.s32 $0x0;
	s4 =	sshll.u32 s4, $0x1;
	s5 =	sadd.s32 s21, s3  }
0x9d: {  	[timem:s22], [sflag:s6] =	dma.local [hbm:s5], s4  }
0x9e: {  	_ =	swait.ge [sflag:s6], s4  }
0x9f: {  	s4 =	ssub.s32 $0x0, s4;
	[sflag:s6] =	ssyncset.done $0x0  }
0xa0: {  	[sflag:s6] =	ssyncadd.s32 s4;
	_ =	sdelay $0x1  }
0xa1: {  	s23 =	simm.s32 $0x1B8B  }
0xa2: {  	_ =	swait.ge [sflag:s23], $0x1  }
0xa3: {  	[sflag:s23] =	ssyncset.done $0x0  }
0xa4: {  	[sflag:s23] =	ssyncadd.s32 $0xFFFFFFFF  }
0xa5: {  	s4 =	sld [smem:$0x0]  }
0xa6: {  	s5 =	sand.u32 $0xFFFFFFFE, s1  }
0xa7: {  	p0 =	sne.s32 s1, s5  }
0xa8: {  	s5 =	sshll.u32 @p0 s5, $0xE  }
0xa9: {  	s5 =	sadd.s32 @p0 $0x11B8D, s5;
	s6 =	sshll.u32 @p0 s4, $0x11  }
0xaa: {  	s5 =	sor.u32 @p0 s6, s5  }
0xab: {  	[sflag:s5] =	ssyncadd.remote.s32 @p0 $0x1;
	_ =	sdelay $0x1  }
0xac: {  	s5 =	simm.s32 @p0 $0x1B8D  }
0xad: {  	_ =	swait.eq @p0 [sflag:s5], $0x1  }
0xae: {  	[sflag:s5] =	ssyncadd.s32 @p0 $0xFFFFFFFF  }
0xaf: {  	s6 =	sshll.u32 @!p0 s1, $0xE  }
0xb0: {  	s6 =	sor.u32 @!p0 $0x4000, s6;
	s5 =	simm.s32 @!p0 $0x1B8D  }
0xb1: {  	s4 =	sshll.u32 @!p0 s4, $0x11;
	s6 =	sadd.s32 @!p0 $0x11B8D, s6;
	_ =	swait.eq @!p0 [sflag:s5], $0x1  }
0xb2: {  	s4 =	sor.u32 @!p0 s4, s6;
	[sflag:s5] =	ssyncadd.s32 @!p0 $0xFFFFFFFF  }
0xb3: {  	s25 =	simm.s32 $0x1B8E;
	s24 =	sld [smem:$0x3FFE];
	[sflag:s4] =	ssyncadd.remote.s32 @!p0 $0x1  }
0xb4: {  	s26 =	simm.s32 $execute0_lowered;
	[smem:$0x3FD2] =	sst s25  }
0xb5: {  	s5 =	sshll.u32 s26, $0x1;
	_ =	strace $0x80000058;
	[dreg:$0x1] =	wrdreg $0xFFFFFFFF  }
0xb6: {  	s28 =	simm.s32 $_size_execute0_lowered;
	s3 =	sadd.s32 s3, s5;
	[dreg:$0x0] =	wrdreg $0x0  }
0xb7: {  	s5 =	sshll.u32 s28, $0x1;
	[dreg:$0x2] =	wrdreg s3  }
0xb8: {  	[dreg:$0x3] =	wrdreg s5  }
0xb9: {  	[dreg:$0x4] =	wrdreg $0xC0  }
0xba: {  	_ =	task [dreg:s22], $0x5FFFF  }
0xbb: {  	[dreg:$0x1] =	wrdreg $0xFFFFFFFF  }
0xbc: {  	[dreg:$0x0] =	wrdreg $0x60  }
0xbd: {  	[dreg:$0x2] =	wrdreg s24  }
0xbe: {  	[dreg:$0x3] =	wrdreg $0xFDE80  }
0xbf: {  	[dreg:$0x4] =	wrdreg $0xA  }
0xc0: {  	_ =	task.clear_ibuf [dreg:s22], $0x5FFFF;
	_ =	strace $0x90000058  }
0xc1: {  	s29 =	simm.s32 $0xA;
	_ =	strace $0x8000005A  }
0xc2: {  	_ =	swait.ge [sflag:s29], $0x1  }
0xc3: {  	[sflag:s29] =	ssyncadd.s32 $0xFFFFFFFF  }
0xc4: {  	_ =	strace $0x9000005A  }
0xc5: {  	_ =	sfence  }
0xc6: {  	s30 =	sld [smem:$0x0];
	_ =	sdelay $0x2  }
0xc7: {  	s31 =	sshll.u32 s1, $0xD;
	s1 =	sshrl.u32 s1, $0x2  }
0xc8: {  	s4 =	sand.u32 $0x4000, s31;
	s1 =	sadd.s32 s1, s30  }
0xc9: {  	s0 =	sor.u32 s4, s0;
	s1 =	sshll.u32 s1, $0x11  }
0xca: {  	s0 =	sor.u32 s1, s0  }
0xcb: {  	s0 =	sadd.s32 $0x8F2B, s0  }
0xcc: {  	[sflag:s0] =	ssyncadd.remote.s32 $0x1  }
0xcd: {  	_ =	sfence.sel $0xFFFF  }
0xce: {  	[dreg:$0x0] =	wrdreg $0xFFFFFFFF;
	(pc) =	sbr.abs _section_cstart, $3  }
0xcf: {  	[dreg:$0x1] =	wrdreg $0xFFFFFFFF  }
0xd0: {  	_ =	task.clear_ibuf [dreg:s22], $0x2FFFF;
	_ =	strace $0x9FFFFFFF  }
0xd1: {  	(tm) =	ssettm $0x7FFFFFFF  }
tec
execute0_lowered:
.L_overlay_start_1:
0x0: {  	(tag) =	ssettag $0x1  }
0x1: {  	s9 =	rddreg [dreg:$0x0]  }
0x2: {  	s2 =	rddreg [dreg:$0x1]  }
0x3: {  	s0 =	rddreg [dreg:$0x2];
	s1 =	stileid.u32  }
0x4: {  	s3 =	simm.s32 $0x0;
	s6 =	srdreg.scid;
	s4 =	smul.u32 $0x27100, s1  }
0x5: {  	s18 =	simm.s32 $0x40;
	s19 =	simm.s32 $0x80;
	s5 =	smul.u32 $0x9E00, s1  }
0x6: {  	s20 =	simm.s32 $0x3E8;
	s22 =	simm.s32 $0x0;
	s28 =	smul.u32 $0x4E2, s1  }
0x7: {  	[smem:$0x7FF] =	sst s3;
	s8 =	smul.u32 $0x2780, s1;
	s17 =	sand.u32 $0x1, s6  }
0x8: {  	s10 =	smul.u32 $0x27800, s1;
	s14 =	sadd.s32 $0x94200, s2;
	p0 =	seq.s32 s1, $0xF  }
0x9: {  	_ =	strace $0x80000059;
	s6 =	ssub.s32 $0x2, s17;
	s14 =	sshrl.u32 @p0 s14, $0x3  }
0xa: {  	s15 =	sshll.u32 @!p0 s1, $0x6;
	p1 =	sne.s32 s17, $0x0;
	s17 =	simm.s32 $0x1  }
0xb: {  	s12 =	sadd.s32 s4, s9;
	s7 =	sshrl.u32 s5, $0x3;
	s13 =	sadd.s32 s28, s9  }
0xc: {  	s8 =	sadd.s32 s8, s9;
	s30 =	sshrl.u32 s6, $0x1;
	s16 =	sadd.s32 s5, s2  }
0xd: {  	s5 =	sadd.s32 $0xA55440, s9;
	s31 =	sshrl.u32 s10, $0x2;
	s15 =	sor.u32 @!p0 $0x1C01, s15  }
.Ltmp0:
0xe: {  	s29 =	sadd.s32 s7, s9;
	s11 =	ssub.s32 s6, s30;
	(pc) =	sbr.rel .LBB2_1-.Ltmp0, $4  }
0xf: {  	s6 =	sadd.s32 $0x39208, s8;
	s21 =	sadd.s32 s31, s2;
	s7 =	sadd.s32 $0x5E288, s9  }
0x10: {  	s8 =	sadd.s32 $0x39200, s8;
	s9 =	sadd.s32 $0x5E280, s9;
	s10 =	sadd.s32 $0x556200, s12  }
0x11: {  	s12 =	sadd.s32 $0x556208, s12;
	s13 =	sadd.s32 $0x2E0200, s13;
	s16 =	sshrl.u32 @!p0 s16, $0x3  }
0x12: {  	s4 =	sadd.s32 $0xA42C00, s29;
	s11 =	smax.u32 s11, $0x1;
	s21 =	sshrl.u32 @!p0 s21, $0x3  }
.LBB2_7:
0x13: {  	s24 =	sadd.s32 s24, s13;
	[sflag:s17] =	ssyncadd.s32 $0xFFFF0600  }
0x14: {  	[tilespmem:s3], [sflag:$0x1] =	stream.linear.gather [hbm4b:s24+s3], $0x3E8, $0x38;
	[tilespmem:$0x19A28] =	vst v63  }
0x15: {  	_ =	swait.ge [sflag:s17], $0x3E8  }
0x16: {  	[sflag:s17] =	ssyncset.done $0x0  }
0x17: {  	[sflag:s17] =	ssyncadd.s32 $0xFFFFFC18  }
0x18: {  	[tilespmem:s20], [sflag:$0x1] =	stream.strided.gather [hbm4b:s23+s18], $0xFA00, s19, s18, $0x38;
	[tilespmem:$0x19A28] =	vst v63  }
0x19: {  	_ =	swait.ge [sflag:s17], $0xFA00  }
0x1a: {  	[sflag:s17] =	ssyncset.done $0x0  }
0x1b: {  	[sflag:s17] =	ssyncadd.s32 $0xFFFF0600  }
0x1c: {  	[spmem:s2] =	stream.indirect.scatter.add.f32 [tilespmem:s20], [sflag:$0x1], $0x40, s3, s20, $0xb8;
	[tilespmem:$0x19A28] =	vst v63  }
0x1d: {  	_ =	swait.ge [sflag:s17], $0xFA00  }
0x1e: {  	[sflag:s17] =	ssyncset.done $0x0  }
0x1f: {  	s25 =	simm.s32 @p0 $0x8;
	s26 =	simm.s32 @p0 $0x1FC1;
	[sflag:s17] =	ssyncadd.s32 $0xFFFF0600  }
0x20: {  	s24 =	simm.s32 @p0 $0x10;
	s23 =	simm.s32 @p0 $0x1;
	[bflag:$0x0] =	sbarrier.arrive $0xFFFF  }
0x21: {  	[hbm:s7@s24], [sflag:s26] =	dma.strided @p0 [spmem:s14@s25], $0x1040, s23, $0x8   }
0x22: {  	_ =	swait.ge @p0 [sflag:s23], $0x1040  }
0x23: {  	s24 =	simm.s32 @!p0 $0x10;
	[sflag:s23] =	ssyncset.done @p0 $0x0  }
0x24: {  	s25 =	simm.s32 @!p0 $0x8;
	[sflag:s23] =	ssyncadd.s32 @p0 $0xFFFFEFC0;
	s23 =	simm.s32 @!p0 $0x1  }
0x25: {  	[hbm:s6@s24], [sflag:s15] =	dma.strided @!p0 [spmem:s21@s25], $0x13C0, s23, $0x8   }
0x26: {  	_ =	swait.ge @!p0 [sflag:s23], $0x13C0  }
0x27: {  	[sflag:s23] =	ssyncset.done @!p0 $0x0  }
0x28: {  	[sflag:s23] =	ssyncadd.s32 @!p0 $0xFFFFEC40  }
.LBB2_8:
0x29: {  	s22 =	sadd.s32 $0x1, s22  }
0x2a: {  	p2 =	sne.s32 s22, s11  }
.Ltmp1:
0x2b: {  	_ = 	snop;
	(pc) =	sbr.rel @!p2 .LBB2_9-.Ltmp1, $1  }
0x2c: {  	_ =	sdelay $0x3  }
.LBB2_1:
0x2d: {  	s23 =	simm.s32 @p0 $0x1FC1  }
0x2e: {  	[spmem:s14], [sflag:s23] =	dma.local @p0 [hbm:s5], $0x1040  }
0x2f: {  	s23 =	simm.s32 @p0 $0x1  }
0x30: {  	_ =	swait.ge @p0 [sflag:s23], $0x1040  }
0x31: {  	[sflag:s23] =	ssyncset.done @p0 $0x0  }
0x32: {  	[sflag:s23] =	ssyncadd.s32 @p0 $0xFFFFEFC0;
	s23 =	simm.s32 @!p0 $0x1  }
0x33: {  	[spmem:s16], [sflag:s15] =	dma.local @!p0 [hbm:s4], $0x13C0  }
.Ltmp2:
0x34: {  	_ =	swait.ge @!p0 [sflag:s23], $0x13C0;
	(pc) =	sbr.rel @p1 .LBB2_5-.Ltmp2, $4  }
0x35: {  	[sflag:s23] =	ssyncset.done @!p0 $0x0  }
0x36: {  	[sflag:s23] =	ssyncadd.s32 @!p0 $0xFFFFEC40  }
0x37: {  	[bflag:$0x0] =	sbarrier.arrive $0xFFFF  }
0x38: {  	s23 =	sadd.s32 $0x0, s13  }
0x39: {  	[tilespmem:s3], [sflag:$0x1] =	stream.linear.gather [hbm4b:s23+s3], $0x3E8, $0x38;
	[tilespmem:$0x19A28] =	vst v63  }
0x3a: {  	_ =	swait.ge [sflag:s17], $0x3E8  }
0x3b: {  	[sflag:s17] =	ssyncset.done $0x0  }
0x3c: {  	[sflag:s17] =	ssyncadd.s32 $0xFFFFFC18  }
0x3d: {  	[tilespmem:s20], [sflag:$0x1] =	stream.strided.gather [hbm4b:s10+s18], $0xFA00, s19, s18, $0x38;
	[tilespmem:$0x19A28] =	vst v63  }
0x3e: {  	_ =	swait.ge [sflag:s17], $0xFA00  }
0x3f: {  	[sflag:s17] =	ssyncset.done $0x0  }
0x40: {  	[sflag:s17] =	ssyncadd.s32 $0xFFFF0600  }
0x41: {  	[spmem:s2] =	stream.indirect.scatter.add.f32 [tilespmem:s20], [sflag:$0x1], $0x40, s3, s20, $0xb8;
	[tilespmem:$0x19A28] =	vst v63  }
0x42: {  	s24 =	simm.s32 $0x7D;
	_ =	swait.ge [sflag:s17], $0xFA00  }
0x43: {  	s25 =	simm.s32 $0xFA;
	s23 =	sadd.s32 $0x3E80, s10;
	[sflag:s17] =	ssyncset.done $0x0  }
.LBB2_3:
0x44: {  	s26 =	sadd.s32 s24, s13  }
0x45: {  	[sflag:s17] =	ssyncadd.s32 $0xFFFF0600;
	s24 =	smov.u32 s25;
	s28 =	sadd.s32 $0x7D, s25  }
0x46: {  	[tilespmem:s3], [sflag:$0x1] =	stream.linear.gather [hbm4b:s26+s3], $0x3E8, $0x38;
	[tilespmem:$0x19A28] =	vst v63  }
0x47: {  	p2 =	sne.s32 s25, $0x465;
	_ =	swait.ge [sflag:s17], $0x3E8  }
0x48: {  	[sflag:s17] =	ssyncset.done $0x0  }
0x49: {  	[sflag:s17] =	ssyncadd.s32 $0xFFFFFC18  }
0x4a: {  	[tilespmem:s20], [sflag:$0x1] =	stream.strided.gather [hbm4b:s23+s18], $0xFA00, s19, s18, $0x38;
	[tilespmem:$0x19A28] =	vst v63  }
0x4b: {  	_ =	swait.ge [sflag:s17], $0xFA00  }
.Ltmp3:
0x4c: {  	[sflag:s17] =	ssyncset.done $0x0;
	(pc) =	sbr.rel @p2 .LBB2_3-.Ltmp3, $4  }
0x4d: {  	[sflag:s17] =	ssyncadd.s32 $0xFFFF0600  }
0x4e: {  	[spmem:s2] =	stream.indirect.scatter.add.f32 [tilespmem:s20], [sflag:$0x1], $0x40, s3, s20, $0xb8;
	[tilespmem:$0x19A28] =	vst v63  }
0x4f: {  	_ =	swait.ge [sflag:s17], $0xFA00  }
0x50: {  	s25 =	smov.u32 s28;
	s23 =	sadd.s32 $0x3E80, s23;
	[sflag:s17] =	ssyncset.done $0x0  }
0x51: {  	s24 =	sadd.s32 s24, s13;
	[sflag:s17] =	ssyncadd.s32 $0xFFFF0600  }
0x52: {  	[tilespmem:s3], [sflag:$0x1] =	stream.linear.gather [hbm4b:s24+s3], $0x3E8, $0x38;
	[tilespmem:$0x19A28] =	vst v63  }
0x53: {  	_ =	swait.ge [sflag:s17], $0x3E8  }
0x54: {  	[sflag:s17] =	ssyncset.done $0x0  }
0x55: {  	[sflag:s17] =	ssyncadd.s32 $0xFFFFFC18  }
0x56: {  	[tilespmem:s20], [sflag:$0x1] =	stream.strided.gather [hbm4b:s23+s18], $0xFA00, s19, s18, $0x38;
	[tilespmem:$0x19A28] =	vst v63  }
0x57: {  	_ =	swait.ge [sflag:s17], $0xFA00  }
0x58: {  	[sflag:s17] =	ssyncset.done $0x0  }
0x59: {  	[sflag:s17] =	ssyncadd.s32 $0xFFFF0600  }
0x5a: {  	[spmem:s2] =	stream.indirect.scatter.add.f32 [tilespmem:s20], [sflag:$0x1], $0x40, s3, s20, $0xb8;
	[tilespmem:$0x19A28] =	vst v63  }
0x5b: {  	_ =	swait.ge [sflag:s17], $0xFA00  }
0x5c: {  	[sflag:s17] =	ssyncset.done $0x0  }
0x5d: {  	s25 =	simm.s32 @p0 $0x8;
	s26 =	simm.s32 @p0 $0x1FC1;
	[sflag:s17] =	ssyncadd.s32 $0xFFFF0600  }
0x5e: {  	s24 =	simm.s32 @p0 $0x10;
	s23 =	simm.s32 @p0 $0x1;
	[bflag:$0x0] =	sbarrier.arrive $0xFFFF  }
0x5f: {  	[hbm:s9@s24], [sflag:s26] =	dma.strided @p0 [spmem:s14@s25], $0x1040, s23, $0x8   }
0x60: {  	_ =	swait.ge @p0 [sflag:s23], $0x1040  }
0x61: {  	s24 =	simm.s32 @!p0 $0x10;
	s25 =	simm.s32 @!p0 $0x8;
	[sflag:s23] =	ssyncset.done @p0 $0x0  }
.Ltmp4:
0x62: {  	[sflag:s23] =	ssyncadd.s32 @p0 $0xFFFFEFC0;
	s23 =	simm.s32 @!p0 $0x1;
	(pc) =	sbr.rel .LBB2_8-.Ltmp4, $4  }
0x63: {  	[hbm:s8@s24], [sflag:s15] =	dma.strided @!p0 [spmem:s21@s25], $0x13C0, s23, $0x8   }
0x64: {  	_ =	swait.ge @!p0 [sflag:s23], $0x13C0  }
0x65: {  	[sflag:s23] =	ssyncset.done @!p0 $0x0  }
0x66: {  	[sflag:s23] =	ssyncadd.s32 @!p0 $0xFFFFEC40  }
.LBB2_5:
0x67: {  	[tilespmem:s3], [sflag:$0x1] =	stream.linear.gather [hbm4b:s23+s3], $0x3E8, $0x38;
	[tilespmem:$0x19A28] =	vst v63  }
0x68: {  	_ =	swait.ge [sflag:s17], $0x3E8  }
0x69: {  	[sflag:s17] =	ssyncset.done $0x0  }
0x6a: {  	[sflag:s17] =	ssyncadd.s32 $0xFFFFFC18  }
0x6b: {  	[tilespmem:s20], [sflag:$0x1] =	stream.strided.gather [hbm4b:s12+s18], $0xFA00, s19, s18, $0x38;
	[tilespmem:$0x19A28] =	vst v63  }
0x6c: {  	_ =	swait.ge [sflag:s17], $0xFA00  }
0x6d: {  	[sflag:s17] =	ssyncset.done $0x0  }
0x6e: {  	[sflag:s17] =	ssyncadd.s32 $0xFFFF0600  }
0x6f: {  	[spmem:s2] =	stream.indirect.scatter.add.f32 [tilespmem:s20], [sflag:$0x1], $0x40, s3, s20, $0xb8;
	[tilespmem:$0x19A28] =	vst v63  }
0x70: {  	s24 =	simm.s32 $0x7D;
	_ =	swait.ge [sflag:s17], $0xFA00  }
0x71: {  	s25 =	simm.s32 $0xFA;
	s23 =	sadd.s32 $0x3E80, s12;
	[sflag:s17] =	ssyncset.done $0x0  }
.LBB2_6:
0x72: {  	s26 =	sadd.s32 s24, s13  }
0x73: {  	[sflag:s17] =	ssyncadd.s32 $0xFFFF0600;
	s24 =	smov.u32 s25;
	s28 =	sadd.s32 $0x7D, s25  }
0x74: {  	[tilespmem:s3], [sflag:$0x1] =	stream.linear.gather [hbm4b:s26+s3], $0x3E8, $0x38;
	[tilespmem:$0x19A28] =	vst v63  }
0x75: {  	p2 =	sne.s32 s25, $0x465;
	_ =	swait.ge [sflag:s17], $0x3E8  }
0x76: {  	[sflag:s17] =	ssyncset.done $0x0  }
0x77: {  	[sflag:s17] =	ssyncadd.s32 $0xFFFFFC18  }
0x78: {  	[tilespmem:s20], [sflag:$0x1] =	stream.strided.gather [hbm4b:s23+s18], $0xFA00, s19, s18, $0x38;
	[tilespmem:$0x19A28] =	vst v63  }
0x79: {  	_ =	swait.ge [sflag:s17], $0xFA00  }
.Ltmp5:
0x7a: {  	[sflag:s17] =	ssyncset.done $0x0;
	(pc) =	sbr.rel @p2 .LBB2_6-.Ltmp5, $4  }
0x7b: {  	[sflag:s17] =	ssyncadd.s32 $0xFFFF0600  }
0x7c: {  	[spmem:s2] =	stream.indirect.scatter.add.f32 [tilespmem:s20], [sflag:$0x1], $0x40, s3, s20, $0xb8;
	[tilespmem:$0x19A28] =	vst v63  }
0x7d: {  	_ =	swait.ge [sflag:s17], $0xFA00  }
0x7e: {  	s25 =	smov.u32 s28;
	s23 =	sadd.s32 $0x3E80, s23;
	[sflag:s17] =	ssyncset.done $0x0  }
.Ltmp6:
0x7f: {  	_ = 	snop;
	(pc) =	sbr.rel .LBB2_7-.Ltmp6, $1  }
0x80: {  	_ =	sdelay $0x3  }
.LBB2_9:
0x81: {  	_ =	sfence.sel $0x180000  }
0x82: {  	[bflag:$0x0] =	sbarrier.arrive $0xFFFF  }
0x83: {  	p0 =	sne.s32 s1, $0x0;
	_ =	strace $0x90000059  }
0x84: {  	s0 =	sadd.s32 @!p0 $0x100000, s0;
	[bflag:$0x2] =	sbarrier.arrive $0xFFFF  }
0x85: {  	[sflag:s0] =	ssyncadd.tile.s32 @!p0 $0x1;
	_ =	shalt  }
.Lfunc_end2:
_tile_overlayer_lowered:
.L_overlay_start_2:
0x86: {  	(tag) =	ssettag $0x2  }
0x87: {  	s0 =	rddreg [dreg:$0x0];
	s2 =	stileid.u32  }
0x88: {  	s1 =	rddreg [dreg:$0x1];
	p0 =	sne.s32 s2, $0x0  }
0x89: {  	s3 =	rddreg [dreg:$0x2];
	[bflag:$0x3] =	sbarrier.arrive $0xFFFF;
	s2 =	simm.s32 @!p0 $0x1C01  }
0x8a: {  	[timem:s3], [sflag:s2] =	dma.local @!p0 [hbm:s0], s1  }
0x8b: {  	s0 =	simm.s32 @!p0 $0x1  }
0x8c: {  	_ =	swait.ge @!p0 [sflag:s0], s1  }
0x8d: {  	s1 =	ssub.s32 @!p0 $0x0, s1;
	[sflag:s0] =	ssyncset.done @!p0 $0x0  }
0x8e: {  	[sflag:s0] =	ssyncadd.s32 @!p0 s1  }
0x8f: {  	[bflag:$0x3] =	sbarrier.arrive $0xFFFF  }
0x90: {  	_ =	shalt  }

// kernel: kernel.45.cloned.1.call-start
scs
__scs_entry_jumppad:
0x0: {  	(pc) =	sbr.rel $0x88, $3  }
0x1: {  	(tag) =	ssettag $0x0;
	lr =	simm.s32 $0x1  }
0x2: {  	[smem:$0x3F6E] =	sst lr;
	_ =	strace $0xD0000000  }
0x3: {  	_ = 	snop  }
0x4: {  	_ = 	snop  }
0x5: {  	_ = 	snop  }
0x6: {  	_ = 	snop  }
0x7: {  	_ = 	snop  }
__scs_overlays_trampoline_lowered:
0x8: {  	[smem:$0x3F7D] =	sst s0  }
0x9: {  	[smem:$0x3F7E] =	sst s1  }
0xa: {  	[smem:$0x3F7F] =	sst s2  }
0xb: {  	[smem:$0x3F80] =	sst s3  }
0xc: {  	[smem:$0x3F81] =	sst s4  }
0xd: {  	[smem:$0x3F82] =	sst s5  }
0xe: {  	[smem:$0x3F83] =	sst s6  }
0xf: {  	[smem:$0x3F84] =	sst s7  }
0x10: {  	[smem:$0x3F85] =	sst s8  }
0x11: {  	[smem:$0x3F86] =	sst s9;
	s0 =	simm.s32 @!p0 $0x0  }
0x12: {  	s1 =	sld [smem:$0x3F6C];
	s0 =	simm.s32 @p0 $0x1  }
0x13: {  	[smem:$0x3F87] =	sst s0;
	s0 =	simm.s32 @!p1 $0x0  }
0x14: {  	s2 =	sld [smem:$0x3F6B];
	s0 =	simm.s32 @p1 $0x1  }
0x15: {  	[smem:$0x3F88] =	sst s0;
	s0 =	simm.s32 @!p2 $0x0  }
0x16: {  	s3 =	sld [smem:$0x3FDB];
	s0 =	simm.s32 @p2 $0x1  }
0x17: {  	s4 =	simm.s32 $0x1BF5;
	[smem:$0x3F8A] =	sst s0  }
0x18: {  	s0 =	sld [smem:$0x3F6D];
	_ =	swait.ge [sflag:s4], $0x0  }
0x19: {  	s7 =	sld [smem:$0x3F6E]  }
0x1a: {  	s8 =	sadd.s32 $0xFFFFE003, lr  }
0x1b: {  	s9 =	sadd.s32 $0xFFFFFEF7, lr;
	s5 =	simm.s32 $0xFFFFFFFF;
	p2 =	slt.u32 s8, $0xFFFFF086  }
0x1c: {  	p1 =	slt.u32 s9, $0xF7A;
	s5 =	simm.s32 @!p2 $0x0  }
0x1d: {  	s5 =	simm.s32 @p1 $0x1;
	p0 =	seq.s32 s7, s2  }
0x1e: {  	s7 =	smul.u32 @!p0 $0xF7A, s2;
	p2 =	seq.s32 @!p0 s5, $0x0  }
0x1f: {  	s9 =	smul.u32 $0xF7A, s1;
	s8 =	simm.s32 @!p0 $0x1BF5;
	p2 =	por !p2, p0  }
0x20: {  	[sflag:s8] =	ssyncset.s32 @!p0 $0xFFFFF086;
	s6 =	sadd.s32 @!p0 s3, s7;
	s7 =	simm.s32 @!p0 $0x108  }
0x21: {  	s3 =	sadd.s32 s3, s9;
	s6 =	sadd.s32 @!p0 $0x88, s6;
	s7 =	simm.s32 @p2 $0x1082  }
0x22: {  	[simem:s7], [sflag:s8] =	dma.local @!p0 [hbm:s6], $0xF7A  }
0x23: {  	s9 =	sor.u32 $0xD0000000, s2;
	s6 =	simm.s32 $0x108;
	_ =	swait.ge @!p0 [sflag:s8], $0x0  }
0x24: {  	s3 =	sadd.s32 $0x88, s3;
	s6 =	simm.s32 @!p1 $0x1082;
	[sflag:s4] =	ssyncset.s32 $0xFFFFF086  }
0x25: {  	[simem:s6], [sflag:s4] =	dma.local [hbm:s3], $0xF7A  }
0x26: {  	[smem:$0x3F6E] =	sst s1;
	(tag) =	ssettag s2;
	_ =	strace s9  }
0x27: {  	s1 =	sld [smem:$0x3F7E]  }
0x28: {  	s2 =	sld [smem:$0x3F7F]  }
0x29: {  	s4 =	sld [smem:$0x3F81]  }
0x2a: {  	p0 =	seq.s32 s5, $0x0;
	s5 =	sld [smem:$0x3F82]  }
0x2b: {  	s6 =	sld [smem:$0x3F83]  }
0x2c: {  	s7 =	sld [smem:$0x3F84]  }
0x2d: {  	s3 =	simm.s32 $0x108;
	s8 =	sld [smem:$0x3F85]  }
0x2e: {  	s3 =	simm.s32 @!p0 $0x1082;
	s9 =	sld [smem:$0x3F86]  }
0x2f: {  	lr =	sadd.s32 s0, s3;
	s0 =	sld [smem:$0x3F7D]  }
0x30: {  	s3 =	sld [smem:$0x3F80]  }
0x31: {  	[smem:$0x3F89] =	sst s10  }
0x32: {  	s10 =	sld [smem:$0x3F87];
	_ =	sdelay $0x3  }
0x33: {  	p0 =	seq.s32 s10, $0x1;
	s10 =	sld [smem:$0x3F89];
	_ =	sdelay $0x3  }
0x34: {  	[smem:$0x3F89] =	sst s10  }
0x35: {  	s10 =	sld [smem:$0x3F88];
	_ =	sdelay $0x3  }
0x36: {  	p1 =	seq.s32 s10, $0x1;
	s10 =	sld [smem:$0x3F89];
	_ =	sdelay $0x3  }
0x37: {  	[smem:$0x3F89] =	sst s10  }
0x38: {  	s10 =	sld [smem:$0x3F8A]  }
0x39: {  	_ = 	snop;
	(pc) =	sbr.ind lr, $3  }
0x3a: {  	_ = 	snop  }
0x3b: {  	_ = 	snop  }
0x3c: {  	p2 =	seq.s32 s10, $0x1;
	s10 =	sld [smem:$0x3F89]  }
0x3d: {  	_ =	shalt  }
0x3e: {  	_ =	shalt  }
0x3f: {  	_ =	shalt  }
0x40: {  	_ =	shalt  }
0x41: {  	_ =	shalt  }
0x42: {  	_ =	shalt  }
0x43: {  	_ =	shalt  }
0x44: {  	_ =	shalt  }
0x45: {  	_ =	shalt  }
0x46: {  	_ =	shalt  }
0x47: {  	_ =	shalt  }
0x48: {  	_ =	shalt  }
0x49: {  	_ =	shalt  }
0x4a: {  	_ =	shalt  }
0x4b: {  	_ =	shalt  }
0x4c: {  	_ =	shalt  }
0x4d: {  	_ =	shalt  }
0x4e: {  	_ =	shalt  }
0x4f: {  	_ =	shalt  }
0x50: {  	_ =	shalt  }
0x51: {  	_ =	shalt  }
0x52: {  	_ =	shalt  }
0x53: {  	_ =	shalt  }
0x54: {  	_ =	shalt  }
0x55: {  	_ =	shalt  }
0x56: {  	_ =	shalt  }
0x57: {  	_ =	shalt  }
0x58: {  	_ =	shalt  }
0x59: {  	_ =	shalt  }
0x5a: {  	_ =	shalt  }
0x5b: {  	_ =	shalt  }
0x5c: {  	_ =	shalt  }
0x5d: {  	_ =	shalt  }
0x5e: {  	_ =	shalt  }
0x5f: {  	_ =	shalt  }
0x60: {  	_ =	shalt  }
0x61: {  	_ =	shalt  }
0x62: {  	_ =	shalt  }
0x63: {  	_ =	shalt  }
0x64: {  	_ =	shalt  }
0x65: {  	_ =	shalt  }
0x66: {  	_ =	shalt  }
0x67: {  	_ =	shalt  }
0x68: {  	_ =	shalt  }
0x69: {  	_ =	shalt  }
0x6a: {  	_ =	shalt  }
0x6b: {  	_ =	shalt  }
0x6c: {  	_ =	shalt  }
0x6d: {  	_ =	shalt  }
0x6e: {  	_ =	shalt  }
0x6f: {  	_ =	shalt  }
0x70: {  	_ =	shalt  }
0x71: {  	_ =	shalt  }
0x72: {  	_ =	shalt  }
0x73: {  	_ =	shalt  }
0x74: {  	_ =	shalt  }
0x75: {  	_ =	shalt  }
0x76: {  	_ =	shalt  }
0x77: {  	_ =	shalt  }
0x78: {  	_ =	shalt  }
0x79: {  	_ =	shalt  }
0x7a: {  	_ =	shalt  }
0x7b: {  	_ =	shalt  }
0x7c: {  	_ =	shalt  }
0x7d: {  	_ =	shalt  }
0x7e: {  	_ =	shalt  }
0x7f: {  	_ =	shalt  }
0x80: {  	_ =	shalt  }
0x81: {  	_ =	shalt  }
0x82: {  	_ =	shalt  }
0x83: {  	_ =	shalt  }
0x84: {  	_ =	shalt  }
0x85: {  	_ =	shalt  }
0x86: {  	_ =	shalt  }
0x87: {  	_ =	shalt  }
.Lfunc_end0:
.L_simem_size_0:
called_computation.8_lowered:
.L_overlay_start_0:
0x88: {  	s2 =	sld [smem:$0x3FD9]  }
0x89: {  	s3 =	sld [smem:$0x3FFE];
	_ =	sdelay $0x1  }
0x8a: {  	s1 =	srdreg.scid  }
0x8b: {  	s0 =	sand.u32 $0x1, s1  }
0x8c: {  	s16 =	sshll.u32 s0, $0xA;
	s2 =	sadd.s32 s3, s2  }
0x8d: {  	s2 =	sadd.s32 s2, s16  }
0x8e: {  	[smem:$0x3F95] =	sst s2  }
0x8f: {  	_ = 	snop  }
0x90: {  	(tm) =	ssettm $0x1  }
0x91: {  	s17 =	sld [smem:$0x3FFB];
	_ =	sdelay $0x3  }
0x92: {  	_ =	strace s17  }
0x93: {  	s2 =	sld [smem:$0x3FFC];
	_ =	sdelay $0x3  }
0x94: {  	_ =	strace s2  }
0x95: {  	s2 =	sld [smem:$0x3FFD];
	_ =	sdelay $0x3  }
0x96: {  	_ =	strace s2  }
0x97: {  	_ =	strace $0x8FFFFFFF  }
0x98: {  	s18 =	sld [smem:$0x3FDB];
	_ =	sdelay $0x1  }
0x99: {  	s19 =	simm.s32 $_scs_section_size  }
0x9a: {  	s4 =	simm.s32 $_size__tile_overlayer_lowered;
	s5 =	simm.s32 $_tile_overlayer_lowered  }
0x9b: {  	s22 =	simm.s32 $0x1BFF;
	s21 =	sshll.u32 s5, $0x1;
	s2 =	sadd.s32 s19, s18  }
0x9c: {  	s6 =	simm.s32 $0x0;
	s20 =	sshll.u32 s4, $0x1;
	s4 =	sadd.s32 s21, s2  }
0x9d: {  	[timem:s6], [sflag:s22] =	dma.local [hbm:s4], s20  }
0x9e: {  	_ =	swait.ge [sflag:s22], s20  }
0x9f: {  	s3 =	ssub.s32 $0x0, s20;
	[sflag:s22] =	ssyncset.done $0x0  }
0xa0: {  	[sflag:s22] =	ssyncadd.s32 s3;
	_ =	sdelay $0x1  }
0xa1: {  	s23 =	simm.s32 $0x1B8B  }
0xa2: {  	_ =	swait.ge [sflag:s23], $0x1  }
0xa3: {  	[sflag:s23] =	ssyncset.done $0x0  }
0xa4: {  	s25 =	simm.s32 $0x1B8E;
	s24 =	sld [smem:$0x3FFE];
	[sflag:s23] =	ssyncadd.s32 $0xFFFFFFFF  }
0xa5: {  	s26 =	simm.s32 $execute0_lowered;
	[smem:$0x3FD2] =	sst s25  }
0xa6: {  	s4 =	sshll.u32 s26, $0x1;
	_ =	strace $0x8000005E;
	[dreg:$0x1] =	wrdreg $0xFFFFFFFF  }
0xa7: {  	s28 =	simm.s32 $_size_execute0_lowered;
	s2 =	sadd.s32 s2, s4;
	[dreg:$0x0] =	wrdreg $0x0  }
0xa8: {  	s4 =	sshll.u32 s28, $0x1;
	[dreg:$0x2] =	wrdreg s2  }
0xa9: {  	[dreg:$0x3] =	wrdreg s4  }
0xaa: {  	[dreg:$0x4] =	wrdreg $0xC0  }
0xab: {  	_ =	task [dreg:s6], $0x5FFFF  }
0xac: {  	[dreg:$0x1] =	wrdreg $0xFFFFFFFF  }
0xad: {  	[dreg:$0x0] =	wrdreg $0x60  }
0xae: {  	[dreg:$0x2] =	wrdreg s24  }
0xaf: {  	[dreg:$0x3] =	wrdreg $0x9  }
0xb0: {  	_ =	task.clear_ibuf [dreg:s6], $0x4FFFF;
	_ =	strace $0x9000005E  }
0xb1: {  	s29 =	simm.s32 $0x9;
	_ =	strace $0x80000060  }
0xb2: {  	_ =	swait.ge [sflag:s29], $0x1  }
0xb3: {  	[sflag:s29] =	ssyncadd.s32 $0xFFFFFFFF  }
0xb4: {  	_ =	strace $0x90000060  }
0xb5: {  	_ =	sfence  }
0xb6: {  	s30 =	sld [smem:$0x0];
	_ =	sdelay $0x2  }
0xb7: {  	s31 =	sshll.u32 s1, $0xD;
	s1 =	sshrl.u32 s1, $0x2  }
0xb8: {  	s3 =	sand.u32 $0x4000, s31;
	s1 =	sadd.s32 s1, s30  }
0xb9: {  	s0 =	sor.u32 s3, s0;
	s1 =	sshll.u32 s1, $0x11  }
0xba: {  	s0 =	sor.u32 s1, s0  }
0xbb: {  	s0 =	sadd.s32 $0x8F2B, s0  }
0xbc: {  	[sflag:s0] =	ssyncadd.remote.s32 $0x1  }
0xbd: {  	_ =	sfence.sel $0xFFFF  }
0xbe: {  	[dreg:$0x0] =	wrdreg $0xFFFFFFFF;
	(pc) =	sbr.abs _section_cstart, $3  }
0xbf: {  	[dreg:$0x1] =	wrdreg $0xFFFFFFFF  }
0xc0: {  	_ =	task.clear_ibuf [dreg:s6], $0x2FFFF;
	_ =	strace $0x9FFFFFFF  }
0xc1: {  	(tm) =	ssettm $0x7FFFFFFF  }
tec
execute0_lowered:
.L_overlay_start_1:
0x0: {  	(tag) =	ssettag $0x1  }
0x1: {  	s1 =	srdreg.scid;
	s0 =	stileid.u32  }
0x2: {  	s6 =	sand.u32 $0x1, s1;
	s30 =	sshll.u32 s0, $0x1  }
0x3: {  	s8 =	rddreg [dreg:$0x0];
	s7 =	sor.u32 s6, s30  }
0x4: {  	s2 =	simm.s32 $0x0;
	s1 =	rddreg [dreg:$0x1];
	s3 =	smul.u32 $0xA, s7  }
0x5: {  	[smem:$0x7FF] =	sst s2;
	s5 =	sadd.s32 $0x10800, s8  }
0x6: {  	_ =	strace $0x8000005F;
	s10 =	ssub.s32 $0x2, s6;
	s3 =	sadd.s32 s3, s8  }
0x7: {  	s6 =	simm.s32 $0x50;
	s4 =	sadd.s32 $0x65400, s3;
	s3 =	simm.s32 $0x2  }
0x8: {  	[tilespmem:s2], [sflag:$0x2] =	stream.linear.gather [hbm4b:s4+s2], $0x50, $0x38;
	[tilespmem:$0x2850] =	vst v63  }
0x9: {  	s9 =	smul.u32 $0x500, s7;
	s11 =	sshrl.u32 s10, $0x1;
	_ =	swait.ge [sflag:s3], $0x50  }
0xa: {  	s7 =	simm.s32 $0x1;
	s31 =	ssub.s32 s10, s11;
	[sflag:s3] =	ssyncset.done $0x0  }
0xb: {  	s8 =	sadd.s32 s9, s8;
	s9 =	smax.u32 s31, $0x1;
	[sflag:s3] =	ssyncadd.s32 $0xFFFFFFB0  }
0xc: {  	[tilespmem:s6], [sflag:$0x1] =	stream.indirect.gather [hbm4b:s5+s6], $0x80, s2, s6, $0xb8;
	[tilespmem:$0x2850] =	vst v63  }
0xd: {  	p0 =	sne.s32 s9, $0x1;
	_ =	swait.ge [sflag:s7], $0x2800  }
.Ltmp0:
0xe: {  	[sflag:s7] =	ssyncset.done $0x0;
	(pc) =	sbr.rel @!p0 .LBB2_2-.Ltmp0, $4  }
0xf: {  	s8 =	sadd.s32 $0x37A00, s8;
	[sflag:s7] =	ssyncadd.s32 $0xFFFFD800  }
0x10: {  	[hbm4b:s8+s2] =	stream.linear.scatter [tilespmem:s6], [sflag:$0x2], $0x2800, $0x38;
	[tilespmem:$0x2850] =	vst v63  }
0x11: {  	_ =	swait.ge [sflag:s3], $0x2800  }
0x12: {  	s9 =	sadd.s32 $0xFFFFFFFF, s9;
	[sflag:s3] =	ssyncset.done $0x0  }
.LBB2_1:
0x13: {  	p0 =	sne.s32 s9, $0x1;
	s9 =	sadd.s32 $0xFFFFFFFF, s9;
	[sflag:s3] =	ssyncadd.s32 $0xFFFFD800  }
0x14: {  	[tilespmem:s2], [sflag:$0x2] =	stream.linear.gather [hbm4b:s4+s2], $0x50, $0x38;
	[tilespmem:$0x2850] =	vst v63  }
0x15: {  	_ =	swait.ge [sflag:s3], $0x50  }
0x16: {  	[sflag:s3] =	ssyncset.done $0x0  }
0x17: {  	[sflag:s3] =	ssyncadd.s32 $0xFFFFFFB0  }
0x18: {  	[tilespmem:s6], [sflag:$0x1] =	stream.indirect.gather [hbm4b:s5+s6], $0x80, s2, s6, $0xb8;
	[tilespmem:$0x2850] =	vst v63  }
0x19: {  	_ =	swait.ge [sflag:s7], $0x2800  }
.Ltmp1:
0x1a: {  	[sflag:s7] =	ssyncset.done $0x0;
	(pc) =	sbr.rel @p0 .LBB2_1-.Ltmp1, $4  }
0x1b: {  	[sflag:s7] =	ssyncadd.s32 $0xFFFFD800  }
0x1c: {  	[hbm4b:s8+s2] =	stream.linear.scatter [tilespmem:s6], [sflag:$0x2], $0x2800, $0x38;
	[tilespmem:$0x2850] =	vst v63  }
0x1d: {  	_ =	swait.ge [sflag:s3], $0x2800  }
0x1e: {  	[sflag:s3] =	ssyncset.done $0x0  }
.LBB2_2:
0x1f: {  	[sflag:s3] =	ssyncadd.s32 $0xFFFFD800  }
0x20: {  	_ =	sfence.sel $0x180000  }
0x21: {  	[bflag:$0x0] =	sbarrier.arrive $0xFFFF  }
0x22: {  	p0 =	sne.s32 s0, $0x0;
	_ =	strace $0x9000005F  }
0x23: {  	s0 =	sadd.s32 @!p0 $0x100000, s1;
	[bflag:$0x2] =	sbarrier.arrive $0xFFFF  }
0x24: {  	[sflag:s0] =	ssyncadd.tile.s32 @!p0 $0x1;
	_ =	shalt  }
.Lfunc_end2:
_tile_overlayer_lowered:
.L_overlay_start_2:
0x25: {  	(tag) =	ssettag $0x2  }
0x26: {  	s0 =	rddreg [dreg:$0x0];
	s2 =	stileid.u32  }
0x27: {  	s1 =	rddreg [dreg:$0x1];
	p0 =	sne.s32 s2, $0x0  }
0x28: {  	s3 =	rddreg [dreg:$0x2];
	[bflag:$0x3] =	sbarrier.arrive $0xFFFF;
	s2 =	simm.s32 @!p0 $0x1C02  }
0x29: {  	[timem:s3], [sflag:s2] =	dma.local @!p0 [hbm:s0], s1  }
0x2a: {  	s0 =	simm.s32 @!p0 $0x2  }
0x2b: {  	_ =	swait.ge @!p0 [sflag:s0], s1  }
0x2c: {  	s1 =	ssub.s32 @!p0 $0x0, s1;
	[sflag:s0] =	ssyncset.done @!p0 $0x0  }
0x2d: {  	[sflag:s0] =	ssyncadd.s32 @!p0 s1  }
0x2e: {  	[bflag:$0x3] =	sbarrier.arrive $0xFFFF  }
0x2f: {  	_ =	shalt  }

</sc_bundles>
